<compile_context>
chip_gen: v7x
topology: tpu7x:2x2x1
jax: 0.10.2.dev20260603
libtpu: 0.0.44.dev20260713+nightly
codegen_flags: <defaults>
</compile_context>

<pallas_src>
import dataclasses

import jax
import jax.numpy as jnp
from jax import lax
from jax.experimental import pallas as pl
from jax.experimental.pallas import tpu as pltpu
from jax.experimental.pallas import tpu_sc as plsc

VOCAB = 100000
EMBED = 128
BATCH = 16384
X_MAX = 100.0
ALPHA = 0.75

LANES = 16
NC = 2
NS = 16
NW = NC * NS
CHUNK = 64
NSEG = EMBED // LANES
NCALL = 1

LN2 = 0.6931471805599453
LN_XMAX = 4.605170185988091


def _ln(v):
    bits = plsc.bitcast(v, jnp.int32)
    e = (bits >> 23) - 127
    m = plsc.bitcast((bits & jnp.int32(0x007FFFFF)) | jnp.int32(0x3F800000),
                     jnp.float32)
    r = (m - 1.0) / (m + 1.0)
    r2 = r * r
    p = 1.0 + r2 * ((1.0 / 3.0) + r2 * ((1.0 / 5.0) + r2 * (1.0 / 7.0)))
    return e.astype(jnp.float32) * LN2 + 2.0 * r * p


def _make_body(per_w, nchunk):
    def _sc_body(widx_hbm, cidx_hbm, x_hbm, wtab_hbm, ctab_hbm, wb_hbm,
                 cb_hbm, out_hbm,
                 widx_v, cidx_v, xv, wrows, crows, wbias, cbias, amat,
                 lacc_v, sem0, sem1):
        c = lax.axis_index("c")
        s = lax.axis_index("s")
        wid = s * NC + c
        base = wid * per_w
        lacc_v[...] = jnp.zeros((LANES,), jnp.float32)

        st = (pltpu.async_copy(widx_hbm.at[pl.ds(base, per_w)], widx_v, sem0),
              pltpu.async_copy(cidx_hbm.at[pl.ds(base, per_w)], cidx_v, sem0),
              pltpu.async_copy(x_hbm.at[pl.ds(base, per_w)], xv, sem0))
        for h in st:
            h.wait()

        sems = (sem0, sem1)

        def issue(g):
            t = g % 2
            sem = sems[t]
            isl = pl.ds(g * CHUNK, CHUNK)
            return (
                pltpu.async_copy(wtab_hbm.at[widx_v.at[isl]], wrows.at[t],
                                 sem),
                pltpu.async_copy(ctab_hbm.at[cidx_v.at[isl]], crows.at[t],
                                 sem),
                pltpu.async_copy(wb_hbm.at[widx_v.at[isl]], wbias.at[t], sem),
                pltpu.async_copy(cb_hbm.at[cidx_v.at[isl]], cbias.at[t], sem),
            )

        handles = [None, None]
        handles[0] = issue(0)
        rowid = lax.iota(jnp.int32, LANES)

        for g in range(nchunk):
            t = g % 2
            if g + 1 < nchunk:
                handles[(g + 1) % 2] = issue(g + 1)
            for h in handles[t]:
                h.wait()

            wr = wrows.at[t]
            cr = crows.at[t]
            wb = wbias.at[t]
            cb = cbias.at[t]

            @pl.loop(0, CHUNK // LANES)
            def _(v):
                bbase = v * LANES

                @plsc.parallel_loop(0, LANES, unroll=4)
                def _(p):
                    b = bbase + p
                    m = [wr[b, pl.ds(j * LANES, LANES)] *
                         cr[b, pl.ds(j * LANES, LANES)] for j in range(NSEG)]
                    amat[p] = ((m[0] + m[1]) + (m[2] + m[3])) + \
                              ((m[4] + m[5]) + (m[6] + m[7]))

                diags = [plsc.load_gather(amat,
                                          [rowid, (rowid + d) & (LANES - 1)])
                         for d in range(LANES)]
                while len(diags) > 1:
                    diags = [diags[2 * k] + diags[2 * k + 1]
                             for k in range(len(diags) // 2)]
                dots = diags[0]

                sl = pl.ds(bbase, LANES)
                pred = dots + wb[sl] + cb[sl]
                lnx = _ln(xv[pl.ds(g * CHUNK + bbase, LANES)])
                wgt = jnp.exp(ALPHA * (lnx - LN_XMAX))
                wgt = jnp.minimum(wgt, 1.0)
                err = pred - lnx
                lacc_v[...] = lacc_v[...] + wgt * err * err

        pltpu.sync_copy(lacc_v, out_hbm.at[wid])

    return _sc_body


def kernel(word_index, context_index, cooccurrence_count, main_emb,
           context_emb, main_bias, context_bias):
    widx = word_index.astype(jnp.int32)
    cidx = context_index.astype(jnp.int32)

    mesh = plsc.VectorSubcoreMesh(core_axis_name="c", subcore_axis_name="s")
    cp = pltpu.CompilerParams()
    if "needs_layout_passes" in pltpu.CompilerParams.__dataclass_fields__:
        cp = dataclasses.replace(cp, needs_layout_passes=False)

    nb = BATCH // NCALL
    per_w = nb // NW
    nchunk = per_w // CHUNK
    call = pl.kernel(
        _make_body(per_w, nchunk),
        out_type=jax.ShapeDtypeStruct((NW, LANES), jnp.float32),
        mesh=mesh,
        compiler_params=cp,
        scratch_types=[
            pltpu.VMEM((per_w,), jnp.int32),
            pltpu.VMEM((per_w,), jnp.int32),
            pltpu.VMEM((per_w,), jnp.float32),
            pltpu.VMEM((2, CHUNK, EMBED), jnp.float32),
            pltpu.VMEM((2, CHUNK, EMBED), jnp.float32),
            pltpu.VMEM((2, CHUNK), jnp.float32),
            pltpu.VMEM((2, CHUNK), jnp.float32),
            pltpu.VMEM((LANES, LANES), jnp.float32),
            pltpu.VMEM((LANES,), jnp.float32),
            pltpu.SemaphoreType.DMA,
            pltpu.SemaphoreType.DMA,
        ],
    )

    partials = [
        call(widx[k * nb:(k + 1) * nb], cidx[k * nb:(k + 1) * nb],
             cooccurrence_count[k * nb:(k + 1) * nb], main_emb, context_emb,
             main_bias, context_bias)
        for k in range(NCALL)
    ]
    return jnp.sum(jnp.stack(partials)) / BATCH

# --- scband reference (transcript-rebuilt; emitter-appended) ---
"""Pipeline reference for scband-model-glo-ve-35854386987009 (READ-ONLY COPY).

The authoritative reference and input builder live on the scoring server;
editing this copy changes nothing except your own understanding.
"""

import jax, jax.numpy as jnp
import numpy as np

VOCAB = 100000
EMBED = 128
BATCH = 16384
X_MAX = 100.0
ALPHA = 0.75


def setup_inputs(seed: int = 0) -> dict:
    key = jax.random.key(seed)
    k1, k2, k3, k4, k5, k6, k7 = jax.random.split(key, 7)
    word_index = jax.random.randint(k1, (BATCH,), 0, VOCAB, dtype=jnp.int64 if jax.config.jax_enable_x64 else jnp.int32)
    context_index = jax.random.randint(k2, (BATCH,), 0, VOCAB, dtype=jnp.int64 if jax.config.jax_enable_x64 else jnp.int32)
    # co-occurrence counts must be strictly positive (log is taken); scale uniform into [1, 100]
    cooccurrence_count = jax.random.uniform(k3, (BATCH,), dtype=jnp.float32) * 99.0 + 1.0
    main_emb = jax.random.uniform(k4, (VOCAB, EMBED), dtype=jnp.float32, minval=-0.5, maxval=0.5)
    context_emb = jax.random.uniform(k5, (VOCAB, EMBED), dtype=jnp.float32, minval=-0.5, maxval=0.5)
    main_bias = jax.random.normal(k6, (VOCAB,), dtype=jnp.float32)
    context_bias = jax.random.normal(k7, (VOCAB,), dtype=jnp.float32)
    return {
        "word_index": word_index,
        "context_index": context_index,
        "cooccurrence_count": cooccurrence_count,
        "main_emb": main_emb,
        "context_emb": context_emb,
        "main_bias": main_bias,
        "context_bias": context_bias,
    }


def reference(word_index, context_index, cooccurrence_count, main_emb, context_emb, main_bias, context_bias):
    # embedding lookups (gather)
    w_vec = jnp.take(main_emb, word_index, axis=0)          # [B, D]
    c_vec = jnp.take(context_emb, context_index, axis=0)    # [B, D]
    dot_product = (w_vec * c_vec).sum(axis=1)                # [B]
    prediction = dot_product + jnp.take(main_bias, word_index) + jnp.take(context_bias, context_index)
    x_scaled = jnp.power(cooccurrence_count / X_MAX, ALPHA)
    weighted_error = (jnp.clip(x_scaled, 0.0, 1.0) * (prediction - jnp.log(cooccurrence_count)) ** 2).mean()
    return weighted_error

if __name__ == "__main__":
    import jax
    _d = setup_inputs()
    print(jax.jit(kernel)(*tuple(_d.values())))

</pallas_src>

<mosaic_0001>
#map = affine_map<(d0, d1) -> (0)>
#map1 = affine_map<(d0, d1) -> (0, 0)>
module attributes {stable_mosaic.version = 14 : i64} {
  func.func @_sc_body(%arg0: i32, %arg1: i32, %arg2: memref<16384xi32, #tpu.memory_space<hbm>>, %arg3: memref<16384xi32, #tpu.memory_space<hbm>>, %arg4: memref<16384xf32, #tpu.memory_space<hbm>>, %arg5: memref<100000x128xf32, #tpu.memory_space<hbm>>, %arg6: memref<100000x128xf32, #tpu.memory_space<hbm>>, %arg7: memref<100000xf32, #tpu.memory_space<hbm>>, %arg8: memref<100000xf32, #tpu.memory_space<hbm>>, %arg9: memref<32x16xf32, #tpu.memory_space<hbm>>, %arg10: memref<512xi32, #tpu.memory_space<vmem>>, %arg11: memref<512xi32, #tpu.memory_space<vmem>>, %arg12: memref<512xf32, #tpu.memory_space<vmem>>, %arg13: memref<2x64x128xf32, #tpu.memory_space<vmem>>, %arg14: memref<2x64x128xf32, #tpu.memory_space<vmem>>, %arg15: memref<2x64xf32, #tpu.memory_space<vmem>>, %arg16: memref<2x64xf32, #tpu.memory_space<vmem>>, %arg17: memref<16x16xf32, #tpu.memory_space<vmem>>, %arg18: memref<16xf32, #tpu.memory_space<vmem>>, %arg19: memref<!tpu.dma_semaphore, #tpu.memory_space<semaphore_mem>>, %arg20: memref<!tpu.dma_semaphore, #tpu.memory_space<semaphore_mem>>) attributes {dimension_semantics = [#tpu.dimension_semantics<core_parallel>, #tpu.dimension_semantics<subcore_parallel>], iteration_bounds = array<i64: 2, 16>, scalar_prefetch = 0 : i64, scratch_operands = 11 : i64, tpu.core_type = #tpu.core_type<sc_vector_subcore>, window_params = [{transform_indices = #map}, {transform_indices = #map}, {transform_indices = #map}, {transform_indices = #map1}, {transform_indices = #map1}, {transform_indices = #map}, {transform_indices = #map}, {transform_indices = #map1}]} {
    %mul3A = arith.constant 2 : i32
    %mul3A_0 = arith.muli %arg1, %mul3A : i32
    %add3A = arith.addi %mul3A_0, %arg0 : i32
    %mul3A_1 = arith.constant 512 : i32
    %mul3A_2 = arith.muli %add3A, %mul3A_1 : i32
    %broadcast_in_dim3A = arith.constant 0.000000e+00 : f32
    %broadcast_in_dim3A_3 = vector.broadcast %broadcast_in_dim3A : f32 to vector<16xf32>
    %swap3A = arith.constant 0 : index
    %swap3A_4 = tpu.vector_load %arg18[%swap3A] {strides = array<i32>} : memref<16xf32, #tpu.memory_space<vmem>>, vector<16xf32>,
    tpu.vector_store %arg18[%swap3A], %broadcast_in_dim3A_3 {strides = array<i32>} : memref<16xf32, #tpu.memory_space<vmem>>, vector<16xf32>,
    %dma_start3A = tpu.memref_slice %arg2[%mul3A_2] : memref<16384xi32, #tpu.memory_space<hbm>> -> memref<512xi32, #tpu.memory_space<hbm>>
    %dma_start3A_5 = tpu.memref_slice %arg2[%mul3A_2] : memref<16384xi32, #tpu.memory_space<hbm>> -> memref<512xi32, #tpu.memory_space<hbm>>
    tpu.enqueue_dma source(%dma_start3A_5 : memref<512xi32, #tpu.memory_space<hbm>>) target(%arg10 : memref<512xi32, #tpu.memory_space<vmem>>) target_semaphore(%arg19 : memref<!tpu.dma_semaphore, #tpu.memory_space<semaphore_mem>>)
    %dma_start3A_6 = tpu.memref_slice %arg3[%mul3A_2] : memref<16384xi32, #tpu.memory_space<hbm>> -> memref<512xi32, #tpu.memory_space<hbm>>
    %dma_start3A_7 = tpu.memref_slice %arg3[%mul3A_2] : memref<16384xi32, #tpu.memory_space<hbm>> -> memref<512xi32, #tpu.memory_space<hbm>>
    tpu.enqueue_dma source(%dma_start3A_7 : memref<512xi32, #tpu.memory_space<hbm>>) target(%arg11 : memref<512xi32, #tpu.memory_space<vmem>>) target_semaphore(%arg19 : memref<!tpu.dma_semaphore, #tpu.memory_space<semaphore_mem>>)
    %dma_start3A_8 = tpu.memref_slice %arg4[%mul3A_2] : memref<16384xf32, #tpu.memory_space<hbm>> -> memref<512xf32, #tpu.memory_space<hbm>>
    %dma_start3A_9 = tpu.memref_slice %arg4[%mul3A_2] : memref<16384xf32, #tpu.memory_space<hbm>> -> memref<512xf32, #tpu.memory_space<hbm>>
    tpu.enqueue_dma source(%dma_start3A_9 : memref<512xf32, #tpu.memory_space<hbm>>) target(%arg12 : memref<512xf32, #tpu.memory_space<vmem>>) target_semaphore(%arg19 : memref<!tpu.dma_semaphore, #tpu.memory_space<semaphore_mem>>)
    %dma_wait3A = tpu.memref_slice %arg2[%mul3A_2] : memref<16384xi32, #tpu.memory_space<hbm>> -> memref<512xi32, #tpu.memory_space<hbm>>
    %dma_wait3A_10 = tpu.memref_slice %arg2[%mul3A_2] : memref<16384xi32, #tpu.memory_space<hbm>> -> memref<512xi32, #tpu.memory_space<hbm>>
    tpu.wait_dma2 semaphore(%arg19 : memref<!tpu.dma_semaphore, #tpu.memory_space<semaphore_mem>>) src(%dma_wait3A_10 : memref<512xi32, #tpu.memory_space<hbm>>) dst(%arg10 : memref<512xi32, #tpu.memory_space<vmem>>)
    %dma_wait3A_11 = tpu.memref_slice %arg3[%mul3A_2] : memref<16384xi32, #tpu.memory_space<hbm>> -> memref<512xi32, #tpu.memory_space<hbm>>
    %dma_wait3A_12 = tpu.memref_slice %arg3[%mul3A_2] : memref<16384xi32, #tpu.memory_space<hbm>> -> memref<512xi32, #tpu.memory_space<hbm>>
    tpu.wait_dma2 semaphore(%arg19 : memref<!tpu.dma_semaphore, #tpu.memory_space<semaphore_mem>>) src(%dma_wait3A_12 : memref<512xi32, #tpu.memory_space<hbm>>) dst(%arg11 : memref<512xi32, #tpu.memory_space<vmem>>)
    %dma_wait3A_13 = tpu.memref_slice %arg4[%mul3A_2] : memref<16384xf32, #tpu.memory_space<hbm>> -> memref<512xf32, #tpu.memory_space<hbm>>
    %dma_wait3A_14 = tpu.memref_slice %arg4[%mul3A_2] : memref<16384xf32, #tpu.memory_space<hbm>> -> memref<512xf32, #tpu.memory_space<hbm>>
    tpu.wait_dma2 semaphore(%arg19 : memref<!tpu.dma_semaphore, #tpu.memory_space<semaphore_mem>>) src(%dma_wait3A_14 : memref<512xf32, #tpu.memory_space<hbm>>) dst(%arg12 : memref<512xf32, #tpu.memory_space<vmem>>)
    %dma_start3A_15 = arith.constant 0 : i32
    %dma_start3A_16 = arith.constant 0 : i32
    %dma_start3A_17 = arith.constant 0 : i32
    %dma_start3A_18 = tpu.memref_slice %arg13[%dma_start3A_15, %dma_start3A_16, %dma_start3A_17] : memref<2x64x128xf32, #tpu.memory_space<vmem>> -> memref<1x64x128xf32, #tpu.memory_space<vmem>>
    %dma_start3A_19 = tpu.memref_squeeze %dma_start3A_18 : memref<1x64x128xf32, #tpu.memory_space<vmem>> -> memref<64x128xf32, #tpu.memory_space<vmem>>
    %dma_start3A_20 = arith.constant 0 : i32
    %dma_start3A_21 = tpu.memref_slice %arg10[%dma_start3A_20] : memref<512xi32, #tpu.memory_space<vmem>> -> memref<64xi32, #tpu.memory_space<vmem>>
    %dma_start3A_22 = arith.constant 0 : i32
    %dma_start3A_23 = arith.constant 0 : i32
    %dma_start3A_24 = tpu.memref_slice %arg5[%dma_start3A_22, %dma_start3A_23] : memref<100000x128xf32, #tpu.memory_space<hbm>> -> memref<100000x128xf32, #tpu.memory_space<hbm>>
    tpu.enqueue_indirect_dma source(%dma_start3A_24 : memref<100000x128xf32, #tpu.memory_space<hbm>>) target(%dma_start3A_19 : memref<64x128xf32, #tpu.memory_space<vmem>>) offsets(%dma_start3A_21 : memref<64xi32, #tpu.memory_space<vmem>>) semaphore(%arg19 : memref<!tpu.dma_semaphore, #tpu.memory_space<semaphore_mem>>)
    %dma_start3A_25 = arith.constant 0 : i32
    %dma_start3A_26 = arith.constant 0 : i32
    %dma_start3A_27 = arith.constant 0 : i32
    %dma_start3A_28 = tpu.memref_slice %arg14[%dma_start3A_25, %dma_start3A_26, %dma_start3A_27] : memref<2x64x128xf32, #tpu.memory_space<vmem>> -> memref<1x64x128xf32, #tpu.memory_space<vmem>>
    %dma_start3A_29 = tpu.memref_squeeze %dma_start3A_28 : memref<1x64x128xf32, #tpu.memory_space<vmem>> -> memref<64x128xf32, #tpu.memory_space<vmem>>
    %dma_start3A_30 = arith.constant 0 : i32
    %dma_start3A_31 = tpu.memref_slice %arg11[%dma_start3A_30] : memref<512xi32, #tpu.memory_space<vmem>> -> memref<64xi32, #tpu.memory_space<vmem>>
    %dma_start3A_32 = arith.constant 0 : i32
    %dma_start3A_33 = arith.constant 0 : i32
    %dma_start3A_34 = tpu.memref_slice %arg6[%dma_start3A_32, %dma_start3A_33] : memref<100000x128xf32, #tpu.memory_space<hbm>> -> memref<100000x128xf32, #tpu.memory_space<hbm>>
    tpu.enqueue_indirect_dma source(%dma_start3A_34 : memref<100000x128xf32, #tpu.memory_space<hbm>>) target(%dma_start3A_29 : memref<64x128xf32, #tpu.memory_space<vmem>>) offsets(%dma_start3A_31 : memref<64xi32, #tpu.memory_space<vmem>>) semaphore(%arg19 : memref<!tpu.dma_semaphore, #tpu.memory_space<semaphore_mem>>)
    %dma_start3A_35 = arith.constant 0 : i32
    %dma_start3A_36 = arith.constant 0 : i32
    %dma_start3A_37 = tpu.memref_slice %arg15[%dma_start3A_35, %dma_start3A_36] : memref<2x64xf32, #tpu.memory_space<vmem>> -> memref<1x64xf32, #tpu.memory_space<vmem>>
    %dma_start3A_38 = tpu.memref_squeeze %dma_start3A_37 : memref<1x64xf32, #tpu.memory_space<vmem>> -> memref<64xf32, #tpu.memory_space<vmem>>
    %dma_start3A_39 = arith.constant 0 : i32
    %dma_start3A_40 = tpu.memref_slice %arg10[%dma_start3A_39] : memref<512xi32, #tpu.memory_space<vmem>> -> memref<64xi32, #tpu.memory_space<vmem>>
    %dma_start3A_41 = arith.constant 0 : i32
    %dma_start3A_42 = tpu.memref_slice %arg7[%dma_start3A_41] : memref<100000xf32, #tpu.memory_space<hbm>> -> memref<100000xf32, #tpu.memory_space<hbm>>
    tpu.enqueue_indirect_dma source(%dma_start3A_42 : memref<100000xf32, #tpu.memory_space<hbm>>) target(%dma_start3A_38 : memref<64xf32, #tpu.memory_space<vmem>>) offsets(%dma_start3A_40 : memref<64xi32, #tpu.memory_space<vmem>>) semaphore(%arg19 : memref<!tpu.dma_semaphore, #tpu.memory_space<semaphore_mem>>)
    %dma_start3A_43 = arith.constant 0 : i32
    %dma_start3A_44 = arith.constant 0 : i32
    %dma_start3A_45 = tpu.memref_slice %arg16[%dma_start3A_43, %dma_start3A_44] : memref<2x64xf32, #tpu.memory_space<vmem>> -> memref<1x64xf32, #tpu.memory_space<vmem>>
    %dma_start3A_46 = tpu.memref_squeeze %dma_start3A_45 : memref<1x64xf32, #tpu.memory_space<vmem>> -> memref<64xf32, #tpu.memory_space<vmem>>
    %dma_start3A_47 = arith.constant 0 : i32
    %dma_start3A_48 = tpu.memref_slice %arg11[%dma_start3A_47] : memref<512xi32, #tpu.memory_space<vmem>> -> memref<64xi32, #tpu.memory_space<vmem>>
    %dma_start3A_49 = arith.constant 0 : i32
    %dma_start3A_50 = tpu.memref_slice %arg8[%dma_start3A_49] : memref<100000xf32, #tpu.memory_space<hbm>> -> memref<100000xf32, #tpu.memory_space<hbm>>
    tpu.enqueue_indirect_dma source(%dma_start3A_50 : memref<100000xf32, #tpu.memory_space<hbm>>) target(%dma_start3A_46 : memref<64xf32, #tpu.memory_space<vmem>>) offsets(%dma_start3A_48 : memref<64xi32, #tpu.memory_space<vmem>>) semaphore(%arg19 : memref<!tpu.dma_semaphore, #tpu.memory_space<semaphore_mem>>)
    %iota3A = tpu.iota {dimensions = array<i32: 0>} : vector<16xi32>
    %dma_start3A_51 = arith.constant 1 : i32
    %dma_start3A_52 = arith.constant 0 : i32
    %dma_start3A_53 = arith.constant 0 : i32
    %dma_start3A_54 = tpu.memref_slice %arg13[%dma_start3A_51, %dma_start3A_52, %dma_start3A_53] : memref<2x64x128xf32, #tpu.memory_space<vmem>> -> memref<1x64x128xf32, #tpu.memory_space<vmem>>
    %dma_start3A_55 = tpu.memref_squeeze %dma_start3A_54 : memref<1x64x128xf32, #tpu.memory_space<vmem>> -> memref<64x128xf32, #tpu.memory_space<vmem>>
    %dma_start3A_56 = arith.constant 64 : i32
    %dma_start3A_57 = tpu.memref_slice %arg10[%dma_start3A_56] : memref<512xi32, #tpu.memory_space<vmem>> -> memref<64xi32, #tpu.memory_space<vmem>>
    %dma_start3A_58 = arith.constant 0 : i32
    %dma_start3A_59 = arith.constant 0 : i32
    %dma_start3A_60 = tpu.memref_slice %arg5[%dma_start3A_58, %dma_start3A_59] : memref<100000x128xf32, #tpu.memory_space<hbm>> -> memref<100000x128xf32, #tpu.memory_space<hbm>>
    tpu.enqueue_indirect_dma source(%dma_start3A_60 : memref<100000x128xf32, #tpu.memory_space<hbm>>) target(%dma_start3A_55 : memref<64x128xf32, #tpu.memory_space<vmem>>) offsets(%dma_start3A_57 : memref<64xi32, #tpu.memory_space<vmem>>) semaphore(%arg20 : memref<!tpu.dma_semaphore, #tpu.memory_space<semaphore_mem>>)
    %dma_start3A_61 = arith.constant 1 : i32
    %dma_start3A_62 = arith.constant 0 : i32
    %dma_start3A_63 = arith.constant 0 : i32
    %dma_start3A_64 = tpu.memref_slice %arg14[%dma_start3A_61, %dma_start3A_62, %dma_start3A_63] : memref<2x64x128xf32, #tpu.memory_space<vmem>> -> memref<1x64x128xf32, #tpu.memory_space<vmem>>
    %dma_start3A_65 = tpu.memref_squeeze %dma_start3A_64 : memref<1x64x128xf32, #tpu.memory_space<vmem>> -> memref<64x128xf32, #tpu.memory_space<vmem>>
    %dma_start3A_66 = arith.constant 64 : i32
    %dma_start3A_67 = tpu.memref_slice %arg11[%dma_start3A_66] : memref<512xi32, #tpu.memory_space<vmem>> -> memref<64xi32, #tpu.memory_space<vmem>>
    %dma_start3A_68 = arith.constant 0 : i32
    %dma_start3A_69 = arith.constant 0 : i32
    %dma_start3A_70 = tpu.memref_slice %arg6[%dma_start3A_68, %dma_start3A_69] : memref<100000x128xf32, #tpu.memory_space<hbm>> -> memref<100000x128xf32, #tpu.memory_space<hbm>>
    tpu.enqueue_indirect_dma source(%dma_start3A_70 : memref<100000x128xf32, #tpu.memory_space<hbm>>) target(%dma_start3A_65 : memref<64x128xf32, #tpu.memory_space<vmem>>) offsets(%dma_start3A_67 : memref<64xi32, #tpu.memory_space<vmem>>) semaphore(%arg20 : memref<!tpu.dma_semaphore, #tpu.memory_space<semaphore_mem>>)
    %dma_start3A_71 = arith.constant 1 : i32
    %dma_start3A_72 = arith.constant 0 : i32
    %dma_start3A_73 = tpu.memref_slice %arg15[%dma_start3A_71, %dma_start3A_72] : memref<2x64xf32, #tpu.memory_space<vmem>> -> memref<1x64xf32, #tpu.memory_space<vmem>>
    %dma_start3A_74 = tpu.memref_squeeze %dma_start3A_73 : memref<1x64xf32, #tpu.memory_space<vmem>> -> memref<64xf32, #tpu.memory_space<vmem>>
    %dma_start3A_75 = arith.constant 64 : i32
    %dma_start3A_76 = tpu.memref_slice %arg10[%dma_start3A_75] : memref<512xi32, #tpu.memory_space<vmem>> -> memref<64xi32, #tpu.memory_space<vmem>>
    %dma_start3A_77 = arith.constant 0 : i32
    %dma_start3A_78 = tpu.memref_slice %arg7[%dma_start3A_77] : memref<100000xf32, #tpu.memory_space<hbm>> -> memref<100000xf32, #tpu.memory_space<hbm>>
    tpu.enqueue_indirect_dma source(%dma_start3A_78 : memref<100000xf32, #tpu.memory_space<hbm>>) target(%dma_start3A_74 : memref<64xf32, #tpu.memory_space<vmem>>) offsets(%dma_start3A_76 : memref<64xi32, #tpu.memory_space<vmem>>) semaphore(%arg20 : memref<!tpu.dma_semaphore, #tpu.memory_space<semaphore_mem>>)
    %dma_start3A_79 = arith.constant 1 : i32
    %dma_start3A_80 = arith.constant 0 : i32
    %dma_start3A_81 = tpu.memref_slice %arg16[%dma_start3A_79, %dma_start3A_80] : memref<2x64xf32, #tpu.memory_space<vmem>> -> memref<1x64xf32, #tpu.memory_space<vmem>>
    %dma_start3A_82 = tpu.memref_squeeze %dma_start3A_81 : memref<1x64xf32, #tpu.memory_space<vmem>> -> memref<64xf32, #tpu.memory_space<vmem>>
    %dma_start3A_83 = arith.constant 64 : i32
    %dma_start3A_84 = tpu.memref_slice %arg11[%dma_start3A_83] : memref<512xi32, #tpu.memory_space<vmem>> -> memref<64xi32, #tpu.memory_space<vmem>>
    %dma_start3A_85 = arith.constant 0 : i32
    %dma_start3A_86 = tpu.memref_slice %arg8[%dma_start3A_85] : memref<100000xf32, #tpu.memory_space<hbm>> -> memref<100000xf32, #tpu.memory_space<hbm>>
    tpu.enqueue_indirect_dma source(%dma_start3A_86 : memref<100000xf32, #tpu.memory_space<hbm>>) target(%dma_start3A_82 : memref<64xf32, #tpu.memory_space<vmem>>) offsets(%dma_start3A_84 : memref<64xi32, #tpu.memory_space<vmem>>) semaphore(%arg20 : memref<!tpu.dma_semaphore, #tpu.memory_space<semaphore_mem>>)
    %dma_wait3A_87 = arith.constant 0 : i32
    %dma_wait3A_88 = arith.constant 0 : i32
    %dma_wait3A_89 = arith.constant 0 : i32
    %dma_wait3A_90 = tpu.memref_slice %arg13[%dma_wait3A_87, %dma_wait3A_88, %dma_wait3A_89] : memref<2x64x128xf32, #tpu.memory_space<vmem>> -> memref<1x64x128xf32, #tpu.memory_space<vmem>>
    %dma_wait3A_91 = tpu.memref_squeeze %dma_wait3A_90 : memref<1x64x128xf32, #tpu.memory_space<vmem>> -> memref<64x128xf32, #tpu.memory_space<vmem>>
    %dma_wait3A_92 = arith.constant 0 : i32
    %dma_wait3A_93 = tpu.memref_slice %arg10[%dma_wait3A_92] : memref<512xi32, #tpu.memory_space<vmem>> -> memref<64xi32, #tpu.memory_space<vmem>>
    %dma_wait3A_94 = arith.constant 0 : i32
    %dma_wait3A_95 = arith.constant 0 : i32
    %dma_wait3A_96 = tpu.memref_slice %arg5[%dma_wait3A_94, %dma_wait3A_95] : memref<100000x128xf32, #tpu.memory_space<hbm>> -> memref<100000x128xf32, #tpu.memory_space<hbm>>
    tpu.wait_indirect_dma semaphore(%arg19 : memref<!tpu.dma_semaphore, #tpu.memory_space<semaphore_mem>>) src(%dma_wait3A_96 : memref<100000x128xf32, #tpu.memory_space<hbm>>) dst(%dma_wait3A_91 : memref<64x128xf32, #tpu.memory_space<vmem>>)
    %dma_wait3A_97 = arith.constant 0 : i32
    %dma_wait3A_98 = arith.constant 0 : i32
    %dma_wait3A_99 = arith.constant 0 : i32
    %dma_wait3A_100 = tpu.memref_slice %arg14[%dma_wait3A_97, %dma_wait3A_98, %dma_wait3A_99] : memref<2x64x128xf32, #tpu.memory_space<vmem>> -> memref<1x64x128xf32, #tpu.memory_space<vmem>>
    %dma_wait3A_101 = tpu.memref_squeeze %dma_wait3A_100 : memref<1x64x128xf32, #tpu.memory_space<vmem>> -> memref<64x128xf32, #tpu.memory_space<vmem>>
    %dma_wait3A_102 = arith.constant 0 : i32
    %dma_wait3A_103 = tpu.memref_slice %arg11[%dma_wait3A_102] : memref<512xi32, #tpu.memory_space<vmem>> -> memref<64xi32, #tpu.memory_space<vmem>>
    %dma_wait3A_104 = arith.constant 0 : i32
    %dma_wait3A_105 = arith.constant 0 : i32
    %dma_wait3A_106 = tpu.memref_slice %arg6[%dma_wait3A_104, %dma_wait3A_105] : memref<100000x128xf32, #tpu.memory_space<hbm>> -> memref<100000x128xf32, #tpu.memory_space<hbm>>
    tpu.wait_indirect_dma semaphore(%arg19 : memref<!tpu.dma_semaphore, #tpu.memory_space<semaphore_mem>>) src(%dma_wait3A_106 : memref<100000x128xf32, #tpu.memory_space<hbm>>) dst(%dma_wait3A_101 : memref<64x128xf32, #tpu.memory_space<vmem>>)
    %dma_wait3A_107 = arith.constant 0 : i32
    %dma_wait3A_108 = arith.constant 0 : i32
    %dma_wait3A_109 = tpu.memref_slice %arg15[%dma_wait3A_107, %dma_wait3A_108] : memref<2x64xf32, #tpu.memory_space<vmem>> -> memref<1x64xf32, #tpu.memory_space<vmem>>
    %dma_wait3A_110 = tpu.memref_squeeze %dma_wait3A_109 : memref<1x64xf32, #tpu.memory_space<vmem>> -> memref<64xf32, #tpu.memory_space<vmem>>
    %dma_wait3A_111 = arith.constant 0 : i32
    %dma_wait3A_112 = tpu.memref_slice %arg10[%dma_wait3A_111] : memref<512xi32, #tpu.memory_space<vmem>> -> memref<64xi32, #tpu.memory_space<vmem>>
    %dma_wait3A_113 = arith.constant 0 : i32
    %dma_wait3A_114 = tpu.memref_slice %arg7[%dma_wait3A_113] : memref<100000xf32, #tpu.memory_space<hbm>> -> memref<100000xf32, #tpu.memory_space<hbm>>
    tpu.wait_indirect_dma semaphore(%arg19 : memref<!tpu.dma_semaphore, #tpu.memory_space<semaphore_mem>>) src(%dma_wait3A_114 : memref<100000xf32, #tpu.memory_space<hbm>>) dst(%dma_wait3A_110 : memref<64xf32, #tpu.memory_space<vmem>>)
    %dma_wait3A_115 = arith.constant 0 : i32
    %dma_wait3A_116 = arith.constant 0 : i32
    %dma_wait3A_117 = tpu.memref_slice %arg16[%dma_wait3A_115, %dma_wait3A_116] : memref<2x64xf32, #tpu.memory_space<vmem>> -> memref<1x64xf32, #tpu.memory_space<vmem>>
    %dma_wait3A_118 = tpu.memref_squeeze %dma_wait3A_117 : memref<1x64xf32, #tpu.memory_space<vmem>> -> memref<64xf32, #tpu.memory_space<vmem>>
    %dma_wait3A_119 = arith.constant 0 : i32
    %dma_wait3A_120 = tpu.memref_slice %arg11[%dma_wait3A_119] : memref<512xi32, #tpu.memory_space<vmem>> -> memref<64xi32, #tpu.memory_space<vmem>>
    %dma_wait3A_121 = arith.constant 0 : i32
    %dma_wait3A_122 = tpu.memref_slice %arg8[%dma_wait3A_121] : memref<100000xf32, #tpu.memory_space<hbm>> -> memref<100000xf32, #tpu.memory_space<hbm>>
    tpu.wait_indirect_dma semaphore(%arg19 : memref<!tpu.dma_semaphore, #tpu.memory_space<semaphore_mem>>) src(%dma_wait3A_122 : memref<100000xf32, #tpu.memory_space<hbm>>) dst(%dma_wait3A_118 : memref<64xf32, #tpu.memory_space<vmem>>)
    %scan3A = arith.constant 0 : i32
    %scan3A_123 = arith.constant 0 : i32
    %scan3A_124 = arith.constant 0 : i32
    %scan3A_125 = arith.constant 0 : i32
    %scan3A_126 = arith.constant 0 : i32
    %scan3A_127 = arith.constant 4 : i32
    %scan3A_128 = arith.addi %scan3A_126, %scan3A_127 : i32
    %scan3A_129 = arith.constant 1 : i32
    scf.for %scan3A_662 = %scan3A_126 to %scan3A_128 step %scan3A_129  : i32 {
      %mul3A_663 = arith.constant 1 : i32
      %mul3A_664 = arith.muli %scan3A_662, %mul3A_663 : i32
      %add3A_665 = arith.constant 0 : i32
      %add3A_666 = arith.addi %add3A_665, %mul3A_664 : i32
      %mul3A_667 = arith.constant 16 : i32
      %mul3A_668 = arith.muli %add3A_666, %mul3A_667 : i32
      %parallel_loop3A = arith.constant 0 : i32
      %parallel_loop3A_669 = arith.constant 16 : i32
      %parallel_loop3A_670 = arith.constant 1 : i32
      scf.for %parallel_loop3A_866 = %parallel_loop3A to %parallel_loop3A_669 step %parallel_loop3A_670  : i32 {
        %parallel_loop3A_867 = arith.addi %mul3A_668, %parallel_loop3A_866 : i32
        %parallel_loop3A_868 = arith.constant 0 : i32
        %parallel_loop3A_869 = arith.constant 0 : i32
        %parallel_loop3A_870 = tpu.memref_slice %arg13[%scan3A, %parallel_loop3A_868, %parallel_loop3A_869] : memref<2x64x128xf32, #tpu.memory_space<vmem>> -> memref<1x64x128xf32, #tpu.memory_space<vmem>>
        %parallel_loop3A_871 = tpu.memref_squeeze %parallel_loop3A_870 : memref<1x64x128xf32, #tpu.memory_space<vmem>> -> memref<64x128xf32, #tpu.memory_space<vmem>>
        %parallel_loop3A_872 = arith.index_cast %parallel_loop3A_867 : i32 to index
        %parallel_loop3A_873 = arith.constant 0 : index
        %parallel_loop3A_874 = tpu.vector_load %parallel_loop3A_871[%parallel_loop3A_872, %parallel_loop3A_873] {strides = array<i32>} : memref<64x128xf32, #tpu.memory_space<vmem>>, vector<16xf32>,
        %parallel_loop3A_875 = arith.constant 0 : i32
        %parallel_loop3A_876 = arith.constant 0 : i32
        %parallel_loop3A_877 = tpu.memref_slice %arg14[%scan3A_123, %parallel_loop3A_875, %parallel_loop3A_876] : memref<2x64x128xf32, #tpu.memory_space<vmem>> -> memref<1x64x128xf32, #tpu.memory_space<vmem>>
        %parallel_loop3A_878 = tpu.memref_squeeze %parallel_loop3A_877 : memref<1x64x128xf32, #tpu.memory_space<vmem>> -> memref<64x128xf32, #tpu.memory_space<vmem>>
        %parallel_loop3A_879 = arith.index_cast %parallel_loop3A_867 : i32 to index
        %parallel_loop3A_880 = arith.constant 0 : index
        %parallel_loop3A_881 = tpu.vector_load %parallel_loop3A_878[%parallel_loop3A_879, %parallel_loop3A_880] {strides = array<i32>} : memref<64x128xf32, #tpu.memory_space<vmem>>, vector<16xf32>,
        %parallel_loop3A_882 = arith.mulf %parallel_loop3A_874, %parallel_loop3A_881 : vector<16xf32>
        %parallel_loop3A_883 = arith.constant 0 : i32
        %parallel_loop3A_884 = arith.constant 0 : i32
        %parallel_loop3A_885 = tpu.memref_slice %arg13[%scan3A, %parallel_loop3A_883, %parallel_loop3A_884] : memref<2x64x128xf32, #tpu.memory_space<vmem>> -> memref<1x64x128xf32, #tpu.memory_space<vmem>>
        %parallel_loop3A_886 = tpu.memref_squeeze %parallel_loop3A_885 : memref<1x64x128xf32, #tpu.memory_space<vmem>> -> memref<64x128xf32, #tpu.memory_space<vmem>>
        %parallel_loop3A_887 = arith.index_cast %parallel_loop3A_867 : i32 to index
        %parallel_loop3A_888 = arith.constant 16 : index
        %parallel_loop3A_889 = tpu.vector_load %parallel_loop3A_886[%parallel_loop3A_887, %parallel_loop3A_888] {strides = array<i32>} : memref<64x128xf32, #tpu.memory_space<vmem>>, vector<16xf32>,
        %parallel_loop3A_890 = arith.constant 0 : i32
        %parallel_loop3A_891 = arith.constant 0 : i32
        %parallel_loop3A_892 = tpu.memref_slice %arg14[%scan3A_123, %parallel_loop3A_890, %parallel_loop3A_891] : memref<2x64x128xf32, #tpu.memory_space<vmem>> -> memref<1x64x128xf32, #tpu.memory_space<vmem>>
        %parallel_loop3A_893 = tpu.memref_squeeze %parallel_loop3A_892 : memref<1x64x128xf32, #tpu.memory_space<vmem>> -> memref<64x128xf32, #tpu.memory_space<vmem>>
        %parallel_loop3A_894 = arith.index_cast %parallel_loop3A_867 : i32 to index
        %parallel_loop3A_895 = arith.constant 16 : index
        %parallel_loop3A_896 = tpu.vector_load %parallel_loop3A_893[%parallel_loop3A_894, %parallel_loop3A_895] {strides = array<i32>} : memref<64x128xf32, #tpu.memory_space<vmem>>, vector<16xf32>,
        %parallel_loop3A_897 = arith.mulf %parallel_loop3A_889, %parallel_loop3A_896 : vector<16xf32>
        %parallel_loop3A_898 = arith.constant 0 : i32
        %parallel_loop3A_899 = arith.constant 0 : i32
        %parallel_loop3A_900 = tpu.memref_slice %arg13[%scan3A, %parallel_loop3A_898, %parallel_loop3A_899] : memref<2x64x128xf32, #tpu.memory_space<vmem>> -> memref<1x64x128xf32, #tpu.memory_space<vmem>>
        %parallel_loop3A_901 = tpu.memref_squeeze %parallel_loop3A_900 : memref<1x64x128xf32, #tpu.memory_space<vmem>> -> memref<64x128xf32, #tpu.memory_space<vmem>>
        %parallel_loop3A_902 = arith.index_cast %parallel_loop3A_867 : i32 to index
        %parallel_loop3A_903 = arith.constant 32 : index
        %parallel_loop3A_904 = tpu.vector_load %parallel_loop3A_901[%parallel_loop3A_902, %parallel_loop3A_903] {strides = array<i32>} : memref<64x128xf32, #tpu.memory_space<vmem>>, vector<16xf32>,
        %parallel_loop3A_905 = arith.constant 0 : i32
        %parallel_loop3A_906 = arith.constant 0 : i32
        %parallel_loop3A_907 = tpu.memref_slice %arg14[%scan3A_123, %parallel_loop3A_905, %parallel_loop3A_906] : memref<2x64x128xf32, #tpu.memory_space<vmem>> -> memref<1x64x128xf32, #tpu.memory_space<vmem>>
        %parallel_loop3A_908 = tpu.memref_squeeze %parallel_loop3A_907 : memref<1x64x128xf32, #tpu.memory_space<vmem>> -> memref<64x128xf32, #tpu.memory_space<vmem>>
        %parallel_loop3A_909 = arith.index_cast %parallel_loop3A_867 : i32 to index
        %parallel_loop3A_910 = arith.constant 32 : index
        %parallel_loop3A_911 = tpu.vector_load %parallel_loop3A_908[%parallel_loop3A_909, %parallel_loop3A_910] {strides = array<i32>} : memref<64x128xf32, #tpu.memory_space<vmem>>, vector<16xf32>,
        %parallel_loop3A_912 = arith.mulf %parallel_loop3A_904, %parallel_loop3A_911 : vector<16xf32>
        %parallel_loop3A_913 = arith.constant 0 : i32
        %parallel_loop3A_914 = arith.constant 0 : i32
        %parallel_loop3A_915 = tpu.memref_slice %arg13[%scan3A, %parallel_loop3A_913, %parallel_loop3A_914] : memref<2x64x128xf32, #tpu.memory_space<vmem>> -> memref<1x64x128xf32, #tpu.memory_space<vmem>>
        %parallel_loop3A_916 = tpu.memref_squeeze %parallel_loop3A_915 : memref<1x64x128xf32, #tpu.memory_space<vmem>> -> memref<64x128xf32, #tpu.memory_space<vmem>>
        %parallel_loop3A_917 = arith.index_cast %parallel_loop3A_867 : i32 to index
        %parallel_loop3A_918 = arith.constant 48 : index
        %parallel_loop3A_919 = tpu.vector_load %parallel_loop3A_916[%parallel_loop3A_917, %parallel_loop3A_918] {strides = array<i32>} : memref<64x128xf32, #tpu.memory_space<vmem>>, vector<16xf32>,
        %parallel_loop3A_920 = arith.constant 0 : i32
        %parallel_loop3A_921 = arith.constant 0 : i32
        %parallel_loop3A_922 = tpu.memref_slice %arg14[%scan3A_123, %parallel_loop3A_920, %parallel_loop3A_921] : memref<2x64x128xf32, #tpu.memory_space<vmem>> -> memref<1x64x128xf32, #tpu.memory_space<vmem>>
        %parallel_loop3A_923 = tpu.memref_squeeze %parallel_loop3A_922 : memref<1x64x128xf32, #tpu.memory_space<vmem>> -> memref<64x128xf32, #tpu.memory_space<vmem>>
        %parallel_loop3A_924 = arith.index_cast %parallel_loop3A_867 : i32 to index
        %parallel_loop3A_925 = arith.constant 48 : index
        %parallel_loop3A_926 = tpu.vector_load %parallel_loop3A_923[%parallel_loop3A_924, %parallel_loop3A_925] {strides = array<i32>} : memref<64x128xf32, #tpu.memory_space<vmem>>, vector<16xf32>,
        %parallel_loop3A_927 = arith.mulf %parallel_loop3A_919, %parallel_loop3A_926 : vector<16xf32>
        %parallel_loop3A_928 = arith.constant 0 : i32
        %parallel_loop3A_929 = arith.constant 0 : i32
        %parallel_loop3A_930 = tpu.memref_slice %arg13[%scan3A, %parallel_loop3A_928, %parallel_loop3A_929] : memref<2x64x128xf32, #tpu.memory_space<vmem>> -> memref<1x64x128xf32, #tpu.memory_space<vmem>>
        %parallel_loop3A_931 = tpu.memref_squeeze %parallel_loop3A_930 : memref<1x64x128xf32, #tpu.memory_space<vmem>> -> memref<64x128xf32, #tpu.memory_space<vmem>>
        %parallel_loop3A_932 = arith.index_cast %parallel_loop3A_867 : i32 to index
        %parallel_loop3A_933 = arith.constant 64 : index
        %parallel_loop3A_934 = tpu.vector_load %parallel_loop3A_931[%parallel_loop3A_932, %parallel_loop3A_933] {strides = array<i32>} : memref<64x128xf32, #tpu.memory_space<vmem>>, vector<16xf32>,
        %parallel_loop3A_935 = arith.constant 0 : i32
        %parallel_loop3A_936 = arith.constant 0 : i32
        %parallel_loop3A_937 = tpu.memref_slice %arg14[%scan3A_123, %parallel_loop3A_935, %parallel_loop3A_936] : memref<2x64x128xf32, #tpu.memory_space<vmem>> -> memref<1x64x128xf32, #tpu.memory_space<vmem>>
        %parallel_loop3A_938 = tpu.memref_squeeze %parallel_loop3A_937 : memref<1x64x128xf32, #tpu.memory_space<vmem>> -> memref<64x128xf32, #tpu.memory_space<vmem>>
        %parallel_loop3A_939 = arith.index_cast %parallel_loop3A_867 : i32 to index
        %parallel_loop3A_940 = arith.constant 64 : index
        %parallel_loop3A_941 = tpu.vector_load %parallel_loop3A_938[%parallel_loop3A_939, %parallel_loop3A_940] {strides = array<i32>} : memref<64x128xf32, #tpu.memory_space<vmem>>, vector<16xf32>,
        %parallel_loop3A_942 = arith.mulf %parallel_loop3A_934, %parallel_loop3A_941 : vector<16xf32>
        %parallel_loop3A_943 = arith.constant 0 : i32
        %parallel_loop3A_944 = arith.constant 0 : i32
        %parallel_loop3A_945 = tpu.memref_slice %arg13[%scan3A, %parallel_loop3A_943, %parallel_loop3A_944] : memref<2x64x128xf32, #tpu.memory_space<vmem>> -> memref<1x64x128xf32, #tpu.memory_space<vmem>>
        %parallel_loop3A_946 = tpu.memref_squeeze %parallel_loop3A_945 : memref<1x64x128xf32, #tpu.memory_space<vmem>> -> memref<64x128xf32, #tpu.memory_space<vmem>>
        %parallel_loop3A_947 = arith.index_cast %parallel_loop3A_867 : i32 to index
        %parallel_loop3A_948 = arith.constant 80 : index
        %parallel_loop3A_949 = tpu.vector_load %parallel_loop3A_946[%parallel_loop3A_947, %parallel_loop3A_948] {strides = array<i32>} : memref<64x128xf32, #tpu.memory_space<vmem>>, vector<16xf32>,
        %parallel_loop3A_950 = arith.constant 0 : i32
        %parallel_loop3A_951 = arith.constant 0 : i32
        %parallel_loop3A_952 = tpu.memref_slice %arg14[%scan3A_123, %parallel_loop3A_950, %parallel_loop3A_951] : memref<2x64x128xf32, #tpu.memory_space<vmem>> -> memref<1x64x128xf32, #tpu.memory_space<vmem>>
        %parallel_loop3A_953 = tpu.memref_squeeze %parallel_loop3A_952 : memref<1x64x128xf32, #tpu.memory_space<vmem>> -> memref<64x128xf32, #tpu.memory_space<vmem>>
        %parallel_loop3A_954 = arith.index_cast %parallel_loop3A_867 : i32 to index
        %parallel_loop3A_955 = arith.constant 80 : index
        %parallel_loop3A_956 = tpu.vector_load %parallel_loop3A_953[%parallel_loop3A_954, %parallel_loop3A_955] {strides = array<i32>} : memref<64x128xf32, #tpu.memory_space<vmem>>, vector<16xf32>,
        %parallel_loop3A_957 = arith.mulf %parallel_loop3A_949, %parallel_loop3A_956 : vector<16xf32>
        %parallel_loop3A_958 = arith.constant 0 : i32
        %parallel_loop3A_959 = arith.constant 0 : i32
        %parallel_loop3A_960 = tpu.memref_slice %arg13[%scan3A, %parallel_loop3A_958, %parallel_loop3A_959] : memref<2x64x128xf32, #tpu.memory_space<vmem>> -> memref<1x64x128xf32, #tpu.memory_space<vmem>>
        %parallel_loop3A_961 = tpu.memref_squeeze %parallel_loop3A_960 : memref<1x64x128xf32, #tpu.memory_space<vmem>> -> memref<64x128xf32, #tpu.memory_space<vmem>>
        %parallel_loop3A_962 = arith.index_cast %parallel_loop3A_867 : i32 to index
        %parallel_loop3A_963 = arith.constant 96 : index
        %parallel_loop3A_964 = tpu.vector_load %parallel_loop3A_961[%parallel_loop3A_962, %parallel_loop3A_963] {strides = array<i32>} : memref<64x128xf32, #tpu.memory_space<vmem>>, vector<16xf32>,
        %parallel_loop3A_965 = arith.constant 0 : i32
        %parallel_loop3A_966 = arith.constant 0 : i32
        %parallel_loop3A_967 = tpu.memref_slice %arg14[%scan3A_123, %parallel_loop3A_965, %parallel_loop3A_966] : memref<2x64x128xf32, #tpu.memory_space<vmem>> -> memref<1x64x128xf32, #tpu.memory_space<vmem>>
        %parallel_loop3A_968 = tpu.memref_squeeze %parallel_loop3A_967 : memref<1x64x128xf32, #tpu.memory_space<vmem>> -> memref<64x128xf32, #tpu.memory_space<vmem>>
        %parallel_loop3A_969 = arith.index_cast %parallel_loop3A_867 : i32 to index
        %parallel_loop3A_970 = arith.constant 96 : index
        %parallel_loop3A_971 = tpu.vector_load %parallel_loop3A_968[%parallel_loop3A_969, %parallel_loop3A_970] {strides = array<i32>} : memref<64x128xf32, #tpu.memory_space<vmem>>, vector<16xf32>,
        %parallel_loop3A_972 = arith.mulf %parallel_loop3A_964, %parallel_loop3A_971 : vector<16xf32>
        %parallel_loop3A_973 = arith.constant 0 : i32
        %parallel_loop3A_974 = arith.constant 0 : i32
        %parallel_loop3A_975 = tpu.memref_slice %arg13[%scan3A, %parallel_loop3A_973, %parallel_loop3A_974] : memref<2x64x128xf32, #tpu.memory_space<vmem>> -> memref<1x64x128xf32, #tpu.memory_space<vmem>>
        %parallel_loop3A_976 = tpu.memref_squeeze %parallel_loop3A_975 : memref<1x64x128xf32, #tpu.memory_space<vmem>> -> memref<64x128xf32, #tpu.memory_space<vmem>>
        %parallel_loop3A_977 = arith.index_cast %parallel_loop3A_867 : i32 to index
        %parallel_loop3A_978 = arith.constant 112 : index
        %parallel_loop3A_979 = tpu.vector_load %parallel_loop3A_976[%parallel_loop3A_977, %parallel_loop3A_978] {strides = array<i32>} : memref<64x128xf32, #tpu.memory_space<vmem>>, vector<16xf32>,
        %parallel_loop3A_980 = arith.constant 0 : i32
        %parallel_loop3A_981 = arith.constant 0 : i32
        %parallel_loop3A_982 = tpu.memref_slice %arg14[%scan3A_123, %parallel_loop3A_980, %parallel_loop3A_981] : memref<2x64x128xf32, #tpu.memory_space<vmem>> -> memref<1x64x128xf32, #tpu.memory_space<vmem>>
        %parallel_loop3A_983 = tpu.memref_squeeze %parallel_loop3A_982 : memref<1x64x128xf32, #tpu.memory_space<vmem>> -> memref<64x128xf32, #tpu.memory_space<vmem>>
        %parallel_loop3A_984 = arith.index_cast %parallel_loop3A_867 : i32 to index
        %parallel_loop3A_985 = arith.constant 112 : index
        %parallel_loop3A_986 = tpu.vector_load %parallel_loop3A_983[%parallel_loop3A_984, %parallel_loop3A_985] {strides = array<i32>} : memref<64x128xf32, #tpu.memory_space<vmem>>, vector<16xf32>,
        %parallel_loop3A_987 = arith.mulf %parallel_loop3A_979, %parallel_loop3A_986 : vector<16xf32>
        %parallel_loop3A_988 = arith.addf %parallel_loop3A_882, %parallel_loop3A_897 : vector<16xf32>
        %parallel_loop3A_989 = arith.addf %parallel_loop3A_912, %parallel_loop3A_927 : vector<16xf32>
        %parallel_loop3A_990 = arith.addf %parallel_loop3A_988, %parallel_loop3A_989 : vector<16xf32>
        %parallel_loop3A_991 = arith.addf %parallel_loop3A_942, %parallel_loop3A_957 : vector<16xf32>
        %parallel_loop3A_992 = arith.addf %parallel_loop3A_972, %parallel_loop3A_987 : vector<16xf32>
        %parallel_loop3A_993 = arith.addf %parallel_loop3A_991, %parallel_loop3A_992 : vector<16xf32>
        %parallel_loop3A_994 = arith.addf %parallel_loop3A_990, %parallel_loop3A_993 : vector<16xf32>
        %parallel_loop3A_995 = arith.index_cast %parallel_loop3A_866 : i32 to index
        %parallel_loop3A_996 = arith.constant 0 : index
        %parallel_loop3A_997 = tpu.vector_load %arg17[%parallel_loop3A_995, %parallel_loop3A_996] {strides = array<i32>} : memref<16x16xf32, #tpu.memory_space<vmem>>, vector<16xf32>,
        tpu.vector_store %arg17[%parallel_loop3A_995, %parallel_loop3A_996], %parallel_loop3A_994 {strides = array<i32>} : memref<16x16xf32, #tpu.memory_space<vmem>>, vector<16xf32>,
      } {sc.loop_unroll_factor = 4 : i64, sc.parallel_access}
      %add3A_671 = arith.constant 0 : i32
      %add3A_672 = vector.broadcast %add3A_671 : i32 to vector<16xi32>
      %add3A_673 = arith.addi %iota3A, %add3A_672 : vector<16xi32>
      %and3A = arith.constant 15 : i32
      %and3A_674 = vector.broadcast %and3A : i32 to vector<16xi32>
      %and3A_675 = arith.andi %add3A_673, %and3A_674 : vector<16xi32>
      %gather3A = tpu.vector_load_idx %arg17[%iota3A, %and3A_675] : memref<16x16xf32, #tpu.memory_space<vmem>>[vector<16xi32>, vector<16xi32>], vector<16xf32>,
      %add3A_676 = arith.constant 1 : i32
      %add3A_677 = vector.broadcast %add3A_676 : i32 to vector<16xi32>
      %add3A_678 = arith.addi %iota3A, %add3A_677 : vector<16xi32>
      %and3A_679 = arith.constant 15 : i32
      %and3A_680 = vector.broadcast %and3A_679 : i32 to vector<16xi32>
      %and3A_681 = arith.andi %add3A_678, %and3A_680 : vector<16xi32>
      %gather3A_682 = tpu.vector_load_idx %arg17[%iota3A, %and3A_681] : memref<16x16xf32, #tpu.memory_space<vmem>>[vector<16xi32>, vector<16xi32>], vector<16xf32>,
      %add3A_683 = arith.constant 2 : i32
      %add3A_684 = vector.broadcast %add3A_683 : i32 to vector<16xi32>
      %add3A_685 = arith.addi %iota3A, %add3A_684 : vector<16xi32>
      %and3A_686 = arith.constant 15 : i32
      %and3A_687 = vector.broadcast %and3A_686 : i32 to vector<16xi32>
      %and3A_688 = arith.andi %add3A_685, %and3A_687 : vector<16xi32>
      %gather3A_689 = tpu.vector_load_idx %arg17[%iota3A, %and3A_688] : memref<16x16xf32, #tpu.memory_space<vmem>>[vector<16xi32>, vector<16xi32>], vector<16xf32>,
      %add3A_690 = arith.constant 3 : i32
      %add3A_691 = vector.broadcast %add3A_690 : i32 to vector<16xi32>
      %add3A_692 = arith.addi %iota3A, %add3A_691 : vector<16xi32>
      %and3A_693 = arith.constant 15 : i32
      %and3A_694 = vector.broadcast %and3A_693 : i32 to vector<16xi32>
      %and3A_695 = arith.andi %add3A_692, %and3A_694 : vector<16xi32>
      %gather3A_696 = tpu.vector_load_idx %arg17[%iota3A, %and3A_695] : memref<16x16xf32, #tpu.memory_space<vmem>>[vector<16xi32>, vector<16xi32>], vector<16xf32>,
      %add3A_697 = arith.constant 4 : i32
      %add3A_698 = vector.broadcast %add3A_697 : i32 to vector<16xi32>
      %add3A_699 = arith.addi %iota3A, %add3A_698 : vector<16xi32>
      %and3A_700 = arith.constant 15 : i32
      %and3A_701 = vector.broadcast %and3A_700 : i32 to vector<16xi32>
      %and3A_702 = arith.andi %add3A_699, %and3A_701 : vector<16xi32>
      %gather3A_703 = tpu.vector_load_idx %arg17[%iota3A, %and3A_702] : memref<16x16xf32, #tpu.memory_space<vmem>>[vector<16xi32>, vector<16xi32>], vector<16xf32>,
      %add3A_704 = arith.constant 5 : i32
      %add3A_705 = vector.broadcast %add3A_704 : i32 to vector<16xi32>
      %add3A_706 = arith.addi %iota3A, %add3A_705 : vector<16xi32>
      %and3A_707 = arith.constant 15 : i32
      %and3A_708 = vector.broadcast %and3A_707 : i32 to vector<16xi32>
      %and3A_709 = arith.andi %add3A_706, %and3A_708 : vector<16xi32>
      %gather3A_710 = tpu.vector_load_idx %arg17[%iota3A, %and3A_709] : memref<16x16xf32, #tpu.memory_space<vmem>>[vector<16xi32>, vector<16xi32>], vector<16xf32>,
      %add3A_711 = arith.constant 6 : i32
      %add3A_712 = vector.broadcast %add3A_711 : i32 to vector<16xi32>
      %add3A_713 = arith.addi %iota3A, %add3A_712 : vector<16xi32>
      %and3A_714 = arith.constant 15 : i32
      %and3A_715 = vector.broadcast %and3A_714 : i32 to vector<16xi32>
      %and3A_716 = arith.andi %add3A_713, %and3A_715 : vector<16xi32>
      %gather3A_717 = tpu.vector_load_idx %arg17[%iota3A, %and3A_716] : memref<16x16xf32, #tpu.memory_space<vmem>>[vector<16xi32>, vector<16xi32>], vector<16xf32>,
      %add3A_718 = arith.constant 7 : i32
      %add3A_719 = vector.broadcast %add3A_718 : i32 to vector<16xi32>
      %add3A_720 = arith.addi %iota3A, %add3A_719 : vector<16xi32>
      %and3A_721 = arith.constant 15 : i32
      %and3A_722 = vector.broadcast %and3A_721 : i32 to vector<16xi32>
      %and3A_723 = arith.andi %add3A_720, %and3A_722 : vector<16xi32>
      %gather3A_724 = tpu.vector_load_idx %arg17[%iota3A, %and3A_723] : memref<16x16xf32, #tpu.memory_space<vmem>>[vector<16xi32>, vector<16xi32>], vector<16xf32>,
      %add3A_725 = arith.constant 8 : i32
      %add3A_726 = vector.broadcast %add3A_725 : i32 to vector<16xi32>
      %add3A_727 = arith.addi %iota3A, %add3A_726 : vector<16xi32>
      %and3A_728 = arith.constant 15 : i32
      %and3A_729 = vector.broadcast %and3A_728 : i32 to vector<16xi32>
      %and3A_730 = arith.andi %add3A_727, %and3A_729 : vector<16xi32>
      %gather3A_731 = tpu.vector_load_idx %arg17[%iota3A, %and3A_730] : memref<16x16xf32, #tpu.memory_space<vmem>>[vector<16xi32>, vector<16xi32>], vector<16xf32>,
      %add3A_732 = arith.constant 9 : i32
      %add3A_733 = vector.broadcast %add3A_732 : i32 to vector<16xi32>
      %add3A_734 = arith.addi %iota3A, %add3A_733 : vector<16xi32>
      %and3A_735 = arith.constant 15 : i32
      %and3A_736 = vector.broadcast %and3A_735 : i32 to vector<16xi32>
      %and3A_737 = arith.andi %add3A_734, %and3A_736 : vector<16xi32>
      %gather3A_738 = tpu.vector_load_idx %arg17[%iota3A, %and3A_737] : memref<16x16xf32, #tpu.memory_space<vmem>>[vector<16xi32>, vector<16xi32>], vector<16xf32>,
      %add3A_739 = arith.constant 10 : i32
      %add3A_740 = vector.broadcast %add3A_739 : i32 to vector<16xi32>
      %add3A_741 = arith.addi %iota3A, %add3A_740 : vector<16xi32>
      %and3A_742 = arith.constant 15 : i32
      %and3A_743 = vector.broadcast %and3A_742 : i32 to vector<16xi32>
      %and3A_744 = arith.andi %add3A_741, %and3A_743 : vector<16xi32>
      %gather3A_745 = tpu.vector_load_idx %arg17[%iota3A, %and3A_744] : memref<16x16xf32, #tpu.memory_space<vmem>>[vector<16xi32>, vector<16xi32>], vector<16xf32>,
      %add3A_746 = arith.constant 11 : i32
      %add3A_747 = vector.broadcast %add3A_746 : i32 to vector<16xi32>
      %add3A_748 = arith.addi %iota3A, %add3A_747 : vector<16xi32>
      %and3A_749 = arith.constant 15 : i32
      %and3A_750 = vector.broadcast %and3A_749 : i32 to vector<16xi32>
      %and3A_751 = arith.andi %add3A_748, %and3A_750 : vector<16xi32>
      %gather3A_752 = tpu.vector_load_idx %arg17[%iota3A, %and3A_751] : memref<16x16xf32, #tpu.memory_space<vmem>>[vector<16xi32>, vector<16xi32>], vector<16xf32>,
      %add3A_753 = arith.constant 12 : i32
      %add3A_754 = vector.broadcast %add3A_753 : i32 to vector<16xi32>
      %add3A_755 = arith.addi %iota3A, %add3A_754 : vector<16xi32>
      %and3A_756 = arith.constant 15 : i32
      %and3A_757 = vector.broadcast %and3A_756 : i32 to vector<16xi32>
      %and3A_758 = arith.andi %add3A_755, %and3A_757 : vector<16xi32>
      %gather3A_759 = tpu.vector_load_idx %arg17[%iota3A, %and3A_758] : memref<16x16xf32, #tpu.memory_space<vmem>>[vector<16xi32>, vector<16xi32>], vector<16xf32>,
      %add3A_760 = arith.constant 13 : i32
      %add3A_761 = vector.broadcast %add3A_760 : i32 to vector<16xi32>
      %add3A_762 = arith.addi %iota3A, %add3A_761 : vector<16xi32>
      %and3A_763 = arith.constant 15 : i32
      %and3A_764 = vector.broadcast %and3A_763 : i32 to vector<16xi32>
      %and3A_765 = arith.andi %add3A_762, %and3A_764 : vector<16xi32>
      %gather3A_766 = tpu.vector_load_idx %arg17[%iota3A, %and3A_765] : memref<16x16xf32, #tpu.memory_space<vmem>>[vector<16xi32>, vector<16xi32>], vector<16xf32>,
      %add3A_767 = arith.constant 14 : i32
      %add3A_768 = vector.broadcast %add3A_767 : i32 to vector<16xi32>
      %add3A_769 = arith.addi %iota3A, %add3A_768 : vector<16xi32>
      %and3A_770 = arith.constant 15 : i32
      %and3A_771 = vector.broadcast %and3A_770 : i32 to vector<16xi32>
      %and3A_772 = arith.andi %add3A_769, %and3A_771 : vector<16xi32>
      %gather3A_773 = tpu.vector_load_idx %arg17[%iota3A, %and3A_772] : memref<16x16xf32, #tpu.memory_space<vmem>>[vector<16xi32>, vector<16xi32>], vector<16xf32>,
      %add3A_774 = arith.constant 15 : i32
      %add3A_775 = vector.broadcast %add3A_774 : i32 to vector<16xi32>
      %add3A_776 = arith.addi %iota3A, %add3A_775 : vector<16xi32>
      %and3A_777 = arith.constant 15 : i32
      %and3A_778 = vector.broadcast %and3A_777 : i32 to vector<16xi32>
      %and3A_779 = arith.andi %add3A_776, %and3A_778 : vector<16xi32>
      %gather3A_780 = tpu.vector_load_idx %arg17[%iota3A, %and3A_779] : memref<16x16xf32, #tpu.memory_space<vmem>>[vector<16xi32>, vector<16xi32>], vector<16xf32>,
      %add3A_781 = arith.addf %gather3A, %gather3A_682 : vector<16xf32>
      %add3A_782 = arith.addf %gather3A_689, %gather3A_696 : vector<16xf32>
      %add3A_783 = arith.addf %gather3A_703, %gather3A_710 : vector<16xf32>
      %add3A_784 = arith.addf %gather3A_717, %gather3A_724 : vector<16xf32>
      %add3A_785 = arith.addf %gather3A_731, %gather3A_738 : vector<16xf32>
      %add3A_786 = arith.addf %gather3A_745, %gather3A_752 : vector<16xf32>
      %add3A_787 = arith.addf %gather3A_759, %gather3A_766 : vector<16xf32>
      %add3A_788 = arith.addf %gather3A_773, %gather3A_780 : vector<16xf32>
      %add3A_789 = arith.addf %add3A_781, %add3A_782 : vector<16xf32>
      %add3A_790 = arith.addf %add3A_783, %add3A_784 : vector<16xf32>
      %add3A_791 = arith.addf %add3A_785, %add3A_786 : vector<16xf32>
      %add3A_792 = arith.addf %add3A_787, %add3A_788 : vector<16xf32>
      %add3A_793 = arith.addf %add3A_789, %add3A_790 : vector<16xf32>
      %add3A_794 = arith.addf %add3A_791, %add3A_792 : vector<16xf32>
      %add3A_795 = arith.addf %add3A_793, %add3A_794 : vector<16xf32>
      %get3A = arith.constant 0 : i32
      %get3A_796 = tpu.memref_slice %arg15[%scan3A_124, %get3A] : memref<2x64xf32, #tpu.memory_space<vmem>> -> memref<1x64xf32, #tpu.memory_space<vmem>>
      %get3A_797 = tpu.memref_squeeze %get3A_796 : memref<1x64xf32, #tpu.memory_space<vmem>> -> memref<64xf32, #tpu.memory_space<vmem>>
      %get3A_798 = arith.index_cast %mul3A_668 : i32 to index
      %get3A_799 = tpu.vector_load %get3A_797[%get3A_798] {strides = array<i32>} : memref<64xf32, #tpu.memory_space<vmem>>, vector<16xf32>,
      %add3A_800 = arith.addf %add3A_795, %get3A_799 : vector<16xf32>
      %get3A_801 = arith.constant 0 : i32
      %get3A_802 = tpu.memref_slice %arg16[%scan3A_125, %get3A_801] : memref<2x64xf32, #tpu.memory_space<vmem>> -> memref<1x64xf32, #tpu.memory_space<vmem>>
      %get3A_803 = tpu.memref_squeeze %get3A_802 : memref<1x64xf32, #tpu.memory_space<vmem>> -> memref<64xf32, #tpu.memory_space<vmem>>
      %get3A_804 = arith.index_cast %mul3A_668 : i32 to index
      %get3A_805 = tpu.vector_load %get3A_803[%get3A_804] {strides = array<i32>} : memref<64xf32, #tpu.memory_space<vmem>>, vector<16xf32>,
      %add3A_806 = arith.addf %add3A_800, %get3A_805 : vector<16xf32>
      %add3A_807 = arith.constant 0 : i32
      %add3A_808 = arith.addi %add3A_807, %mul3A_668 : i32
      %get3A_809 = arith.index_cast %add3A_808 : i32 to index
      %get3A_810 = tpu.vector_load %arg12[%get3A_809] {strides = array<i32>} : memref<512xf32, #tpu.memory_space<vmem>>, vector<16xf32>,
      %bitcast3A = vector.bitcast %get3A_810 : vector<16xf32> to vector<16xi32>
      %shift_right_arithmetic3A = arith.constant 23 : i32
      %shift_right_arithmetic3A_811 = vector.broadcast %shift_right_arithmetic3A : i32 to vector<16xi32>
      %shift_right_arithmetic3A_812 = arith.shrsi %bitcast3A, %shift_right_arithmetic3A_811 : vector<16xi32>
      %sub3A = arith.constant 127 : i32
      %sub3A_813 = vector.broadcast %sub3A : i32 to vector<16xi32>
      %sub3A_814 = arith.subi %shift_right_arithmetic3A_812, %sub3A_813 : vector<16xi32>
      %and3A_815 = arith.constant 8388607 : i32
      %and3A_816 = vector.broadcast %and3A_815 : i32 to vector<16xi32>
      %and3A_817 = arith.andi %bitcast3A, %and3A_816 : vector<16xi32>
      %or3A = arith.constant 1065353216 : i32
      %or3A_818 = vector.broadcast %or3A : i32 to vector<16xi32>
      %or3A_819 = arith.ori %and3A_817, %or3A_818 : vector<16xi32>
      %bitcast3A_820 = vector.bitcast %or3A_819 : vector<16xi32> to vector<16xf32>
      %sub3A_821 = arith.constant 1.000000e+00 : f32
      %sub3A_822 = vector.broadcast %sub3A_821 : f32 to vector<16xf32>
      %sub3A_823 = arith.subf %bitcast3A_820, %sub3A_822 : vector<16xf32>
      %add3A_824 = arith.constant 1.000000e+00 : f32
      %add3A_825 = vector.broadcast %add3A_824 : f32 to vector<16xf32>
      %add3A_826 = arith.addf %bitcast3A_820, %add3A_825 : vector<16xf32>
      %div3A = arith.divf %sub3A_823, %add3A_826 : vector<16xf32>
      %mul3A_827 = arith.mulf %div3A, %div3A : vector<16xf32>
      %mul3A_828 = arith.constant 0.142857149 : f32
      %mul3A_829 = vector.broadcast %mul3A_828 : f32 to vector<16xf32>
      %mul3A_830 = arith.mulf %mul3A_827, %mul3A_829 : vector<16xf32>
      %add3A_831 = arith.constant 2.000000e-01 : f32
      %add3A_832 = vector.broadcast %add3A_831 : f32 to vector<16xf32>
      %add3A_833 = arith.addf %add3A_832, %mul3A_830 : vector<16xf32>
      %mul3A_834 = arith.mulf %mul3A_827, %add3A_833 : vector<16xf32>
      %add3A_835 = arith.constant 0.333333343 : f32
      %add3A_836 = vector.broadcast %add3A_835 : f32 to vector<16xf32>
      %add3A_837 = arith.addf %add3A_836, %mul3A_834 : vector<16xf32>
      %mul3A_838 = arith.mulf %mul3A_827, %add3A_837 : vector<16xf32>
      %add3A_839 = arith.constant 1.000000e+00 : f32
      %add3A_840 = vector.broadcast %add3A_839 : f32 to vector<16xf32>
      %add3A_841 = arith.addf %add3A_840, %mul3A_838 : vector<16xf32>
      %convert_element_type3A = arith.sitofp %sub3A_814 : vector<16xi32> to vector<16xf32>
      %mul3A_842 = arith.constant 0.693147182 : f32
      %mul3A_843 = vector.broadcast %mul3A_842 : f32 to vector<16xf32>
      %mul3A_844 = arith.mulf %convert_element_type3A, %mul3A_843 : vector<16xf32>
      %mul3A_845 = arith.constant 2.000000e+00 : f32
      %mul3A_846 = vector.broadcast %mul3A_845 : f32 to vector<16xf32>
      %mul3A_847 = arith.mulf %mul3A_846, %div3A : vector<16xf32>
      %mul3A_848 = arith.mulf %mul3A_847, %add3A_841 : vector<16xf32>
      %add3A_849 = arith.addf %mul3A_844, %mul3A_848 : vector<16xf32>
      %sub3A_850 = arith.constant 4.60517025 : f32
      %sub3A_851 = vector.broadcast %sub3A_850 : f32 to vector<16xf32>
      %sub3A_852 = arith.subf %add3A_849, %sub3A_851 : vector<16xf32>
      %mul3A_853 = arith.constant 7.500000e-01 : f32
      %mul3A_854 = vector.broadcast %mul3A_853 : f32 to vector<16xf32>
      %mul3A_855 = arith.mulf %mul3A_854, %sub3A_852 : vector<16xf32>
      %exp3A = math.exp %mul3A_855 : vector<16xf32>
      %min3A = arith.constant 1.000000e+00 : f32
      %min3A_856 = vector.broadcast %min3A : f32 to vector<16xf32>
      %min3A_857 = arith.minimumf %exp3A, %min3A_856 : vector<16xf32>
      %sub3A_858 = arith.subf %add3A_806, %add3A_849 : vector<16xf32>
      %get3A_859 = arith.constant 0 : index
      %get3A_860 = tpu.vector_load %arg18[%get3A_859] {strides = array<i32>} : memref<16xf32, #tpu.memory_space<vmem>>, vector<16xf32>,
      %mul3A_861 = arith.mulf %min3A_857, %sub3A_858 : vector<16xf32>
      %mul3A_862 = arith.mulf %mul3A_861, %sub3A_858 : vector<16xf32>
      %add3A_863 = arith.addf %get3A_860, %mul3A_862 : vector<16xf32>
      %swap3A_864 = arith.constant 0 : index
      %swap3A_865 = tpu.vector_load %arg18[%swap3A_864] {strides = array<i32>} : memref<16xf32, #tpu.memory_space<vmem>>, vector<16xf32>,
      tpu.vector_store %arg18[%swap3A_864], %add3A_863 {strides = array<i32>} : memref<16xf32, #tpu.memory_space<vmem>>, vector<16xf32>,
    }
    %scan3A_130 = arith.constant 4 : i32
    %dma_start3A_131 = arith.constant 0 : i32
    %dma_start3A_132 = arith.constant 0 : i32
    %dma_start3A_133 = arith.constant 0 : i32
    %dma_start3A_134 = tpu.memref_slice %arg13[%dma_start3A_131, %dma_start3A_132, %dma_start3A_133] : memref<2x64x128xf32, #tpu.memory_space<vmem>> -> memref<1x64x128xf32, #tpu.memory_space<vmem>>
    %dma_start3A_135 = tpu.memref_squeeze %dma_start3A_134 : memref<1x64x128xf32, #tpu.memory_space<vmem>> -> memref<64x128xf32, #tpu.memory_space<vmem>>
    %dma_start3A_136 = arith.constant 128 : i32
    %dma_start3A_137 = tpu.memref_slice %arg10[%dma_start3A_136] : memref<512xi32, #tpu.memory_space<vmem>> -> memref<64xi32, #tpu.memory_space<vmem>>
    %dma_start3A_138 = arith.constant 0 : i32
    %dma_start3A_139 = arith.constant 0 : i32
    %dma_start3A_140 = tpu.memref_slice %arg5[%dma_start3A_138, %dma_start3A_139] : memref<100000x128xf32, #tpu.memory_space<hbm>> -> memref<100000x128xf32, #tpu.memory_space<hbm>>
    tpu.enqueue_indirect_dma source(%dma_start3A_140 : memref<100000x128xf32, #tpu.memory_space<hbm>>) target(%dma_start3A_135 : memref<64x128xf32, #tpu.memory_space<vmem>>) offsets(%dma_start3A_137 : memref<64xi32, #tpu.memory_space<vmem>>) semaphore(%arg19 : memref<!tpu.dma_semaphore, #tpu.memory_space<semaphore_mem>>)
    %dma_start3A_141 = arith.constant 0 : i32
    %dma_start3A_142 = arith.constant 0 : i32
    %dma_start3A_143 = arith.constant 0 : i32
    %dma_start3A_144 = tpu.memref_slice %arg14[%dma_start3A_141, %dma_start3A_142, %dma_start3A_143] : memref<2x64x128xf32, #tpu.memory_space<vmem>> -> memref<1x64x128xf32, #tpu.memory_space<vmem>>
    %dma_start3A_145 = tpu.memref_squeeze %dma_start3A_144 : memref<1x64x128xf32, #tpu.memory_space<vmem>> -> memref<64x128xf32, #tpu.memory_space<vmem>>
    %dma_start3A_146 = arith.constant 128 : i32
    %dma_start3A_147 = tpu.memref_slice %arg11[%dma_start3A_146] : memref<512xi32, #tpu.memory_space<vmem>> -> memref<64xi32, #tpu.memory_space<vmem>>
    %dma_start3A_148 = arith.constant 0 : i32
    %dma_start3A_149 = arith.constant 0 : i32
    %dma_start3A_150 = tpu.memref_slice %arg6[%dma_start3A_148, %dma_start3A_149] : memref<100000x128xf32, #tpu.memory_space<hbm>> -> memref<100000x128xf32, #tpu.memory_space<hbm>>
    tpu.enqueue_indirect_dma source(%dma_start3A_150 : memref<100000x128xf32, #tpu.memory_space<hbm>>) target(%dma_start3A_145 : memref<64x128xf32, #tpu.memory_space<vmem>>) offsets(%dma_start3A_147 : memref<64xi32, #tpu.memory_space<vmem>>) semaphore(%arg19 : memref<!tpu.dma_semaphore, #tpu.memory_space<semaphore_mem>>)
    %dma_start3A_151 = arith.constant 0 : i32
    %dma_start3A_152 = arith.constant 0 : i32
    %dma_start3A_153 = tpu.memref_slice %arg15[%dma_start3A_151, %dma_start3A_152] : memref<2x64xf32, #tpu.memory_space<vmem>> -> memref<1x64xf32, #tpu.memory_space<vmem>>
    %dma_start3A_154 = tpu.memref_squeeze %dma_start3A_153 : memref<1x64xf32, #tpu.memory_space<vmem>> -> memref<64xf32, #tpu.memory_space<vmem>>
    %dma_start3A_155 = arith.constant 128 : i32
    %dma_start3A_156 = tpu.memref_slice %arg10[%dma_start3A_155] : memref<512xi32, #tpu.memory_space<vmem>> -> memref<64xi32, #tpu.memory_space<vmem>>
    %dma_start3A_157 = arith.constant 0 : i32
    %dma_start3A_158 = tpu.memref_slice %arg7[%dma_start3A_157] : memref<100000xf32, #tpu.memory_space<hbm>> -> memref<100000xf32, #tpu.memory_space<hbm>>
    tpu.enqueue_indirect_dma source(%dma_start3A_158 : memref<100000xf32, #tpu.memory_space<hbm>>) target(%dma_start3A_154 : memref<64xf32, #tpu.memory_space<vmem>>) offsets(%dma_start3A_156 : memref<64xi32, #tpu.memory_space<vmem>>) semaphore(%arg19 : memref<!tpu.dma_semaphore, #tpu.memory_space<semaphore_mem>>)
    %dma_start3A_159 = arith.constant 0 : i32
    %dma_start3A_160 = arith.constant 0 : i32
    %dma_start3A_161 = tpu.memref_slice %arg16[%dma_start3A_159, %dma_start3A_160] : memref<2x64xf32, #tpu.memory_space<vmem>> -> memref<1x64xf32, #tpu.memory_space<vmem>>
    %dma_start3A_162 = tpu.memref_squeeze %dma_start3A_161 : memref<1x64xf32, #tpu.memory_space<vmem>> -> memref<64xf32, #tpu.memory_space<vmem>>
    %dma_start3A_163 = arith.constant 128 : i32
    %dma_start3A_164 = tpu.memref_slice %arg11[%dma_start3A_163] : memref<512xi32, #tpu.memory_space<vmem>> -> memref<64xi32, #tpu.memory_space<vmem>>
    %dma_start3A_165 = arith.constant 0 : i32
    %dma_start3A_166 = tpu.memref_slice %arg8[%dma_start3A_165] : memref<100000xf32, #tpu.memory_space<hbm>> -> memref<100000xf32, #tpu.memory_space<hbm>>
    tpu.enqueue_indirect_dma source(%dma_start3A_166 : memref<100000xf32, #tpu.memory_space<hbm>>) target(%dma_start3A_162 : memref<64xf32, #tpu.memory_space<vmem>>) offsets(%dma_start3A_164 : memref<64xi32, #tpu.memory_space<vmem>>) semaphore(%arg19 : memref<!tpu.dma_semaphore, #tpu.memory_space<semaphore_mem>>)
    %dma_wait3A_167 = arith.constant 1 : i32
    %dma_wait3A_168 = arith.constant 0 : i32
    %dma_wait3A_169 = arith.constant 0 : i32
    %dma_wait3A_170 = tpu.memref_slice %arg13[%dma_wait3A_167, %dma_wait3A_168, %dma_wait3A_169] : memref<2x64x128xf32, #tpu.memory_space<vmem>> -> memref<1x64x128xf32, #tpu.memory_space<vmem>>
    %dma_wait3A_171 = tpu.memref_squeeze %dma_wait3A_170 : memref<1x64x128xf32, #tpu.memory_space<vmem>> -> memref<64x128xf32, #tpu.memory_space<vmem>>
    %dma_wait3A_172 = arith.constant 64 : i32
    %dma_wait3A_173 = tpu.memref_slice %arg10[%dma_wait3A_172] : memref<512xi32, #tpu.memory_space<vmem>> -> memref<64xi32, #tpu.memory_space<vmem>>
    %dma_wait3A_174 = arith.constant 0 : i32
    %dma_wait3A_175 = arith.constant 0 : i32
    %dma_wait3A_176 = tpu.memref_slice %arg5[%dma_wait3A_174, %dma_wait3A_175] : memref<100000x128xf32, #tpu.memory_space<hbm>> -> memref<100000x128xf32, #tpu.memory_space<hbm>>
    tpu.wait_indirect_dma semaphore(%arg20 : memref<!tpu.dma_semaphore, #tpu.memory_space<semaphore_mem>>) src(%dma_wait3A_176 : memref<100000x128xf32, #tpu.memory_space<hbm>>) dst(%dma_wait3A_171 : memref<64x128xf32, #tpu.memory_space<vmem>>)
    %dma_wait3A_177 = arith.constant 1 : i32
    %dma_wait3A_178 = arith.constant 0 : i32
    %dma_wait3A_179 = arith.constant 0 : i32
    %dma_wait3A_180 = tpu.memref_slice %arg14[%dma_wait3A_177, %dma_wait3A_178, %dma_wait3A_179] : memref<2x64x128xf32, #tpu.memory_space<vmem>> -> memref<1x64x128xf32, #tpu.memory_space<vmem>>
    %dma_wait3A_181 = tpu.memref_squeeze %dma_wait3A_180 : memref<1x64x128xf32, #tpu.memory_space<vmem>> -> memref<64x128xf32, #tpu.memory_space<vmem>>
    %dma_wait3A_182 = arith.constant 64 : i32
    %dma_wait3A_183 = tpu.memref_slice %arg11[%dma_wait3A_182] : memref<512xi32, #tpu.memory_space<vmem>> -> memref<64xi32, #tpu.memory_space<vmem>>
    %dma_wait3A_184 = arith.constant 0 : i32
    %dma_wait3A_185 = arith.constant 0 : i32
    %dma_wait3A_186 = tpu.memref_slice %arg6[%dma_wait3A_184, %dma_wait3A_185] : memref<100000x128xf32, #tpu.memory_space<hbm>> -> memref<100000x128xf32, #tpu.memory_space<hbm>>
    tpu.wait_indirect_dma semaphore(%arg20 : memref<!tpu.dma_semaphore, #tpu.memory_space<semaphore_mem>>) src(%dma_wait3A_186 : memref<100000x128xf32, #tpu.memory_space<hbm>>) dst(%dma_wait3A_181 : memref<64x128xf32, #tpu.memory_space<vmem>>)
    %dma_wait3A_187 = arith.constant 1 : i32
    %dma_wait3A_188 = arith.constant 0 : i32
    %dma_wait3A_189 = tpu.memref_slice %arg15[%dma_wait3A_187, %dma_wait3A_188] : memref<2x64xf32, #tpu.memory_space<vmem>> -> memref<1x64xf32, #tpu.memory_space<vmem>>
    %dma_wait3A_190 = tpu.memref_squeeze %dma_wait3A_189 : memref<1x64xf32, #tpu.memory_space<vmem>> -> memref<64xf32, #tpu.memory_space<vmem>>
    %dma_wait3A_191 = arith.constant 64 : i32
    %dma_wait3A_192 = tpu.memref_slice %arg10[%dma_wait3A_191] : memref<512xi32, #tpu.memory_space<vmem>> -> memref<64xi32, #tpu.memory_space<vmem>>
    %dma_wait3A_193 = arith.constant 0 : i32
    %dma_wait3A_194 = tpu.memref_slice %arg7[%dma_wait3A_193] : memref<100000xf32, #tpu.memory_space<hbm>> -> memref<100000xf32, #tpu.memory_space<hbm>>
    tpu.wait_indirect_dma semaphore(%arg20 : memref<!tpu.dma_semaphore, #tpu.memory_space<semaphore_mem>>) src(%dma_wait3A_194 : memref<100000xf32, #tpu.memory_space<hbm>>) dst(%dma_wait3A_190 : memref<64xf32, #tpu.memory_space<vmem>>)
    %dma_wait3A_195 = arith.constant 1 : i32
    %dma_wait3A_196 = arith.constant 0 : i32
    %dma_wait3A_197 = tpu.memref_slice %arg16[%dma_wait3A_195, %dma_wait3A_196] : memref<2x64xf32, #tpu.memory_space<vmem>> -> memref<1x64xf32, #tpu.memory_space<vmem>>
    %dma_wait3A_198 = tpu.memref_squeeze %dma_wait3A_197 : memref<1x64xf32, #tpu.memory_space<vmem>> -> memref<64xf32, #tpu.memory_space<vmem>>
    %dma_wait3A_199 = arith.constant 64 : i32
    %dma_wait3A_200 = tpu.memref_slice %arg11[%dma_wait3A_199] : memref<512xi32, #tpu.memory_space<vmem>> -> memref<64xi32, #tpu.memory_space<vmem>>
    %dma_wait3A_201 = arith.constant 0 : i32
    %dma_wait3A_202 = tpu.memref_slice %arg8[%dma_wait3A_201] : memref<100000xf32, #tpu.memory_space<hbm>> -> memref<100000xf32, #tpu.memory_space<hbm>>
    tpu.wait_indirect_dma semaphore(%arg20 : memref<!tpu.dma_semaphore, #tpu.memory_space<semaphore_mem>>) src(%dma_wait3A_202 : memref<100000xf32, #tpu.memory_space<hbm>>) dst(%dma_wait3A_198 : memref<64xf32, #tpu.memory_space<vmem>>)
    %scan3A_203 = arith.constant 1 : i32
    %scan3A_204 = arith.constant 1 : i32
    %scan3A_205 = arith.constant 1 : i32
    %scan3A_206 = arith.constant 1 : i32
    %scan3A_207 = arith.constant 0 : i32
    %scan3A_208 = arith.constant 4 : i32
    %scan3A_209 = arith.addi %scan3A_207, %scan3A_208 : i32
    %scan3A_210 = arith.constant 1 : i32
    scf.for %scan3A_662 = %scan3A_207 to %scan3A_209 step %scan3A_210  : i32 {
      %mul3A_663 = arith.constant 1 : i32
      %mul3A_664 = arith.muli %scan3A_662, %mul3A_663 : i32
      %add3A_665 = arith.constant 0 : i32
      %add3A_666 = arith.addi %add3A_665, %mul3A_664 : i32
      %mul3A_667 = arith.constant 16 : i32
      %mul3A_668 = arith.muli %add3A_666, %mul3A_667 : i32
      %parallel_loop3A = arith.constant 0 : i32
      %parallel_loop3A_669 = arith.constant 16 : i32
      %parallel_loop3A_670 = arith.constant 1 : i32
      scf.for %parallel_loop3A_866 = %parallel_loop3A to %parallel_loop3A_669 step %parallel_loop3A_670  : i32 {
        %parallel_loop3A_867 = arith.addi %mul3A_668, %parallel_loop3A_866 : i32
        %parallel_loop3A_868 = arith.constant 0 : i32
        %parallel_loop3A_869 = arith.constant 0 : i32
        %parallel_loop3A_870 = tpu.memref_slice %arg13[%scan3A_203, %parallel_loop3A_868, %parallel_loop3A_869] : memref<2x64x128xf32, #tpu.memory_space<vmem>> -> memref<1x64x128xf32, #tpu.memory_space<vmem>>
        %parallel_loop3A_871 = tpu.memref_squeeze %parallel_loop3A_870 : memref<1x64x128xf32, #tpu.memory_space<vmem>> -> memref<64x128xf32, #tpu.memory_space<vmem>>
        %parallel_loop3A_872 = arith.index_cast %parallel_loop3A_867 : i32 to index
        %parallel_loop3A_873 = arith.constant 0 : index
        %parallel_loop3A_874 = tpu.vector_load %parallel_loop3A_871[%parallel_loop3A_872, %parallel_loop3A_873] {strides = array<i32>} : memref<64x128xf32, #tpu.memory_space<vmem>>, vector<16xf32>,
        %parallel_loop3A_875 = arith.constant 0 : i32
        %parallel_loop3A_876 = arith.constant 0 : i32
        %parallel_loop3A_877 = tpu.memref_slice %arg14[%scan3A_204, %parallel_loop3A_875, %parallel_loop3A_876] : memref<2x64x128xf32, #tpu.memory_space<vmem>> -> memref<1x64x128xf32, #tpu.memory_space<vmem>>
        %parallel_loop3A_878 = tpu.memref_squeeze %parallel_loop3A_877 : memref<1x64x128xf32, #tpu.memory_space<vmem>> -> memref<64x128xf32, #tpu.memory_space<vmem>>
        %parallel_loop3A_879 = arith.index_cast %parallel_loop3A_867 : i32 to index
        %parallel_loop3A_880 = arith.constant 0 : index
        %parallel_loop3A_881 = tpu.vector_load %parallel_loop3A_878[%parallel_loop3A_879, %parallel_loop3A_880] {strides = array<i32>} : memref<64x128xf32, #tpu.memory_space<vmem>>, vector<16xf32>,
        %parallel_loop3A_882 = arith.mulf %parallel_loop3A_874, %parallel_loop3A_881 : vector<16xf32>
        %parallel_loop3A_883 = arith.constant 0 : i32
        %parallel_loop3A_884 = arith.constant 0 : i32
        %parallel_loop3A_885 = tpu.memref_slice %arg13[%scan3A_203, %parallel_loop3A_883, %parallel_loop3A_884] : memref<2x64x128xf32, #tpu.memory_space<vmem>> -> memref<1x64x128xf32, #tpu.memory_space<vmem>>
        %parallel_loop3A_886 = tpu.memref_squeeze %parallel_loop3A_885 : memref<1x64x128xf32, #tpu.memory_space<vmem>> -> memref<64x128xf32, #tpu.memory_space<vmem>>
        %parallel_loop3A_887 = arith.index_cast %parallel_loop3A_867 : i32 to index
        %parallel_loop3A_888 = arith.constant 16 : index
        %parallel_loop3A_889 = tpu.vector_load %parallel_loop3A_886[%parallel_loop3A_887, %parallel_loop3A_888] {strides = array<i32>} : memref<64x128xf32, #tpu.memory_space<vmem>>, vector<16xf32>,
        %parallel_loop3A_890 = arith.constant 0 : i32
        %parallel_loop3A_891 = arith.constant 0 : i32
        %parallel_loop3A_892 = tpu.memref_slice %arg14[%scan3A_204, %parallel_loop3A_890, %parallel_loop3A_891] : memref<2x64x128xf32, #tpu.memory_space<vmem>> -> memref<1x64x128xf32, #tpu.memory_space<vmem>>
        %parallel_loop3A_893 = tpu.memref_squeeze %parallel_loop3A_892 : memref<1x64x128xf32, #tpu.memory_space<vmem>> -> memref<64x128xf32, #tpu.memory_space<vmem>>
        %parallel_loop3A_894 = arith.index_cast %parallel_loop3A_867 : i32 to index
        %parallel_loop3A_895 = arith.constant 16 : index
        %parallel_loop3A_896 = tpu.vector_load %parallel_loop3A_893[%parallel_loop3A_894, %parallel_loop3A_895] {strides = array<i32>} : memref<64x128xf32, #tpu.memory_space<vmem>>, vector<16xf32>,
        %parallel_loop3A_897 = arith.mulf %parallel_loop3A_889, %parallel_loop3A_896 : vector<16xf32>
        %parallel_loop3A_898 = arith.constant 0 : i32
        %parallel_loop3A_899 = arith.constant 0 : i32
        %parallel_loop3A_900 = tpu.memref_slice %arg13[%scan3A_203, %parallel_loop3A_898, %parallel_loop3A_899] : memref<2x64x128xf32, #tpu.memory_space<vmem>> -> memref<1x64x128xf32, #tpu.memory_space<vmem>>
        %parallel_loop3A_901 = tpu.memref_squeeze %parallel_loop3A_900 : memref<1x64x128xf32, #tpu.memory_space<vmem>> -> memref<64x128xf32, #tpu.memory_space<vmem>>
        %parallel_loop3A_902 = arith.index_cast %parallel_loop3A_867 : i32 to index
        %parallel_loop3A_903 = arith.constant 32 : index
        %parallel_loop3A_904 = tpu.vector_load %parallel_loop3A_901[%parallel_loop3A_902, %parallel_loop3A_903] {strides = array<i32>} : memref<64x128xf32, #tpu.memory_space<vmem>>, vector<16xf32>,
        %parallel_loop3A_905 = arith.constant 0 : i32
        %parallel_loop3A_906 = arith.constant 0 : i32
        %parallel_loop3A_907 = tpu.memref_slice %arg14[%scan3A_204, %parallel_loop3A_905, %parallel_loop3A_906] : memref<2x64x128xf32, #tpu.memory_space<vmem>> -> memref<1x64x128xf32, #tpu.memory_space<vmem>>
        %parallel_loop3A_908 = tpu.memref_squeeze %parallel_loop3A_907 : memref<1x64x128xf32, #tpu.memory_space<vmem>> -> memref<64x128xf32, #tpu.memory_space<vmem>>
        %parallel_loop3A_909 = arith.index_cast %parallel_loop3A_867 : i32 to index
        %parallel_loop3A_910 = arith.constant 32 : index
        %parallel_loop3A_911 = tpu.vector_load %parallel_loop3A_908[%parallel_loop3A_909, %parallel_loop3A_910] {strides = array<i32>} : memref<64x128xf32, #tpu.memory_space<vmem>>, vector<16xf32>,
        %parallel_loop3A_912 = arith.mulf %parallel_loop3A_904, %parallel_loop3A_911 : vector<16xf32>
        %parallel_loop3A_913 = arith.constant 0 : i32
        %parallel_loop3A_914 = arith.constant 0 : i32
        %parallel_loop3A_915 = tpu.memref_slice %arg13[%scan3A_203, %parallel_loop3A_913, %parallel_loop3A_914] : memref<2x64x128xf32, #tpu.memory_space<vmem>> -> memref<1x64x128xf32, #tpu.memory_space<vmem>>
        %parallel_loop3A_916 = tpu.memref_squeeze %parallel_loop3A_915 : memref<1x64x128xf32, #tpu.memory_space<vmem>> -> memref<64x128xf32, #tpu.memory_space<vmem>>
        %parallel_loop3A_917 = arith.index_cast %parallel_loop3A_867 : i32 to index
        %parallel_loop3A_918 = arith.constant 48 : index
        %parallel_loop3A_919 = tpu.vector_load %parallel_loop3A_916[%parallel_loop3A_917, %parallel_loop3A_918] {strides = array<i32>} : memref<64x128xf32, #tpu.memory_space<vmem>>, vector<16xf32>,
        %parallel_loop3A_920 = arith.constant 0 : i32
        %parallel_loop3A_921 = arith.constant 0 : i32
        %parallel_loop3A_922 = tpu.memref_slice %arg14[%scan3A_204, %parallel_loop3A_920, %parallel_loop3A_921] : memref<2x64x128xf32, #tpu.memory_space<vmem>> -> memref<1x64x128xf32, #tpu.memory_space<vmem>>
        %parallel_loop3A_923 = tpu.memref_squeeze %parallel_loop3A_922 : memref<1x64x128xf32, #tpu.memory_space<vmem>> -> memref<64x128xf32, #tpu.memory_space<vmem>>
        %parallel_loop3A_924 = arith.index_cast %parallel_loop3A_867 : i32 to index
        %parallel_loop3A_925 = arith.constant 48 : index
        %parallel_loop3A_926 = tpu.vector_load %parallel_loop3A_923[%parallel_loop3A_924, %parallel_loop3A_925] {strides = array<i32>} : memref<64x128xf32, #tpu.memory_space<vmem>>, vector<16xf32>,
        %parallel_loop3A_927 = arith.mulf %parallel_loop3A_919, %parallel_loop3A_926 : vector<16xf32>
        %parallel_loop3A_928 = arith.constant 0 : i32
        %parallel_loop3A_929 = arith.constant 0 : i32
        %parallel_loop3A_930 = tpu.memref_slice %arg13[%scan3A_203, %parallel_loop3A_928, %parallel_loop3A_929] : memref<2x64x128xf32, #tpu.memory_space<vmem>> -> memref<1x64x128xf32, #tpu.memory_space<vmem>>
        %parallel_loop3A_931 = tpu.memref_squeeze %parallel_loop3A_930 : memref<1x64x128xf32, #tpu.memory_space<vmem>> -> memref<64x128xf32, #tpu.memory_space<vmem>>
        %parallel_loop3A_932 = arith.index_cast %parallel_loop3A_867 : i32 to index
        %parallel_loop3A_933 = arith.constant 64 : index
        %parallel_loop3A_934 = tpu.vector_load %parallel_loop3A_931[%parallel_loop3A_932, %parallel_loop3A_933] {strides = array<i32>} : memref<64x128xf32, #tpu.memory_space<vmem>>, vector<16xf32>,
        %parallel_loop3A_935 = arith.constant 0 : i32
        %parallel_loop3A_936 = arith.constant 0 : i32
        %parallel_loop3A_937 = tpu.memref_slice %arg14[%scan3A_204, %parallel_loop3A_935, %parallel_loop3A_936] : memref<2x64x128xf32, #tpu.memory_space<vmem>> -> memref<1x64x128xf32, #tpu.memory_space<vmem>>
        %parallel_loop3A_938 = tpu.memref_squeeze %parallel_loop3A_937 : memref<1x64x128xf32, #tpu.memory_space<vmem>> -> memref<64x128xf32, #tpu.memory_space<vmem>>
        %parallel_loop3A_939 = arith.index_cast %parallel_loop3A_867 : i32 to index
        %parallel_loop3A_940 = arith.constant 64 : index
        %parallel_loop3A_941 = tpu.vector_load %parallel_loop3A_938[%parallel_loop3A_939, %parallel_loop3A_940] {strides = array<i32>} : memref<64x128xf32, #tpu.memory_space<vmem>>, vector<16xf32>,
        %parallel_loop3A_942 = arith.mulf %parallel_loop3A_934, %parallel_loop3A_941 : vector<16xf32>
        %parallel_loop3A_943 = arith.constant 0 : i32
        %parallel_loop3A_944 = arith.constant 0 : i32
        %parallel_loop3A_945 = tpu.memref_slice %arg13[%scan3A_203, %parallel_loop3A_943, %parallel_loop3A_944] : memref<2x64x128xf32, #tpu.memory_space<vmem>> -> memref<1x64x128xf32, #tpu.memory_space<vmem>>
        %parallel_loop3A_946 = tpu.memref_squeeze %parallel_loop3A_945 : memref<1x64x128xf32, #tpu.memory_space<vmem>> -> memref<64x128xf32, #tpu.memory_space<vmem>>
        %parallel_loop3A_947 = arith.index_cast %parallel_loop3A_867 : i32 to index
        %parallel_loop3A_948 = arith.constant 80 : index
        %parallel_loop3A_949 = tpu.vector_load %parallel_loop3A_946[%parallel_loop3A_947, %parallel_loop3A_948] {strides = array<i32>} : memref<64x128xf32, #tpu.memory_space<vmem>>, vector<16xf32>,
        %parallel_loop3A_950 = arith.constant 0 : i32
        %parallel_loop3A_951 = arith.constant 0 : i32
        %parallel_loop3A_952 = tpu.memref_slice %arg14[%scan3A_204, %parallel_loop3A_950, %parallel_loop3A_951] : memref<2x64x128xf32, #tpu.memory_space<vmem>> -> memref<1x64x128xf32, #tpu.memory_space<vmem>>
        %parallel_loop3A_953 = tpu.memref_squeeze %parallel_loop3A_952 : memref<1x64x128xf32, #tpu.memory_space<vmem>> -> memref<64x128xf32, #tpu.memory_space<vmem>>
        %parallel_loop3A_954 = arith.index_cast %parallel_loop3A_867 : i32 to index
        %parallel_loop3A_955 = arith.constant 80 : index
        %parallel_loop3A_956 = tpu.vector_load %parallel_loop3A_953[%parallel_loop3A_954, %parallel_loop3A_955] {strides = array<i32>} : memref<64x128xf32, #tpu.memory_space<vmem>>, vector<16xf32>,
        %parallel_loop3A_957 = arith.mulf %parallel_loop3A_949, %parallel_loop3A_956 : vector<16xf32>
        %parallel_loop3A_958 = arith.constant 0 : i32
        %parallel_loop3A_959 = arith.constant 0 : i32
        %parallel_loop3A_960 = tpu.memref_slice %arg13[%scan3A_203, %parallel_loop3A_958, %parallel_loop3A_959] : memref<2x64x128xf32, #tpu.memory_space<vmem>> -> memref<1x64x128xf32, #tpu.memory_space<vmem>>
        %parallel_loop3A_961 = tpu.memref_squeeze %parallel_loop3A_960 : memref<1x64x128xf32, #tpu.memory_space<vmem>> -> memref<64x128xf32, #tpu.memory_space<vmem>>
        %parallel_loop3A_962 = arith.index_cast %parallel_loop3A_867 : i32 to index
        %parallel_loop3A_963 = arith.constant 96 : index
        %parallel_loop3A_964 = tpu.vector_load %parallel_loop3A_961[%parallel_loop3A_962, %parallel_loop3A_963] {strides = array<i32>} : memref<64x128xf32, #tpu.memory_space<vmem>>, vector<16xf32>,
        %parallel_loop3A_965 = arith.constant 0 : i32
        %parallel_loop3A_966 = arith.constant 0 : i32
        %parallel_loop3A_967 = tpu.memref_slice %arg14[%scan3A_204, %parallel_loop3A_965, %parallel_loop3A_966] : memref<2x64x128xf32, #tpu.memory_space<vmem>> -> memref<1x64x128xf32, #tpu.memory_space<vmem>>
        %parallel_loop3A_968 = tpu.memref_squeeze %parallel_loop3A_967 : memref<1x64x128xf32, #tpu.memory_space<vmem>> -> memref<64x128xf32, #tpu.memory_space<vmem>>
        %parallel_loop3A_969 = arith.index_cast %parallel_loop3A_867 : i32 to index
        %parallel_loop3A_970 = arith.constant 96 : index
        %parallel_loop3A_971 = tpu.vector_load %parallel_loop3A_968[%parallel_loop3A_969, %parallel_loop3A_970] {strides = array<i32>} : memref<64x128xf32, #tpu.memory_space<vmem>>, vector<16xf32>,
        %parallel_loop3A_972 = arith.mulf %parallel_loop3A_964, %parallel_loop3A_971 : vector<16xf32>
        %parallel_loop3A_973 = arith.constant 0 : i32
        %parallel_loop3A_974 = arith.constant 0 : i32
        %parallel_loop3A_975 = tpu.memref_slice %arg13[%scan3A_203, %parallel_loop3A_973, %parallel_loop3A_974] : memref<2x64x128xf32, #tpu.memory_space<vmem>> -> memref<1x64x128xf32, #tpu.memory_space<vmem>>
        %parallel_loop3A_976 = tpu.memref_squeeze %parallel_loop3A_975 : memref<1x64x128xf32, #tpu.memory_space<vmem>> -> memref<64x128xf32, #tpu.memory_space<vmem>>
        %parallel_loop3A_977 = arith.index_cast %parallel_loop3A_867 : i32 to index
        %parallel_loop3A_978 = arith.constant 112 : index
        %parallel_loop3A_979 = tpu.vector_load %parallel_loop3A_976[%parallel_loop3A_977, %parallel_loop3A_978] {strides = array<i32>} : memref<64x128xf32, #tpu.memory_space<vmem>>, vector<16xf32>,
        %parallel_loop3A_980 = arith.constant 0 : i32
        %parallel_loop3A_981 = arith.constant 0 : i32
        %parallel_loop3A_982 = tpu.memref_slice %arg14[%scan3A_204, %parallel_loop3A_980, %parallel_loop3A_981] : memref<2x64x128xf32, #tpu.memory_space<vmem>> -> memref<1x64x128xf32, #tpu.memory_space<vmem>>
        %parallel_loop3A_983 = tpu.memref_squeeze %parallel_loop3A_982 : memref<1x64x128xf32, #tpu.memory_space<vmem>> -> memref<64x128xf32, #tpu.memory_space<vmem>>
        %parallel_loop3A_984 = arith.index_cast %parallel_loop3A_867 : i32 to index
        %parallel_loop3A_985 = arith.constant 112 : index
        %parallel_loop3A_986 = tpu.vector_load %parallel_loop3A_983[%parallel_loop3A_984, %parallel_loop3A_985] {strides = array<i32>} : memref<64x128xf32, #tpu.memory_space<vmem>>, vector<16xf32>,
        %parallel_loop3A_987 = arith.mulf %parallel_loop3A_979, %parallel_loop3A_986 : vector<16xf32>
        %parallel_loop3A_988 = arith.addf %parallel_loop3A_882, %parallel_loop3A_897 : vector<16xf32>
        %parallel_loop3A_989 = arith.addf %parallel_loop3A_912, %parallel_loop3A_927 : vector<16xf32>
        %parallel_loop3A_990 = arith.addf %parallel_loop3A_988, %parallel_loop3A_989 : vector<16xf32>
        %parallel_loop3A_991 = arith.addf %parallel_loop3A_942, %parallel_loop3A_957 : vector<16xf32>
        %parallel_loop3A_992 = arith.addf %parallel_loop3A_972, %parallel_loop3A_987 : vector<16xf32>
        %parallel_loop3A_993 = arith.addf %parallel_loop3A_991, %parallel_loop3A_992 : vector<16xf32>
        %parallel_loop3A_994 = arith.addf %parallel_loop3A_990, %parallel_loop3A_993 : vector<16xf32>
        %parallel_loop3A_995 = arith.index_cast %parallel_loop3A_866 : i32 to index
        %parallel_loop3A_996 = arith.constant 0 : index
        %parallel_loop3A_997 = tpu.vector_load %arg17[%parallel_loop3A_995, %parallel_loop3A_996] {strides = array<i32>} : memref<16x16xf32, #tpu.memory_space<vmem>>, vector<16xf32>,
        tpu.vector_store %arg17[%parallel_loop3A_995, %parallel_loop3A_996], %parallel_loop3A_994 {strides = array<i32>} : memref<16x16xf32, #tpu.memory_space<vmem>>, vector<16xf32>,
      } {sc.loop_unroll_factor = 4 : i64, sc.parallel_access}
      %add3A_671 = arith.constant 0 : i32
      %add3A_672 = vector.broadcast %add3A_671 : i32 to vector<16xi32>
      %add3A_673 = arith.addi %iota3A, %add3A_672 : vector<16xi32>
      %and3A = arith.constant 15 : i32
      %and3A_674 = vector.broadcast %and3A : i32 to vector<16xi32>
      %and3A_675 = arith.andi %add3A_673, %and3A_674 : vector<16xi32>
      %gather3A = tpu.vector_load_idx %arg17[%iota3A, %and3A_675] : memref<16x16xf32, #tpu.memory_space<vmem>>[vector<16xi32>, vector<16xi32>], vector<16xf32>,
      %add3A_676 = arith.constant 1 : i32
      %add3A_677 = vector.broadcast %add3A_676 : i32 to vector<16xi32>
      %add3A_678 = arith.addi %iota3A, %add3A_677 : vector<16xi32>
      %and3A_679 = arith.constant 15 : i32
      %and3A_680 = vector.broadcast %and3A_679 : i32 to vector<16xi32>
      %and3A_681 = arith.andi %add3A_678, %and3A_680 : vector<16xi32>
      %gather3A_682 = tpu.vector_load_idx %arg17[%iota3A, %and3A_681] : memref<16x16xf32, #tpu.memory_space<vmem>>[vector<16xi32>, vector<16xi32>], vector<16xf32>,
      %add3A_683 = arith.constant 2 : i32
      %add3A_684 = vector.broadcast %add3A_683 : i32 to vector<16xi32>
      %add3A_685 = arith.addi %iota3A, %add3A_684 : vector<16xi32>
      %and3A_686 = arith.constant 15 : i32
      %and3A_687 = vector.broadcast %and3A_686 : i32 to vector<16xi32>
      %and3A_688 = arith.andi %add3A_685, %and3A_687 : vector<16xi32>
      %gather3A_689 = tpu.vector_load_idx %arg17[%iota3A, %and3A_688] : memref<16x16xf32, #tpu.memory_space<vmem>>[vector<16xi32>, vector<16xi32>], vector<16xf32>,
      %add3A_690 = arith.constant 3 : i32
      %add3A_691 = vector.broadcast %add3A_690 : i32 to vector<16xi32>
      %add3A_692 = arith.addi %iota3A, %add3A_691 : vector<16xi32>
      %and3A_693 = arith.constant 15 : i32
      %and3A_694 = vector.broadcast %and3A_693 : i32 to vector<16xi32>
      %and3A_695 = arith.andi %add3A_692, %and3A_694 : vector<16xi32>
      %gather3A_696 = tpu.vector_load_idx %arg17[%iota3A, %and3A_695] : memref<16x16xf32, #tpu.memory_space<vmem>>[vector<16xi32>, vector<16xi32>], vector<16xf32>,
      %add3A_697 = arith.constant 4 : i32
      %add3A_698 = vector.broadcast %add3A_697 : i32 to vector<16xi32>
      %add3A_699 = arith.addi %iota3A, %add3A_698 : vector<16xi32>
      %and3A_700 = arith.constant 15 : i32
      %and3A_701 = vector.broadcast %and3A_700 : i32 to vector<16xi32>
      %and3A_702 = arith.andi %add3A_699, %and3A_701 : vector<16xi32>
      %gather3A_703 = tpu.vector_load_idx %arg17[%iota3A, %and3A_702] : memref<16x16xf32, #tpu.memory_space<vmem>>[vector<16xi32>, vector<16xi32>], vector<16xf32>,
      %add3A_704 = arith.constant 5 : i32
      %add3A_705 = vector.broadcast %add3A_704 : i32 to vector<16xi32>
      %add3A_706 = arith.addi %iota3A, %add3A_705 : vector<16xi32>
      %and3A_707 = arith.constant 15 : i32
      %and3A_708 = vector.broadcast %and3A_707 : i32 to vector<16xi32>
      %and3A_709 = arith.andi %add3A_706, %and3A_708 : vector<16xi32>
      %gather3A_710 = tpu.vector_load_idx %arg17[%iota3A, %and3A_709] : memref<16x16xf32, #tpu.memory_space<vmem>>[vector<16xi32>, vector<16xi32>], vector<16xf32>,
      %add3A_711 = arith.constant 6 : i32
      %add3A_712 = vector.broadcast %add3A_711 : i32 to vector<16xi32>
      %add3A_713 = arith.addi %iota3A, %add3A_712 : vector<16xi32>
      %and3A_714 = arith.constant 15 : i32
      %and3A_715 = vector.broadcast %and3A_714 : i32 to vector<16xi32>
      %and3A_716 = arith.andi %add3A_713, %and3A_715 : vector<16xi32>
      %gather3A_717 = tpu.vector_load_idx %arg17[%iota3A, %and3A_716] : memref<16x16xf32, #tpu.memory_space<vmem>>[vector<16xi32>, vector<16xi32>], vector<16xf32>,
      %add3A_718 = arith.constant 7 : i32
      %add3A_719 = vector.broadcast %add3A_718 : i32 to vector<16xi32>
      %add3A_720 = arith.addi %iota3A, %add3A_719 : vector<16xi32>
      %and3A_721 = arith.constant 15 : i32
      %and3A_722 = vector.broadcast %and3A_721 : i32 to vector<16xi32>
      %and3A_723 = arith.andi %add3A_720, %and3A_722 : vector<16xi32>
      %gather3A_724 = tpu.vector_load_idx %arg17[%iota3A, %and3A_723] : memref<16x16xf32, #tpu.memory_space<vmem>>[vector<16xi32>, vector<16xi32>], vector<16xf32>,
      %add3A_725 = arith.constant 8 : i32
      %add3A_726 = vector.broadcast %add3A_725 : i32 to vector<16xi32>
      %add3A_727 = arith.addi %iota3A, %add3A_726 : vector<16xi32>
      %and3A_728 = arith.constant 15 : i32
      %and3A_729 = vector.broadcast %and3A_728 : i32 to vector<16xi32>
      %and3A_730 = arith.andi %add3A_727, %and3A_729 : vector<16xi32>
      %gather3A_731 = tpu.vector_load_idx %arg17[%iota3A, %and3A_730] : memref<16x16xf32, #tpu.memory_space<vmem>>[vector<16xi32>, vector<16xi32>], vector<16xf32>,
      %add3A_732 = arith.constant 9 : i32
      %add3A_733 = vector.broadcast %add3A_732 : i32 to vector<16xi32>
      %add3A_734 = arith.addi %iota3A, %add3A_733 : vector<16xi32>
      %and3A_735 = arith.constant 15 : i32
      %and3A_736 = vector.broadcast %and3A_735 : i32 to vector<16xi32>
      %and3A_737 = arith.andi %add3A_734, %and3A_736 : vector<16xi32>
      %gather3A_738 = tpu.vector_load_idx %arg17[%iota3A, %and3A_737] : memref<16x16xf32, #tpu.memory_space<vmem>>[vector<16xi32>, vector<16xi32>], vector<16xf32>,
      %add3A_739 = arith.constant 10 : i32
      %add3A_740 = vector.broadcast %add3A_739 : i32 to vector<16xi32>
      %add3A_741 = arith.addi %iota3A, %add3A_740 : vector<16xi32>
      %and3A_742 = arith.constant 15 : i32
      %and3A_743 = vector.broadcast %and3A_742 : i32 to vector<16xi32>
      %and3A_744 = arith.andi %add3A_741, %and3A_743 : vector<16xi32>
      %gather3A_745 = tpu.vector_load_idx %arg17[%iota3A, %and3A_744] : memref<16x16xf32, #tpu.memory_space<vmem>>[vector<16xi32>, vector<16xi32>], vector<16xf32>,
      %add3A_746 = arith.constant 11 : i32
      %add3A_747 = vector.broadcast %add3A_746 : i32 to vector<16xi32>
      %add3A_748 = arith.addi %iota3A, %add3A_747 : vector<16xi32>
      %and3A_749 = arith.constant 15 : i32
      %and3A_750 = vector.broadcast %and3A_749 : i32 to vector<16xi32>
      %and3A_751 = arith.andi %add3A_748, %and3A_750 : vector<16xi32>
      %gather3A_752 = tpu.vector_load_idx %arg17[%iota3A, %and3A_751] : memref<16x16xf32, #tpu.memory_space<vmem>>[vector<16xi32>, vector<16xi32>], vector<16xf32>,
      %add3A_753 = arith.constant 12 : i32
      %add3A_754 = vector.broadcast %add3A_753 : i32 to vector<16xi32>
      %add3A_755 = arith.addi %iota3A, %add3A_754 : vector<16xi32>
      %and3A_756 = arith.constant 15 : i32
      %and3A_757 = vector.broadcast %and3A_756 : i32 to vector<16xi32>
      %and3A_758 = arith.andi %add3A_755, %and3A_757 : vector<16xi32>
      %gather3A_759 = tpu.vector_load_idx %arg17[%iota3A, %and3A_758] : memref<16x16xf32, #tpu.memory_space<vmem>>[vector<16xi32>, vector<16xi32>], vector<16xf32>,
      %add3A_760 = arith.constant 13 : i32
      %add3A_761 = vector.broadcast %add3A_760 : i32 to vector<16xi32>
      %add3A_762 = arith.addi %iota3A, %add3A_761 : vector<16xi32>
      %and3A_763 = arith.constant 15 : i32
      %and3A_764 = vector.broadcast %and3A_763 : i32 to vector<16xi32>
      %and3A_765 = arith.andi %add3A_762, %and3A_764 : vector<16xi32>
      %gather3A_766 = tpu.vector_load_idx %arg17[%iota3A, %and3A_765] : memref<16x16xf32, #tpu.memory_space<vmem>>[vector<16xi32>, vector<16xi32>], vector<16xf32>,
      %add3A_767 = arith.constant 14 : i32
      %add3A_768 = vector.broadcast %add3A_767 : i32 to vector<16xi32>
      %add3A_769 = arith.addi %iota3A, %add3A_768 : vector<16xi32>
      %and3A_770 = arith.constant 15 : i32
      %and3A_771 = vector.broadcast %and3A_770 : i32 to vector<16xi32>
      %and3A_772 = arith.andi %add3A_769, %and3A_771 : vector<16xi32>
      %gather3A_773 = tpu.vector_load_idx %arg17[%iota3A, %and3A_772] : memref<16x16xf32, #tpu.memory_space<vmem>>[vector<16xi32>, vector<16xi32>], vector<16xf32>,
      %add3A_774 = arith.constant 15 : i32
      %add3A_775 = vector.broadcast %add3A_774 : i32 to vector<16xi32>
      %add3A_776 = arith.addi %iota3A, %add3A_775 : vector<16xi32>
      %and3A_777 = arith.constant 15 : i32
      %and3A_778 = vector.broadcast %and3A_777 : i32 to vector<16xi32>
      %and3A_779 = arith.andi %add3A_776, %and3A_778 : vector<16xi32>
      %gather3A_780 = tpu.vector_load_idx %arg17[%iota3A, %and3A_779] : memref<16x16xf32, #tpu.memory_space<vmem>>[vector<16xi32>, vector<16xi32>], vector<16xf32>,
      %add3A_781 = arith.addf %gather3A, %gather3A_682 : vector<16xf32>
      %add3A_782 = arith.addf %gather3A_689, %gather3A_696 : vector<16xf32>
      %add3A_783 = arith.addf %gather3A_703, %gather3A_710 : vector<16xf32>
      %add3A_784 = arith.addf %gather3A_717, %gather3A_724 : vector<16xf32>
      %add3A_785 = arith.addf %gather3A_731, %gather3A_738 : vector<16xf32>
      %add3A_786 = arith.addf %gather3A_745, %gather3A_752 : vector<16xf32>
      %add3A_787 = arith.addf %gather3A_759, %gather3A_766 : vector<16xf32>
      %add3A_788 = arith.addf %gather3A_773, %gather3A_780 : vector<16xf32>
      %add3A_789 = arith.addf %add3A_781, %add3A_782 : vector<16xf32>
      %add3A_790 = arith.addf %add3A_783, %add3A_784 : vector<16xf32>
      %add3A_791 = arith.addf %add3A_785, %add3A_786 : vector<16xf32>
      %add3A_792 = arith.addf %add3A_787, %add3A_788 : vector<16xf32>
      %add3A_793 = arith.addf %add3A_789, %add3A_790 : vector<16xf32>
      %add3A_794 = arith.addf %add3A_791, %add3A_792 : vector<16xf32>
      %add3A_795 = arith.addf %add3A_793, %add3A_794 : vector<16xf32>
      %get3A = arith.constant 0 : i32
      %get3A_796 = tpu.memref_slice %arg15[%scan3A_205, %get3A] : memref<2x64xf32, #tpu.memory_space<vmem>> -> memref<1x64xf32, #tpu.memory_space<vmem>>
      %get3A_797 = tpu.memref_squeeze %get3A_796 : memref<1x64xf32, #tpu.memory_space<vmem>> -> memref<64xf32, #tpu.memory_space<vmem>>
      %get3A_798 = arith.index_cast %mul3A_668 : i32 to index
      %get3A_799 = tpu.vector_load %get3A_797[%get3A_798] {strides = array<i32>} : memref<64xf32, #tpu.memory_space<vmem>>, vector<16xf32>,
      %add3A_800 = arith.addf %add3A_795, %get3A_799 : vector<16xf32>
      %get3A_801 = arith.constant 0 : i32
      %get3A_802 = tpu.memref_slice %arg16[%scan3A_206, %get3A_801] : memref<2x64xf32, #tpu.memory_space<vmem>> -> memref<1x64xf32, #tpu.memory_space<vmem>>
      %get3A_803 = tpu.memref_squeeze %get3A_802 : memref<1x64xf32, #tpu.memory_space<vmem>> -> memref<64xf32, #tpu.memory_space<vmem>>
      %get3A_804 = arith.index_cast %mul3A_668 : i32 to index
      %get3A_805 = tpu.vector_load %get3A_803[%get3A_804] {strides = array<i32>} : memref<64xf32, #tpu.memory_space<vmem>>, vector<16xf32>,
      %add3A_806 = arith.addf %add3A_800, %get3A_805 : vector<16xf32>
      %add3A_807 = arith.constant 64 : i32
      %add3A_808 = arith.addi %add3A_807, %mul3A_668 : i32
      %get3A_809 = arith.index_cast %add3A_808 : i32 to index
      %get3A_810 = tpu.vector_load %arg12[%get3A_809] {strides = array<i32>} : memref<512xf32, #tpu.memory_space<vmem>>, vector<16xf32>,
      %bitcast3A = vector.bitcast %get3A_810 : vector<16xf32> to vector<16xi32>
      %shift_right_arithmetic3A = arith.constant 23 : i32
      %shift_right_arithmetic3A_811 = vector.broadcast %shift_right_arithmetic3A : i32 to vector<16xi32>
      %shift_right_arithmetic3A_812 = arith.shrsi %bitcast3A, %shift_right_arithmetic3A_811 : vector<16xi32>
      %sub3A = arith.constant 127 : i32
      %sub3A_813 = vector.broadcast %sub3A : i32 to vector<16xi32>
      %sub3A_814 = arith.subi %shift_right_arithmetic3A_812, %sub3A_813 : vector<16xi32>
      %and3A_815 = arith.constant 8388607 : i32
      %and3A_816 = vector.broadcast %and3A_815 : i32 to vector<16xi32>
      %and3A_817 = arith.andi %bitcast3A, %and3A_816 : vector<16xi32>
      %or3A = arith.constant 1065353216 : i32
      %or3A_818 = vector.broadcast %or3A : i32 to vector<16xi32>
      %or3A_819 = arith.ori %and3A_817, %or3A_818 : vector<16xi32>
      %bitcast3A_820 = vector.bitcast %or3A_819 : vector<16xi32> to vector<16xf32>
      %sub3A_821 = arith.constant 1.000000e+00 : f32
      %sub3A_822 = vector.broadcast %sub3A_821 : f32 to vector<16xf32>
      %sub3A_823 = arith.subf %bitcast3A_820, %sub3A_822 : vector<16xf32>
      %add3A_824 = arith.constant 1.000000e+00 : f32
      %add3A_825 = vector.broadcast %add3A_824 : f32 to vector<16xf32>
      %add3A_826 = arith.addf %bitcast3A_820, %add3A_825 : vector<16xf32>
      %div3A = arith.divf %sub3A_823, %add3A_826 : vector<16xf32>
      %mul3A_827 = arith.mulf %div3A, %div3A : vector<16xf32>
      %mul3A_828 = arith.constant 0.142857149 : f32
      %mul3A_829 = vector.broadcast %mul3A_828 : f32 to vector<16xf32>
      %mul3A_830 = arith.mulf %mul3A_827, %mul3A_829 : vector<16xf32>
      %add3A_831 = arith.constant 2.000000e-01 : f32
      %add3A_832 = vector.broadcast %add3A_831 : f32 to vector<16xf32>
      %add3A_833 = arith.addf %add3A_832, %mul3A_830 : vector<16xf32>
      %mul3A_834 = arith.mulf %mul3A_827, %add3A_833 : vector<16xf32>
      %add3A_835 = arith.constant 0.333333343 : f32
      %add3A_836 = vector.broadcast %add3A_835 : f32 to vector<16xf32>
      %add3A_837 = arith.addf %add3A_836, %mul3A_834 : vector<16xf32>
      %mul3A_838 = arith.mulf %mul3A_827, %add3A_837 : vector<16xf32>
      %add3A_839 = arith.constant 1.000000e+00 : f32
      %add3A_840 = vector.broadcast %add3A_839 : f32 to vector<16xf32>
      %add3A_841 = arith.addf %add3A_840, %mul3A_838 : vector<16xf32>
      %convert_element_type3A = arith.sitofp %sub3A_814 : vector<16xi32> to vector<16xf32>
      %mul3A_842 = arith.constant 0.693147182 : f32
      %mul3A_843 = vector.broadcast %mul3A_842 : f32 to vector<16xf32>
      %mul3A_844 = arith.mulf %convert_element_type3A, %mul3A_843 : vector<16xf32>
      %mul3A_845 = arith.constant 2.000000e+00 : f32
      %mul3A_846 = vector.broadcast %mul3A_845 : f32 to vector<16xf32>
      %mul3A_847 = arith.mulf %mul3A_846, %div3A : vector<16xf32>
      %mul3A_848 = arith.mulf %mul3A_847, %add3A_841 : vector<16xf32>
      %add3A_849 = arith.addf %mul3A_844, %mul3A_848 : vector<16xf32>
      %sub3A_850 = arith.constant 4.60517025 : f32
      %sub3A_851 = vector.broadcast %sub3A_850 : f32 to vector<16xf32>
      %sub3A_852 = arith.subf %add3A_849, %sub3A_851 : vector<16xf32>
      %mul3A_853 = arith.constant 7.500000e-01 : f32
      %mul3A_854 = vector.broadcast %mul3A_853 : f32 to vector<16xf32>
      %mul3A_855 = arith.mulf %mul3A_854, %sub3A_852 : vector<16xf32>
      %exp3A = math.exp %mul3A_855 : vector<16xf32>
      %min3A = arith.constant 1.000000e+00 : f32
      %min3A_856 = vector.broadcast %min3A : f32 to vector<16xf32>
      %min3A_857 = arith.minimumf %exp3A, %min3A_856 : vector<16xf32>
      %sub3A_858 = arith.subf %add3A_806, %add3A_849 : vector<16xf32>
      %get3A_859 = arith.constant 0 : index
      %get3A_860 = tpu.vector_load %arg18[%get3A_859] {strides = array<i32>} : memref<16xf32, #tpu.memory_space<vmem>>, vector<16xf32>,
      %mul3A_861 = arith.mulf %min3A_857, %sub3A_858 : vector<16xf32>
      %mul3A_862 = arith.mulf %mul3A_861, %sub3A_858 : vector<16xf32>
      %add3A_863 = arith.addf %get3A_860, %mul3A_862 : vector<16xf32>
      %swap3A_864 = arith.constant 0 : index
      %swap3A_865 = tpu.vector_load %arg18[%swap3A_864] {strides = array<i32>} : memref<16xf32, #tpu.memory_space<vmem>>, vector<16xf32>,
      tpu.vector_store %arg18[%swap3A_864], %add3A_863 {strides = array<i32>} : memref<16xf32, #tpu.memory_space<vmem>>, vector<16xf32>,
    }
    %scan3A_211 = arith.constant 4 : i32
    %dma_start3A_212 = arith.constant 1 : i32
    %dma_start3A_213 = arith.constant 0 : i32
    %dma_start3A_214 = arith.constant 0 : i32
    %dma_start3A_215 = tpu.memref_slice %arg13[%dma_start3A_212, %dma_start3A_213, %dma_start3A_214] : memref<2x64x128xf32, #tpu.memory_space<vmem>> -> memref<1x64x128xf32, #tpu.memory_space<vmem>>
    %dma_start3A_216 = tpu.memref_squeeze %dma_start3A_215 : memref<1x64x128xf32, #tpu.memory_space<vmem>> -> memref<64x128xf32, #tpu.memory_space<vmem>>
    %dma_start3A_217 = arith.constant 192 : i32
    %dma_start3A_218 = tpu.memref_slice %arg10[%dma_start3A_217] : memref<512xi32, #tpu.memory_space<vmem>> -> memref<64xi32, #tpu.memory_space<vmem>>
    %dma_start3A_219 = arith.constant 0 : i32
    %dma_start3A_220 = arith.constant 0 : i32
    %dma_start3A_221 = tpu.memref_slice %arg5[%dma_start3A_219, %dma_start3A_220] : memref<100000x128xf32, #tpu.memory_space<hbm>> -> memref<100000x128xf32, #tpu.memory_space<hbm>>
    tpu.enqueue_indirect_dma source(%dma_start3A_221 : memref<100000x128xf32, #tpu.memory_space<hbm>>) target(%dma_start3A_216 : memref<64x128xf32, #tpu.memory_space<vmem>>) offsets(%dma_start3A_218 : memref<64xi32, #tpu.memory_space<vmem>>) semaphore(%arg20 : memref<!tpu.dma_semaphore, #tpu.memory_space<semaphore_mem>>)
    %dma_start3A_222 = arith.constant 1 : i32
    %dma_start3A_223 = arith.constant 0 : i32
    %dma_start3A_224 = arith.constant 0 : i32
    %dma_start3A_225 = tpu.memref_slice %arg14[%dma_start3A_222, %dma_start3A_223, %dma_start3A_224] : memref<2x64x128xf32, #tpu.memory_space<vmem>> -> memref<1x64x128xf32, #tpu.memory_space<vmem>>
    %dma_start3A_226 = tpu.memref_squeeze %dma_start3A_225 : memref<1x64x128xf32, #tpu.memory_space<vmem>> -> memref<64x128xf32, #tpu.memory_space<vmem>>
    %dma_start3A_227 = arith.constant 192 : i32
    %dma_start3A_228 = tpu.memref_slice %arg11[%dma_start3A_227] : memref<512xi32, #tpu.memory_space<vmem>> -> memref<64xi32, #tpu.memory_space<vmem>>
    %dma_start3A_229 = arith.constant 0 : i32
    %dma_start3A_230 = arith.constant 0 : i32
    %dma_start3A_231 = tpu.memref_slice %arg6[%dma_start3A_229, %dma_start3A_230] : memref<100000x128xf32, #tpu.memory_space<hbm>> -> memref<100000x128xf32, #tpu.memory_space<hbm>>
    tpu.enqueue_indirect_dma source(%dma_start3A_231 : memref<100000x128xf32, #tpu.memory_space<hbm>>) target(%dma_start3A_226 : memref<64x128xf32, #tpu.memory_space<vmem>>) offsets(%dma_start3A_228 : memref<64xi32, #tpu.memory_space<vmem>>) semaphore(%arg20 : memref<!tpu.dma_semaphore, #tpu.memory_space<semaphore_mem>>)
    %dma_start3A_232 = arith.constant 1 : i32
    %dma_start3A_233 = arith.constant 0 : i32
    %dma_start3A_234 = tpu.memref_slice %arg15[%dma_start3A_232, %dma_start3A_233] : memref<2x64xf32, #tpu.memory_space<vmem>> -> memref<1x64xf32, #tpu.memory_space<vmem>>
    %dma_start3A_235 = tpu.memref_squeeze %dma_start3A_234 : memref<1x64xf32, #tpu.memory_space<vmem>> -> memref<64xf32, #tpu.memory_space<vmem>>
    %dma_start3A_236 = arith.constant 192 : i32
    %dma_start3A_237 = tpu.memref_slice %arg10[%dma_start3A_236] : memref<512xi32, #tpu.memory_space<vmem>> -> memref<64xi32, #tpu.memory_space<vmem>>
    %dma_start3A_238 = arith.constant 0 : i32
    %dma_start3A_239 = tpu.memref_slice %arg7[%dma_start3A_238] : memref<100000xf32, #tpu.memory_space<hbm>> -> memref<100000xf32, #tpu.memory_space<hbm>>
    tpu.enqueue_indirect_dma source(%dma_start3A_239 : memref<100000xf32, #tpu.memory_space<hbm>>) target(%dma_start3A_235 : memref<64xf32, #tpu.memory_space<vmem>>) offsets(%dma_start3A_237 : memref<64xi32, #tpu.memory_space<vmem>>) semaphore(%arg20 : memref<!tpu.dma_semaphore, #tpu.memory_space<semaphore_mem>>)
    %dma_start3A_240 = arith.constant 1 : i32
    %dma_start3A_241 = arith.constant 0 : i32
    %dma_start3A_242 = tpu.memref_slice %arg16[%dma_start3A_240, %dma_start3A_241] : memref<2x64xf32, #tpu.memory_space<vmem>> -> memref<1x64xf32, #tpu.memory_space<vmem>>
    %dma_start3A_243 = tpu.memref_squeeze %dma_start3A_242 : memref<1x64xf32, #tpu.memory_space<vmem>> -> memref<64xf32, #tpu.memory_space<vmem>>
    %dma_start3A_244 = arith.constant 192 : i32
    %dma_start3A_245 = tpu.memref_slice %arg11[%dma_start3A_244] : memref<512xi32, #tpu.memory_space<vmem>> -> memref<64xi32, #tpu.memory_space<vmem>>
    %dma_start3A_246 = arith.constant 0 : i32
    %dma_start3A_247 = tpu.memref_slice %arg8[%dma_start3A_246] : memref<100000xf32, #tpu.memory_space<hbm>> -> memref<100000xf32, #tpu.memory_space<hbm>>
    tpu.enqueue_indirect_dma source(%dma_start3A_247 : memref<100000xf32, #tpu.memory_space<hbm>>) target(%dma_start3A_243 : memref<64xf32, #tpu.memory_space<vmem>>) offsets(%dma_start3A_245 : memref<64xi32, #tpu.memory_space<vmem>>) semaphore(%arg20 : memref<!tpu.dma_semaphore, #tpu.memory_space<semaphore_mem>>)
    %dma_wait3A_248 = arith.constant 0 : i32
    %dma_wait3A_249 = arith.constant 0 : i32
    %dma_wait3A_250 = arith.constant 0 : i32
    %dma_wait3A_251 = tpu.memref_slice %arg13[%dma_wait3A_248, %dma_wait3A_249, %dma_wait3A_250] : memref<2x64x128xf32, #tpu.memory_space<vmem>> -> memref<1x64x128xf32, #tpu.memory_space<vmem>>
    %dma_wait3A_252 = tpu.memref_squeeze %dma_wait3A_251 : memref<1x64x128xf32, #tpu.memory_space<vmem>> -> memref<64x128xf32, #tpu.memory_space<vmem>>
    %dma_wait3A_253 = arith.constant 128 : i32
    %dma_wait3A_254 = tpu.memref_slice %arg10[%dma_wait3A_253] : memref<512xi32, #tpu.memory_space<vmem>> -> memref<64xi32, #tpu.memory_space<vmem>>
    %dma_wait3A_255 = arith.constant 0 : i32
    %dma_wait3A_256 = arith.constant 0 : i32
    %dma_wait3A_257 = tpu.memref_slice %arg5[%dma_wait3A_255, %dma_wait3A_256] : memref<100000x128xf32, #tpu.memory_space<hbm>> -> memref<100000x128xf32, #tpu.memory_space<hbm>>
    tpu.wait_indirect_dma semaphore(%arg19 : memref<!tpu.dma_semaphore, #tpu.memory_space<semaphore_mem>>) src(%dma_wait3A_257 : memref<100000x128xf32, #tpu.memory_space<hbm>>) dst(%dma_wait3A_252 : memref<64x128xf32, #tpu.memory_space<vmem>>)
    %dma_wait3A_258 = arith.constant 0 : i32
    %dma_wait3A_259 = arith.constant 0 : i32
    %dma_wait3A_260 = arith.constant 0 : i32
    %dma_wait3A_261 = tpu.memref_slice %arg14[%dma_wait3A_258, %dma_wait3A_259, %dma_wait3A_260] : memref<2x64x128xf32, #tpu.memory_space<vmem>> -> memref<1x64x128xf32, #tpu.memory_space<vmem>>
    %dma_wait3A_262 = tpu.memref_squeeze %dma_wait3A_261 : memref<1x64x128xf32, #tpu.memory_space<vmem>> -> memref<64x128xf32, #tpu.memory_space<vmem>>
    %dma_wait3A_263 = arith.constant 128 : i32
    %dma_wait3A_264 = tpu.memref_slice %arg11[%dma_wait3A_263] : memref<512xi32, #tpu.memory_space<vmem>> -> memref<64xi32, #tpu.memory_space<vmem>>
    %dma_wait3A_265 = arith.constant 0 : i32
    %dma_wait3A_266 = arith.constant 0 : i32
    %dma_wait3A_267 = tpu.memref_slice %arg6[%dma_wait3A_265, %dma_wait3A_266] : memref<100000x128xf32, #tpu.memory_space<hbm>> -> memref<100000x128xf32, #tpu.memory_space<hbm>>
    tpu.wait_indirect_dma semaphore(%arg19 : memref<!tpu.dma_semaphore, #tpu.memory_space<semaphore_mem>>) src(%dma_wait3A_267 : memref<100000x128xf32, #tpu.memory_space<hbm>>) dst(%dma_wait3A_262 : memref<64x128xf32, #tpu.memory_space<vmem>>)
    %dma_wait3A_268 = arith.constant 0 : i32
    %dma_wait3A_269 = arith.constant 0 : i32
    %dma_wait3A_270 = tpu.memref_slice %arg15[%dma_wait3A_268, %dma_wait3A_269] : memref<2x64xf32, #tpu.memory_space<vmem>> -> memref<1x64xf32, #tpu.memory_space<vmem>>
    %dma_wait3A_271 = tpu.memref_squeeze %dma_wait3A_270 : memref<1x64xf32, #tpu.memory_space<vmem>> -> memref<64xf32, #tpu.memory_space<vmem>>
    %dma_wait3A_272 = arith.constant 128 : i32
    %dma_wait3A_273 = tpu.memref_slice %arg10[%dma_wait3A_272] : memref<512xi32, #tpu.memory_space<vmem>> -> memref<64xi32, #tpu.memory_space<vmem>>
    %dma_wait3A_274 = arith.constant 0 : i32
    %dma_wait3A_275 = tpu.memref_slice %arg7[%dma_wait3A_274] : memref<100000xf32, #tpu.memory_space<hbm>> -> memref<100000xf32, #tpu.memory_space<hbm>>
    tpu.wait_indirect_dma semaphore(%arg19 : memref<!tpu.dma_semaphore, #tpu.memory_space<semaphore_mem>>) src(%dma_wait3A_275 : memref<100000xf32, #tpu.memory_space<hbm>>) dst(%dma_wait3A_271 : memref<64xf32, #tpu.memory_space<vmem>>)
    %dma_wait3A_276 = arith.constant 0 : i32
    %dma_wait3A_277 = arith.constant 0 : i32
    %dma_wait3A_278 = tpu.memref_slice %arg16[%dma_wait3A_276, %dma_wait3A_277] : memref<2x64xf32, #tpu.memory_space<vmem>> -> memref<1x64xf32, #tpu.memory_space<vmem>>
    %dma_wait3A_279 = tpu.memref_squeeze %dma_wait3A_278 : memref<1x64xf32, #tpu.memory_space<vmem>> -> memref<64xf32, #tpu.memory_space<vmem>>
    %dma_wait3A_280 = arith.constant 128 : i32
    %dma_wait3A_281 = tpu.memref_slice %arg11[%dma_wait3A_280] : memref<512xi32, #tpu.memory_space<vmem>> -> memref<64xi32, #tpu.memory_space<vmem>>
    %dma_wait3A_282 = arith.constant 0 : i32
    %dma_wait3A_283 = tpu.memref_slice %arg8[%dma_wait3A_282] : memref<100000xf32, #tpu.memory_space<hbm>> -> memref<100000xf32, #tpu.memory_space<hbm>>
    tpu.wait_indirect_dma semaphore(%arg19 : memref<!tpu.dma_semaphore, #tpu.memory_space<semaphore_mem>>) src(%dma_wait3A_283 : memref<100000xf32, #tpu.memory_space<hbm>>) dst(%dma_wait3A_279 : memref<64xf32, #tpu.memory_space<vmem>>)
    %scan3A_284 = arith.constant 0 : i32
    %scan3A_285 = arith.constant 0 : i32
    %scan3A_286 = arith.constant 0 : i32
    %scan3A_287 = arith.constant 0 : i32
    %scan3A_288 = arith.constant 0 : i32
    %scan3A_289 = arith.constant 4 : i32
    %scan3A_290 = arith.addi %scan3A_288, %scan3A_289 : i32
    %scan3A_291 = arith.constant 1 : i32
    scf.for %scan3A_662 = %scan3A_288 to %scan3A_290 step %scan3A_291  : i32 {
      %mul3A_663 = arith.constant 1 : i32
      %mul3A_664 = arith.muli %scan3A_662, %mul3A_663 : i32
      %add3A_665 = arith.constant 0 : i32
      %add3A_666 = arith.addi %add3A_665, %mul3A_664 : i32
      %mul3A_667 = arith.constant 16 : i32
      %mul3A_668 = arith.muli %add3A_666, %mul3A_667 : i32
      %parallel_loop3A = arith.constant 0 : i32
      %parallel_loop3A_669 = arith.constant 16 : i32
      %parallel_loop3A_670 = arith.constant 1 : i32
      scf.for %parallel_loop3A_866 = %parallel_loop3A to %parallel_loop3A_669 step %parallel_loop3A_670  : i32 {
        %parallel_loop3A_867 = arith.addi %mul3A_668, %parallel_loop3A_866 : i32
        %parallel_loop3A_868 = arith.constant 0 : i32
        %parallel_loop3A_869 = arith.constant 0 : i32
        %parallel_loop3A_870 = tpu.memref_slice %arg13[%scan3A_284, %parallel_loop3A_868, %parallel_loop3A_869] : memref<2x64x128xf32, #tpu.memory_space<vmem>> -> memref<1x64x128xf32, #tpu.memory_space<vmem>>
        %parallel_loop3A_871 = tpu.memref_squeeze %parallel_loop3A_870 : memref<1x64x128xf32, #tpu.memory_space<vmem>> -> memref<64x128xf32, #tpu.memory_space<vmem>>
        %parallel_loop3A_872 = arith.index_cast %parallel_loop3A_867 : i32 to index
        %parallel_loop3A_873 = arith.constant 0 : index
        %parallel_loop3A_874 = tpu.vector_load %parallel_loop3A_871[%parallel_loop3A_872, %parallel_loop3A_873] {strides = array<i32>} : memref<64x128xf32, #tpu.memory_space<vmem>>, vector<16xf32>,
        %parallel_loop3A_875 = arith.constant 0 : i32
        %parallel_loop3A_876 = arith.constant 0 : i32
        %parallel_loop3A_877 = tpu.memref_slice %arg14[%scan3A_285, %parallel_loop3A_875, %parallel_loop3A_876] : memref<2x64x128xf32, #tpu.memory_space<vmem>> -> memref<1x64x128xf32, #tpu.memory_space<vmem>>
        %parallel_loop3A_878 = tpu.memref_squeeze %parallel_loop3A_877 : memref<1x64x128xf32, #tpu.memory_space<vmem>> -> memref<64x128xf32, #tpu.memory_space<vmem>>
        %parallel_loop3A_879 = arith.index_cast %parallel_loop3A_867 : i32 to index
        %parallel_loop3A_880 = arith.constant 0 : index
        %parallel_loop3A_881 = tpu.vector_load %parallel_loop3A_878[%parallel_loop3A_879, %parallel_loop3A_880] {strides = array<i32>} : memref<64x128xf32, #tpu.memory_space<vmem>>, vector<16xf32>,
        %parallel_loop3A_882 = arith.mulf %parallel_loop3A_874, %parallel_loop3A_881 : vector<16xf32>
        %parallel_loop3A_883 = arith.constant 0 : i32
        %parallel_loop3A_884 = arith.constant 0 : i32
        %parallel_loop3A_885 = tpu.memref_slice %arg13[%scan3A_284, %parallel_loop3A_883, %parallel_loop3A_884] : memref<2x64x128xf32, #tpu.memory_space<vmem>> -> memref<1x64x128xf32, #tpu.memory_space<vmem>>
        %parallel_loop3A_886 = tpu.memref_squeeze %parallel_loop3A_885 : memref<1x64x128xf32, #tpu.memory_space<vmem>> -> memref<64x128xf32, #tpu.memory_space<vmem>>
        %parallel_loop3A_887 = arith.index_cast %parallel_loop3A_867 : i32 to index
        %parallel_loop3A_888 = arith.constant 16 : index
        %parallel_loop3A_889 = tpu.vector_load %parallel_loop3A_886[%parallel_loop3A_887, %parallel_loop3A_888] {strides = array<i32>} : memref<64x128xf32, #tpu.memory_space<vmem>>, vector<16xf32>,
        %parallel_loop3A_890 = arith.constant 0 : i32
        %parallel_loop3A_891 = arith.constant 0 : i32
        %parallel_loop3A_892 = tpu.memref_slice %arg14[%scan3A_285, %parallel_loop3A_890, %parallel_loop3A_891] : memref<2x64x128xf32, #tpu.memory_space<vmem>> -> memref<1x64x128xf32, #tpu.memory_space<vmem>>
        %parallel_loop3A_893 = tpu.memref_squeeze %parallel_loop3A_892 : memref<1x64x128xf32, #tpu.memory_space<vmem>> -> memref<64x128xf32, #tpu.memory_space<vmem>>
        %parallel_loop3A_894 = arith.index_cast %parallel_loop3A_867 : i32 to index
        %parallel_loop3A_895 = arith.constant 16 : index
        %parallel_loop3A_896 = tpu.vector_load %parallel_loop3A_893[%parallel_loop3A_894, %parallel_loop3A_895] {strides = array<i32>} : memref<64x128xf32, #tpu.memory_space<vmem>>, vector<16xf32>,
        %parallel_loop3A_897 = arith.mulf %parallel_loop3A_889, %parallel_loop3A_896 : vector<16xf32>
        %parallel_loop3A_898 = arith.constant 0 : i32
        %parallel_loop3A_899 = arith.constant 0 : i32
        %parallel_loop3A_900 = tpu.memref_slice %arg13[%scan3A_284, %parallel_loop3A_898, %parallel_loop3A_899] : memref<2x64x128xf32, #tpu.memory_space<vmem>> -> memref<1x64x128xf32, #tpu.memory_space<vmem>>
        %parallel_loop3A_901 = tpu.memref_squeeze %parallel_loop3A_900 : memref<1x64x128xf32, #tpu.memory_space<vmem>> -> memref<64x128xf32, #tpu.memory_space<vmem>>
        %parallel_loop3A_902 = arith.index_cast %parallel_loop3A_867 : i32 to index
        %parallel_loop3A_903 = arith.constant 32 : index
        %parallel_loop3A_904 = tpu.vector_load %parallel_loop3A_901[%parallel_loop3A_902, %parallel_loop3A_903] {strides = array<i32>} : memref<64x128xf32, #tpu.memory_space<vmem>>, vector<16xf32>,
        %parallel_loop3A_905 = arith.constant 0 : i32
        %parallel_loop3A_906 = arith.constant 0 : i32
        %parallel_loop3A_907 = tpu.memref_slice %arg14[%scan3A_285, %parallel_loop3A_905, %parallel_loop3A_906] : memref<2x64x128xf32, #tpu.memory_space<vmem>> -> memref<1x64x128xf32, #tpu.memory_space<vmem>>
        %parallel_loop3A_908 = tpu.memref_squeeze %parallel_loop3A_907 : memref<1x64x128xf32, #tpu.memory_space<vmem>> -> memref<64x128xf32, #tpu.memory_space<vmem>>
        %parallel_loop3A_909 = arith.index_cast %parallel_loop3A_867 : i32 to index
        %parallel_loop3A_910 = arith.constant 32 : index
        %parallel_loop3A_911 = tpu.vector_load %parallel_loop3A_908[%parallel_loop3A_909, %parallel_loop3A_910] {strides = array<i32>} : memref<64x128xf32, #tpu.memory_space<vmem>>, vector<16xf32>,
        %parallel_loop3A_912 = arith.mulf %parallel_loop3A_904, %parallel_loop3A_911 : vector<16xf32>
        %parallel_loop3A_913 = arith.constant 0 : i32
        %parallel_loop3A_914 = arith.constant 0 : i32
        %parallel_loop3A_915 = tpu.memref_slice %arg13[%scan3A_284, %parallel_loop3A_913, %parallel_loop3A_914] : memref<2x64x128xf32, #tpu.memory_space<vmem>> -> memref<1x64x128xf32, #tpu.memory_space<vmem>>
        %parallel_loop3A_916 = tpu.memref_squeeze %parallel_loop3A_915 : memref<1x64x128xf32, #tpu.memory_space<vmem>> -> memref<64x128xf32, #tpu.memory_space<vmem>>
        %parallel_loop3A_917 = arith.index_cast %parallel_loop3A_867 : i32 to index
        %parallel_loop3A_918 = arith.constant 48 : index
        %parallel_loop3A_919 = tpu.vector_load %parallel_loop3A_916[%parallel_loop3A_917, %parallel_loop3A_918] {strides = array<i32>} : memref<64x128xf32, #tpu.memory_space<vmem>>, vector<16xf32>,
        %parallel_loop3A_920 = arith.constant 0 : i32
        %parallel_loop3A_921 = arith.constant 0 : i32
        %parallel_loop3A_922 = tpu.memref_slice %arg14[%scan3A_285, %parallel_loop3A_920, %parallel_loop3A_921] : memref<2x64x128xf32, #tpu.memory_space<vmem>> -> memref<1x64x128xf32, #tpu.memory_space<vmem>>
        %parallel_loop3A_923 = tpu.memref_squeeze %parallel_loop3A_922 : memref<1x64x128xf32, #tpu.memory_space<vmem>> -> memref<64x128xf32, #tpu.memory_space<vmem>>
        %parallel_loop3A_924 = arith.index_cast %parallel_loop3A_867 : i32 to index
        %parallel_loop3A_925 = arith.constant 48 : index
        %parallel_loop3A_926 = tpu.vector_load %parallel_loop3A_923[%parallel_loop3A_924, %parallel_loop3A_925] {strides = array<i32>} : memref<64x128xf32, #tpu.memory_space<vmem>>, vector<16xf32>,
        %parallel_loop3A_927 = arith.mulf %parallel_loop3A_919, %parallel_loop3A_926 : vector<16xf32>
        %parallel_loop3A_928 = arith.constant 0 : i32
        %parallel_loop3A_929 = arith.constant 0 : i32
        %parallel_loop3A_930 = tpu.memref_slice %arg13[%scan3A_284, %parallel_loop3A_928, %parallel_loop3A_929] : memref<2x64x128xf32, #tpu.memory_space<vmem>> -> memref<1x64x128xf32, #tpu.memory_space<vmem>>
        %parallel_loop3A_931 = tpu.memref_squeeze %parallel_loop3A_930 : memref<1x64x128xf32, #tpu.memory_space<vmem>> -> memref<64x128xf32, #tpu.memory_space<vmem>>
        %parallel_loop3A_932 = arith.index_cast %parallel_loop3A_867 : i32 to index
        %parallel_loop3A_933 = arith.constant 64 : index
        %parallel_loop3A_934 = tpu.vector_load %parallel_loop3A_931[%parallel_loop3A_932, %parallel_loop3A_933] {strides = array<i32>} : memref<64x128xf32, #tpu.memory_space<vmem>>, vector<16xf32>,
        %parallel_loop3A_935 = arith.constant 0 : i32
        %parallel_loop3A_936 = arith.constant 0 : i32
        %parallel_loop3A_937 = tpu.memref_slice %arg14[%scan3A_285, %parallel_loop3A_935, %parallel_loop3A_936] : memref<2x64x128xf32, #tpu.memory_space<vmem>> -> memref<1x64x128xf32, #tpu.memory_space<vmem>>
        %parallel_loop3A_938 = tpu.memref_squeeze %parallel_loop3A_937 : memref<1x64x128xf32, #tpu.memory_space<vmem>> -> memref<64x128xf32, #tpu.memory_space<vmem>>
        %parallel_loop3A_939 = arith.index_cast %parallel_loop3A_867 : i32 to index
        %parallel_loop3A_940 = arith.constant 64 : index
        %parallel_loop3A_941 = tpu.vector_load %parallel_loop3A_938[%parallel_loop3A_939, %parallel_loop3A_940] {strides = array<i32>} : memref<64x128xf32, #tpu.memory_space<vmem>>, vector<16xf32>,
        %parallel_loop3A_942 = arith.mulf %parallel_loop3A_934, %parallel_loop3A_941 : vector<16xf32>
        %parallel_loop3A_943 = arith.constant 0 : i32
        %parallel_loop3A_944 = arith.constant 0 : i32
        %parallel_loop3A_945 = tpu.memref_slice %arg13[%scan3A_284, %parallel_loop3A_943, %parallel_loop3A_944] : memref<2x64x128xf32, #tpu.memory_space<vmem>> -> memref<1x64x128xf32, #tpu.memory_space<vmem>>
        %parallel_loop3A_946 = tpu.memref_squeeze %parallel_loop3A_945 : memref<1x64x128xf32, #tpu.memory_space<vmem>> -> memref<64x128xf32, #tpu.memory_space<vmem>>
        %parallel_loop3A_947 = arith.index_cast %parallel_loop3A_867 : i32 to index
        %parallel_loop3A_948 = arith.constant 80 : index
        %parallel_loop3A_949 = tpu.vector_load %parallel_loop3A_946[%parallel_loop3A_947, %parallel_loop3A_948] {strides = array<i32>} : memref<64x128xf32, #tpu.memory_space<vmem>>, vector<16xf32>,
        %parallel_loop3A_950 = arith.constant 0 : i32
        %parallel_loop3A_951 = arith.constant 0 : i32
        %parallel_loop3A_952 = tpu.memref_slice %arg14[%scan3A_285, %parallel_loop3A_950, %parallel_loop3A_951] : memref<2x64x128xf32, #tpu.memory_space<vmem>> -> memref<1x64x128xf32, #tpu.memory_space<vmem>>
        %parallel_loop3A_953 = tpu.memref_squeeze %parallel_loop3A_952 : memref<1x64x128xf32, #tpu.memory_space<vmem>> -> memref<64x128xf32, #tpu.memory_space<vmem>>
        %parallel_loop3A_954 = arith.index_cast %parallel_loop3A_867 : i32 to index
        %parallel_loop3A_955 = arith.constant 80 : index
        %parallel_loop3A_956 = tpu.vector_load %parallel_loop3A_953[%parallel_loop3A_954, %parallel_loop3A_955] {strides = array<i32>} : memref<64x128xf32, #tpu.memory_space<vmem>>, vector<16xf32>,
        %parallel_loop3A_957 = arith.mulf %parallel_loop3A_949, %parallel_loop3A_956 : vector<16xf32>
        %parallel_loop3A_958 = arith.constant 0 : i32
        %parallel_loop3A_959 = arith.constant 0 : i32
        %parallel_loop3A_960 = tpu.memref_slice %arg13[%scan3A_284, %parallel_loop3A_958, %parallel_loop3A_959] : memref<2x64x128xf32, #tpu.memory_space<vmem>> -> memref<1x64x128xf32, #tpu.memory_space<vmem>>
        %parallel_loop3A_961 = tpu.memref_squeeze %parallel_loop3A_960 : memref<1x64x128xf32, #tpu.memory_space<vmem>> -> memref<64x128xf32, #tpu.memory_space<vmem>>
        %parallel_loop3A_962 = arith.index_cast %parallel_loop3A_867 : i32 to index
        %parallel_loop3A_963 = arith.constant 96 : index
        %parallel_loop3A_964 = tpu.vector_load %parallel_loop3A_961[%parallel_loop3A_962, %parallel_loop3A_963] {strides = array<i32>} : memref<64x128xf32, #tpu.memory_space<vmem>>, vector<16xf32>,
        %parallel_loop3A_965 = arith.constant 0 : i32
        %parallel_loop3A_966 = arith.constant 0 : i32
        %parallel_loop3A_967 = tpu.memref_slice %arg14[%scan3A_285, %parallel_loop3A_965, %parallel_loop3A_966] : memref<2x64x128xf32, #tpu.memory_space<vmem>> -> memref<1x64x128xf32, #tpu.memory_space<vmem>>
        %parallel_loop3A_968 = tpu.memref_squeeze %parallel_loop3A_967 : memref<1x64x128xf32, #tpu.memory_space<vmem>> -> memref<64x128xf32, #tpu.memory_space<vmem>>
        %parallel_loop3A_969 = arith.index_cast %parallel_loop3A_867 : i32 to index
        %parallel_loop3A_970 = arith.constant 96 : index
        %parallel_loop3A_971 = tpu.vector_load %parallel_loop3A_968[%parallel_loop3A_969, %parallel_loop3A_970] {strides = array<i32>} : memref<64x128xf32, #tpu.memory_space<vmem>>, vector<16xf32>,
        %parallel_loop3A_972 = arith.mulf %parallel_loop3A_964, %parallel_loop3A_971 : vector<16xf32>
        %parallel_loop3A_973 = arith.constant 0 : i32
        %parallel_loop3A_974 = arith.constant 0 : i32
        %parallel_loop3A_975 = tpu.memref_slice %arg13[%scan3A_284, %parallel_loop3A_973, %parallel_loop3A_974] : memref<2x64x128xf32, #tpu.memory_space<vmem>> -> memref<1x64x128xf32, #tpu.memory_space<vmem>>
        %parallel_loop3A_976 = tpu.memref_squeeze %parallel_loop3A_975 : memref<1x64x128xf32, #tpu.memory_space<vmem>> -> memref<64x128xf32, #tpu.memory_space<vmem>>
        %parallel_loop3A_977 = arith.index_cast %parallel_loop3A_867 : i32 to index
        %parallel_loop3A_978 = arith.constant 112 : index
        %parallel_loop3A_979 = tpu.vector_load %parallel_loop3A_976[%parallel_loop3A_977, %parallel_loop3A_978] {strides = array<i32>} : memref<64x128xf32, #tpu.memory_space<vmem>>, vector<16xf32>,
        %parallel_loop3A_980 = arith.constant 0 : i32
        %parallel_loop3A_981 = arith.constant 0 : i32
        %parallel_loop3A_982 = tpu.memref_slice %arg14[%scan3A_285, %parallel_loop3A_980, %parallel_loop3A_981] : memref<2x64x128xf32, #tpu.memory_space<vmem>> -> memref<1x64x128xf32, #tpu.memory_space<vmem>>
        %parallel_loop3A_983 = tpu.memref_squeeze %parallel_loop3A_982 : memref<1x64x128xf32, #tpu.memory_space<vmem>> -> memref<64x128xf32, #tpu.memory_space<vmem>>
        %parallel_loop3A_984 = arith.index_cast %parallel_loop3A_867 : i32 to index
        %parallel_loop3A_985 = arith.constant 112 : index
        %parallel_loop3A_986 = tpu.vector_load %parallel_loop3A_983[%parallel_loop3A_984, %parallel_loop3A_985] {strides = array<i32>} : memref<64x128xf32, #tpu.memory_space<vmem>>, vector<16xf32>,
        %parallel_loop3A_987 = arith.mulf %parallel_loop3A_979, %parallel_loop3A_986 : vector<16xf32>
        %parallel_loop3A_988 = arith.addf %parallel_loop3A_882, %parallel_loop3A_897 : vector<16xf32>
        %parallel_loop3A_989 = arith.addf %parallel_loop3A_912, %parallel_loop3A_927 : vector<16xf32>
        %parallel_loop3A_990 = arith.addf %parallel_loop3A_988, %parallel_loop3A_989 : vector<16xf32>
        %parallel_loop3A_991 = arith.addf %parallel_loop3A_942, %parallel_loop3A_957 : vector<16xf32>
        %parallel_loop3A_992 = arith.addf %parallel_loop3A_972, %parallel_loop3A_987 : vector<16xf32>
        %parallel_loop3A_993 = arith.addf %parallel_loop3A_991, %parallel_loop3A_992 : vector<16xf32>
        %parallel_loop3A_994 = arith.addf %parallel_loop3A_990, %parallel_loop3A_993 : vector<16xf32>
        %parallel_loop3A_995 = arith.index_cast %parallel_loop3A_866 : i32 to index
        %parallel_loop3A_996 = arith.constant 0 : index
        %parallel_loop3A_997 = tpu.vector_load %arg17[%parallel_loop3A_995, %parallel_loop3A_996] {strides = array<i32>} : memref<16x16xf32, #tpu.memory_space<vmem>>, vector<16xf32>,
        tpu.vector_store %arg17[%parallel_loop3A_995, %parallel_loop3A_996], %parallel_loop3A_994 {strides = array<i32>} : memref<16x16xf32, #tpu.memory_space<vmem>>, vector<16xf32>,
      } {sc.loop_unroll_factor = 4 : i64, sc.parallel_access}
      %add3A_671 = arith.constant 0 : i32
      %add3A_672 = vector.broadcast %add3A_671 : i32 to vector<16xi32>
      %add3A_673 = arith.addi %iota3A, %add3A_672 : vector<16xi32>
      %and3A = arith.constant 15 : i32
      %and3A_674 = vector.broadcast %and3A : i32 to vector<16xi32>
      %and3A_675 = arith.andi %add3A_673, %and3A_674 : vector<16xi32>
      %gather3A = tpu.vector_load_idx %arg17[%iota3A, %and3A_675] : memref<16x16xf32, #tpu.memory_space<vmem>>[vector<16xi32>, vector<16xi32>], vector<16xf32>,
      %add3A_676 = arith.constant 1 : i32
      %add3A_677 = vector.broadcast %add3A_676 : i32 to vector<16xi32>
      %add3A_678 = arith.addi %iota3A, %add3A_677 : vector<16xi32>
      %and3A_679 = arith.constant 15 : i32
      %and3A_680 = vector.broadcast %and3A_679 : i32 to vector<16xi32>
      %and3A_681 = arith.andi %add3A_678, %and3A_680 : vector<16xi32>
      %gather3A_682 = tpu.vector_load_idx %arg17[%iota3A, %and3A_681] : memref<16x16xf32, #tpu.memory_space<vmem>>[vector<16xi32>, vector<16xi32>], vector<16xf32>,
      %add3A_683 = arith.constant 2 : i32
      %add3A_684 = vector.broadcast %add3A_683 : i32 to vector<16xi32>
      %add3A_685 = arith.addi %iota3A, %add3A_684 : vector<16xi32>
      %and3A_686 = arith.constant 15 : i32
      %and3A_687 = vector.broadcast %and3A_686 : i32 to vector<16xi32>
      %and3A_688 = arith.andi %add3A_685, %and3A_687 : vector<16xi32>
      %gather3A_689 = tpu.vector_load_idx %arg17[%iota3A, %and3A_688] : memref<16x16xf32, #tpu.memory_space<vmem>>[vector<16xi32>, vector<16xi32>], vector<16xf32>,
      %add3A_690 = arith.constant 3 : i32
      %add3A_691 = vector.broadcast %add3A_690 : i32 to vector<16xi32>
      %add3A_692 = arith.addi %iota3A, %add3A_691 : vector<16xi32>
      %and3A_693 = arith.constant 15 : i32
      %and3A_694 = vector.broadcast %and3A_693 : i32 to vector<16xi32>
      %and3A_695 = arith.andi %add3A_692, %and3A_694 : vector<16xi32>
      %gather3A_696 = tpu.vector_load_idx %arg17[%iota3A, %and3A_695] : memref<16x16xf32, #tpu.memory_space<vmem>>[vector<16xi32>, vector<16xi32>], vector<16xf32>,
      %add3A_697 = arith.constant 4 : i32
      %add3A_698 = vector.broadcast %add3A_697 : i32 to vector<16xi32>
      %add3A_699 = arith.addi %iota3A, %add3A_698 : vector<16xi32>
      %and3A_700 = arith.constant 15 : i32
      %and3A_701 = vector.broadcast %and3A_700 : i32 to vector<16xi32>
      %and3A_702 = arith.andi %add3A_699, %and3A_701 : vector<16xi32>
      %gather3A_703 = tpu.vector_load_idx %arg17[%iota3A, %and3A_702] : memref<16x16xf32, #tpu.memory_space<vmem>>[vector<16xi32>, vector<16xi32>], vector<16xf32>,
      %add3A_704 = arith.constant 5 : i32
      %add3A_705 = vector.broadcast %add3A_704 : i32 to vector<16xi32>
      %add3A_706 = arith.addi %iota3A, %add3A_705 : vector<16xi32>
      %and3A_707 = arith.constant 15 : i32
      %and3A_708 = vector.broadcast %and3A_707 : i32 to vector<16xi32>
      %and3A_709 = arith.andi %add3A_706, %and3A_708 : vector<16xi32>
      %gather3A_710 = tpu.vector_load_idx %arg17[%iota3A, %and3A_709] : memref<16x16xf32, #tpu.memory_space<vmem>>[vector<16xi32>, vector<16xi32>], vector<16xf32>,
      %add3A_711 = arith.constant 6 : i32
      %add3A_712 = vector.broadcast %add3A_711 : i32 to vector<16xi32>
      %add3A_713 = arith.addi %iota3A, %add3A_712 : vector<16xi32>
      %and3A_714 = arith.constant 15 : i32
      %and3A_715 = vector.broadcast %and3A_714 : i32 to vector<16xi32>
      %and3A_716 = arith.andi %add3A_713, %and3A_715 : vector<16xi32>
      %gather3A_717 = tpu.vector_load_idx %arg17[%iota3A, %and3A_716] : memref<16x16xf32, #tpu.memory_space<vmem>>[vector<16xi32>, vector<16xi32>], vector<16xf32>,
      %add3A_718 = arith.constant 7 : i32
      %add3A_719 = vector.broadcast %add3A_718 : i32 to vector<16xi32>
      %add3A_720 = arith.addi %iota3A, %add3A_719 : vector<16xi32>
      %and3A_721 = arith.constant 15 : i32
      %and3A_722 = vector.broadcast %and3A_721 : i32 to vector<16xi32>
      %and3A_723 = arith.andi %add3A_720, %and3A_722 : vector<16xi32>
      %gather3A_724 = tpu.vector_load_idx %arg17[%iota3A, %and3A_723] : memref<16x16xf32, #tpu.memory_space<vmem>>[vector<16xi32>, vector<16xi32>], vector<16xf32>,
      %add3A_725 = arith.constant 8 : i32
      %add3A_726 = vector.broadcast %add3A_725 : i32 to vector<16xi32>
      %add3A_727 = arith.addi %iota3A, %add3A_726 : vector<16xi32>
      %and3A_728 = arith.constant 15 : i32
      %and3A_729 = vector.broadcast %and3A_728 : i32 to vector<16xi32>
      %and3A_730 = arith.andi %add3A_727, %and3A_729 : vector<16xi32>
      %gather3A_731 = tpu.vector_load_idx %arg17[%iota3A, %and3A_730] : memref<16x16xf32, #tpu.memory_space<vmem>>[vector<16xi32>, vector<16xi32>], vector<16xf32>,
      %add3A_732 = arith.constant 9 : i32
      %add3A_733 = vector.broadcast %add3A_732 : i32 to vector<16xi32>
      %add3A_734 = arith.addi %iota3A, %add3A_733 : vector<16xi32>
      %and3A_735 = arith.constant 15 : i32
      %and3A_736 = vector.broadcast %and3A_735 : i32 to vector<16xi32>
      %and3A_737 = arith.andi %add3A_734, %and3A_736 : vector<16xi32>
      %gather3A_738 = tpu.vector_load_idx %arg17[%iota3A, %and3A_737] : memref<16x16xf32, #tpu.memory_space<vmem>>[vector<16xi32>, vector<16xi32>], vector<16xf32>,
      %add3A_739 = arith.constant 10 : i32
      %add3A_740 = vector.broadcast %add3A_739 : i32 to vector<16xi32>
      %add3A_741 = arith.addi %iota3A, %add3A_740 : vector<16xi32>
      %and3A_742 = arith.constant 15 : i32
      %and3A_743 = vector.broadcast %and3A_742 : i32 to vector<16xi32>
      %and3A_744 = arith.andi %add3A_741, %and3A_743 : vector<16xi32>
      %gather3A_745 = tpu.vector_load_idx %arg17[%iota3A, %and3A_744] : memref<16x16xf32, #tpu.memory_space<vmem>>[vector<16xi32>, vector<16xi32>], vector<16xf32>,
      %add3A_746 = arith.constant 11 : i32
      %add3A_747 = vector.broadcast %add3A_746 : i32 to vector<16xi32>
      %add3A_748 = arith.addi %iota3A, %add3A_747 : vector<16xi32>
      %and3A_749 = arith.constant 15 : i32
      %and3A_750 = vector.broadcast %and3A_749 : i32 to vector<16xi32>
      %and3A_751 = arith.andi %add3A_748, %and3A_750 : vector<16xi32>
      %gather3A_752 = tpu.vector_load_idx %arg17[%iota3A, %and3A_751] : memref<16x16xf32, #tpu.memory_space<vmem>>[vector<16xi32>, vector<16xi32>], vector<16xf32>,
      %add3A_753 = arith.constant 12 : i32
      %add3A_754 = vector.broadcast %add3A_753 : i32 to vector<16xi32>
      %add3A_755 = arith.addi %iota3A, %add3A_754 : vector<16xi32>
      %and3A_756 = arith.constant 15 : i32
      %and3A_757 = vector.broadcast %and3A_756 : i32 to vector<16xi32>
      %and3A_758 = arith.andi %add3A_755, %and3A_757 : vector<16xi32>
      %gather3A_759 = tpu.vector_load_idx %arg17[%iota3A, %and3A_758] : memref<16x16xf32, #tpu.memory_space<vmem>>[vector<16xi32>, vector<16xi32>], vector<16xf32>,
      %add3A_760 = arith.constant 13 : i32
      %add3A_761 = vector.broadcast %add3A_760 : i32 to vector<16xi32>
      %add3A_762 = arith.addi %iota3A, %add3A_761 : vector<16xi32>
      %and3A_763 = arith.constant 15 : i32
      %and3A_764 = vector.broadcast %and3A_763 : i32 to vector<16xi32>
      %and3A_765 = arith.andi %add3A_762, %and3A_764 : vector<16xi32>
      %gather3A_766 = tpu.vector_load_idx %arg17[%iota3A, %and3A_765] : memref<16x16xf32, #tpu.memory_space<vmem>>[vector<16xi32>, vector<16xi32>], vector<16xf32>,
      %add3A_767 = arith.constant 14 : i32
      %add3A_768 = vector.broadcast %add3A_767 : i32 to vector<16xi32>
      %add3A_769 = arith.addi %iota3A, %add3A_768 : vector<16xi32>
      %and3A_770 = arith.constant 15 : i32
      %and3A_771 = vector.broadcast %and3A_770 : i32 to vector<16xi32>
      %and3A_772 = arith.andi %add3A_769, %and3A_771 : vector<16xi32>
      %gather3A_773 = tpu.vector_load_idx %arg17[%iota3A, %and3A_772] : memref<16x16xf32, #tpu.memory_space<vmem>>[vector<16xi32>, vector<16xi32>], vector<16xf32>,
      %add3A_774 = arith.constant 15 : i32
      %add3A_775 = vector.broadcast %add3A_774 : i32 to vector<16xi32>
      %add3A_776 = arith.addi %iota3A, %add3A_775 : vector<16xi32>
      %and3A_777 = arith.constant 15 : i32
      %and3A_778 = vector.broadcast %and3A_777 : i32 to vector<16xi32>
      %and3A_779 = arith.andi %add3A_776, %and3A_778 : vector<16xi32>
      %gather3A_780 = tpu.vector_load_idx %arg17[%iota3A, %and3A_779] : memref<16x16xf32, #tpu.memory_space<vmem>>[vector<16xi32>, vector<16xi32>], vector<16xf32>,
      %add3A_781 = arith.addf %gather3A, %gather3A_682 : vector<16xf32>
      %add3A_782 = arith.addf %gather3A_689, %gather3A_696 : vector<16xf32>
      %add3A_783 = arith.addf %gather3A_703, %gather3A_710 : vector<16xf32>
      %add3A_784 = arith.addf %gather3A_717, %gather3A_724 : vector<16xf32>
      %add3A_785 = arith.addf %gather3A_731, %gather3A_738 : vector<16xf32>
      %add3A_786 = arith.addf %gather3A_745, %gather3A_752 : vector<16xf32>
      %add3A_787 = arith.addf %gather3A_759, %gather3A_766 : vector<16xf32>
      %add3A_788 = arith.addf %gather3A_773, %gather3A_780 : vector<16xf32>
      %add3A_789 = arith.addf %add3A_781, %add3A_782 : vector<16xf32>
      %add3A_790 = arith.addf %add3A_783, %add3A_784 : vector<16xf32>
      %add3A_791 = arith.addf %add3A_785, %add3A_786 : vector<16xf32>
      %add3A_792 = arith.addf %add3A_787, %add3A_788 : vector<16xf32>
      %add3A_793 = arith.addf %add3A_789, %add3A_790 : vector<16xf32>
      %add3A_794 = arith.addf %add3A_791, %add3A_792 : vector<16xf32>
      %add3A_795 = arith.addf %add3A_793, %add3A_794 : vector<16xf32>
      %get3A = arith.constant 0 : i32
      %get3A_796 = tpu.memref_slice %arg15[%scan3A_286, %get3A] : memref<2x64xf32, #tpu.memory_space<vmem>> -> memref<1x64xf32, #tpu.memory_space<vmem>>
      %get3A_797 = tpu.memref_squeeze %get3A_796 : memref<1x64xf32, #tpu.memory_space<vmem>> -> memref<64xf32, #tpu.memory_space<vmem>>
      %get3A_798 = arith.index_cast %mul3A_668 : i32 to index
      %get3A_799 = tpu.vector_load %get3A_797[%get3A_798] {strides = array<i32>} : memref<64xf32, #tpu.memory_space<vmem>>, vector<16xf32>,
      %add3A_800 = arith.addf %add3A_795, %get3A_799 : vector<16xf32>
      %get3A_801 = arith.constant 0 : i32
      %get3A_802 = tpu.memref_slice %arg16[%scan3A_287, %get3A_801] : memref<2x64xf32, #tpu.memory_space<vmem>> -> memref<1x64xf32, #tpu.memory_space<vmem>>
      %get3A_803 = tpu.memref_squeeze %get3A_802 : memref<1x64xf32, #tpu.memory_space<vmem>> -> memref<64xf32, #tpu.memory_space<vmem>>
      %get3A_804 = arith.index_cast %mul3A_668 : i32 to index
      %get3A_805 = tpu.vector_load %get3A_803[%get3A_804] {strides = array<i32>} : memref<64xf32, #tpu.memory_space<vmem>>, vector<16xf32>,
      %add3A_806 = arith.addf %add3A_800, %get3A_805 : vector<16xf32>
      %add3A_807 = arith.constant 128 : i32
      %add3A_808 = arith.addi %add3A_807, %mul3A_668 : i32
      %get3A_809 = arith.index_cast %add3A_808 : i32 to index
      %get3A_810 = tpu.vector_load %arg12[%get3A_809] {strides = array<i32>} : memref<512xf32, #tpu.memory_space<vmem>>, vector<16xf32>,
      %bitcast3A = vector.bitcast %get3A_810 : vector<16xf32> to vector<16xi32>
      %shift_right_arithmetic3A = arith.constant 23 : i32
      %shift_right_arithmetic3A_811 = vector.broadcast %shift_right_arithmetic3A : i32 to vector<16xi32>
      %shift_right_arithmetic3A_812 = arith.shrsi %bitcast3A, %shift_right_arithmetic3A_811 : vector<16xi32>
      %sub3A = arith.constant 127 : i32
      %sub3A_813 = vector.broadcast %sub3A : i32 to vector<16xi32>
      %sub3A_814 = arith.subi %shift_right_arithmetic3A_812, %sub3A_813 : vector<16xi32>
      %and3A_815 = arith.constant 8388607 : i32
      %and3A_816 = vector.broadcast %and3A_815 : i32 to vector<16xi32>
      %and3A_817 = arith.andi %bitcast3A, %and3A_816 : vector<16xi32>
      %or3A = arith.constant 1065353216 : i32
      %or3A_818 = vector.broadcast %or3A : i32 to vector<16xi32>
      %or3A_819 = arith.ori %and3A_817, %or3A_818 : vector<16xi32>
      %bitcast3A_820 = vector.bitcast %or3A_819 : vector<16xi32> to vector<16xf32>
      %sub3A_821 = arith.constant 1.000000e+00 : f32
      %sub3A_822 = vector.broadcast %sub3A_821 : f32 to vector<16xf32>
      %sub3A_823 = arith.subf %bitcast3A_820, %sub3A_822 : vector<16xf32>
      %add3A_824 = arith.constant 1.000000e+00 : f32
      %add3A_825 = vector.broadcast %add3A_824 : f32 to vector<16xf32>
      %add3A_826 = arith.addf %bitcast3A_820, %add3A_825 : vector<16xf32>
      %div3A = arith.divf %sub3A_823, %add3A_826 : vector<16xf32>
      %mul3A_827 = arith.mulf %div3A, %div3A : vector<16xf32>
      %mul3A_828 = arith.constant 0.142857149 : f32
      %mul3A_829 = vector.broadcast %mul3A_828 : f32 to vector<16xf32>
      %mul3A_830 = arith.mulf %mul3A_827, %mul3A_829 : vector<16xf32>
      %add3A_831 = arith.constant 2.000000e-01 : f32
      %add3A_832 = vector.broadcast %add3A_831 : f32 to vector<16xf32>
      %add3A_833 = arith.addf %add3A_832, %mul3A_830 : vector<16xf32>
      %mul3A_834 = arith.mulf %mul3A_827, %add3A_833 : vector<16xf32>
      %add3A_835 = arith.constant 0.333333343 : f32
      %add3A_836 = vector.broadcast %add3A_835 : f32 to vector<16xf32>
      %add3A_837 = arith.addf %add3A_836, %mul3A_834 : vector<16xf32>
      %mul3A_838 = arith.mulf %mul3A_827, %add3A_837 : vector<16xf32>
      %add3A_839 = arith.constant 1.000000e+00 : f32
      %add3A_840 = vector.broadcast %add3A_839 : f32 to vector<16xf32>
      %add3A_841 = arith.addf %add3A_840, %mul3A_838 : vector<16xf32>
      %convert_element_type3A = arith.sitofp %sub3A_814 : vector<16xi32> to vector<16xf32>
      %mul3A_842 = arith.constant 0.693147182 : f32
      %mul3A_843 = vector.broadcast %mul3A_842 : f32 to vector<16xf32>
      %mul3A_844 = arith.mulf %convert_element_type3A, %mul3A_843 : vector<16xf32>
      %mul3A_845 = arith.constant 2.000000e+00 : f32
      %mul3A_846 = vector.broadcast %mul3A_845 : f32 to vector<16xf32>
      %mul3A_847 = arith.mulf %mul3A_846, %div3A : vector<16xf32>
      %mul3A_848 = arith.mulf %mul3A_847, %add3A_841 : vector<16xf32>
      %add3A_849 = arith.addf %mul3A_844, %mul3A_848 : vector<16xf32>
      %sub3A_850 = arith.constant 4.60517025 : f32
      %sub3A_851 = vector.broadcast %sub3A_850 : f32 to vector<16xf32>
      %sub3A_852 = arith.subf %add3A_849, %sub3A_851 : vector<16xf32>
      %mul3A_853 = arith.constant 7.500000e-01 : f32
      %mul3A_854 = vector.broadcast %mul3A_853 : f32 to vector<16xf32>
      %mul3A_855 = arith.mulf %mul3A_854, %sub3A_852 : vector<16xf32>
      %exp3A = math.exp %mul3A_855 : vector<16xf32>
      %min3A = arith.constant 1.000000e+00 : f32
      %min3A_856 = vector.broadcast %min3A : f32 to vector<16xf32>
      %min3A_857 = arith.minimumf %exp3A, %min3A_856 : vector<16xf32>
      %sub3A_858 = arith.subf %add3A_806, %add3A_849 : vector<16xf32>
      %get3A_859 = arith.constant 0 : index
      %get3A_860 = tpu.vector_load %arg18[%get3A_859] {strides = array<i32>} : memref<16xf32, #tpu.memory_space<vmem>>, vector<16xf32>,
      %mul3A_861 = arith.mulf %min3A_857, %sub3A_858 : vector<16xf32>
      %mul3A_862 = arith.mulf %mul3A_861, %sub3A_858 : vector<16xf32>
      %add3A_863 = arith.addf %get3A_860, %mul3A_862 : vector<16xf32>
      %swap3A_864 = arith.constant 0 : index
      %swap3A_865 = tpu.vector_load %arg18[%swap3A_864] {strides = array<i32>} : memref<16xf32, #tpu.memory_space<vmem>>, vector<16xf32>,
      tpu.vector_store %arg18[%swap3A_864], %add3A_863 {strides = array<i32>} : memref<16xf32, #tpu.memory_space<vmem>>, vector<16xf32>,
    }
    %scan3A_292 = arith.constant 4 : i32
    %dma_start3A_293 = arith.constant 0 : i32
    %dma_start3A_294 = arith.constant 0 : i32
    %dma_start3A_295 = arith.constant 0 : i32
    %dma_start3A_296 = tpu.memref_slice %arg13[%dma_start3A_293, %dma_start3A_294, %dma_start3A_295] : memref<2x64x128xf32, #tpu.memory_space<vmem>> -> memref<1x64x128xf32, #tpu.memory_space<vmem>>
    %dma_start3A_297 = tpu.memref_squeeze %dma_start3A_296 : memref<1x64x128xf32, #tpu.memory_space<vmem>> -> memref<64x128xf32, #tpu.memory_space<vmem>>
    %dma_start3A_298 = arith.constant 256 : i32
    %dma_start3A_299 = tpu.memref_slice %arg10[%dma_start3A_298] : memref<512xi32, #tpu.memory_space<vmem>> -> memref<64xi32, #tpu.memory_space<vmem>>
    %dma_start3A_300 = arith.constant 0 : i32
    %dma_start3A_301 = arith.constant 0 : i32
    %dma_start3A_302 = tpu.memref_slice %arg5[%dma_start3A_300, %dma_start3A_301] : memref<100000x128xf32, #tpu.memory_space<hbm>> -> memref<100000x128xf32, #tpu.memory_space<hbm>>
    tpu.enqueue_indirect_dma source(%dma_start3A_302 : memref<100000x128xf32, #tpu.memory_space<hbm>>) target(%dma_start3A_297 : memref<64x128xf32, #tpu.memory_space<vmem>>) offsets(%dma_start3A_299 : memref<64xi32, #tpu.memory_space<vmem>>) semaphore(%arg19 : memref<!tpu.dma_semaphore, #tpu.memory_space<semaphore_mem>>)
    %dma_start3A_303 = arith.constant 0 : i32
    %dma_start3A_304 = arith.constant 0 : i32
    %dma_start3A_305 = arith.constant 0 : i32
    %dma_start3A_306 = tpu.memref_slice %arg14[%dma_start3A_303, %dma_start3A_304, %dma_start3A_305] : memref<2x64x128xf32, #tpu.memory_space<vmem>> -> memref<1x64x128xf32, #tpu.memory_space<vmem>>
    %dma_start3A_307 = tpu.memref_squeeze %dma_start3A_306 : memref<1x64x128xf32, #tpu.memory_space<vmem>> -> memref<64x128xf32, #tpu.memory_space<vmem>>
    %dma_start3A_308 = arith.constant 256 : i32
    %dma_start3A_309 = tpu.memref_slice %arg11[%dma_start3A_308] : memref<512xi32, #tpu.memory_space<vmem>> -> memref<64xi32, #tpu.memory_space<vmem>>
    %dma_start3A_310 = arith.constant 0 : i32
    %dma_start3A_311 = arith.constant 0 : i32
    %dma_start3A_312 = tpu.memref_slice %arg6[%dma_start3A_310, %dma_start3A_311] : memref<100000x128xf32, #tpu.memory_space<hbm>> -> memref<100000x128xf32, #tpu.memory_space<hbm>>
    tpu.enqueue_indirect_dma source(%dma_start3A_312 : memref<100000x128xf32, #tpu.memory_space<hbm>>) target(%dma_start3A_307 : memref<64x128xf32, #tpu.memory_space<vmem>>) offsets(%dma_start3A_309 : memref<64xi32, #tpu.memory_space<vmem>>) semaphore(%arg19 : memref<!tpu.dma_semaphore, #tpu.memory_space<semaphore_mem>>)
    %dma_start3A_313 = arith.constant 0 : i32
    %dma_start3A_314 = arith.constant 0 : i32
    %dma_start3A_315 = tpu.memref_slice %arg15[%dma_start3A_313, %dma_start3A_314] : memref<2x64xf32, #tpu.memory_space<vmem>> -> memref<1x64xf32, #tpu.memory_space<vmem>>
    %dma_start3A_316 = tpu.memref_squeeze %dma_start3A_315 : memref<1x64xf32, #tpu.memory_space<vmem>> -> memref<64xf32, #tpu.memory_space<vmem>>
    %dma_start3A_317 = arith.constant 256 : i32
    %dma_start3A_318 = tpu.memref_slice %arg10[%dma_start3A_317] : memref<512xi32, #tpu.memory_space<vmem>> -> memref<64xi32, #tpu.memory_space<vmem>>
    %dma_start3A_319 = arith.constant 0 : i32
    %dma_start3A_320 = tpu.memref_slice %arg7[%dma_start3A_319] : memref<100000xf32, #tpu.memory_space<hbm>> -> memref<100000xf32, #tpu.memory_space<hbm>>
    tpu.enqueue_indirect_dma source(%dma_start3A_320 : memref<100000xf32, #tpu.memory_space<hbm>>) target(%dma_start3A_316 : memref<64xf32, #tpu.memory_space<vmem>>) offsets(%dma_start3A_318 : memref<64xi32, #tpu.memory_space<vmem>>) semaphore(%arg19 : memref<!tpu.dma_semaphore, #tpu.memory_space<semaphore_mem>>)
    %dma_start3A_321 = arith.constant 0 : i32
    %dma_start3A_322 = arith.constant 0 : i32
    %dma_start3A_323 = tpu.memref_slice %arg16[%dma_start3A_321, %dma_start3A_322] : memref<2x64xf32, #tpu.memory_space<vmem>> -> memref<1x64xf32, #tpu.memory_space<vmem>>
    %dma_start3A_324 = tpu.memref_squeeze %dma_start3A_323 : memref<1x64xf32, #tpu.memory_space<vmem>> -> memref<64xf32, #tpu.memory_space<vmem>>
    %dma_start3A_325 = arith.constant 256 : i32
    %dma_start3A_326 = tpu.memref_slice %arg11[%dma_start3A_325] : memref<512xi32, #tpu.memory_space<vmem>> -> memref<64xi32, #tpu.memory_space<vmem>>
    %dma_start3A_327 = arith.constant 0 : i32
    %dma_start3A_328 = tpu.memref_slice %arg8[%dma_start3A_327] : memref<100000xf32, #tpu.memory_space<hbm>> -> memref<100000xf32, #tpu.memory_space<hbm>>
    tpu.enqueue_indirect_dma source(%dma_start3A_328 : memref<100000xf32, #tpu.memory_space<hbm>>) target(%dma_start3A_324 : memref<64xf32, #tpu.memory_space<vmem>>) offsets(%dma_start3A_326 : memref<64xi32, #tpu.memory_space<vmem>>) semaphore(%arg19 : memref<!tpu.dma_semaphore, #tpu.memory_space<semaphore_mem>>)
    %dma_wait3A_329 = arith.constant 1 : i32
    %dma_wait3A_330 = arith.constant 0 : i32
    %dma_wait3A_331 = arith.constant 0 : i32
    %dma_wait3A_332 = tpu.memref_slice %arg13[%dma_wait3A_329, %dma_wait3A_330, %dma_wait3A_331] : memref<2x64x128xf32, #tpu.memory_space<vmem>> -> memref<1x64x128xf32, #tpu.memory_space<vmem>>
    %dma_wait3A_333 = tpu.memref_squeeze %dma_wait3A_332 : memref<1x64x128xf32, #tpu.memory_space<vmem>> -> memref<64x128xf32, #tpu.memory_space<vmem>>
    %dma_wait3A_334 = arith.constant 192 : i32
    %dma_wait3A_335 = tpu.memref_slice %arg10[%dma_wait3A_334] : memref<512xi32, #tpu.memory_space<vmem>> -> memref<64xi32, #tpu.memory_space<vmem>>
    %dma_wait3A_336 = arith.constant 0 : i32
    %dma_wait3A_337 = arith.constant 0 : i32
    %dma_wait3A_338 = tpu.memref_slice %arg5[%dma_wait3A_336, %dma_wait3A_337] : memref<100000x128xf32, #tpu.memory_space<hbm>> -> memref<100000x128xf32, #tpu.memory_space<hbm>>
    tpu.wait_indirect_dma semaphore(%arg20 : memref<!tpu.dma_semaphore, #tpu.memory_space<semaphore_mem>>) src(%dma_wait3A_338 : memref<100000x128xf32, #tpu.memory_space<hbm>>) dst(%dma_wait3A_333 : memref<64x128xf32, #tpu.memory_space<vmem>>)
    %dma_wait3A_339 = arith.constant 1 : i32
    %dma_wait3A_340 = arith.constant 0 : i32
    %dma_wait3A_341 = arith.constant 0 : i32
    %dma_wait3A_342 = tpu.memref_slice %arg14[%dma_wait3A_339, %dma_wait3A_340, %dma_wait3A_341] : memref<2x64x128xf32, #tpu.memory_space<vmem>> -> memref<1x64x128xf32, #tpu.memory_space<vmem>>
    %dma_wait3A_343 = tpu.memref_squeeze %dma_wait3A_342 : memref<1x64x128xf32, #tpu.memory_space<vmem>> -> memref<64x128xf32, #tpu.memory_space<vmem>>
    %dma_wait3A_344 = arith.constant 192 : i32
    %dma_wait3A_345 = tpu.memref_slice %arg11[%dma_wait3A_344] : memref<512xi32, #tpu.memory_space<vmem>> -> memref<64xi32, #tpu.memory_space<vmem>>
    %dma_wait3A_346 = arith.constant 0 : i32
    %dma_wait3A_347 = arith.constant 0 : i32
    %dma_wait3A_348 = tpu.memref_slice %arg6[%dma_wait3A_346, %dma_wait3A_347] : memref<100000x128xf32, #tpu.memory_space<hbm>> -> memref<100000x128xf32, #tpu.memory_space<hbm>>
    tpu.wait_indirect_dma semaphore(%arg20 : memref<!tpu.dma_semaphore, #tpu.memory_space<semaphore_mem>>) src(%dma_wait3A_348 : memref<100000x128xf32, #tpu.memory_space<hbm>>) dst(%dma_wait3A_343 : memref<64x128xf32, #tpu.memory_space<vmem>>)
    %dma_wait3A_349 = arith.constant 1 : i32
    %dma_wait3A_350 = arith.constant 0 : i32
    %dma_wait3A_351 = tpu.memref_slice %arg15[%dma_wait3A_349, %dma_wait3A_350] : memref<2x64xf32, #tpu.memory_space<vmem>> -> memref<1x64xf32, #tpu.memory_space<vmem>>
    %dma_wait3A_352 = tpu.memref_squeeze %dma_wait3A_351 : memref<1x64xf32, #tpu.memory_space<vmem>> -> memref<64xf32, #tpu.memory_space<vmem>>
    %dma_wait3A_353 = arith.constant 192 : i32
    %dma_wait3A_354 = tpu.memref_slice %arg10[%dma_wait3A_353] : memref<512xi32, #tpu.memory_space<vmem>> -> memref<64xi32, #tpu.memory_space<vmem>>
    %dma_wait3A_355 = arith.constant 0 : i32
    %dma_wait3A_356 = tpu.memref_slice %arg7[%dma_wait3A_355] : memref<100000xf32, #tpu.memory_space<hbm>> -> memref<100000xf32, #tpu.memory_space<hbm>>
    tpu.wait_indirect_dma semaphore(%arg20 : memref<!tpu.dma_semaphore, #tpu.memory_space<semaphore_mem>>) src(%dma_wait3A_356 : memref<100000xf32, #tpu.memory_space<hbm>>) dst(%dma_wait3A_352 : memref<64xf32, #tpu.memory_space<vmem>>)
    %dma_wait3A_357 = arith.constant 1 : i32
    %dma_wait3A_358 = arith.constant 0 : i32
    %dma_wait3A_359 = tpu.memref_slice %arg16[%dma_wait3A_357, %dma_wait3A_358] : memref<2x64xf32, #tpu.memory_space<vmem>> -> memref<1x64xf32, #tpu.memory_space<vmem>>
    %dma_wait3A_360 = tpu.memref_squeeze %dma_wait3A_359 : memref<1x64xf32, #tpu.memory_space<vmem>> -> memref<64xf32, #tpu.memory_space<vmem>>
    %dma_wait3A_361 = arith.constant 192 : i32
    %dma_wait3A_362 = tpu.memref_slice %arg11[%dma_wait3A_361] : memref<512xi32, #tpu.memory_space<vmem>> -> memref<64xi32, #tpu.memory_space<vmem>>
    %dma_wait3A_363 = arith.constant 0 : i32
    %dma_wait3A_364 = tpu.memref_slice %arg8[%dma_wait3A_363] : memref<100000xf32, #tpu.memory_space<hbm>> -> memref<100000xf32, #tpu.memory_space<hbm>>
    tpu.wait_indirect_dma semaphore(%arg20 : memref<!tpu.dma_semaphore, #tpu.memory_space<semaphore_mem>>) src(%dma_wait3A_364 : memref<100000xf32, #tpu.memory_space<hbm>>) dst(%dma_wait3A_360 : memref<64xf32, #tpu.memory_space<vmem>>)
    %scan3A_365 = arith.constant 1 : i32
    %scan3A_366 = arith.constant 1 : i32
    %scan3A_367 = arith.constant 1 : i32
    %scan3A_368 = arith.constant 1 : i32
    %scan3A_369 = arith.constant 0 : i32
    %scan3A_370 = arith.constant 4 : i32
    %scan3A_371 = arith.addi %scan3A_369, %scan3A_370 : i32
    %scan3A_372 = arith.constant 1 : i32
    scf.for %scan3A_662 = %scan3A_369 to %scan3A_371 step %scan3A_372  : i32 {
      %mul3A_663 = arith.constant 1 : i32
      %mul3A_664 = arith.muli %scan3A_662, %mul3A_663 : i32
      %add3A_665 = arith.constant 0 : i32
      %add3A_666 = arith.addi %add3A_665, %mul3A_664 : i32
      %mul3A_667 = arith.constant 16 : i32
      %mul3A_668 = arith.muli %add3A_666, %mul3A_667 : i32
      %parallel_loop3A = arith.constant 0 : i32
      %parallel_loop3A_669 = arith.constant 16 : i32
      %parallel_loop3A_670 = arith.constant 1 : i32
      scf.for %parallel_loop3A_866 = %parallel_loop3A to %parallel_loop3A_669 step %parallel_loop3A_670  : i32 {
        %parallel_loop3A_867 = arith.addi %mul3A_668, %parallel_loop3A_866 : i32
        %parallel_loop3A_868 = arith.constant 0 : i32
        %parallel_loop3A_869 = arith.constant 0 : i32
        %parallel_loop3A_870 = tpu.memref_slice %arg13[%scan3A_365, %parallel_loop3A_868, %parallel_loop3A_869] : memref<2x64x128xf32, #tpu.memory_space<vmem>> -> memref<1x64x128xf32, #tpu.memory_space<vmem>>
        %parallel_loop3A_871 = tpu.memref_squeeze %parallel_loop3A_870 : memref<1x64x128xf32, #tpu.memory_space<vmem>> -> memref<64x128xf32, #tpu.memory_space<vmem>>
        %parallel_loop3A_872 = arith.index_cast %parallel_loop3A_867 : i32 to index
        %parallel_loop3A_873 = arith.constant 0 : index
        %parallel_loop3A_874 = tpu.vector_load %parallel_loop3A_871[%parallel_loop3A_872, %parallel_loop3A_873] {strides = array<i32>} : memref<64x128xf32, #tpu.memory_space<vmem>>, vector<16xf32>,
        %parallel_loop3A_875 = arith.constant 0 : i32
        %parallel_loop3A_876 = arith.constant 0 : i32
        %parallel_loop3A_877 = tpu.memref_slice %arg14[%scan3A_366, %parallel_loop3A_875, %parallel_loop3A_876] : memref<2x64x128xf32, #tpu.memory_space<vmem>> -> memref<1x64x128xf32, #tpu.memory_space<vmem>>
        %parallel_loop3A_878 = tpu.memref_squeeze %parallel_loop3A_877 : memref<1x64x128xf32, #tpu.memory_space<vmem>> -> memref<64x128xf32, #tpu.memory_space<vmem>>
        %parallel_loop3A_879 = arith.index_cast %parallel_loop3A_867 : i32 to index
        %parallel_loop3A_880 = arith.constant 0 : index
        %parallel_loop3A_881 = tpu.vector_load %parallel_loop3A_878[%parallel_loop3A_879, %parallel_loop3A_880] {strides = array<i32>} : memref<64x128xf32, #tpu.memory_space<vmem>>, vector<16xf32>,
        %parallel_loop3A_882 = arith.mulf %parallel_loop3A_874, %parallel_loop3A_881 : vector<16xf32>
        %parallel_loop3A_883 = arith.constant 0 : i32
        %parallel_loop3A_884 = arith.constant 0 : i32
        %parallel_loop3A_885 = tpu.memref_slice %arg13[%scan3A_365, %parallel_loop3A_883, %parallel_loop3A_884] : memref<2x64x128xf32, #tpu.memory_space<vmem>> -> memref<1x64x128xf32, #tpu.memory_space<vmem>>
        %parallel_loop3A_886 = tpu.memref_squeeze %parallel_loop3A_885 : memref<1x64x128xf32, #tpu.memory_space<vmem>> -> memref<64x128xf32, #tpu.memory_space<vmem>>
        %parallel_loop3A_887 = arith.index_cast %parallel_loop3A_867 : i32 to index
        %parallel_loop3A_888 = arith.constant 16 : index
        %parallel_loop3A_889 = tpu.vector_load %parallel_loop3A_886[%parallel_loop3A_887, %parallel_loop3A_888] {strides = array<i32>} : memref<64x128xf32, #tpu.memory_space<vmem>>, vector<16xf32>,
        %parallel_loop3A_890 = arith.constant 0 : i32
        %parallel_loop3A_891 = arith.constant 0 : i32
        %parallel_loop3A_892 = tpu.memref_slice %arg14[%scan3A_366, %parallel_loop3A_890, %parallel_loop3A_891] : memref<2x64x128xf32, #tpu.memory_space<vmem>> -> memref<1x64x128xf32, #tpu.memory_space<vmem>>
        %parallel_loop3A_893 = tpu.memref_squeeze %parallel_loop3A_892 : memref<1x64x128xf32, #tpu.memory_space<vmem>> -> memref<64x128xf32, #tpu.memory_space<vmem>>
        %parallel_loop3A_894 = arith.index_cast %parallel_loop3A_867 : i32 to index
        %parallel_loop3A_895 = arith.constant 16 : index
        %parallel_loop3A_896 = tpu.vector_load %parallel_loop3A_893[%parallel_loop3A_894, %parallel_loop3A_895] {strides = array<i32>} : memref<64x128xf32, #tpu.memory_space<vmem>>, vector<16xf32>,
        %parallel_loop3A_897 = arith.mulf %parallel_loop3A_889, %parallel_loop3A_896 : vector<16xf32>
        %parallel_loop3A_898 = arith.constant 0 : i32
        %parallel_loop3A_899 = arith.constant 0 : i32
        %parallel_loop3A_900 = tpu.memref_slice %arg13[%scan3A_365, %parallel_loop3A_898, %parallel_loop3A_899] : memref<2x64x128xf32, #tpu.memory_space<vmem>> -> memref<1x64x128xf32, #tpu.memory_space<vmem>>
        %parallel_loop3A_901 = tpu.memref_squeeze %parallel_loop3A_900 : memref<1x64x128xf32, #tpu.memory_space<vmem>> -> memref<64x128xf32, #tpu.memory_space<vmem>>
        %parallel_loop3A_902 = arith.index_cast %parallel_loop3A_867 : i32 to index
        %parallel_loop3A_903 = arith.constant 32 : index
        %parallel_loop3A_904 = tpu.vector_load %parallel_loop3A_901[%parallel_loop3A_902, %parallel_loop3A_903] {strides = array<i32>} : memref<64x128xf32, #tpu.memory_space<vmem>>, vector<16xf32>,
        %parallel_loop3A_905 = arith.constant 0 : i32
        %parallel_loop3A_906 = arith.constant 0 : i32
        %parallel_loop3A_907 = tpu.memref_slice %arg14[%scan3A_366, %parallel_loop3A_905, %parallel_loop3A_906] : memref<2x64x128xf32, #tpu.memory_space<vmem>> -> memref<1x64x128xf32, #tpu.memory_space<vmem>>
        %parallel_loop3A_908 = tpu.memref_squeeze %parallel_loop3A_907 : memref<1x64x128xf32, #tpu.memory_space<vmem>> -> memref<64x128xf32, #tpu.memory_space<vmem>>
        %parallel_loop3A_909 = arith.index_cast %parallel_loop3A_867 : i32 to index
        %parallel_loop3A_910 = arith.constant 32 : index
        %parallel_loop3A_911 = tpu.vector_load %parallel_loop3A_908[%parallel_loop3A_909, %parallel_loop3A_910] {strides = array<i32>} : memref<64x128xf32, #tpu.memory_space<vmem>>, vector<16xf32>,
        %parallel_loop3A_912 = arith.mulf %parallel_loop3A_904, %parallel_loop3A_911 : vector<16xf32>
        %parallel_loop3A_913 = arith.constant 0 : i32
        %parallel_loop3A_914 = arith.constant 0 : i32
        %parallel_loop3A_915 = tpu.memref_slice %arg13[%scan3A_365, %parallel_loop3A_913, %parallel_loop3A_914] : memref<2x64x128xf32, #tpu.memory_space<vmem>> -> memref<1x64x128xf32, #tpu.memory_space<vmem>>
        %parallel_loop3A_916 = tpu.memref_squeeze %parallel_loop3A_915 : memref<1x64x128xf32, #tpu.memory_space<vmem>> -> memref<64x128xf32, #tpu.memory_space<vmem>>
        %parallel_loop3A_917 = arith.index_cast %parallel_loop3A_867 : i32 to index
        %parallel_loop3A_918 = arith.constant 48 : index
        %parallel_loop3A_919 = tpu.vector_load %parallel_loop3A_916[%parallel_loop3A_917, %parallel_loop3A_918] {strides = array<i32>} : memref<64x128xf32, #tpu.memory_space<vmem>>, vector<16xf32>,
        %parallel_loop3A_920 = arith.constant 0 : i32
        %parallel_loop3A_921 = arith.constant 0 : i32
        %parallel_loop3A_922 = tpu.memref_slice %arg14[%scan3A_366, %parallel_loop3A_920, %parallel_loop3A_921] : memref<2x64x128xf32, #tpu.memory_space<vmem>> -> memref<1x64x128xf32, #tpu.memory_space<vmem>>
        %parallel_loop3A_923 = tpu.memref_squeeze %parallel_loop3A_922 : memref<1x64x128xf32, #tpu.memory_space<vmem>> -> memref<64x128xf32, #tpu.memory_space<vmem>>
        %parallel_loop3A_924 = arith.index_cast %parallel_loop3A_867 : i32 to index
        %parallel_loop3A_925 = arith.constant 48 : index
        %parallel_loop3A_926 = tpu.vector_load %parallel_loop3A_923[%parallel_loop3A_924, %parallel_loop3A_925] {strides = array<i32>} : memref<64x128xf32, #tpu.memory_space<vmem>>, vector<16xf32>,
        %parallel_loop3A_927 = arith.mulf %parallel_loop3A_919, %parallel_loop3A_926 : vector<16xf32>
        %parallel_loop3A_928 = arith.constant 0 : i32
        %parallel_loop3A_929 = arith.constant 0 : i32
        %parallel_loop3A_930 = tpu.memref_slice %arg13[%scan3A_365, %parallel_loop3A_928, %parallel_loop3A_929] : memref<2x64x128xf32, #tpu.memory_space<vmem>> -> memref<1x64x128xf32, #tpu.memory_space<vmem>>
        %parallel_loop3A_931 = tpu.memref_squeeze %parallel_loop3A_930 : memref<1x64x128xf32, #tpu.memory_space<vmem>> -> memref<64x128xf32, #tpu.memory_space<vmem>>
        %parallel_loop3A_932 = arith.index_cast %parallel_loop3A_867 : i32 to index
        %parallel_loop3A_933 = arith.constant 64 : index
        %parallel_loop3A_934 = tpu.vector_load %parallel_loop3A_931[%parallel_loop3A_932, %parallel_loop3A_933] {strides = array<i32>} : memref<64x128xf32, #tpu.memory_space<vmem>>, vector<16xf32>,
        %parallel_loop3A_935 = arith.constant 0 : i32
        %parallel_loop3A_936 = arith.constant 0 : i32
        %parallel_loop3A_937 = tpu.memref_slice %arg14[%scan3A_366, %parallel_loop3A_935, %parallel_loop3A_936] : memref<2x64x128xf32, #tpu.memory_space<vmem>> -> memref<1x64x128xf32, #tpu.memory_space<vmem>>
        %parallel_loop3A_938 = tpu.memref_squeeze %parallel_loop3A_937 : memref<1x64x128xf32, #tpu.memory_space<vmem>> -> memref<64x128xf32, #tpu.memory_space<vmem>>
        %parallel_loop3A_939 = arith.index_cast %parallel_loop3A_867 : i32 to index
        %parallel_loop3A_940 = arith.constant 64 : index
        %parallel_loop3A_941 = tpu.vector_load %parallel_loop3A_938[%parallel_loop3A_939, %parallel_loop3A_940] {strides = array<i32>} : memref<64x128xf32, #tpu.memory_space<vmem>>, vector<16xf32>,
        %parallel_loop3A_942 = arith.mulf %parallel_loop3A_934, %parallel_loop3A_941 : vector<16xf32>
        %parallel_loop3A_943 = arith.constant 0 : i32
        %parallel_loop3A_944 = arith.constant 0 : i32
        %parallel_loop3A_945 = tpu.memref_slice %arg13[%scan3A_365, %parallel_loop3A_943, %parallel_loop3A_944] : memref<2x64x128xf32, #tpu.memory_space<vmem>> -> memref<1x64x128xf32, #tpu.memory_space<vmem>>
        %parallel_loop3A_946 = tpu.memref_squeeze %parallel_loop3A_945 : memref<1x64x128xf32, #tpu.memory_space<vmem>> -> memref<64x128xf32, #tpu.memory_space<vmem>>
        %parallel_loop3A_947 = arith.index_cast %parallel_loop3A_867 : i32 to index
        %parallel_loop3A_948 = arith.constant 80 : index
        %parallel_loop3A_949 = tpu.vector_load %parallel_loop3A_946[%parallel_loop3A_947, %parallel_loop3A_948] {strides = array<i32>} : memref<64x128xf32, #tpu.memory_space<vmem>>, vector<16xf32>,
        %parallel_loop3A_950 = arith.constant 0 : i32
        %parallel_loop3A_951 = arith.constant 0 : i32
        %parallel_loop3A_952 = tpu.memref_slice %arg14[%scan3A_366, %parallel_loop3A_950, %parallel_loop3A_951] : memref<2x64x128xf32, #tpu.memory_space<vmem>> -> memref<1x64x128xf32, #tpu.memory_space<vmem>>
        %parallel_loop3A_953 = tpu.memref_squeeze %parallel_loop3A_952 : memref<1x64x128xf32, #tpu.memory_space<vmem>> -> memref<64x128xf32, #tpu.memory_space<vmem>>
        %parallel_loop3A_954 = arith.index_cast %parallel_loop3A_867 : i32 to index
        %parallel_loop3A_955 = arith.constant 80 : index
        %parallel_loop3A_956 = tpu.vector_load %parallel_loop3A_953[%parallel_loop3A_954, %parallel_loop3A_955] {strides = array<i32>} : memref<64x128xf32, #tpu.memory_space<vmem>>, vector<16xf32>,
        %parallel_loop3A_957 = arith.mulf %parallel_loop3A_949, %parallel_loop3A_956 : vector<16xf32>
        %parallel_loop3A_958 = arith.constant 0 : i32
        %parallel_loop3A_959 = arith.constant 0 : i32
        %parallel_loop3A_960 = tpu.memref_slice %arg13[%scan3A_365, %parallel_loop3A_958, %parallel_loop3A_959] : memref<2x64x128xf32, #tpu.memory_space<vmem>> -> memref<1x64x128xf32, #tpu.memory_space<vmem>>
        %parallel_loop3A_961 = tpu.memref_squeeze %parallel_loop3A_960 : memref<1x64x128xf32, #tpu.memory_space<vmem>> -> memref<64x128xf32, #tpu.memory_space<vmem>>
        %parallel_loop3A_962 = arith.index_cast %parallel_loop3A_867 : i32 to index
        %parallel_loop3A_963 = arith.constant 96 : index
        %parallel_loop3A_964 = tpu.vector_load %parallel_loop3A_961[%parallel_loop3A_962, %parallel_loop3A_963] {strides = array<i32>} : memref<64x128xf32, #tpu.memory_space<vmem>>, vector<16xf32>,
        %parallel_loop3A_965 = arith.constant 0 : i32
        %parallel_loop3A_966 = arith.constant 0 : i32
        %parallel_loop3A_967 = tpu.memref_slice %arg14[%scan3A_366, %parallel_loop3A_965, %parallel_loop3A_966] : memref<2x64x128xf32, #tpu.memory_space<vmem>> -> memref<1x64x128xf32, #tpu.memory_space<vmem>>
        %parallel_loop3A_968 = tpu.memref_squeeze %parallel_loop3A_967 : memref<1x64x128xf32, #tpu.memory_space<vmem>> -> memref<64x128xf32, #tpu.memory_space<vmem>>
        %parallel_loop3A_969 = arith.index_cast %parallel_loop3A_867 : i32 to index
        %parallel_loop3A_970 = arith.constant 96 : index
        %parallel_loop3A_971 = tpu.vector_load %parallel_loop3A_968[%parallel_loop3A_969, %parallel_loop3A_970] {strides = array<i32>} : memref<64x128xf32, #tpu.memory_space<vmem>>, vector<16xf32>,
        %parallel_loop3A_972 = arith.mulf %parallel_loop3A_964, %parallel_loop3A_971 : vector<16xf32>
        %parallel_loop3A_973 = arith.constant 0 : i32
        %parallel_loop3A_974 = arith.constant 0 : i32
        %parallel_loop3A_975 = tpu.memref_slice %arg13[%scan3A_365, %parallel_loop3A_973, %parallel_loop3A_974] : memref<2x64x128xf32, #tpu.memory_space<vmem>> -> memref<1x64x128xf32, #tpu.memory_space<vmem>>
        %parallel_loop3A_976 = tpu.memref_squeeze %parallel_loop3A_975 : memref<1x64x128xf32, #tpu.memory_space<vmem>> -> memref<64x128xf32, #tpu.memory_space<vmem>>
        %parallel_loop3A_977 = arith.index_cast %parallel_loop3A_867 : i32 to index
        %parallel_loop3A_978 = arith.constant 112 : index
        %parallel_loop3A_979 = tpu.vector_load %parallel_loop3A_976[%parallel_loop3A_977, %parallel_loop3A_978] {strides = array<i32>} : memref<64x128xf32, #tpu.memory_space<vmem>>, vector<16xf32>,
        %parallel_loop3A_980 = arith.constant 0 : i32
        %parallel_loop3A_981 = arith.constant 0 : i32
        %parallel_loop3A_982 = tpu.memref_slice %arg14[%scan3A_366, %parallel_loop3A_980, %parallel_loop3A_981] : memref<2x64x128xf32, #tpu.memory_space<vmem>> -> memref<1x64x128xf32, #tpu.memory_space<vmem>>
        %parallel_loop3A_983 = tpu.memref_squeeze %parallel_loop3A_982 : memref<1x64x128xf32, #tpu.memory_space<vmem>> -> memref<64x128xf32, #tpu.memory_space<vmem>>
        %parallel_loop3A_984 = arith.index_cast %parallel_loop3A_867 : i32 to index
        %parallel_loop3A_985 = arith.constant 112 : index
        %parallel_loop3A_986 = tpu.vector_load %parallel_loop3A_983[%parallel_loop3A_984, %parallel_loop3A_985] {strides = array<i32>} : memref<64x128xf32, #tpu.memory_space<vmem>>, vector<16xf32>,
        %parallel_loop3A_987 = arith.mulf %parallel_loop3A_979, %parallel_loop3A_986 : vector<16xf32>
        %parallel_loop3A_988 = arith.addf %parallel_loop3A_882, %parallel_loop3A_897 : vector<16xf32>
        %parallel_loop3A_989 = arith.addf %parallel_loop3A_912, %parallel_loop3A_927 : vector<16xf32>
        %parallel_loop3A_990 = arith.addf %parallel_loop3A_988, %parallel_loop3A_989 : vector<16xf32>
        %parallel_loop3A_991 = arith.addf %parallel_loop3A_942, %parallel_loop3A_957 : vector<16xf32>
        %parallel_loop3A_992 = arith.addf %parallel_loop3A_972, %parallel_loop3A_987 : vector<16xf32>
        %parallel_loop3A_993 = arith.addf %parallel_loop3A_991, %parallel_loop3A_992 : vector<16xf32>
        %parallel_loop3A_994 = arith.addf %parallel_loop3A_990, %parallel_loop3A_993 : vector<16xf32>
        %parallel_loop3A_995 = arith.index_cast %parallel_loop3A_866 : i32 to index
        %parallel_loop3A_996 = arith.constant 0 : index
        %parallel_loop3A_997 = tpu.vector_load %arg17[%parallel_loop3A_995, %parallel_loop3A_996] {strides = array<i32>} : memref<16x16xf32, #tpu.memory_space<vmem>>, vector<16xf32>,
        tpu.vector_store %arg17[%parallel_loop3A_995, %parallel_loop3A_996], %parallel_loop3A_994 {strides = array<i32>} : memref<16x16xf32, #tpu.memory_space<vmem>>, vector<16xf32>,
      } {sc.loop_unroll_factor = 4 : i64, sc.parallel_access}
      %add3A_671 = arith.constant 0 : i32
      %add3A_672 = vector.broadcast %add3A_671 : i32 to vector<16xi32>
      %add3A_673 = arith.addi %iota3A, %add3A_672 : vector<16xi32>
      %and3A = arith.constant 15 : i32
      %and3A_674 = vector.broadcast %and3A : i32 to vector<16xi32>
      %and3A_675 = arith.andi %add3A_673, %and3A_674 : vector<16xi32>
      %gather3A = tpu.vector_load_idx %arg17[%iota3A, %and3A_675] : memref<16x16xf32, #tpu.memory_space<vmem>>[vector<16xi32>, vector<16xi32>], vector<16xf32>,
      %add3A_676 = arith.constant 1 : i32
      %add3A_677 = vector.broadcast %add3A_676 : i32 to vector<16xi32>
      %add3A_678 = arith.addi %iota3A, %add3A_677 : vector<16xi32>
      %and3A_679 = arith.constant 15 : i32
      %and3A_680 = vector.broadcast %and3A_679 : i32 to vector<16xi32>
      %and3A_681 = arith.andi %add3A_678, %and3A_680 : vector<16xi32>
      %gather3A_682 = tpu.vector_load_idx %arg17[%iota3A, %and3A_681] : memref<16x16xf32, #tpu.memory_space<vmem>>[vector<16xi32>, vector<16xi32>], vector<16xf32>,
      %add3A_683 = arith.constant 2 : i32
      %add3A_684 = vector.broadcast %add3A_683 : i32 to vector<16xi32>
      %add3A_685 = arith.addi %iota3A, %add3A_684 : vector<16xi32>
      %and3A_686 = arith.constant 15 : i32
      %and3A_687 = vector.broadcast %and3A_686 : i32 to vector<16xi32>
      %and3A_688 = arith.andi %add3A_685, %and3A_687 : vector<16xi32>
      %gather3A_689 = tpu.vector_load_idx %arg17[%iota3A, %and3A_688] : memref<16x16xf32, #tpu.memory_space<vmem>>[vector<16xi32>, vector<16xi32>], vector<16xf32>,
      %add3A_690 = arith.constant 3 : i32
      %add3A_691 = vector.broadcast %add3A_690 : i32 to vector<16xi32>
      %add3A_692 = arith.addi %iota3A, %add3A_691 : vector<16xi32>
      %and3A_693 = arith.constant 15 : i32
      %and3A_694 = vector.broadcast %and3A_693 : i32 to vector<16xi32>
      %and3A_695 = arith.andi %add3A_692, %and3A_694 : vector<16xi32>
      %gather3A_696 = tpu.vector_load_idx %arg17[%iota3A, %and3A_695] : memref<16x16xf32, #tpu.memory_space<vmem>>[vector<16xi32>, vector<16xi32>], vector<16xf32>,
      %add3A_697 = arith.constant 4 : i32
      %add3A_698 = vector.broadcast %add3A_697 : i32 to vector<16xi32>
      %add3A_699 = arith.addi %iota3A, %add3A_698 : vector<16xi32>
      %and3A_700 = arith.constant 15 : i32
      %and3A_701 = vector.broadcast %and3A_700 : i32 to vector<16xi32>
      %and3A_702 = arith.andi %add3A_699, %and3A_701 : vector<16xi32>
      %gather3A_703 = tpu.vector_load_idx %arg17[%iota3A, %and3A_702] : memref<16x16xf32, #tpu.memory_space<vmem>>[vector<16xi32>, vector<16xi32>], vector<16xf32>,
      %add3A_704 = arith.constant 5 : i32
      %add3A_705 = vector.broadcast %add3A_704 : i32 to vector<16xi32>
      %add3A_706 = arith.addi %iota3A, %add3A_705 : vector<16xi32>
      %and3A_707 = arith.constant 15 : i32
      %and3A_708 = vector.broadcast %and3A_707 : i32 to vector<16xi32>
      %and3A_709 = arith.andi %add3A_706, %and3A_708 : vector<16xi32>
      %gather3A_710 = tpu.vector_load_idx %arg17[%iota3A, %and3A_709] : memref<16x16xf32, #tpu.memory_space<vmem>>[vector<16xi32>, vector<16xi32>], vector<16xf32>,
      %add3A_711 = arith.constant 6 : i32
      %add3A_712 = vector.broadcast %add3A_711 : i32 to vector<16xi32>
      %add3A_713 = arith.addi %iota3A, %add3A_712 : vector<16xi32>
      %and3A_714 = arith.constant 15 : i32
      %and3A_715 = vector.broadcast %and3A_714 : i32 to vector<16xi32>
      %and3A_716 = arith.andi %add3A_713, %and3A_715 : vector<16xi32>
      %gather3A_717 = tpu.vector_load_idx %arg17[%iota3A, %and3A_716] : memref<16x16xf32, #tpu.memory_space<vmem>>[vector<16xi32>, vector<16xi32>], vector<16xf32>,
      %add3A_718 = arith.constant 7 : i32
      %add3A_719 = vector.broadcast %add3A_718 : i32 to vector<16xi32>
      %add3A_720 = arith.addi %iota3A, %add3A_719 : vector<16xi32>
      %and3A_721 = arith.constant 15 : i32
      %and3A_722 = vector.broadcast %and3A_721 : i32 to vector<16xi32>
      %and3A_723 = arith.andi %add3A_720, %and3A_722 : vector<16xi32>
      %gather3A_724 = tpu.vector_load_idx %arg17[%iota3A, %and3A_723] : memref<16x16xf32, #tpu.memory_space<vmem>>[vector<16xi32>, vector<16xi32>], vector<16xf32>,
      %add3A_725 = arith.constant 8 : i32
      %add3A_726 = vector.broadcast %add3A_725 : i32 to vector<16xi32>
      %add3A_727 = arith.addi %iota3A, %add3A_726 : vector<16xi32>
      %and3A_728 = arith.constant 15 : i32
      %and3A_729 = vector.broadcast %and3A_728 : i32 to vector<16xi32>
      %and3A_730 = arith.andi %add3A_727, %and3A_729 : vector<16xi32>
      %gather3A_731 = tpu.vector_load_idx %arg17[%iota3A, %and3A_730] : memref<16x16xf32, #tpu.memory_space<vmem>>[vector<16xi32>, vector<16xi32>], vector<16xf32>,
      %add3A_732 = arith.constant 9 : i32
      %add3A_733 = vector.broadcast %add3A_732 : i32 to vector<16xi32>
      %add3A_734 = arith.addi %iota3A, %add3A_733 : vector<16xi32>
      %and3A_735 = arith.constant 15 : i32
      %and3A_736 = vector.broadcast %and3A_735 : i32 to vector<16xi32>
      %and3A_737 = arith.andi %add3A_734, %and3A_736 : vector<16xi32>
      %gather3A_738 = tpu.vector_load_idx %arg17[%iota3A, %and3A_737] : memref<16x16xf32, #tpu.memory_space<vmem>>[vector<16xi32>, vector<16xi32>], vector<16xf32>,
      %add3A_739 = arith.constant 10 : i32
      %add3A_740 = vector.broadcast %add3A_739 : i32 to vector<16xi32>
      %add3A_741 = arith.addi %iota3A, %add3A_740 : vector<16xi32>
      %and3A_742 = arith.constant 15 : i32
      %and3A_743 = vector.broadcast %and3A_742 : i32 to vector<16xi32>
      %and3A_744 = arith.andi %add3A_741, %and3A_743 : vector<16xi32>
      %gather3A_745 = tpu.vector_load_idx %arg17[%iota3A, %and3A_744] : memref<16x16xf32, #tpu.memory_space<vmem>>[vector<16xi32>, vector<16xi32>], vector<16xf32>,
      %add3A_746 = arith.constant 11 : i32
      %add3A_747 = vector.broadcast %add3A_746 : i32 to vector<16xi32>
      %add3A_748 = arith.addi %iota3A, %add3A_747 : vector<16xi32>
      %and3A_749 = arith.constant 15 : i32
      %and3A_750 = vector.broadcast %and3A_749 : i32 to vector<16xi32>
      %and3A_751 = arith.andi %add3A_748, %and3A_750 : vector<16xi32>
      %gather3A_752 = tpu.vector_load_idx %arg17[%iota3A, %and3A_751] : memref<16x16xf32, #tpu.memory_space<vmem>>[vector<16xi32>, vector<16xi32>], vector<16xf32>,
      %add3A_753 = arith.constant 12 : i32
      %add3A_754 = vector.broadcast %add3A_753 : i32 to vector<16xi32>
      %add3A_755 = arith.addi %iota3A, %add3A_754 : vector<16xi32>
      %and3A_756 = arith.constant 15 : i32
      %and3A_757 = vector.broadcast %and3A_756 : i32 to vector<16xi32>
      %and3A_758 = arith.andi %add3A_755, %and3A_757 : vector<16xi32>
      %gather3A_759 = tpu.vector_load_idx %arg17[%iota3A, %and3A_758] : memref<16x16xf32, #tpu.memory_space<vmem>>[vector<16xi32>, vector<16xi32>], vector<16xf32>,
      %add3A_760 = arith.constant 13 : i32
      %add3A_761 = vector.broadcast %add3A_760 : i32 to vector<16xi32>
      %add3A_762 = arith.addi %iota3A, %add3A_761 : vector<16xi32>
      %and3A_763 = arith.constant 15 : i32
      %and3A_764 = vector.broadcast %and3A_763 : i32 to vector<16xi32>
      %and3A_765 = arith.andi %add3A_762, %and3A_764 : vector<16xi32>
      %gather3A_766 = tpu.vector_load_idx %arg17[%iota3A, %and3A_765] : memref<16x16xf32, #tpu.memory_space<vmem>>[vector<16xi32>, vector<16xi32>], vector<16xf32>,
      %add3A_767 = arith.constant 14 : i32
      %add3A_768 = vector.broadcast %add3A_767 : i32 to vector<16xi32>
      %add3A_769 = arith.addi %iota3A, %add3A_768 : vector<16xi32>
      %and3A_770 = arith.constant 15 : i32
      %and3A_771 = vector.broadcast %and3A_770 : i32 to vector<16xi32>
      %and3A_772 = arith.andi %add3A_769, %and3A_771 : vector<16xi32>
      %gather3A_773 = tpu.vector_load_idx %arg17[%iota3A, %and3A_772] : memref<16x16xf32, #tpu.memory_space<vmem>>[vector<16xi32>, vector<16xi32>], vector<16xf32>,
      %add3A_774 = arith.constant 15 : i32
      %add3A_775 = vector.broadcast %add3A_774 : i32 to vector<16xi32>
      %add3A_776 = arith.addi %iota3A, %add3A_775 : vector<16xi32>
      %and3A_777 = arith.constant 15 : i32
      %and3A_778 = vector.broadcast %and3A_777 : i32 to vector<16xi32>
      %and3A_779 = arith.andi %add3A_776, %and3A_778 : vector<16xi32>
      %gather3A_780 = tpu.vector_load_idx %arg17[%iota3A, %and3A_779] : memref<16x16xf32, #tpu.memory_space<vmem>>[vector<16xi32>, vector<16xi32>], vector<16xf32>,
      %add3A_781 = arith.addf %gather3A, %gather3A_682 : vector<16xf32>
      %add3A_782 = arith.addf %gather3A_689, %gather3A_696 : vector<16xf32>
      %add3A_783 = arith.addf %gather3A_703, %gather3A_710 : vector<16xf32>
      %add3A_784 = arith.addf %gather3A_717, %gather3A_724 : vector<16xf32>
      %add3A_785 = arith.addf %gather3A_731, %gather3A_738 : vector<16xf32>
      %add3A_786 = arith.addf %gather3A_745, %gather3A_752 : vector<16xf32>
      %add3A_787 = arith.addf %gather3A_759, %gather3A_766 : vector<16xf32>
      %add3A_788 = arith.addf %gather3A_773, %gather3A_780 : vector<16xf32>
      %add3A_789 = arith.addf %add3A_781, %add3A_782 : vector<16xf32>
      %add3A_790 = arith.addf %add3A_783, %add3A_784 : vector<16xf32>
      %add3A_791 = arith.addf %add3A_785, %add3A_786 : vector<16xf32>
      %add3A_792 = arith.addf %add3A_787, %add3A_788 : vector<16xf32>
      %add3A_793 = arith.addf %add3A_789, %add3A_790 : vector<16xf32>
      %add3A_794 = arith.addf %add3A_791, %add3A_792 : vector<16xf32>
      %add3A_795 = arith.addf %add3A_793, %add3A_794 : vector<16xf32>
      %get3A = arith.constant 0 : i32
      %get3A_796 = tpu.memref_slice %arg15[%scan3A_367, %get3A] : memref<2x64xf32, #tpu.memory_space<vmem>> -> memref<1x64xf32, #tpu.memory_space<vmem>>
      %get3A_797 = tpu.memref_squeeze %get3A_796 : memref<1x64xf32, #tpu.memory_space<vmem>> -> memref<64xf32, #tpu.memory_space<vmem>>
      %get3A_798 = arith.index_cast %mul3A_668 : i32 to index
      %get3A_799 = tpu.vector_load %get3A_797[%get3A_798] {strides = array<i32>} : memref<64xf32, #tpu.memory_space<vmem>>, vector<16xf32>,
      %add3A_800 = arith.addf %add3A_795, %get3A_799 : vector<16xf32>
      %get3A_801 = arith.constant 0 : i32
      %get3A_802 = tpu.memref_slice %arg16[%scan3A_368, %get3A_801] : memref<2x64xf32, #tpu.memory_space<vmem>> -> memref<1x64xf32, #tpu.memory_space<vmem>>
      %get3A_803 = tpu.memref_squeeze %get3A_802 : memref<1x64xf32, #tpu.memory_space<vmem>> -> memref<64xf32, #tpu.memory_space<vmem>>
      %get3A_804 = arith.index_cast %mul3A_668 : i32 to index
      %get3A_805 = tpu.vector_load %get3A_803[%get3A_804] {strides = array<i32>} : memref<64xf32, #tpu.memory_space<vmem>>, vector<16xf32>,
      %add3A_806 = arith.addf %add3A_800, %get3A_805 : vector<16xf32>
      %add3A_807 = arith.constant 192 : i32
      %add3A_808 = arith.addi %add3A_807, %mul3A_668 : i32
      %get3A_809 = arith.index_cast %add3A_808 : i32 to index
      %get3A_810 = tpu.vector_load %arg12[%get3A_809] {strides = array<i32>} : memref<512xf32, #tpu.memory_space<vmem>>, vector<16xf32>,
      %bitcast3A = vector.bitcast %get3A_810 : vector<16xf32> to vector<16xi32>
      %shift_right_arithmetic3A = arith.constant 23 : i32
      %shift_right_arithmetic3A_811 = vector.broadcast %shift_right_arithmetic3A : i32 to vector<16xi32>
      %shift_right_arithmetic3A_812 = arith.shrsi %bitcast3A, %shift_right_arithmetic3A_811 : vector<16xi32>
      %sub3A = arith.constant 127 : i32
      %sub3A_813 = vector.broadcast %sub3A : i32 to vector<16xi32>
      %sub3A_814 = arith.subi %shift_right_arithmetic3A_812, %sub3A_813 : vector<16xi32>
      %and3A_815 = arith.constant 8388607 : i32
      %and3A_816 = vector.broadcast %and3A_815 : i32 to vector<16xi32>
      %and3A_817 = arith.andi %bitcast3A, %and3A_816 : vector<16xi32>
      %or3A = arith.constant 1065353216 : i32
      %or3A_818 = vector.broadcast %or3A : i32 to vector<16xi32>
      %or3A_819 = arith.ori %and3A_817, %or3A_818 : vector<16xi32>
      %bitcast3A_820 = vector.bitcast %or3A_819 : vector<16xi32> to vector<16xf32>
      %sub3A_821 = arith.constant 1.000000e+00 : f32
      %sub3A_822 = vector.broadcast %sub3A_821 : f32 to vector<16xf32>
      %sub3A_823 = arith.subf %bitcast3A_820, %sub3A_822 : vector<16xf32>
      %add3A_824 = arith.constant 1.000000e+00 : f32
      %add3A_825 = vector.broadcast %add3A_824 : f32 to vector<16xf32>
      %add3A_826 = arith.addf %bitcast3A_820, %add3A_825 : vector<16xf32>
      %div3A = arith.divf %sub3A_823, %add3A_826 : vector<16xf32>
      %mul3A_827 = arith.mulf %div3A, %div3A : vector<16xf32>
      %mul3A_828 = arith.constant 0.142857149 : f32
      %mul3A_829 = vector.broadcast %mul3A_828 : f32 to vector<16xf32>
      %mul3A_830 = arith.mulf %mul3A_827, %mul3A_829 : vector<16xf32>
      %add3A_831 = arith.constant 2.000000e-01 : f32
      %add3A_832 = vector.broadcast %add3A_831 : f32 to vector<16xf32>
      %add3A_833 = arith.addf %add3A_832, %mul3A_830 : vector<16xf32>
      %mul3A_834 = arith.mulf %mul3A_827, %add3A_833 : vector<16xf32>
      %add3A_835 = arith.constant 0.333333343 : f32
      %add3A_836 = vector.broadcast %add3A_835 : f32 to vector<16xf32>
      %add3A_837 = arith.addf %add3A_836, %mul3A_834 : vector<16xf32>
      %mul3A_838 = arith.mulf %mul3A_827, %add3A_837 : vector<16xf32>
      %add3A_839 = arith.constant 1.000000e+00 : f32
      %add3A_840 = vector.broadcast %add3A_839 : f32 to vector<16xf32>
      %add3A_841 = arith.addf %add3A_840, %mul3A_838 : vector<16xf32>
      %convert_element_type3A = arith.sitofp %sub3A_814 : vector<16xi32> to vector<16xf32>
      %mul3A_842 = arith.constant 0.693147182 : f32
      %mul3A_843 = vector.broadcast %mul3A_842 : f32 to vector<16xf32>
      %mul3A_844 = arith.mulf %convert_element_type3A, %mul3A_843 : vector<16xf32>
      %mul3A_845 = arith.constant 2.000000e+00 : f32
      %mul3A_846 = vector.broadcast %mul3A_845 : f32 to vector<16xf32>
      %mul3A_847 = arith.mulf %mul3A_846, %div3A : vector<16xf32>
      %mul3A_848 = arith.mulf %mul3A_847, %add3A_841 : vector<16xf32>
      %add3A_849 = arith.addf %mul3A_844, %mul3A_848 : vector<16xf32>
      %sub3A_850 = arith.constant 4.60517025 : f32
      %sub3A_851 = vector.broadcast %sub3A_850 : f32 to vector<16xf32>
      %sub3A_852 = arith.subf %add3A_849, %sub3A_851 : vector<16xf32>
      %mul3A_853 = arith.constant 7.500000e-01 : f32
      %mul3A_854 = vector.broadcast %mul3A_853 : f32 to vector<16xf32>
      %mul3A_855 = arith.mulf %mul3A_854, %sub3A_852 : vector<16xf32>
      %exp3A = math.exp %mul3A_855 : vector<16xf32>
      %min3A = arith.constant 1.000000e+00 : f32
      %min3A_856 = vector.broadcast %min3A : f32 to vector<16xf32>
      %min3A_857 = arith.minimumf %exp3A, %min3A_856 : vector<16xf32>
      %sub3A_858 = arith.subf %add3A_806, %add3A_849 : vector<16xf32>
      %get3A_859 = arith.constant 0 : index
      %get3A_860 = tpu.vector_load %arg18[%get3A_859] {strides = array<i32>} : memref<16xf32, #tpu.memory_space<vmem>>, vector<16xf32>,
      %mul3A_861 = arith.mulf %min3A_857, %sub3A_858 : vector<16xf32>
      %mul3A_862 = arith.mulf %mul3A_861, %sub3A_858 : vector<16xf32>
      %add3A_863 = arith.addf %get3A_860, %mul3A_862 : vector<16xf32>
      %swap3A_864 = arith.constant 0 : index
      %swap3A_865 = tpu.vector_load %arg18[%swap3A_864] {strides = array<i32>} : memref<16xf32, #tpu.memory_space<vmem>>, vector<16xf32>,
      tpu.vector_store %arg18[%swap3A_864], %add3A_863 {strides = array<i32>} : memref<16xf32, #tpu.memory_space<vmem>>, vector<16xf32>,
    }
    %scan3A_373 = arith.constant 4 : i32
    %dma_start3A_374 = arith.constant 1 : i32
    %dma_start3A_375 = arith.constant 0 : i32
    %dma_start3A_376 = arith.constant 0 : i32
    %dma_start3A_377 = tpu.memref_slice %arg13[%dma_start3A_374, %dma_start3A_375, %dma_start3A_376] : memref<2x64x128xf32, #tpu.memory_space<vmem>> -> memref<1x64x128xf32, #tpu.memory_space<vmem>>
    %dma_start3A_378 = tpu.memref_squeeze %dma_start3A_377 : memref<1x64x128xf32, #tpu.memory_space<vmem>> -> memref<64x128xf32, #tpu.memory_space<vmem>>
    %dma_start3A_379 = arith.constant 320 : i32
    %dma_start3A_380 = tpu.memref_slice %arg10[%dma_start3A_379] : memref<512xi32, #tpu.memory_space<vmem>> -> memref<64xi32, #tpu.memory_space<vmem>>
    %dma_start3A_381 = arith.constant 0 : i32
    %dma_start3A_382 = arith.constant 0 : i32
    %dma_start3A_383 = tpu.memref_slice %arg5[%dma_start3A_381, %dma_start3A_382] : memref<100000x128xf32, #tpu.memory_space<hbm>> -> memref<100000x128xf32, #tpu.memory_space<hbm>>
    tpu.enqueue_indirect_dma source(%dma_start3A_383 : memref<100000x128xf32, #tpu.memory_space<hbm>>) target(%dma_start3A_378 : memref<64x128xf32, #tpu.memory_space<vmem>>) offsets(%dma_start3A_380 : memref<64xi32, #tpu.memory_space<vmem>>) semaphore(%arg20 : memref<!tpu.dma_semaphore, #tpu.memory_space<semaphore_mem>>)
    %dma_start3A_384 = arith.constant 1 : i32
    %dma_start3A_385 = arith.constant 0 : i32
    %dma_start3A_386 = arith.constant 0 : i32
    %dma_start3A_387 = tpu.memref_slice %arg14[%dma_start3A_384, %dma_start3A_385, %dma_start3A_386] : memref<2x64x128xf32, #tpu.memory_space<vmem>> -> memref<1x64x128xf32, #tpu.memory_space<vmem>>
    %dma_start3A_388 = tpu.memref_squeeze %dma_start3A_387 : memref<1x64x128xf32, #tpu.memory_space<vmem>> -> memref<64x128xf32, #tpu.memory_space<vmem>>
    %dma_start3A_389 = arith.constant 320 : i32
    %dma_start3A_390 = tpu.memref_slice %arg11[%dma_start3A_389] : memref<512xi32, #tpu.memory_space<vmem>> -> memref<64xi32, #tpu.memory_space<vmem>>
    %dma_start3A_391 = arith.constant 0 : i32
    %dma_start3A_392 = arith.constant 0 : i32
    %dma_start3A_393 = tpu.memref_slice %arg6[%dma_start3A_391, %dma_start3A_392] : memref<100000x128xf32, #tpu.memory_space<hbm>> -> memref<100000x128xf32, #tpu.memory_space<hbm>>
    tpu.enqueue_indirect_dma source(%dma_start3A_393 : memref<100000x128xf32, #tpu.memory_space<hbm>>) target(%dma_start3A_388 : memref<64x128xf32, #tpu.memory_space<vmem>>) offsets(%dma_start3A_390 : memref<64xi32, #tpu.memory_space<vmem>>) semaphore(%arg20 : memref<!tpu.dma_semaphore, #tpu.memory_space<semaphore_mem>>)
    %dma_start3A_394 = arith.constant 1 : i32
    %dma_start3A_395 = arith.constant 0 : i32
    %dma_start3A_396 = tpu.memref_slice %arg15[%dma_start3A_394, %dma_start3A_395] : memref<2x64xf32, #tpu.memory_space<vmem>> -> memref<1x64xf32, #tpu.memory_space<vmem>>
    %dma_start3A_397 = tpu.memref_squeeze %dma_start3A_396 : memref<1x64xf32, #tpu.memory_space<vmem>> -> memref<64xf32, #tpu.memory_space<vmem>>
    %dma_start3A_398 = arith.constant 320 : i32
    %dma_start3A_399 = tpu.memref_slice %arg10[%dma_start3A_398] : memref<512xi32, #tpu.memory_space<vmem>> -> memref<64xi32, #tpu.memory_space<vmem>>
    %dma_start3A_400 = arith.constant 0 : i32
    %dma_start3A_401 = tpu.memref_slice %arg7[%dma_start3A_400] : memref<100000xf32, #tpu.memory_space<hbm>> -> memref<100000xf32, #tpu.memory_space<hbm>>
    tpu.enqueue_indirect_dma source(%dma_start3A_401 : memref<100000xf32, #tpu.memory_space<hbm>>) target(%dma_start3A_397 : memref<64xf32, #tpu.memory_space<vmem>>) offsets(%dma_start3A_399 : memref<64xi32, #tpu.memory_space<vmem>>) semaphore(%arg20 : memref<!tpu.dma_semaphore, #tpu.memory_space<semaphore_mem>>)
    %dma_start3A_402 = arith.constant 1 : i32
    %dma_start3A_403 = arith.constant 0 : i32
    %dma_start3A_404 = tpu.memref_slice %arg16[%dma_start3A_402, %dma_start3A_403] : memref<2x64xf32, #tpu.memory_space<vmem>> -> memref<1x64xf32, #tpu.memory_space<vmem>>
    %dma_start3A_405 = tpu.memref_squeeze %dma_start3A_404 : memref<1x64xf32, #tpu.memory_space<vmem>> -> memref<64xf32, #tpu.memory_space<vmem>>
    %dma_start3A_406 = arith.constant 320 : i32
    %dma_start3A_407 = tpu.memref_slice %arg11[%dma_start3A_406] : memref<512xi32, #tpu.memory_space<vmem>> -> memref<64xi32, #tpu.memory_space<vmem>>
    %dma_start3A_408 = arith.constant 0 : i32
    %dma_start3A_409 = tpu.memref_slice %arg8[%dma_start3A_408] : memref<100000xf32, #tpu.memory_space<hbm>> -> memref<100000xf32, #tpu.memory_space<hbm>>
    tpu.enqueue_indirect_dma source(%dma_start3A_409 : memref<100000xf32, #tpu.memory_space<hbm>>) target(%dma_start3A_405 : memref<64xf32, #tpu.memory_space<vmem>>) offsets(%dma_start3A_407 : memref<64xi32, #tpu.memory_space<vmem>>) semaphore(%arg20 : memref<!tpu.dma_semaphore, #tpu.memory_space<semaphore_mem>>)
    %dma_wait3A_410 = arith.constant 0 : i32
    %dma_wait3A_411 = arith.constant 0 : i32
    %dma_wait3A_412 = arith.constant 0 : i32
    %dma_wait3A_413 = tpu.memref_slice %arg13[%dma_wait3A_410, %dma_wait3A_411, %dma_wait3A_412] : memref<2x64x128xf32, #tpu.memory_space<vmem>> -> memref<1x64x128xf32, #tpu.memory_space<vmem>>
    %dma_wait3A_414 = tpu.memref_squeeze %dma_wait3A_413 : memref<1x64x128xf32, #tpu.memory_space<vmem>> -> memref<64x128xf32, #tpu.memory_space<vmem>>
    %dma_wait3A_415 = arith.constant 256 : i32
    %dma_wait3A_416 = tpu.memref_slice %arg10[%dma_wait3A_415] : memref<512xi32, #tpu.memory_space<vmem>> -> memref<64xi32, #tpu.memory_space<vmem>>
    %dma_wait3A_417 = arith.constant 0 : i32
    %dma_wait3A_418 = arith.constant 0 : i32
    %dma_wait3A_419 = tpu.memref_slice %arg5[%dma_wait3A_417, %dma_wait3A_418] : memref<100000x128xf32, #tpu.memory_space<hbm>> -> memref<100000x128xf32, #tpu.memory_space<hbm>>
    tpu.wait_indirect_dma semaphore(%arg19 : memref<!tpu.dma_semaphore, #tpu.memory_space<semaphore_mem>>) src(%dma_wait3A_419 : memref<100000x128xf32, #tpu.memory_space<hbm>>) dst(%dma_wait3A_414 : memref<64x128xf32, #tpu.memory_space<vmem>>)
    %dma_wait3A_420 = arith.constant 0 : i32
    %dma_wait3A_421 = arith.constant 0 : i32
    %dma_wait3A_422 = arith.constant 0 : i32
    %dma_wait3A_423 = tpu.memref_slice %arg14[%dma_wait3A_420, %dma_wait3A_421, %dma_wait3A_422] : memref<2x64x128xf32, #tpu.memory_space<vmem>> -> memref<1x64x128xf32, #tpu.memory_space<vmem>>
    %dma_wait3A_424 = tpu.memref_squeeze %dma_wait3A_423 : memref<1x64x128xf32, #tpu.memory_space<vmem>> -> memref<64x128xf32, #tpu.memory_space<vmem>>
    %dma_wait3A_425 = arith.constant 256 : i32
    %dma_wait3A_426 = tpu.memref_slice %arg11[%dma_wait3A_425] : memref<512xi32, #tpu.memory_space<vmem>> -> memref<64xi32, #tpu.memory_space<vmem>>
    %dma_wait3A_427 = arith.constant 0 : i32
    %dma_wait3A_428 = arith.constant 0 : i32
    %dma_wait3A_429 = tpu.memref_slice %arg6[%dma_wait3A_427, %dma_wait3A_428] : memref<100000x128xf32, #tpu.memory_space<hbm>> -> memref<100000x128xf32, #tpu.memory_space<hbm>>
    tpu.wait_indirect_dma semaphore(%arg19 : memref<!tpu.dma_semaphore, #tpu.memory_space<semaphore_mem>>) src(%dma_wait3A_429 : memref<100000x128xf32, #tpu.memory_space<hbm>>) dst(%dma_wait3A_424 : memref<64x128xf32, #tpu.memory_space<vmem>>)
    %dma_wait3A_430 = arith.constant 0 : i32
    %dma_wait3A_431 = arith.constant 0 : i32
    %dma_wait3A_432 = tpu.memref_slice %arg15[%dma_wait3A_430, %dma_wait3A_431] : memref<2x64xf32, #tpu.memory_space<vmem>> -> memref<1x64xf32, #tpu.memory_space<vmem>>
    %dma_wait3A_433 = tpu.memref_squeeze %dma_wait3A_432 : memref<1x64xf32, #tpu.memory_space<vmem>> -> memref<64xf32, #tpu.memory_space<vmem>>
    %dma_wait3A_434 = arith.constant 256 : i32
    %dma_wait3A_435 = tpu.memref_slice %arg10[%dma_wait3A_434] : memref<512xi32, #tpu.memory_space<vmem>> -> memref<64xi32, #tpu.memory_space<vmem>>
    %dma_wait3A_436 = arith.constant 0 : i32
    %dma_wait3A_437 = tpu.memref_slice %arg7[%dma_wait3A_436] : memref<100000xf32, #tpu.memory_space<hbm>> -> memref<100000xf32, #tpu.memory_space<hbm>>
    tpu.wait_indirect_dma semaphore(%arg19 : memref<!tpu.dma_semaphore, #tpu.memory_space<semaphore_mem>>) src(%dma_wait3A_437 : memref<100000xf32, #tpu.memory_space<hbm>>) dst(%dma_wait3A_433 : memref<64xf32, #tpu.memory_space<vmem>>)
    %dma_wait3A_438 = arith.constant 0 : i32
    %dma_wait3A_439 = arith.constant 0 : i32
    %dma_wait3A_440 = tpu.memref_slice %arg16[%dma_wait3A_438, %dma_wait3A_439] : memref<2x64xf32, #tpu.memory_space<vmem>> -> memref<1x64xf32, #tpu.memory_space<vmem>>
    %dma_wait3A_441 = tpu.memref_squeeze %dma_wait3A_440 : memref<1x64xf32, #tpu.memory_space<vmem>> -> memref<64xf32, #tpu.memory_space<vmem>>
    %dma_wait3A_442 = arith.constant 256 : i32
    %dma_wait3A_443 = tpu.memref_slice %arg11[%dma_wait3A_442] : memref<512xi32, #tpu.memory_space<vmem>> -> memref<64xi32, #tpu.memory_space<vmem>>
    %dma_wait3A_444 = arith.constant 0 : i32
    %dma_wait3A_445 = tpu.memref_slice %arg8[%dma_wait3A_444] : memref<100000xf32, #tpu.memory_space<hbm>> -> memref<100000xf32, #tpu.memory_space<hbm>>
    tpu.wait_indirect_dma semaphore(%arg19 : memref<!tpu.dma_semaphore, #tpu.memory_space<semaphore_mem>>) src(%dma_wait3A_445 : memref<100000xf32, #tpu.memory_space<hbm>>) dst(%dma_wait3A_441 : memref<64xf32, #tpu.memory_space<vmem>>)
    %scan3A_446 = arith.constant 0 : i32
    %scan3A_447 = arith.constant 0 : i32
    %scan3A_448 = arith.constant 0 : i32
    %scan3A_449 = arith.constant 0 : i32
    %scan3A_450 = arith.constant 0 : i32
    %scan3A_451 = arith.constant 4 : i32
    %scan3A_452 = arith.addi %scan3A_450, %scan3A_451 : i32
    %scan3A_453 = arith.constant 1 : i32
    scf.for %scan3A_662 = %scan3A_450 to %scan3A_452 step %scan3A_453  : i32 {
      %mul3A_663 = arith.constant 1 : i32
      %mul3A_664 = arith.muli %scan3A_662, %mul3A_663 : i32
      %add3A_665 = arith.constant 0 : i32
      %add3A_666 = arith.addi %add3A_665, %mul3A_664 : i32
      %mul3A_667 = arith.constant 16 : i32
      %mul3A_668 = arith.muli %add3A_666, %mul3A_667 : i32
      %parallel_loop3A = arith.constant 0 : i32
      %parallel_loop3A_669 = arith.constant 16 : i32
      %parallel_loop3A_670 = arith.constant 1 : i32
      scf.for %parallel_loop3A_866 = %parallel_loop3A to %parallel_loop3A_669 step %parallel_loop3A_670  : i32 {
        %parallel_loop3A_867 = arith.addi %mul3A_668, %parallel_loop3A_866 : i32
        %parallel_loop3A_868 = arith.constant 0 : i32
        %parallel_loop3A_869 = arith.constant 0 : i32
        %parallel_loop3A_870 = tpu.memref_slice %arg13[%scan3A_446, %parallel_loop3A_868, %parallel_loop3A_869] : memref<2x64x128xf32, #tpu.memory_space<vmem>> -> memref<1x64x128xf32, #tpu.memory_space<vmem>>
        %parallel_loop3A_871 = tpu.memref_squeeze %parallel_loop3A_870 : memref<1x64x128xf32, #tpu.memory_space<vmem>> -> memref<64x128xf32, #tpu.memory_space<vmem>>
        %parallel_loop3A_872 = arith.index_cast %parallel_loop3A_867 : i32 to index
        %parallel_loop3A_873 = arith.constant 0 : index
        %parallel_loop3A_874 = tpu.vector_load %parallel_loop3A_871[%parallel_loop3A_872, %parallel_loop3A_873] {strides = array<i32>} : memref<64x128xf32, #tpu.memory_space<vmem>>, vector<16xf32>,
        %parallel_loop3A_875 = arith.constant 0 : i32
        %parallel_loop3A_876 = arith.constant 0 : i32
        %parallel_loop3A_877 = tpu.memref_slice %arg14[%scan3A_447, %parallel_loop3A_875, %parallel_loop3A_876] : memref<2x64x128xf32, #tpu.memory_space<vmem>> -> memref<1x64x128xf32, #tpu.memory_space<vmem>>
        %parallel_loop3A_878 = tpu.memref_squeeze %parallel_loop3A_877 : memref<1x64x128xf32, #tpu.memory_space<vmem>> -> memref<64x128xf32, #tpu.memory_space<vmem>>
        %parallel_loop3A_879 = arith.index_cast %parallel_loop3A_867 : i32 to index
        %parallel_loop3A_880 = arith.constant 0 : index
        %parallel_loop3A_881 = tpu.vector_load %parallel_loop3A_878[%parallel_loop3A_879, %parallel_loop3A_880] {strides = array<i32>} : memref<64x128xf32, #tpu.memory_space<vmem>>, vector<16xf32>,
        %parallel_loop3A_882 = arith.mulf %parallel_loop3A_874, %parallel_loop3A_881 : vector<16xf32>
        %parallel_loop3A_883 = arith.constant 0 : i32
        %parallel_loop3A_884 = arith.constant 0 : i32
        %parallel_loop3A_885 = tpu.memref_slice %arg13[%scan3A_446, %parallel_loop3A_883, %parallel_loop3A_884] : memref<2x64x128xf32, #tpu.memory_space<vmem>> -> memref<1x64x128xf32, #tpu.memory_space<vmem>>
        %parallel_loop3A_886 = tpu.memref_squeeze %parallel_loop3A_885 : memref<1x64x128xf32, #tpu.memory_space<vmem>> -> memref<64x128xf32, #tpu.memory_space<vmem>>
        %parallel_loop3A_887 = arith.index_cast %parallel_loop3A_867 : i32 to index
        %parallel_loop3A_888 = arith.constant 16 : index
        %parallel_loop3A_889 = tpu.vector_load %parallel_loop3A_886[%parallel_loop3A_887, %parallel_loop3A_888] {strides = array<i32>} : memref<64x128xf32, #tpu.memory_space<vmem>>, vector<16xf32>,
        %parallel_loop3A_890 = arith.constant 0 : i32
        %parallel_loop3A_891 = arith.constant 0 : i32
        %parallel_loop3A_892 = tpu.memref_slice %arg14[%scan3A_447, %parallel_loop3A_890, %parallel_loop3A_891] : memref<2x64x128xf32, #tpu.memory_space<vmem>> -> memref<1x64x128xf32, #tpu.memory_space<vmem>>
        %parallel_loop3A_893 = tpu.memref_squeeze %parallel_loop3A_892 : memref<1x64x128xf32, #tpu.memory_space<vmem>> -> memref<64x128xf32, #tpu.memory_space<vmem>>
        %parallel_loop3A_894 = arith.index_cast %parallel_loop3A_867 : i32 to index
        %parallel_loop3A_895 = arith.constant 16 : index
        %parallel_loop3A_896 = tpu.vector_load %parallel_loop3A_893[%parallel_loop3A_894, %parallel_loop3A_895] {strides = array<i32>} : memref<64x128xf32, #tpu.memory_space<vmem>>, vector<16xf32>,
        %parallel_loop3A_897 = arith.mulf %parallel_loop3A_889, %parallel_loop3A_896 : vector<16xf32>
        %parallel_loop3A_898 = arith.constant 0 : i32
        %parallel_loop3A_899 = arith.constant 0 : i32
        %parallel_loop3A_900 = tpu.memref_slice %arg13[%scan3A_446, %parallel_loop3A_898, %parallel_loop3A_899] : memref<2x64x128xf32, #tpu.memory_space<vmem>> -> memref<1x64x128xf32, #tpu.memory_space<vmem>>
        %parallel_loop3A_901 = tpu.memref_squeeze %parallel_loop3A_900 : memref<1x64x128xf32, #tpu.memory_space<vmem>> -> memref<64x128xf32, #tpu.memory_space<vmem>>
        %parallel_loop3A_902 = arith.index_cast %parallel_loop3A_867 : i32 to index
        %parallel_loop3A_903 = arith.constant 32 : index
        %parallel_loop3A_904 = tpu.vector_load %parallel_loop3A_901[%parallel_loop3A_902, %parallel_loop3A_903] {strides = array<i32>} : memref<64x128xf32, #tpu.memory_space<vmem>>, vector<16xf32>,
        %parallel_loop3A_905 = arith.constant 0 : i32
        %parallel_loop3A_906 = arith.constant 0 : i32
        %parallel_loop3A_907 = tpu.memref_slice %arg14[%scan3A_447, %parallel_loop3A_905, %parallel_loop3A_906] : memref<2x64x128xf32, #tpu.memory_space<vmem>> -> memref<1x64x128xf32, #tpu.memory_space<vmem>>
        %parallel_loop3A_908 = tpu.memref_squeeze %parallel_loop3A_907 : memref<1x64x128xf32, #tpu.memory_space<vmem>> -> memref<64x128xf32, #tpu.memory_space<vmem>>
        %parallel_loop3A_909 = arith.index_cast %parallel_loop3A_867 : i32 to index
        %parallel_loop3A_910 = arith.constant 32 : index
        %parallel_loop3A_911 = tpu.vector_load %parallel_loop3A_908[%parallel_loop3A_909, %parallel_loop3A_910] {strides = array<i32>} : memref<64x128xf32, #tpu.memory_space<vmem>>, vector<16xf32>,
        %parallel_loop3A_912 = arith.mulf %parallel_loop3A_904, %parallel_loop3A_911 : vector<16xf32>
        %parallel_loop3A_913 = arith.constant 0 : i32
        %parallel_loop3A_914 = arith.constant 0 : i32
        %parallel_loop3A_915 = tpu.memref_slice %arg13[%scan3A_446, %parallel_loop3A_913, %parallel_loop3A_914] : memref<2x64x128xf32, #tpu.memory_space<vmem>> -> memref<1x64x128xf32, #tpu.memory_space<vmem>>
        %parallel_loop3A_916 = tpu.memref_squeeze %parallel_loop3A_915 : memref<1x64x128xf32, #tpu.memory_space<vmem>> -> memref<64x128xf32, #tpu.memory_space<vmem>>
        %parallel_loop3A_917 = arith.index_cast %parallel_loop3A_867 : i32 to index
        %parallel_loop3A_918 = arith.constant 48 : index
        %parallel_loop3A_919 = tpu.vector_load %parallel_loop3A_916[%parallel_loop3A_917, %parallel_loop3A_918] {strides = array<i32>} : memref<64x128xf32, #tpu.memory_space<vmem>>, vector<16xf32>,
        %parallel_loop3A_920 = arith.constant 0 : i32
        %parallel_loop3A_921 = arith.constant 0 : i32
        %parallel_loop3A_922 = tpu.memref_slice %arg14[%scan3A_447, %parallel_loop3A_920, %parallel_loop3A_921] : memref<2x64x128xf32, #tpu.memory_space<vmem>> -> memref<1x64x128xf32, #tpu.memory_space<vmem>>
        %parallel_loop3A_923 = tpu.memref_squeeze %parallel_loop3A_922 : memref<1x64x128xf32, #tpu.memory_space<vmem>> -> memref<64x128xf32, #tpu.memory_space<vmem>>
        %parallel_loop3A_924 = arith.index_cast %parallel_loop3A_867 : i32 to index
        %parallel_loop3A_925 = arith.constant 48 : index
        %parallel_loop3A_926 = tpu.vector_load %parallel_loop3A_923[%parallel_loop3A_924, %parallel_loop3A_925] {strides = array<i32>} : memref<64x128xf32, #tpu.memory_space<vmem>>, vector<16xf32>,
        %parallel_loop3A_927 = arith.mulf %parallel_loop3A_919, %parallel_loop3A_926 : vector<16xf32>
        %parallel_loop3A_928 = arith.constant 0 : i32
        %parallel_loop3A_929 = arith.constant 0 : i32
        %parallel_loop3A_930 = tpu.memref_slice %arg13[%scan3A_446, %parallel_loop3A_928, %parallel_loop3A_929] : memref<2x64x128xf32, #tpu.memory_space<vmem>> -> memref<1x64x128xf32, #tpu.memory_space<vmem>>
        %parallel_loop3A_931 = tpu.memref_squeeze %parallel_loop3A_930 : memref<1x64x128xf32, #tpu.memory_space<vmem>> -> memref<64x128xf32, #tpu.memory_space<vmem>>
        %parallel_loop3A_932 = arith.index_cast %parallel_loop3A_867 : i32 to index
        %parallel_loop3A_933 = arith.constant 64 : index
        %parallel_loop3A_934 = tpu.vector_load %parallel_loop3A_931[%parallel_loop3A_932, %parallel_loop3A_933] {strides = array<i32>} : memref<64x128xf32, #tpu.memory_space<vmem>>, vector<16xf32>,
        %parallel_loop3A_935 = arith.constant 0 : i32
        %parallel_loop3A_936 = arith.constant 0 : i32
        %parallel_loop3A_937 = tpu.memref_slice %arg14[%scan3A_447, %parallel_loop3A_935, %parallel_loop3A_936] : memref<2x64x128xf32, #tpu.memory_space<vmem>> -> memref<1x64x128xf32, #tpu.memory_space<vmem>>
        %parallel_loop3A_938 = tpu.memref_squeeze %parallel_loop3A_937 : memref<1x64x128xf32, #tpu.memory_space<vmem>> -> memref<64x128xf32, #tpu.memory_space<vmem>>
        %parallel_loop3A_939 = arith.index_cast %parallel_loop3A_867 : i32 to index
        %parallel_loop3A_940 = arith.constant 64 : index
        %parallel_loop3A_941 = tpu.vector_load %parallel_loop3A_938[%parallel_loop3A_939, %parallel_loop3A_940] {strides = array<i32>} : memref<64x128xf32, #tpu.memory_space<vmem>>, vector<16xf32>,
        %parallel_loop3A_942 = arith.mulf %parallel_loop3A_934, %parallel_loop3A_941 : vector<16xf32>
        %parallel_loop3A_943 = arith.constant 0 : i32
        %parallel_loop3A_944 = arith.constant 0 : i32
        %parallel_loop3A_945 = tpu.memref_slice %arg13[%scan3A_446, %parallel_loop3A_943, %parallel_loop3A_944] : memref<2x64x128xf32, #tpu.memory_space<vmem>> -> memref<1x64x128xf32, #tpu.memory_space<vmem>>
        %parallel_loop3A_946 = tpu.memref_squeeze %parallel_loop3A_945 : memref<1x64x128xf32, #tpu.memory_space<vmem>> -> memref<64x128xf32, #tpu.memory_space<vmem>>
        %parallel_loop3A_947 = arith.index_cast %parallel_loop3A_867 : i32 to index
        %parallel_loop3A_948 = arith.constant 80 : index
        %parallel_loop3A_949 = tpu.vector_load %parallel_loop3A_946[%parallel_loop3A_947, %parallel_loop3A_948] {strides = array<i32>} : memref<64x128xf32, #tpu.memory_space<vmem>>, vector<16xf32>,
        %parallel_loop3A_950 = arith.constant 0 : i32
        %parallel_loop3A_951 = arith.constant 0 : i32
        %parallel_loop3A_952 = tpu.memref_slice %arg14[%scan3A_447, %parallel_loop3A_950, %parallel_loop3A_951] : memref<2x64x128xf32, #tpu.memory_space<vmem>> -> memref<1x64x128xf32, #tpu.memory_space<vmem>>
        %parallel_loop3A_953 = tpu.memref_squeeze %parallel_loop3A_952 : memref<1x64x128xf32, #tpu.memory_space<vmem>> -> memref<64x128xf32, #tpu.memory_space<vmem>>
        %parallel_loop3A_954 = arith.index_cast %parallel_loop3A_867 : i32 to index
        %parallel_loop3A_955 = arith.constant 80 : index
        %parallel_loop3A_956 = tpu.vector_load %parallel_loop3A_953[%parallel_loop3A_954, %parallel_loop3A_955] {strides = array<i32>} : memref<64x128xf32, #tpu.memory_space<vmem>>, vector<16xf32>,
        %parallel_loop3A_957 = arith.mulf %parallel_loop3A_949, %parallel_loop3A_956 : vector<16xf32>
        %parallel_loop3A_958 = arith.constant 0 : i32
        %parallel_loop3A_959 = arith.constant 0 : i32
        %parallel_loop3A_960 = tpu.memref_slice %arg13[%scan3A_446, %parallel_loop3A_958, %parallel_loop3A_959] : memref<2x64x128xf32, #tpu.memory_space<vmem>> -> memref<1x64x128xf32, #tpu.memory_space<vmem>>
        %parallel_loop3A_961 = tpu.memref_squeeze %parallel_loop3A_960 : memref<1x64x128xf32, #tpu.memory_space<vmem>> -> memref<64x128xf32, #tpu.memory_space<vmem>>
        %parallel_loop3A_962 = arith.index_cast %parallel_loop3A_867 : i32 to index
        %parallel_loop3A_963 = arith.constant 96 : index
        %parallel_loop3A_964 = tpu.vector_load %parallel_loop3A_961[%parallel_loop3A_962, %parallel_loop3A_963] {strides = array<i32>} : memref<64x128xf32, #tpu.memory_space<vmem>>, vector<16xf32>,
        %parallel_loop3A_965 = arith.constant 0 : i32
        %parallel_loop3A_966 = arith.constant 0 : i32
        %parallel_loop3A_967 = tpu.memref_slice %arg14[%scan3A_447, %parallel_loop3A_965, %parallel_loop3A_966] : memref<2x64x128xf32, #tpu.memory_space<vmem>> -> memref<1x64x128xf32, #tpu.memory_space<vmem>>
        %parallel_loop3A_968 = tpu.memref_squeeze %parallel_loop3A_967 : memref<1x64x128xf32, #tpu.memory_space<vmem>> -> memref<64x128xf32, #tpu.memory_space<vmem>>
        %parallel_loop3A_969 = arith.index_cast %parallel_loop3A_867 : i32 to index
        %parallel_loop3A_970 = arith.constant 96 : index
        %parallel_loop3A_971 = tpu.vector_load %parallel_loop3A_968[%parallel_loop3A_969, %parallel_loop3A_970] {strides = array<i32>} : memref<64x128xf32, #tpu.memory_space<vmem>>, vector<16xf32>,
        %parallel_loop3A_972 = arith.mulf %parallel_loop3A_964, %parallel_loop3A_971 : vector<16xf32>
        %parallel_loop3A_973 = arith.constant 0 : i32
        %parallel_loop3A_974 = arith.constant 0 : i32
        %parallel_loop3A_975 = tpu.memref_slice %arg13[%scan3A_446, %parallel_loop3A_973, %parallel_loop3A_974] : memref<2x64x128xf32, #tpu.memory_space<vmem>> -> memref<1x64x128xf32, #tpu.memory_space<vmem>>
        %parallel_loop3A_976 = tpu.memref_squeeze %parallel_loop3A_975 : memref<1x64x128xf32, #tpu.memory_space<vmem>> -> memref<64x128xf32, #tpu.memory_space<vmem>>
        %parallel_loop3A_977 = arith.index_cast %parallel_loop3A_867 : i32 to index
        %parallel_loop3A_978 = arith.constant 112 : index
        %parallel_loop3A_979 = tpu.vector_load %parallel_loop3A_976[%parallel_loop3A_977, %parallel_loop3A_978] {strides = array<i32>} : memref<64x128xf32, #tpu.memory_space<vmem>>, vector<16xf32>,
        %parallel_loop3A_980 = arith.constant 0 : i32
        %parallel_loop3A_981 = arith.constant 0 : i32
        %parallel_loop3A_982 = tpu.memref_slice %arg14[%scan3A_447, %parallel_loop3A_980, %parallel_loop3A_981] : memref<2x64x128xf32, #tpu.memory_space<vmem>> -> memref<1x64x128xf32, #tpu.memory_space<vmem>>
        %parallel_loop3A_983 = tpu.memref_squeeze %parallel_loop3A_982 : memref<1x64x128xf32, #tpu.memory_space<vmem>> -> memref<64x128xf32, #tpu.memory_space<vmem>>
        %parallel_loop3A_984 = arith.index_cast %parallel_loop3A_867 : i32 to index
        %parallel_loop3A_985 = arith.constant 112 : index
        %parallel_loop3A_986 = tpu.vector_load %parallel_loop3A_983[%parallel_loop3A_984, %parallel_loop3A_985] {strides = array<i32>} : memref<64x128xf32, #tpu.memory_space<vmem>>, vector<16xf32>,
        %parallel_loop3A_987 = arith.mulf %parallel_loop3A_979, %parallel_loop3A_986 : vector<16xf32>
        %parallel_loop3A_988 = arith.addf %parallel_loop3A_882, %parallel_loop3A_897 : vector<16xf32>
        %parallel_loop3A_989 = arith.addf %parallel_loop3A_912, %parallel_loop3A_927 : vector<16xf32>
        %parallel_loop3A_990 = arith.addf %parallel_loop3A_988, %parallel_loop3A_989 : vector<16xf32>
        %parallel_loop3A_991 = arith.addf %parallel_loop3A_942, %parallel_loop3A_957 : vector<16xf32>
        %parallel_loop3A_992 = arith.addf %parallel_loop3A_972, %parallel_loop3A_987 : vector<16xf32>
        %parallel_loop3A_993 = arith.addf %parallel_loop3A_991, %parallel_loop3A_992 : vector<16xf32>
        %parallel_loop3A_994 = arith.addf %parallel_loop3A_990, %parallel_loop3A_993 : vector<16xf32>
        %parallel_loop3A_995 = arith.index_cast %parallel_loop3A_866 : i32 to index
        %parallel_loop3A_996 = arith.constant 0 : index
        %parallel_loop3A_997 = tpu.vector_load %arg17[%parallel_loop3A_995, %parallel_loop3A_996] {strides = array<i32>} : memref<16x16xf32, #tpu.memory_space<vmem>>, vector<16xf32>,
        tpu.vector_store %arg17[%parallel_loop3A_995, %parallel_loop3A_996], %parallel_loop3A_994 {strides = array<i32>} : memref<16x16xf32, #tpu.memory_space<vmem>>, vector<16xf32>,
      } {sc.loop_unroll_factor = 4 : i64, sc.parallel_access}
      %add3A_671 = arith.constant 0 : i32
      %add3A_672 = vector.broadcast %add3A_671 : i32 to vector<16xi32>
      %add3A_673 = arith.addi %iota3A, %add3A_672 : vector<16xi32>
      %and3A = arith.constant 15 : i32
      %and3A_674 = vector.broadcast %and3A : i32 to vector<16xi32>
      %and3A_675 = arith.andi %add3A_673, %and3A_674 : vector<16xi32>
      %gather3A = tpu.vector_load_idx %arg17[%iota3A, %and3A_675] : memref<16x16xf32, #tpu.memory_space<vmem>>[vector<16xi32>, vector<16xi32>], vector<16xf32>,
      %add3A_676 = arith.constant 1 : i32
      %add3A_677 = vector.broadcast %add3A_676 : i32 to vector<16xi32>
      %add3A_678 = arith.addi %iota3A, %add3A_677 : vector<16xi32>
      %and3A_679 = arith.constant 15 : i32
      %and3A_680 = vector.broadcast %and3A_679 : i32 to vector<16xi32>
      %and3A_681 = arith.andi %add3A_678, %and3A_680 : vector<16xi32>
      %gather3A_682 = tpu.vector_load_idx %arg17[%iota3A, %and3A_681] : memref<16x16xf32, #tpu.memory_space<vmem>>[vector<16xi32>, vector<16xi32>], vector<16xf32>,
      %add3A_683 = arith.constant 2 : i32
      %add3A_684 = vector.broadcast %add3A_683 : i32 to vector<16xi32>
      %add3A_685 = arith.addi %iota3A, %add3A_684 : vector<16xi32>
      %and3A_686 = arith.constant 15 : i32
      %and3A_687 = vector.broadcast %and3A_686 : i32 to vector<16xi32>
      %and3A_688 = arith.andi %add3A_685, %and3A_687 : vector<16xi32>
      %gather3A_689 = tpu.vector_load_idx %arg17[%iota3A, %and3A_688] : memref<16x16xf32, #tpu.memory_space<vmem>>[vector<16xi32>, vector<16xi32>], vector<16xf32>,
      %add3A_690 = arith.constant 3 : i32
      %add3A_691 = vector.broadcast %add3A_690 : i32 to vector<16xi32>
      %add3A_692 = arith.addi %iota3A, %add3A_691 : vector<16xi32>
      %and3A_693 = arith.constant 15 : i32
      %and3A_694 = vector.broadcast %and3A_693 : i32 to vector<16xi32>
      %and3A_695 = arith.andi %add3A_692, %and3A_694 : vector<16xi32>
      %gather3A_696 = tpu.vector_load_idx %arg17[%iota3A, %and3A_695] : memref<16x16xf32, #tpu.memory_space<vmem>>[vector<16xi32>, vector<16xi32>], vector<16xf32>,
      %add3A_697 = arith.constant 4 : i32
      %add3A_698 = vector.broadcast %add3A_697 : i32 to vector<16xi32>
      %add3A_699 = arith.addi %iota3A, %add3A_698 : vector<16xi32>
      %and3A_700 = arith.constant 15 : i32
      %and3A_701 = vector.broadcast %and3A_700 : i32 to vector<16xi32>
      %and3A_702 = arith.andi %add3A_699, %and3A_701 : vector<16xi32>
      %gather3A_703 = tpu.vector_load_idx %arg17[%iota3A, %and3A_702] : memref<16x16xf32, #tpu.memory_space<vmem>>[vector<16xi32>, vector<16xi32>], vector<16xf32>,
      %add3A_704 = arith.constant 5 : i32
      %add3A_705 = vector.broadcast %add3A_704 : i32 to vector<16xi32>
      %add3A_706 = arith.addi %iota3A, %add3A_705 : vector<16xi32>
      %and3A_707 = arith.constant 15 : i32
      %and3A_708 = vector.broadcast %and3A_707 : i32 to vector<16xi32>
      %and3A_709 = arith.andi %add3A_706, %and3A_708 : vector<16xi32>
      %gather3A_710 = tpu.vector_load_idx %arg17[%iota3A, %and3A_709] : memref<16x16xf32, #tpu.memory_space<vmem>>[vector<16xi32>, vector<16xi32>], vector<16xf32>,
      %add3A_711 = arith.constant 6 : i32
      %add3A_712 = vector.broadcast %add3A_711 : i32 to vector<16xi32>
      %add3A_713 = arith.addi %iota3A, %add3A_712 : vector<16xi32>
      %and3A_714 = arith.constant 15 : i32
      %and3A_715 = vector.broadcast %and3A_714 : i32 to vector<16xi32>
      %and3A_716 = arith.andi %add3A_713, %and3A_715 : vector<16xi32>
      %gather3A_717 = tpu.vector_load_idx %arg17[%iota3A, %and3A_716] : memref<16x16xf32, #tpu.memory_space<vmem>>[vector<16xi32>, vector<16xi32>], vector<16xf32>,
      %add3A_718 = arith.constant 7 : i32
      %add3A_719 = vector.broadcast %add3A_718 : i32 to vector<16xi32>
      %add3A_720 = arith.addi %iota3A, %add3A_719 : vector<16xi32>
      %and3A_721 = arith.constant 15 : i32
      %and3A_722 = vector.broadcast %and3A_721 : i32 to vector<16xi32>
      %and3A_723 = arith.andi %add3A_720, %and3A_722 : vector<16xi32>
      %gather3A_724 = tpu.vector_load_idx %arg17[%iota3A, %and3A_723] : memref<16x16xf32, #tpu.memory_space<vmem>>[vector<16xi32>, vector<16xi32>], vector<16xf32>,
      %add3A_725 = arith.constant 8 : i32
      %add3A_726 = vector.broadcast %add3A_725 : i32 to vector<16xi32>
      %add3A_727 = arith.addi %iota3A, %add3A_726 : vector<16xi32>
      %and3A_728 = arith.constant 15 : i32
      %and3A_729 = vector.broadcast %and3A_728 : i32 to vector<16xi32>
      %and3A_730 = arith.andi %add3A_727, %and3A_729 : vector<16xi32>
      %gather3A_731 = tpu.vector_load_idx %arg17[%iota3A, %and3A_730] : memref<16x16xf32, #tpu.memory_space<vmem>>[vector<16xi32>, vector<16xi32>], vector<16xf32>,
      %add3A_732 = arith.constant 9 : i32
      %add3A_733 = vector.broadcast %add3A_732 : i32 to vector<16xi32>
      %add3A_734 = arith.addi %iota3A, %add3A_733 : vector<16xi32>
      %and3A_735 = arith.constant 15 : i32
      %and3A_736 = vector.broadcast %and3A_735 : i32 to vector<16xi32>
      %and3A_737 = arith.andi %add3A_734, %and3A_736 : vector<16xi32>
      %gather3A_738 = tpu.vector_load_idx %arg17[%iota3A, %and3A_737] : memref<16x16xf32, #tpu.memory_space<vmem>>[vector<16xi32>, vector<16xi32>], vector<16xf32>,
      %add3A_739 = arith.constant 10 : i32
      %add3A_740 = vector.broadcast %add3A_739 : i32 to vector<16xi32>
      %add3A_741 = arith.addi %iota3A, %add3A_740 : vector<16xi32>
      %and3A_742 = arith.constant 15 : i32
      %and3A_743 = vector.broadcast %and3A_742 : i32 to vector<16xi32>
      %and3A_744 = arith.andi %add3A_741, %and3A_743 : vector<16xi32>
      %gather3A_745 = tpu.vector_load_idx %arg17[%iota3A, %and3A_744] : memref<16x16xf32, #tpu.memory_space<vmem>>[vector<16xi32>, vector<16xi32>], vector<16xf32>,
      %add3A_746 = arith.constant 11 : i32
      %add3A_747 = vector.broadcast %add3A_746 : i32 to vector<16xi32>
      %add3A_748 = arith.addi %iota3A, %add3A_747 : vector<16xi32>
      %and3A_749 = arith.constant 15 : i32
      %and3A_750 = vector.broadcast %and3A_749 : i32 to vector<16xi32>
      %and3A_751 = arith.andi %add3A_748, %and3A_750 : vector<16xi32>
      %gather3A_752 = tpu.vector_load_idx %arg17[%iota3A, %and3A_751] : memref<16x16xf32, #tpu.memory_space<vmem>>[vector<16xi32>, vector<16xi32>], vector<16xf32>,
      %add3A_753 = arith.constant 12 : i32
      %add3A_754 = vector.broadcast %add3A_753 : i32 to vector<16xi32>
      %add3A_755 = arith.addi %iota3A, %add3A_754 : vector<16xi32>
      %and3A_756 = arith.constant 15 : i32
      %and3A_757 = vector.broadcast %and3A_756 : i32 to vector<16xi32>
      %and3A_758 = arith.andi %add3A_755, %and3A_757 : vector<16xi32>
      %gather3A_759 = tpu.vector_load_idx %arg17[%iota3A, %and3A_758] : memref<16x16xf32, #tpu.memory_space<vmem>>[vector<16xi32>, vector<16xi32>], vector<16xf32>,
      %add3A_760 = arith.constant 13 : i32
      %add3A_761 = vector.broadcast %add3A_760 : i32 to vector<16xi32>
      %add3A_762 = arith.addi %iota3A, %add3A_761 : vector<16xi32>
      %and3A_763 = arith.constant 15 : i32
      %and3A_764 = vector.broadcast %and3A_763 : i32 to vector<16xi32>
      %and3A_765 = arith.andi %add3A_762, %and3A_764 : vector<16xi32>
      %gather3A_766 = tpu.vector_load_idx %arg17[%iota3A, %and3A_765] : memref<16x16xf32, #tpu.memory_space<vmem>>[vector<16xi32>, vector<16xi32>], vector<16xf32>,
      %add3A_767 = arith.constant 14 : i32
      %add3A_768 = vector.broadcast %add3A_767 : i32 to vector<16xi32>
      %add3A_769 = arith.addi %iota3A, %add3A_768 : vector<16xi32>
      %and3A_770 = arith.constant 15 : i32
      %and3A_771 = vector.broadcast %and3A_770 : i32 to vector<16xi32>
      %and3A_772 = arith.andi %add3A_769, %and3A_771 : vector<16xi32>
      %gather3A_773 = tpu.vector_load_idx %arg17[%iota3A, %and3A_772] : memref<16x16xf32, #tpu.memory_space<vmem>>[vector<16xi32>, vector<16xi32>], vector<16xf32>,
      %add3A_774 = arith.constant 15 : i32
      %add3A_775 = vector.broadcast %add3A_774 : i32 to vector<16xi32>
      %add3A_776 = arith.addi %iota3A, %add3A_775 : vector<16xi32>
      %and3A_777 = arith.constant 15 : i32
      %and3A_778 = vector.broadcast %and3A_777 : i32 to vector<16xi32>
      %and3A_779 = arith.andi %add3A_776, %and3A_778 : vector<16xi32>
      %gather3A_780 = tpu.vector_load_idx %arg17[%iota3A, %and3A_779] : memref<16x16xf32, #tpu.memory_space<vmem>>[vector<16xi32>, vector<16xi32>], vector<16xf32>,
      %add3A_781 = arith.addf %gather3A, %gather3A_682 : vector<16xf32>
      %add3A_782 = arith.addf %gather3A_689, %gather3A_696 : vector<16xf32>
      %add3A_783 = arith.addf %gather3A_703, %gather3A_710 : vector<16xf32>
      %add3A_784 = arith.addf %gather3A_717, %gather3A_724 : vector<16xf32>
      %add3A_785 = arith.addf %gather3A_731, %gather3A_738 : vector<16xf32>
      %add3A_786 = arith.addf %gather3A_745, %gather3A_752 : vector<16xf32>
      %add3A_787 = arith.addf %gather3A_759, %gather3A_766 : vector<16xf32>
      %add3A_788 = arith.addf %gather3A_773, %gather3A_780 : vector<16xf32>
      %add3A_789 = arith.addf %add3A_781, %add3A_782 : vector<16xf32>
      %add3A_790 = arith.addf %add3A_783, %add3A_784 : vector<16xf32>
      %add3A_791 = arith.addf %add3A_785, %add3A_786 : vector<16xf32>
      %add3A_792 = arith.addf %add3A_787, %add3A_788 : vector<16xf32>
      %add3A_793 = arith.addf %add3A_789, %add3A_790 : vector<16xf32>
      %add3A_794 = arith.addf %add3A_791, %add3A_792 : vector<16xf32>
      %add3A_795 = arith.addf %add3A_793, %add3A_794 : vector<16xf32>
      %get3A = arith.constant 0 : i32
      %get3A_796 = tpu.memref_slice %arg15[%scan3A_448, %get3A] : memref<2x64xf32, #tpu.memory_space<vmem>> -> memref<1x64xf32, #tpu.memory_space<vmem>>
      %get3A_797 = tpu.memref_squeeze %get3A_796 : memref<1x64xf32, #tpu.memory_space<vmem>> -> memref<64xf32, #tpu.memory_space<vmem>>
      %get3A_798 = arith.index_cast %mul3A_668 : i32 to index
      %get3A_799 = tpu.vector_load %get3A_797[%get3A_798] {strides = array<i32>} : memref<64xf32, #tpu.memory_space<vmem>>, vector<16xf32>,
      %add3A_800 = arith.addf %add3A_795, %get3A_799 : vector<16xf32>
      %get3A_801 = arith.constant 0 : i32
      %get3A_802 = tpu.memref_slice %arg16[%scan3A_449, %get3A_801] : memref<2x64xf32, #tpu.memory_space<vmem>> -> memref<1x64xf32, #tpu.memory_space<vmem>>
      %get3A_803 = tpu.memref_squeeze %get3A_802 : memref<1x64xf32, #tpu.memory_space<vmem>> -> memref<64xf32, #tpu.memory_space<vmem>>
      %get3A_804 = arith.index_cast %mul3A_668 : i32 to index
      %get3A_805 = tpu.vector_load %get3A_803[%get3A_804] {strides = array<i32>} : memref<64xf32, #tpu.memory_space<vmem>>, vector<16xf32>,
      %add3A_806 = arith.addf %add3A_800, %get3A_805 : vector<16xf32>
      %add3A_807 = arith.constant 256 : i32
      %add3A_808 = arith.addi %add3A_807, %mul3A_668 : i32
      %get3A_809 = arith.index_cast %add3A_808 : i32 to index
      %get3A_810 = tpu.vector_load %arg12[%get3A_809] {strides = array<i32>} : memref<512xf32, #tpu.memory_space<vmem>>, vector<16xf32>,
      %bitcast3A = vector.bitcast %get3A_810 : vector<16xf32> to vector<16xi32>
      %shift_right_arithmetic3A = arith.constant 23 : i32
      %shift_right_arithmetic3A_811 = vector.broadcast %shift_right_arithmetic3A : i32 to vector<16xi32>
      %shift_right_arithmetic3A_812 = arith.shrsi %bitcast3A, %shift_right_arithmetic3A_811 : vector<16xi32>
      %sub3A = arith.constant 127 : i32
      %sub3A_813 = vector.broadcast %sub3A : i32 to vector<16xi32>
      %sub3A_814 = arith.subi %shift_right_arithmetic3A_812, %sub3A_813 : vector<16xi32>
      %and3A_815 = arith.constant 8388607 : i32
      %and3A_816 = vector.broadcast %and3A_815 : i32 to vector<16xi32>
      %and3A_817 = arith.andi %bitcast3A, %and3A_816 : vector<16xi32>
      %or3A = arith.constant 1065353216 : i32
      %or3A_818 = vector.broadcast %or3A : i32 to vector<16xi32>
      %or3A_819 = arith.ori %and3A_817, %or3A_818 : vector<16xi32>
      %bitcast3A_820 = vector.bitcast %or3A_819 : vector<16xi32> to vector<16xf32>
      %sub3A_821 = arith.constant 1.000000e+00 : f32
      %sub3A_822 = vector.broadcast %sub3A_821 : f32 to vector<16xf32>
      %sub3A_823 = arith.subf %bitcast3A_820, %sub3A_822 : vector<16xf32>
      %add3A_824 = arith.constant 1.000000e+00 : f32
      %add3A_825 = vector.broadcast %add3A_824 : f32 to vector<16xf32>
      %add3A_826 = arith.addf %bitcast3A_820, %add3A_825 : vector<16xf32>
      %div3A = arith.divf %sub3A_823, %add3A_826 : vector<16xf32>
      %mul3A_827 = arith.mulf %div3A, %div3A : vector<16xf32>
      %mul3A_828 = arith.constant 0.142857149 : f32
      %mul3A_829 = vector.broadcast %mul3A_828 : f32 to vector<16xf32>
      %mul3A_830 = arith.mulf %mul3A_827, %mul3A_829 : vector<16xf32>
      %add3A_831 = arith.constant 2.000000e-01 : f32
      %add3A_832 = vector.broadcast %add3A_831 : f32 to vector<16xf32>
      %add3A_833 = arith.addf %add3A_832, %mul3A_830 : vector<16xf32>
      %mul3A_834 = arith.mulf %mul3A_827, %add3A_833 : vector<16xf32>
      %add3A_835 = arith.constant 0.333333343 : f32
      %add3A_836 = vector.broadcast %add3A_835 : f32 to vector<16xf32>
      %add3A_837 = arith.addf %add3A_836, %mul3A_834 : vector<16xf32>
      %mul3A_838 = arith.mulf %mul3A_827, %add3A_837 : vector<16xf32>
      %add3A_839 = arith.constant 1.000000e+00 : f32
      %add3A_840 = vector.broadcast %add3A_839 : f32 to vector<16xf32>
      %add3A_841 = arith.addf %add3A_840, %mul3A_838 : vector<16xf32>
      %convert_element_type3A = arith.sitofp %sub3A_814 : vector<16xi32> to vector<16xf32>
      %mul3A_842 = arith.constant 0.693147182 : f32
      %mul3A_843 = vector.broadcast %mul3A_842 : f32 to vector<16xf32>
      %mul3A_844 = arith.mulf %convert_element_type3A, %mul3A_843 : vector<16xf32>
      %mul3A_845 = arith.constant 2.000000e+00 : f32
      %mul3A_846 = vector.broadcast %mul3A_845 : f32 to vector<16xf32>
      %mul3A_847 = arith.mulf %mul3A_846, %div3A : vector<16xf32>
      %mul3A_848 = arith.mulf %mul3A_847, %add3A_841 : vector<16xf32>
      %add3A_849 = arith.addf %mul3A_844, %mul3A_848 : vector<16xf32>
      %sub3A_850 = arith.constant 4.60517025 : f32
      %sub3A_851 = vector.broadcast %sub3A_850 : f32 to vector<16xf32>
      %sub3A_852 = arith.subf %add3A_849, %sub3A_851 : vector<16xf32>
      %mul3A_853 = arith.constant 7.500000e-01 : f32
      %mul3A_854 = vector.broadcast %mul3A_853 : f32 to vector<16xf32>
      %mul3A_855 = arith.mulf %mul3A_854, %sub3A_852 : vector<16xf32>
      %exp3A = math.exp %mul3A_855 : vector<16xf32>
      %min3A = arith.constant 1.000000e+00 : f32
      %min3A_856 = vector.broadcast %min3A : f32 to vector<16xf32>
      %min3A_857 = arith.minimumf %exp3A, %min3A_856 : vector<16xf32>
      %sub3A_858 = arith.subf %add3A_806, %add3A_849 : vector<16xf32>
      %get3A_859 = arith.constant 0 : index
      %get3A_860 = tpu.vector_load %arg18[%get3A_859] {strides = array<i32>} : memref<16xf32, #tpu.memory_space<vmem>>, vector<16xf32>,
      %mul3A_861 = arith.mulf %min3A_857, %sub3A_858 : vector<16xf32>
      %mul3A_862 = arith.mulf %mul3A_861, %sub3A_858 : vector<16xf32>
      %add3A_863 = arith.addf %get3A_860, %mul3A_862 : vector<16xf32>
      %swap3A_864 = arith.constant 0 : index
      %swap3A_865 = tpu.vector_load %arg18[%swap3A_864] {strides = array<i32>} : memref<16xf32, #tpu.memory_space<vmem>>, vector<16xf32>,
      tpu.vector_store %arg18[%swap3A_864], %add3A_863 {strides = array<i32>} : memref<16xf32, #tpu.memory_space<vmem>>, vector<16xf32>,
    }
    %scan3A_454 = arith.constant 4 : i32
    %dma_start3A_455 = arith.constant 0 : i32
    %dma_start3A_456 = arith.constant 0 : i32
    %dma_start3A_457 = arith.constant 0 : i32
    %dma_start3A_458 = tpu.memref_slice %arg13[%dma_start3A_455, %dma_start3A_456, %dma_start3A_457] : memref<2x64x128xf32, #tpu.memory_space<vmem>> -> memref<1x64x128xf32, #tpu.memory_space<vmem>>
    %dma_start3A_459 = tpu.memref_squeeze %dma_start3A_458 : memref<1x64x128xf32, #tpu.memory_space<vmem>> -> memref<64x128xf32, #tpu.memory_space<vmem>>
    %dma_start3A_460 = arith.constant 384 : i32
    %dma_start3A_461 = tpu.memref_slice %arg10[%dma_start3A_460] : memref<512xi32, #tpu.memory_space<vmem>> -> memref<64xi32, #tpu.memory_space<vmem>>
    %dma_start3A_462 = arith.constant 0 : i32
    %dma_start3A_463 = arith.constant 0 : i32
    %dma_start3A_464 = tpu.memref_slice %arg5[%dma_start3A_462, %dma_start3A_463] : memref<100000x128xf32, #tpu.memory_space<hbm>> -> memref<100000x128xf32, #tpu.memory_space<hbm>>
    tpu.enqueue_indirect_dma source(%dma_start3A_464 : memref<100000x128xf32, #tpu.memory_space<hbm>>) target(%dma_start3A_459 : memref<64x128xf32, #tpu.memory_space<vmem>>) offsets(%dma_start3A_461 : memref<64xi32, #tpu.memory_space<vmem>>) semaphore(%arg19 : memref<!tpu.dma_semaphore, #tpu.memory_space<semaphore_mem>>)
    %dma_start3A_465 = arith.constant 0 : i32
    %dma_start3A_466 = arith.constant 0 : i32
    %dma_start3A_467 = arith.constant 0 : i32
    %dma_start3A_468 = tpu.memref_slice %arg14[%dma_start3A_465, %dma_start3A_466, %dma_start3A_467] : memref<2x64x128xf32, #tpu.memory_space<vmem>> -> memref<1x64x128xf32, #tpu.memory_space<vmem>>
    %dma_start3A_469 = tpu.memref_squeeze %dma_start3A_468 : memref<1x64x128xf32, #tpu.memory_space<vmem>> -> memref<64x128xf32, #tpu.memory_space<vmem>>
    %dma_start3A_470 = arith.constant 384 : i32
    %dma_start3A_471 = tpu.memref_slice %arg11[%dma_start3A_470] : memref<512xi32, #tpu.memory_space<vmem>> -> memref<64xi32, #tpu.memory_space<vmem>>
    %dma_start3A_472 = arith.constant 0 : i32
    %dma_start3A_473 = arith.constant 0 : i32
    %dma_start3A_474 = tpu.memref_slice %arg6[%dma_start3A_472, %dma_start3A_473] : memref<100000x128xf32, #tpu.memory_space<hbm>> -> memref<100000x128xf32, #tpu.memory_space<hbm>>
    tpu.enqueue_indirect_dma source(%dma_start3A_474 : memref<100000x128xf32, #tpu.memory_space<hbm>>) target(%dma_start3A_469 : memref<64x128xf32, #tpu.memory_space<vmem>>) offsets(%dma_start3A_471 : memref<64xi32, #tpu.memory_space<vmem>>) semaphore(%arg19 : memref<!tpu.dma_semaphore, #tpu.memory_space<semaphore_mem>>)
    %dma_start3A_475 = arith.constant 0 : i32
    %dma_start3A_476 = arith.constant 0 : i32
    %dma_start3A_477 = tpu.memref_slice %arg15[%dma_start3A_475, %dma_start3A_476] : memref<2x64xf32, #tpu.memory_space<vmem>> -> memref<1x64xf32, #tpu.memory_space<vmem>>
    %dma_start3A_478 = tpu.memref_squeeze %dma_start3A_477 : memref<1x64xf32, #tpu.memory_space<vmem>> -> memref<64xf32, #tpu.memory_space<vmem>>
    %dma_start3A_479 = arith.constant 384 : i32
    %dma_start3A_480 = tpu.memref_slice %arg10[%dma_start3A_479] : memref<512xi32, #tpu.memory_space<vmem>> -> memref<64xi32, #tpu.memory_space<vmem>>
    %dma_start3A_481 = arith.constant 0 : i32
    %dma_start3A_482 = tpu.memref_slice %arg7[%dma_start3A_481] : memref<100000xf32, #tpu.memory_space<hbm>> -> memref<100000xf32, #tpu.memory_space<hbm>>
    tpu.enqueue_indirect_dma source(%dma_start3A_482 : memref<100000xf32, #tpu.memory_space<hbm>>) target(%dma_start3A_478 : memref<64xf32, #tpu.memory_space<vmem>>) offsets(%dma_start3A_480 : memref<64xi32, #tpu.memory_space<vmem>>) semaphore(%arg19 : memref<!tpu.dma_semaphore, #tpu.memory_space<semaphore_mem>>)
    %dma_start3A_483 = arith.constant 0 : i32
    %dma_start3A_484 = arith.constant 0 : i32
    %dma_start3A_485 = tpu.memref_slice %arg16[%dma_start3A_483, %dma_start3A_484] : memref<2x64xf32, #tpu.memory_space<vmem>> -> memref<1x64xf32, #tpu.memory_space<vmem>>
    %dma_start3A_486 = tpu.memref_squeeze %dma_start3A_485 : memref<1x64xf32, #tpu.memory_space<vmem>> -> memref<64xf32, #tpu.memory_space<vmem>>
    %dma_start3A_487 = arith.constant 384 : i32
    %dma_start3A_488 = tpu.memref_slice %arg11[%dma_start3A_487] : memref<512xi32, #tpu.memory_space<vmem>> -> memref<64xi32, #tpu.memory_space<vmem>>
    %dma_start3A_489 = arith.constant 0 : i32
    %dma_start3A_490 = tpu.memref_slice %arg8[%dma_start3A_489] : memref<100000xf32, #tpu.memory_space<hbm>> -> memref<100000xf32, #tpu.memory_space<hbm>>
    tpu.enqueue_indirect_dma source(%dma_start3A_490 : memref<100000xf32, #tpu.memory_space<hbm>>) target(%dma_start3A_486 : memref<64xf32, #tpu.memory_space<vmem>>) offsets(%dma_start3A_488 : memref<64xi32, #tpu.memory_space<vmem>>) semaphore(%arg19 : memref<!tpu.dma_semaphore, #tpu.memory_space<semaphore_mem>>)
    %dma_wait3A_491 = arith.constant 1 : i32
    %dma_wait3A_492 = arith.constant 0 : i32
    %dma_wait3A_493 = arith.constant 0 : i32
    %dma_wait3A_494 = tpu.memref_slice %arg13[%dma_wait3A_491, %dma_wait3A_492, %dma_wait3A_493] : memref<2x64x128xf32, #tpu.memory_space<vmem>> -> memref<1x64x128xf32, #tpu.memory_space<vmem>>
    %dma_wait3A_495 = tpu.memref_squeeze %dma_wait3A_494 : memref<1x64x128xf32, #tpu.memory_space<vmem>> -> memref<64x128xf32, #tpu.memory_space<vmem>>
    %dma_wait3A_496 = arith.constant 320 : i32
    %dma_wait3A_497 = tpu.memref_slice %arg10[%dma_wait3A_496] : memref<512xi32, #tpu.memory_space<vmem>> -> memref<64xi32, #tpu.memory_space<vmem>>
    %dma_wait3A_498 = arith.constant 0 : i32
    %dma_wait3A_499 = arith.constant 0 : i32
    %dma_wait3A_500 = tpu.memref_slice %arg5[%dma_wait3A_498, %dma_wait3A_499] : memref<100000x128xf32, #tpu.memory_space<hbm>> -> memref<100000x128xf32, #tpu.memory_space<hbm>>
    tpu.wait_indirect_dma semaphore(%arg20 : memref<!tpu.dma_semaphore, #tpu.memory_space<semaphore_mem>>) src(%dma_wait3A_500 : memref<100000x128xf32, #tpu.memory_space<hbm>>) dst(%dma_wait3A_495 : memref<64x128xf32, #tpu.memory_space<vmem>>)
    %dma_wait3A_501 = arith.constant 1 : i32
    %dma_wait3A_502 = arith.constant 0 : i32
    %dma_wait3A_503 = arith.constant 0 : i32
    %dma_wait3A_504 = tpu.memref_slice %arg14[%dma_wait3A_501, %dma_wait3A_502, %dma_wait3A_503] : memref<2x64x128xf32, #tpu.memory_space<vmem>> -> memref<1x64x128xf32, #tpu.memory_space<vmem>>
    %dma_wait3A_505 = tpu.memref_squeeze %dma_wait3A_504 : memref<1x64x128xf32, #tpu.memory_space<vmem>> -> memref<64x128xf32, #tpu.memory_space<vmem>>
    %dma_wait3A_506 = arith.constant 320 : i32
    %dma_wait3A_507 = tpu.memref_slice %arg11[%dma_wait3A_506] : memref<512xi32, #tpu.memory_space<vmem>> -> memref<64xi32, #tpu.memory_space<vmem>>
    %dma_wait3A_508 = arith.constant 0 : i32
    %dma_wait3A_509 = arith.constant 0 : i32
    %dma_wait3A_510 = tpu.memref_slice %arg6[%dma_wait3A_508, %dma_wait3A_509] : memref<100000x128xf32, #tpu.memory_space<hbm>> -> memref<100000x128xf32, #tpu.memory_space<hbm>>
    tpu.wait_indirect_dma semaphore(%arg20 : memref<!tpu.dma_semaphore, #tpu.memory_space<semaphore_mem>>) src(%dma_wait3A_510 : memref<100000x128xf32, #tpu.memory_space<hbm>>) dst(%dma_wait3A_505 : memref<64x128xf32, #tpu.memory_space<vmem>>)
    %dma_wait3A_511 = arith.constant 1 : i32
    %dma_wait3A_512 = arith.constant 0 : i32
    %dma_wait3A_513 = tpu.memref_slice %arg15[%dma_wait3A_511, %dma_wait3A_512] : memref<2x64xf32, #tpu.memory_space<vmem>> -> memref<1x64xf32, #tpu.memory_space<vmem>>
    %dma_wait3A_514 = tpu.memref_squeeze %dma_wait3A_513 : memref<1x64xf32, #tpu.memory_space<vmem>> -> memref<64xf32, #tpu.memory_space<vmem>>
    %dma_wait3A_515 = arith.constant 320 : i32
    %dma_wait3A_516 = tpu.memref_slice %arg10[%dma_wait3A_515] : memref<512xi32, #tpu.memory_space<vmem>> -> memref<64xi32, #tpu.memory_space<vmem>>
    %dma_wait3A_517 = arith.constant 0 : i32
    %dma_wait3A_518 = tpu.memref_slice %arg7[%dma_wait3A_517] : memref<100000xf32, #tpu.memory_space<hbm>> -> memref<100000xf32, #tpu.memory_space<hbm>>
    tpu.wait_indirect_dma semaphore(%arg20 : memref<!tpu.dma_semaphore, #tpu.memory_space<semaphore_mem>>) src(%dma_wait3A_518 : memref<100000xf32, #tpu.memory_space<hbm>>) dst(%dma_wait3A_514 : memref<64xf32, #tpu.memory_space<vmem>>)
    %dma_wait3A_519 = arith.constant 1 : i32
    %dma_wait3A_520 = arith.constant 0 : i32
    %dma_wait3A_521 = tpu.memref_slice %arg16[%dma_wait3A_519, %dma_wait3A_520] : memref<2x64xf32, #tpu.memory_space<vmem>> -> memref<1x64xf32, #tpu.memory_space<vmem>>
    %dma_wait3A_522 = tpu.memref_squeeze %dma_wait3A_521 : memref<1x64xf32, #tpu.memory_space<vmem>> -> memref<64xf32, #tpu.memory_space<vmem>>
    %dma_wait3A_523 = arith.constant 320 : i32
    %dma_wait3A_524 = tpu.memref_slice %arg11[%dma_wait3A_523] : memref<512xi32, #tpu.memory_space<vmem>> -> memref<64xi32, #tpu.memory_space<vmem>>
    %dma_wait3A_525 = arith.constant 0 : i32
    %dma_wait3A_526 = tpu.memref_slice %arg8[%dma_wait3A_525] : memref<100000xf32, #tpu.memory_space<hbm>> -> memref<100000xf32, #tpu.memory_space<hbm>>
    tpu.wait_indirect_dma semaphore(%arg20 : memref<!tpu.dma_semaphore, #tpu.memory_space<semaphore_mem>>) src(%dma_wait3A_526 : memref<100000xf32, #tpu.memory_space<hbm>>) dst(%dma_wait3A_522 : memref<64xf32, #tpu.memory_space<vmem>>)
    %scan3A_527 = arith.constant 1 : i32
    %scan3A_528 = arith.constant 1 : i32
    %scan3A_529 = arith.constant 1 : i32
    %scan3A_530 = arith.constant 1 : i32
    %scan3A_531 = arith.constant 0 : i32
    %scan3A_532 = arith.constant 4 : i32
    %scan3A_533 = arith.addi %scan3A_531, %scan3A_532 : i32
    %scan3A_534 = arith.constant 1 : i32
    scf.for %scan3A_662 = %scan3A_531 to %scan3A_533 step %scan3A_534  : i32 {
      %mul3A_663 = arith.constant 1 : i32
      %mul3A_664 = arith.muli %scan3A_662, %mul3A_663 : i32
      %add3A_665 = arith.constant 0 : i32
      %add3A_666 = arith.addi %add3A_665, %mul3A_664 : i32
      %mul3A_667 = arith.constant 16 : i32
      %mul3A_668 = arith.muli %add3A_666, %mul3A_667 : i32
      %parallel_loop3A = arith.constant 0 : i32
      %parallel_loop3A_669 = arith.constant 16 : i32
      %parallel_loop3A_670 = arith.constant 1 : i32
      scf.for %parallel_loop3A_866 = %parallel_loop3A to %parallel_loop3A_669 step %parallel_loop3A_670  : i32 {
        %parallel_loop3A_867 = arith.addi %mul3A_668, %parallel_loop3A_866 : i32
        %parallel_loop3A_868 = arith.constant 0 : i32
        %parallel_loop3A_869 = arith.constant 0 : i32
        %parallel_loop3A_870 = tpu.memref_slice %arg13[%scan3A_527, %parallel_loop3A_868, %parallel_loop3A_869] : memref<2x64x128xf32, #tpu.memory_space<vmem>> -> memref<1x64x128xf32, #tpu.memory_space<vmem>>
        %parallel_loop3A_871 = tpu.memref_squeeze %parallel_loop3A_870 : memref<1x64x128xf32, #tpu.memory_space<vmem>> -> memref<64x128xf32, #tpu.memory_space<vmem>>
        %parallel_loop3A_872 = arith.index_cast %parallel_loop3A_867 : i32 to index
        %parallel_loop3A_873 = arith.constant 0 : index
        %parallel_loop3A_874 = tpu.vector_load %parallel_loop3A_871[%parallel_loop3A_872, %parallel_loop3A_873] {strides = array<i32>} : memref<64x128xf32, #tpu.memory_space<vmem>>, vector<16xf32>,
        %parallel_loop3A_875 = arith.constant 0 : i32
        %parallel_loop3A_876 = arith.constant 0 : i32
        %parallel_loop3A_877 = tpu.memref_slice %arg14[%scan3A_528, %parallel_loop3A_875, %parallel_loop3A_876] : memref<2x64x128xf32, #tpu.memory_space<vmem>> -> memref<1x64x128xf32, #tpu.memory_space<vmem>>
        %parallel_loop3A_878 = tpu.memref_squeeze %parallel_loop3A_877 : memref<1x64x128xf32, #tpu.memory_space<vmem>> -> memref<64x128xf32, #tpu.memory_space<vmem>>
        %parallel_loop3A_879 = arith.index_cast %parallel_loop3A_867 : i32 to index
        %parallel_loop3A_880 = arith.constant 0 : index
        %parallel_loop3A_881 = tpu.vector_load %parallel_loop3A_878[%parallel_loop3A_879, %parallel_loop3A_880] {strides = array<i32>} : memref<64x128xf32, #tpu.memory_space<vmem>>, vector<16xf32>,
        %parallel_loop3A_882 = arith.mulf %parallel_loop3A_874, %parallel_loop3A_881 : vector<16xf32>
        %parallel_loop3A_883 = arith.constant 0 : i32
        %parallel_loop3A_884 = arith.constant 0 : i32
        %parallel_loop3A_885 = tpu.memref_slice %arg13[%scan3A_527, %parallel_loop3A_883, %parallel_loop3A_884] : memref<2x64x128xf32, #tpu.memory_space<vmem>> -> memref<1x64x128xf32, #tpu.memory_space<vmem>>
        %parallel_loop3A_886 = tpu.memref_squeeze %parallel_loop3A_885 : memref<1x64x128xf32, #tpu.memory_space<vmem>> -> memref<64x128xf32, #tpu.memory_space<vmem>>
        %parallel_loop3A_887 = arith.index_cast %parallel_loop3A_867 : i32 to index
        %parallel_loop3A_888 = arith.constant 16 : index
        %parallel_loop3A_889 = tpu.vector_load %parallel_loop3A_886[%parallel_loop3A_887, %parallel_loop3A_888] {strides = array<i32>} : memref<64x128xf32, #tpu.memory_space<vmem>>, vector<16xf32>,
        %parallel_loop3A_890 = arith.constant 0 : i32
        %parallel_loop3A_891 = arith.constant 0 : i32
        %parallel_loop3A_892 = tpu.memref_slice %arg14[%scan3A_528, %parallel_loop3A_890, %parallel_loop3A_891] : memref<2x64x128xf32, #tpu.memory_space<vmem>> -> memref<1x64x128xf32, #tpu.memory_space<vmem>>
        %parallel_loop3A_893 = tpu.memref_squeeze %parallel_loop3A_892 : memref<1x64x128xf32, #tpu.memory_space<vmem>> -> memref<64x128xf32, #tpu.memory_space<vmem>>
        %parallel_loop3A_894 = arith.index_cast %parallel_loop3A_867 : i32 to index
        %parallel_loop3A_895 = arith.constant 16 : index
        %parallel_loop3A_896 = tpu.vector_load %parallel_loop3A_893[%parallel_loop3A_894, %parallel_loop3A_895] {strides = array<i32>} : memref<64x128xf32, #tpu.memory_space<vmem>>, vector<16xf32>,
        %parallel_loop3A_897 = arith.mulf %parallel_loop3A_889, %parallel_loop3A_896 : vector<16xf32>
        %parallel_loop3A_898 = arith.constant 0 : i32
        %parallel_loop3A_899 = arith.constant 0 : i32
        %parallel_loop3A_900 = tpu.memref_slice %arg13[%scan3A_527, %parallel_loop3A_898, %parallel_loop3A_899] : memref<2x64x128xf32, #tpu.memory_space<vmem>> -> memref<1x64x128xf32, #tpu.memory_space<vmem>>
        %parallel_loop3A_901 = tpu.memref_squeeze %parallel_loop3A_900 : memref<1x64x128xf32, #tpu.memory_space<vmem>> -> memref<64x128xf32, #tpu.memory_space<vmem>>
        %parallel_loop3A_902 = arith.index_cast %parallel_loop3A_867 : i32 to index
        %parallel_loop3A_903 = arith.constant 32 : index
        %parallel_loop3A_904 = tpu.vector_load %parallel_loop3A_901[%parallel_loop3A_902, %parallel_loop3A_903] {strides = array<i32>} : memref<64x128xf32, #tpu.memory_space<vmem>>, vector<16xf32>,
        %parallel_loop3A_905 = arith.constant 0 : i32
        %parallel_loop3A_906 = arith.constant 0 : i32
        %parallel_loop3A_907 = tpu.memref_slice %arg14[%scan3A_528, %parallel_loop3A_905, %parallel_loop3A_906] : memref<2x64x128xf32, #tpu.memory_space<vmem>> -> memref<1x64x128xf32, #tpu.memory_space<vmem>>
        %parallel_loop3A_908 = tpu.memref_squeeze %parallel_loop3A_907 : memref<1x64x128xf32, #tpu.memory_space<vmem>> -> memref<64x128xf32, #tpu.memory_space<vmem>>
        %parallel_loop3A_909 = arith.index_cast %parallel_loop3A_867 : i32 to index
        %parallel_loop3A_910 = arith.constant 32 : index
        %parallel_loop3A_911 = tpu.vector_load %parallel_loop3A_908[%parallel_loop3A_909, %parallel_loop3A_910] {strides = array<i32>} : memref<64x128xf32, #tpu.memory_space<vmem>>, vector<16xf32>,
        %parallel_loop3A_912 = arith.mulf %parallel_loop3A_904, %parallel_loop3A_911 : vector<16xf32>
        %parallel_loop3A_913 = arith.constant 0 : i32
        %parallel_loop3A_914 = arith.constant 0 : i32
        %parallel_loop3A_915 = tpu.memref_slice %arg13[%scan3A_527, %parallel_loop3A_913, %parallel_loop3A_914] : memref<2x64x128xf32, #tpu.memory_space<vmem>> -> memref<1x64x128xf32, #tpu.memory_space<vmem>>
        %parallel_loop3A_916 = tpu.memref_squeeze %parallel_loop3A_915 : memref<1x64x128xf32, #tpu.memory_space<vmem>> -> memref<64x128xf32, #tpu.memory_space<vmem>>
        %parallel_loop3A_917 = arith.index_cast %parallel_loop3A_867 : i32 to index
        %parallel_loop3A_918 = arith.constant 48 : index
        %parallel_loop3A_919 = tpu.vector_load %parallel_loop3A_916[%parallel_loop3A_917, %parallel_loop3A_918] {strides = array<i32>} : memref<64x128xf32, #tpu.memory_space<vmem>>, vector<16xf32>,
        %parallel_loop3A_920 = arith.constant 0 : i32
        %parallel_loop3A_921 = arith.constant 0 : i32
        %parallel_loop3A_922 = tpu.memref_slice %arg14[%scan3A_528, %parallel_loop3A_920, %parallel_loop3A_921] : memref<2x64x128xf32, #tpu.memory_space<vmem>> -> memref<1x64x128xf32, #tpu.memory_space<vmem>>
        %parallel_loop3A_923 = tpu.memref_squeeze %parallel_loop3A_922 : memref<1x64x128xf32, #tpu.memory_space<vmem>> -> memref<64x128xf32, #tpu.memory_space<vmem>>
        %parallel_loop3A_924 = arith.index_cast %parallel_loop3A_867 : i32 to index
        %parallel_loop3A_925 = arith.constant 48 : index
        %parallel_loop3A_926 = tpu.vector_load %parallel_loop3A_923[%parallel_loop3A_924, %parallel_loop3A_925] {strides = array<i32>} : memref<64x128xf32, #tpu.memory_space<vmem>>, vector<16xf32>,
        %parallel_loop3A_927 = arith.mulf %parallel_loop3A_919, %parallel_loop3A_926 : vector<16xf32>
        %parallel_loop3A_928 = arith.constant 0 : i32
        %parallel_loop3A_929 = arith.constant 0 : i32
        %parallel_loop3A_930 = tpu.memref_slice %arg13[%scan3A_527, %parallel_loop3A_928, %parallel_loop3A_929] : memref<2x64x128xf32, #tpu.memory_space<vmem>> -> memref<1x64x128xf32, #tpu.memory_space<vmem>>
        %parallel_loop3A_931 = tpu.memref_squeeze %parallel_loop3A_930 : memref<1x64x128xf32, #tpu.memory_space<vmem>> -> memref<64x128xf32, #tpu.memory_space<vmem>>
        %parallel_loop3A_932 = arith.index_cast %parallel_loop3A_867 : i32 to index
        %parallel_loop3A_933 = arith.constant 64 : index
        %parallel_loop3A_934 = tpu.vector_load %parallel_loop3A_931[%parallel_loop3A_932, %parallel_loop3A_933] {strides = array<i32>} : memref<64x128xf32, #tpu.memory_space<vmem>>, vector<16xf32>,
        %parallel_loop3A_935 = arith.constant 0 : i32
        %parallel_loop3A_936 = arith.constant 0 : i32
        %parallel_loop3A_937 = tpu.memref_slice %arg14[%scan3A_528, %parallel_loop3A_935, %parallel_loop3A_936] : memref<2x64x128xf32, #tpu.memory_space<vmem>> -> memref<1x64x128xf32, #tpu.memory_space<vmem>>
        %parallel_loop3A_938 = tpu.memref_squeeze %parallel_loop3A_937 : memref<1x64x128xf32, #tpu.memory_space<vmem>> -> memref<64x128xf32, #tpu.memory_space<vmem>>
        %parallel_loop3A_939 = arith.index_cast %parallel_loop3A_867 : i32 to index
        %parallel_loop3A_940 = arith.constant 64 : index
        %parallel_loop3A_941 = tpu.vector_load %parallel_loop3A_938[%parallel_loop3A_939, %parallel_loop3A_940] {strides = array<i32>} : memref<64x128xf32, #tpu.memory_space<vmem>>, vector<16xf32>,
        %parallel_loop3A_942 = arith.mulf %parallel_loop3A_934, %parallel_loop3A_941 : vector<16xf32>
        %parallel_loop3A_943 = arith.constant 0 : i32
        %parallel_loop3A_944 = arith.constant 0 : i32
        %parallel_loop3A_945 = tpu.memref_slice %arg13[%scan3A_527, %parallel_loop3A_943, %parallel_loop3A_944] : memref<2x64x128xf32, #tpu.memory_space<vmem>> -> memref<1x64x128xf32, #tpu.memory_space<vmem>>
        %parallel_loop3A_946 = tpu.memref_squeeze %parallel_loop3A_945 : memref<1x64x128xf32, #tpu.memory_space<vmem>> -> memref<64x128xf32, #tpu.memory_space<vmem>>
        %parallel_loop3A_947 = arith.index_cast %parallel_loop3A_867 : i32 to index
        %parallel_loop3A_948 = arith.constant 80 : index
        %parallel_loop3A_949 = tpu.vector_load %parallel_loop3A_946[%parallel_loop3A_947, %parallel_loop3A_948] {strides = array<i32>} : memref<64x128xf32, #tpu.memory_space<vmem>>, vector<16xf32>,
        %parallel_loop3A_950 = arith.constant 0 : i32
        %parallel_loop3A_951 = arith.constant 0 : i32
        %parallel_loop3A_952 = tpu.memref_slice %arg14[%scan3A_528, %parallel_loop3A_950, %parallel_loop3A_951] : memref<2x64x128xf32, #tpu.memory_space<vmem>> -> memref<1x64x128xf32, #tpu.memory_space<vmem>>
        %parallel_loop3A_953 = tpu.memref_squeeze %parallel_loop3A_952 : memref<1x64x128xf32, #tpu.memory_space<vmem>> -> memref<64x128xf32, #tpu.memory_space<vmem>>
        %parallel_loop3A_954 = arith.index_cast %parallel_loop3A_867 : i32 to index
        %parallel_loop3A_955 = arith.constant 80 : index
        %parallel_loop3A_956 = tpu.vector_load %parallel_loop3A_953[%parallel_loop3A_954, %parallel_loop3A_955] {strides = array<i32>} : memref<64x128xf32, #tpu.memory_space<vmem>>, vector<16xf32>,
        %parallel_loop3A_957 = arith.mulf %parallel_loop3A_949, %parallel_loop3A_956 : vector<16xf32>
        %parallel_loop3A_958 = arith.constant 0 : i32
        %parallel_loop3A_959 = arith.constant 0 : i32
        %parallel_loop3A_960 = tpu.memref_slice %arg13[%scan3A_527, %parallel_loop3A_958, %parallel_loop3A_959] : memref<2x64x128xf32, #tpu.memory_space<vmem>> -> memref<1x64x128xf32, #tpu.memory_space<vmem>>
        %parallel_loop3A_961 = tpu.memref_squeeze %parallel_loop3A_960 : memref<1x64x128xf32, #tpu.memory_space<vmem>> -> memref<64x128xf32, #tpu.memory_space<vmem>>
        %parallel_loop3A_962 = arith.index_cast %parallel_loop3A_867 : i32 to index
        %parallel_loop3A_963 = arith.constant 96 : index
        %parallel_loop3A_964 = tpu.vector_load %parallel_loop3A_961[%parallel_loop3A_962, %parallel_loop3A_963] {strides = array<i32>} : memref<64x128xf32, #tpu.memory_space<vmem>>, vector<16xf32>,
        %parallel_loop3A_965 = arith.constant 0 : i32
        %parallel_loop3A_966 = arith.constant 0 : i32
        %parallel_loop3A_967 = tpu.memref_slice %arg14[%scan3A_528, %parallel_loop3A_965, %parallel_loop3A_966] : memref<2x64x128xf32, #tpu.memory_space<vmem>> -> memref<1x64x128xf32, #tpu.memory_space<vmem>>
        %parallel_loop3A_968 = tpu.memref_squeeze %parallel_loop3A_967 : memref<1x64x128xf32, #tpu.memory_space<vmem>> -> memref<64x128xf32, #tpu.memory_space<vmem>>
        %parallel_loop3A_969 = arith.index_cast %parallel_loop3A_867 : i32 to index
        %parallel_loop3A_970 = arith.constant 96 : index
        %parallel_loop3A_971 = tpu.vector_load %parallel_loop3A_968[%parallel_loop3A_969, %parallel_loop3A_970] {strides = array<i32>} : memref<64x128xf32, #tpu.memory_space<vmem>>, vector<16xf32>,
        %parallel_loop3A_972 = arith.mulf %parallel_loop3A_964, %parallel_loop3A_971 : vector<16xf32>
        %parallel_loop3A_973 = arith.constant 0 : i32
        %parallel_loop3A_974 = arith.constant 0 : i32
        %parallel_loop3A_975 = tpu.memref_slice %arg13[%scan3A_527, %parallel_loop3A_973, %parallel_loop3A_974] : memref<2x64x128xf32, #tpu.memory_space<vmem>> -> memref<1x64x128xf32, #tpu.memory_space<vmem>>
        %parallel_loop3A_976 = tpu.memref_squeeze %parallel_loop3A_975 : memref<1x64x128xf32, #tpu.memory_space<vmem>> -> memref<64x128xf32, #tpu.memory_space<vmem>>
        %parallel_loop3A_977 = arith.index_cast %parallel_loop3A_867 : i32 to index
        %parallel_loop3A_978 = arith.constant 112 : index
        %parallel_loop3A_979 = tpu.vector_load %parallel_loop3A_976[%parallel_loop3A_977, %parallel_loop3A_978] {strides = array<i32>} : memref<64x128xf32, #tpu.memory_space<vmem>>, vector<16xf32>,
        %parallel_loop3A_980 = arith.constant 0 : i32
        %parallel_loop3A_981 = arith.constant 0 : i32
        %parallel_loop3A_982 = tpu.memref_slice %arg14[%scan3A_528, %parallel_loop3A_980, %parallel_loop3A_981] : memref<2x64x128xf32, #tpu.memory_space<vmem>> -> memref<1x64x128xf32, #tpu.memory_space<vmem>>
        %parallel_loop3A_983 = tpu.memref_squeeze %parallel_loop3A_982 : memref<1x64x128xf32, #tpu.memory_space<vmem>> -> memref<64x128xf32, #tpu.memory_space<vmem>>
        %parallel_loop3A_984 = arith.index_cast %parallel_loop3A_867 : i32 to index
        %parallel_loop3A_985 = arith.constant 112 : index
        %parallel_loop3A_986 = tpu.vector_load %parallel_loop3A_983[%parallel_loop3A_984, %parallel_loop3A_985] {strides = array<i32>} : memref<64x128xf32, #tpu.memory_space<vmem>>, vector<16xf32>,
        %parallel_loop3A_987 = arith.mulf %parallel_loop3A_979, %parallel_loop3A_986 : vector<16xf32>
        %parallel_loop3A_988 = arith.addf %parallel_loop3A_882, %parallel_loop3A_897 : vector<16xf32>
        %parallel_loop3A_989 = arith.addf %parallel_loop3A_912, %parallel_loop3A_927 : vector<16xf32>
        %parallel_loop3A_990 = arith.addf %parallel_loop3A_988, %parallel_loop3A_989 : vector<16xf32>
        %parallel_loop3A_991 = arith.addf %parallel_loop3A_942, %parallel_loop3A_957 : vector<16xf32>
        %parallel_loop3A_992 = arith.addf %parallel_loop3A_972, %parallel_loop3A_987 : vector<16xf32>
        %parallel_loop3A_993 = arith.addf %parallel_loop3A_991, %parallel_loop3A_992 : vector<16xf32>
        %parallel_loop3A_994 = arith.addf %parallel_loop3A_990, %parallel_loop3A_993 : vector<16xf32>
        %parallel_loop3A_995 = arith.index_cast %parallel_loop3A_866 : i32 to index
        %parallel_loop3A_996 = arith.constant 0 : index
        %parallel_loop3A_997 = tpu.vector_load %arg17[%parallel_loop3A_995, %parallel_loop3A_996] {strides = array<i32>} : memref<16x16xf32, #tpu.memory_space<vmem>>, vector<16xf32>,
        tpu.vector_store %arg17[%parallel_loop3A_995, %parallel_loop3A_996], %parallel_loop3A_994 {strides = array<i32>} : memref<16x16xf32, #tpu.memory_space<vmem>>, vector<16xf32>,
      } {sc.loop_unroll_factor = 4 : i64, sc.parallel_access}
      %add3A_671 = arith.constant 0 : i32
      %add3A_672 = vector.broadcast %add3A_671 : i32 to vector<16xi32>
      %add3A_673 = arith.addi %iota3A, %add3A_672 : vector<16xi32>
      %and3A = arith.constant 15 : i32
      %and3A_674 = vector.broadcast %and3A : i32 to vector<16xi32>
      %and3A_675 = arith.andi %add3A_673, %and3A_674 : vector<16xi32>
      %gather3A = tpu.vector_load_idx %arg17[%iota3A, %and3A_675] : memref<16x16xf32, #tpu.memory_space<vmem>>[vector<16xi32>, vector<16xi32>], vector<16xf32>,
      %add3A_676 = arith.constant 1 : i32
      %add3A_677 = vector.broadcast %add3A_676 : i32 to vector<16xi32>
      %add3A_678 = arith.addi %iota3A, %add3A_677 : vector<16xi32>
      %and3A_679 = arith.constant 15 : i32
      %and3A_680 = vector.broadcast %and3A_679 : i32 to vector<16xi32>
      %and3A_681 = arith.andi %add3A_678, %and3A_680 : vector<16xi32>
      %gather3A_682 = tpu.vector_load_idx %arg17[%iota3A, %and3A_681] : memref<16x16xf32, #tpu.memory_space<vmem>>[vector<16xi32>, vector<16xi32>], vector<16xf32>,
      %add3A_683 = arith.constant 2 : i32
      %add3A_684 = vector.broadcast %add3A_683 : i32 to vector<16xi32>
      %add3A_685 = arith.addi %iota3A, %add3A_684 : vector<16xi32>
      %and3A_686 = arith.constant 15 : i32
      %and3A_687 = vector.broadcast %and3A_686 : i32 to vector<16xi32>
      %and3A_688 = arith.andi %add3A_685, %and3A_687 : vector<16xi32>
      %gather3A_689 = tpu.vector_load_idx %arg17[%iota3A, %and3A_688] : memref<16x16xf32, #tpu.memory_space<vmem>>[vector<16xi32>, vector<16xi32>], vector<16xf32>,
      %add3A_690 = arith.constant 3 : i32
      %add3A_691 = vector.broadcast %add3A_690 : i32 to vector<16xi32>
      %add3A_692 = arith.addi %iota3A, %add3A_691 : vector<16xi32>
      %and3A_693 = arith.constant 15 : i32
      %and3A_694 = vector.broadcast %and3A_693 : i32 to vector<16xi32>
      %and3A_695 = arith.andi %add3A_692, %and3A_694 : vector<16xi32>
      %gather3A_696 = tpu.vector_load_idx %arg17[%iota3A, %and3A_695] : memref<16x16xf32, #tpu.memory_space<vmem>>[vector<16xi32>, vector<16xi32>], vector<16xf32>,
      %add3A_697 = arith.constant 4 : i32
      %add3A_698 = vector.broadcast %add3A_697 : i32 to vector<16xi32>
      %add3A_699 = arith.addi %iota3A, %add3A_698 : vector<16xi32>
      %and3A_700 = arith.constant 15 : i32
      %and3A_701 = vector.broadcast %and3A_700 : i32 to vector<16xi32>
      %and3A_702 = arith.andi %add3A_699, %and3A_701 : vector<16xi32>
      %gather3A_703 = tpu.vector_load_idx %arg17[%iota3A, %and3A_702] : memref<16x16xf32, #tpu.memory_space<vmem>>[vector<16xi32>, vector<16xi32>], vector<16xf32>,
      %add3A_704 = arith.constant 5 : i32
      %add3A_705 = vector.broadcast %add3A_704 : i32 to vector<16xi32>
      %add3A_706 = arith.addi %iota3A, %add3A_705 : vector<16xi32>
      %and3A_707 = arith.constant 15 : i32
      %and3A_708 = vector.broadcast %and3A_707 : i32 to vector<16xi32>
      %and3A_709 = arith.andi %add3A_706, %and3A_708 : vector<16xi32>
      %gather3A_710 = tpu.vector_load_idx %arg17[%iota3A, %and3A_709] : memref<16x16xf32, #tpu.memory_space<vmem>>[vector<16xi32>, vector<16xi32>], vector<16xf32>,
      %add3A_711 = arith.constant 6 : i32
      %add3A_712 = vector.broadcast %add3A_711 : i32 to vector<16xi32>
      %add3A_713 = arith.addi %iota3A, %add3A_712 : vector<16xi32>
      %and3A_714 = arith.constant 15 : i32
      %and3A_715 = vector.broadcast %and3A_714 : i32 to vector<16xi32>
      %and3A_716 = arith.andi %add3A_713, %and3A_715 : vector<16xi32>
      %gather3A_717 = tpu.vector_load_idx %arg17[%iota3A, %and3A_716] : memref<16x16xf32, #tpu.memory_space<vmem>>[vector<16xi32>, vector<16xi32>], vector<16xf32>,
      %add3A_718 = arith.constant 7 : i32
      %add3A_719 = vector.broadcast %add3A_718 : i32 to vector<16xi32>
      %add3A_720 = arith.addi %iota3A, %add3A_719 : vector<16xi32>
      %and3A_721 = arith.constant 15 : i32
      %and3A_722 = vector.broadcast %and3A_721 : i32 to vector<16xi32>
      %and3A_723 = arith.andi %add3A_720, %and3A_722 : vector<16xi32>
      %gather3A_724 = tpu.vector_load_idx %arg17[%iota3A, %and3A_723] : memref<16x16xf32, #tpu.memory_space<vmem>>[vector<16xi32>, vector<16xi32>], vector<16xf32>,
      %add3A_725 = arith.constant 8 : i32
      %add3A_726 = vector.broadcast %add3A_725 : i32 to vector<16xi32>
      %add3A_727 = arith.addi %iota3A, %add3A_726 : vector<16xi32>
      %and3A_728 = arith.constant 15 : i32
      %and3A_729 = vector.broadcast %and3A_728 : i32 to vector<16xi32>
      %and3A_730 = arith.andi %add3A_727, %and3A_729 : vector<16xi32>
      %gather3A_731 = tpu.vector_load_idx %arg17[%iota3A, %and3A_730] : memref<16x16xf32, #tpu.memory_space<vmem>>[vector<16xi32>, vector<16xi32>], vector<16xf32>,
      %add3A_732 = arith.constant 9 : i32
      %add3A_733 = vector.broadcast %add3A_732 : i32 to vector<16xi32>
      %add3A_734 = arith.addi %iota3A, %add3A_733 : vector<16xi32>
      %and3A_735 = arith.constant 15 : i32
      %and3A_736 = vector.broadcast %and3A_735 : i32 to vector<16xi32>
      %and3A_737 = arith.andi %add3A_734, %and3A_736 : vector<16xi32>
      %gather3A_738 = tpu.vector_load_idx %arg17[%iota3A, %and3A_737] : memref<16x16xf32, #tpu.memory_space<vmem>>[vector<16xi32>, vector<16xi32>], vector<16xf32>,
      %add3A_739 = arith.constant 10 : i32
      %add3A_740 = vector.broadcast %add3A_739 : i32 to vector<16xi32>
      %add3A_741 = arith.addi %iota3A, %add3A_740 : vector<16xi32>
      %and3A_742 = arith.constant 15 : i32
      %and3A_743 = vector.broadcast %and3A_742 : i32 to vector<16xi32>
      %and3A_744 = arith.andi %add3A_741, %and3A_743 : vector<16xi32>
      %gather3A_745 = tpu.vector_load_idx %arg17[%iota3A, %and3A_744] : memref<16x16xf32, #tpu.memory_space<vmem>>[vector<16xi32>, vector<16xi32>], vector<16xf32>,
      %add3A_746 = arith.constant 11 : i32
      %add3A_747 = vector.broadcast %add3A_746 : i32 to vector<16xi32>
      %add3A_748 = arith.addi %iota3A, %add3A_747 : vector<16xi32>
      %and3A_749 = arith.constant 15 : i32
      %and3A_750 = vector.broadcast %and3A_749 : i32 to vector<16xi32>
      %and3A_751 = arith.andi %add3A_748, %and3A_750 : vector<16xi32>
      %gather3A_752 = tpu.vector_load_idx %arg17[%iota3A, %and3A_751] : memref<16x16xf32, #tpu.memory_space<vmem>>[vector<16xi32>, vector<16xi32>], vector<16xf32>,
      %add3A_753 = arith.constant 12 : i32
      %add3A_754 = vector.broadcast %add3A_753 : i32 to vector<16xi32>
      %add3A_755 = arith.addi %iota3A, %add3A_754 : vector<16xi32>
      %and3A_756 = arith.constant 15 : i32
      %and3A_757 = vector.broadcast %and3A_756 : i32 to vector<16xi32>
      %and3A_758 = arith.andi %add3A_755, %and3A_757 : vector<16xi32>
      %gather3A_759 = tpu.vector_load_idx %arg17[%iota3A, %and3A_758] : memref<16x16xf32, #tpu.memory_space<vmem>>[vector<16xi32>, vector<16xi32>], vector<16xf32>,
      %add3A_760 = arith.constant 13 : i32
      %add3A_761 = vector.broadcast %add3A_760 : i32 to vector<16xi32>
      %add3A_762 = arith.addi %iota3A, %add3A_761 : vector<16xi32>
      %and3A_763 = arith.constant 15 : i32
      %and3A_764 = vector.broadcast %and3A_763 : i32 to vector<16xi32>
      %and3A_765 = arith.andi %add3A_762, %and3A_764 : vector<16xi32>
      %gather3A_766 = tpu.vector_load_idx %arg17[%iota3A, %and3A_765] : memref<16x16xf32, #tpu.memory_space<vmem>>[vector<16xi32>, vector<16xi32>], vector<16xf32>,
      %add3A_767 = arith.constant 14 : i32
      %add3A_768 = vector.broadcast %add3A_767 : i32 to vector<16xi32>
      %add3A_769 = arith.addi %iota3A, %add3A_768 : vector<16xi32>
      %and3A_770 = arith.constant 15 : i32
      %and3A_771 = vector.broadcast %and3A_770 : i32 to vector<16xi32>
      %and3A_772 = arith.andi %add3A_769, %and3A_771 : vector<16xi32>
      %gather3A_773 = tpu.vector_load_idx %arg17[%iota3A, %and3A_772] : memref<16x16xf32, #tpu.memory_space<vmem>>[vector<16xi32>, vector<16xi32>], vector<16xf32>,
      %add3A_774 = arith.constant 15 : i32
      %add3A_775 = vector.broadcast %add3A_774 : i32 to vector<16xi32>
      %add3A_776 = arith.addi %iota3A, %add3A_775 : vector<16xi32>
      %and3A_777 = arith.constant 15 : i32
      %and3A_778 = vector.broadcast %and3A_777 : i32 to vector<16xi32>
      %and3A_779 = arith.andi %add3A_776, %and3A_778 : vector<16xi32>
      %gather3A_780 = tpu.vector_load_idx %arg17[%iota3A, %and3A_779] : memref<16x16xf32, #tpu.memory_space<vmem>>[vector<16xi32>, vector<16xi32>], vector<16xf32>,
      %add3A_781 = arith.addf %gather3A, %gather3A_682 : vector<16xf32>
      %add3A_782 = arith.addf %gather3A_689, %gather3A_696 : vector<16xf32>
      %add3A_783 = arith.addf %gather3A_703, %gather3A_710 : vector<16xf32>
      %add3A_784 = arith.addf %gather3A_717, %gather3A_724 : vector<16xf32>
      %add3A_785 = arith.addf %gather3A_731, %gather3A_738 : vector<16xf32>
      %add3A_786 = arith.addf %gather3A_745, %gather3A_752 : vector<16xf32>
      %add3A_787 = arith.addf %gather3A_759, %gather3A_766 : vector<16xf32>
      %add3A_788 = arith.addf %gather3A_773, %gather3A_780 : vector<16xf32>
      %add3A_789 = arith.addf %add3A_781, %add3A_782 : vector<16xf32>
      %add3A_790 = arith.addf %add3A_783, %add3A_784 : vector<16xf32>
      %add3A_791 = arith.addf %add3A_785, %add3A_786 : vector<16xf32>
      %add3A_792 = arith.addf %add3A_787, %add3A_788 : vector<16xf32>
      %add3A_793 = arith.addf %add3A_789, %add3A_790 : vector<16xf32>
      %add3A_794 = arith.addf %add3A_791, %add3A_792 : vector<16xf32>
      %add3A_795 = arith.addf %add3A_793, %add3A_794 : vector<16xf32>
      %get3A = arith.constant 0 : i32
      %get3A_796 = tpu.memref_slice %arg15[%scan3A_529, %get3A] : memref<2x64xf32, #tpu.memory_space<vmem>> -> memref<1x64xf32, #tpu.memory_space<vmem>>
      %get3A_797 = tpu.memref_squeeze %get3A_796 : memref<1x64xf32, #tpu.memory_space<vmem>> -> memref<64xf32, #tpu.memory_space<vmem>>
      %get3A_798 = arith.index_cast %mul3A_668 : i32 to index
      %get3A_799 = tpu.vector_load %get3A_797[%get3A_798] {strides = array<i32>} : memref<64xf32, #tpu.memory_space<vmem>>, vector<16xf32>,
      %add3A_800 = arith.addf %add3A_795, %get3A_799 : vector<16xf32>
      %get3A_801 = arith.constant 0 : i32
      %get3A_802 = tpu.memref_slice %arg16[%scan3A_530, %get3A_801] : memref<2x64xf32, #tpu.memory_space<vmem>> -> memref<1x64xf32, #tpu.memory_space<vmem>>
      %get3A_803 = tpu.memref_squeeze %get3A_802 : memref<1x64xf32, #tpu.memory_space<vmem>> -> memref<64xf32, #tpu.memory_space<vmem>>
      %get3A_804 = arith.index_cast %mul3A_668 : i32 to index
      %get3A_805 = tpu.vector_load %get3A_803[%get3A_804] {strides = array<i32>} : memref<64xf32, #tpu.memory_space<vmem>>, vector<16xf32>,
      %add3A_806 = arith.addf %add3A_800, %get3A_805 : vector<16xf32>
      %add3A_807 = arith.constant 320 : i32
      %add3A_808 = arith.addi %add3A_807, %mul3A_668 : i32
      %get3A_809 = arith.index_cast %add3A_808 : i32 to index
      %get3A_810 = tpu.vector_load %arg12[%get3A_809] {strides = array<i32>} : memref<512xf32, #tpu.memory_space<vmem>>, vector<16xf32>,
      %bitcast3A = vector.bitcast %get3A_810 : vector<16xf32> to vector<16xi32>
      %shift_right_arithmetic3A = arith.constant 23 : i32
      %shift_right_arithmetic3A_811 = vector.broadcast %shift_right_arithmetic3A : i32 to vector<16xi32>
      %shift_right_arithmetic3A_812 = arith.shrsi %bitcast3A, %shift_right_arithmetic3A_811 : vector<16xi32>
      %sub3A = arith.constant 127 : i32
      %sub3A_813 = vector.broadcast %sub3A : i32 to vector<16xi32>
      %sub3A_814 = arith.subi %shift_right_arithmetic3A_812, %sub3A_813 : vector<16xi32>
      %and3A_815 = arith.constant 8388607 : i32
      %and3A_816 = vector.broadcast %and3A_815 : i32 to vector<16xi32>
      %and3A_817 = arith.andi %bitcast3A, %and3A_816 : vector<16xi32>
      %or3A = arith.constant 1065353216 : i32
      %or3A_818 = vector.broadcast %or3A : i32 to vector<16xi32>
      %or3A_819 = arith.ori %and3A_817, %or3A_818 : vector<16xi32>
      %bitcast3A_820 = vector.bitcast %or3A_819 : vector<16xi32> to vector<16xf32>
      %sub3A_821 = arith.constant 1.000000e+00 : f32
      %sub3A_822 = vector.broadcast %sub3A_821 : f32 to vector<16xf32>
      %sub3A_823 = arith.subf %bitcast3A_820, %sub3A_822 : vector<16xf32>
      %add3A_824 = arith.constant 1.000000e+00 : f32
      %add3A_825 = vector.broadcast %add3A_824 : f32 to vector<16xf32>
      %add3A_826 = arith.addf %bitcast3A_820, %add3A_825 : vector<16xf32>
      %div3A = arith.divf %sub3A_823, %add3A_826 : vector<16xf32>
      %mul3A_827 = arith.mulf %div3A, %div3A : vector<16xf32>
      %mul3A_828 = arith.constant 0.142857149 : f32
      %mul3A_829 = vector.broadcast %mul3A_828 : f32 to vector<16xf32>
      %mul3A_830 = arith.mulf %mul3A_827, %mul3A_829 : vector<16xf32>
      %add3A_831 = arith.constant 2.000000e-01 : f32
      %add3A_832 = vector.broadcast %add3A_831 : f32 to vector<16xf32>
      %add3A_833 = arith.addf %add3A_832, %mul3A_830 : vector<16xf32>
      %mul3A_834 = arith.mulf %mul3A_827, %add3A_833 : vector<16xf32>
      %add3A_835 = arith.constant 0.333333343 : f32
      %add3A_836 = vector.broadcast %add3A_835 : f32 to vector<16xf32>
      %add3A_837 = arith.addf %add3A_836, %mul3A_834 : vector<16xf32>
      %mul3A_838 = arith.mulf %mul3A_827, %add3A_837 : vector<16xf32>
      %add3A_839 = arith.constant 1.000000e+00 : f32
      %add3A_840 = vector.broadcast %add3A_839 : f32 to vector<16xf32>
      %add3A_841 = arith.addf %add3A_840, %mul3A_838 : vector<16xf32>
      %convert_element_type3A = arith.sitofp %sub3A_814 : vector<16xi32> to vector<16xf32>
      %mul3A_842 = arith.constant 0.693147182 : f32
      %mul3A_843 = vector.broadcast %mul3A_842 : f32 to vector<16xf32>
      %mul3A_844 = arith.mulf %convert_element_type3A, %mul3A_843 : vector<16xf32>
      %mul3A_845 = arith.constant 2.000000e+00 : f32
      %mul3A_846 = vector.broadcast %mul3A_845 : f32 to vector<16xf32>
      %mul3A_847 = arith.mulf %mul3A_846, %div3A : vector<16xf32>
      %mul3A_848 = arith.mulf %mul3A_847, %add3A_841 : vector<16xf32>
      %add3A_849 = arith.addf %mul3A_844, %mul3A_848 : vector<16xf32>
      %sub3A_850 = arith.constant 4.60517025 : f32
      %sub3A_851 = vector.broadcast %sub3A_850 : f32 to vector<16xf32>
      %sub3A_852 = arith.subf %add3A_849, %sub3A_851 : vector<16xf32>
      %mul3A_853 = arith.constant 7.500000e-01 : f32
      %mul3A_854 = vector.broadcast %mul3A_853 : f32 to vector<16xf32>
      %mul3A_855 = arith.mulf %mul3A_854, %sub3A_852 : vector<16xf32>
      %exp3A = math.exp %mul3A_855 : vector<16xf32>
      %min3A = arith.constant 1.000000e+00 : f32
      %min3A_856 = vector.broadcast %min3A : f32 to vector<16xf32>
      %min3A_857 = arith.minimumf %exp3A, %min3A_856 : vector<16xf32>
      %sub3A_858 = arith.subf %add3A_806, %add3A_849 : vector<16xf32>
      %get3A_859 = arith.constant 0 : index
      %get3A_860 = tpu.vector_load %arg18[%get3A_859] {strides = array<i32>} : memref<16xf32, #tpu.memory_space<vmem>>, vector<16xf32>,
      %mul3A_861 = arith.mulf %min3A_857, %sub3A_858 : vector<16xf32>
      %mul3A_862 = arith.mulf %mul3A_861, %sub3A_858 : vector<16xf32>
      %add3A_863 = arith.addf %get3A_860, %mul3A_862 : vector<16xf32>
      %swap3A_864 = arith.constant 0 : index
      %swap3A_865 = tpu.vector_load %arg18[%swap3A_864] {strides = array<i32>} : memref<16xf32, #tpu.memory_space<vmem>>, vector<16xf32>,
      tpu.vector_store %arg18[%swap3A_864], %add3A_863 {strides = array<i32>} : memref<16xf32, #tpu.memory_space<vmem>>, vector<16xf32>,
    }
    %scan3A_535 = arith.constant 4 : i32
    %dma_start3A_536 = arith.constant 1 : i32
    %dma_start3A_537 = arith.constant 0 : i32
    %dma_start3A_538 = arith.constant 0 : i32
    %dma_start3A_539 = tpu.memref_slice %arg13[%dma_start3A_536, %dma_start3A_537, %dma_start3A_538] : memref<2x64x128xf32, #tpu.memory_space<vmem>> -> memref<1x64x128xf32, #tpu.memory_space<vmem>>
    %dma_start3A_540 = tpu.memref_squeeze %dma_start3A_539 : memref<1x64x128xf32, #tpu.memory_space<vmem>> -> memref<64x128xf32, #tpu.memory_space<vmem>>
    %dma_start3A_541 = arith.constant 448 : i32
    %dma_start3A_542 = tpu.memref_slice %arg10[%dma_start3A_541] : memref<512xi32, #tpu.memory_space<vmem>> -> memref<64xi32, #tpu.memory_space<vmem>>
    %dma_start3A_543 = arith.constant 0 : i32
    %dma_start3A_544 = arith.constant 0 : i32
    %dma_start3A_545 = tpu.memref_slice %arg5[%dma_start3A_543, %dma_start3A_544] : memref<100000x128xf32, #tpu.memory_space<hbm>> -> memref<100000x128xf32, #tpu.memory_space<hbm>>
    tpu.enqueue_indirect_dma source(%dma_start3A_545 : memref<100000x128xf32, #tpu.memory_space<hbm>>) target(%dma_start3A_540 : memref<64x128xf32, #tpu.memory_space<vmem>>) offsets(%dma_start3A_542 : memref<64xi32, #tpu.memory_space<vmem>>) semaphore(%arg20 : memref<!tpu.dma_semaphore, #tpu.memory_space<semaphore_mem>>)
    %dma_start3A_546 = arith.constant 1 : i32
    %dma_start3A_547 = arith.constant 0 : i32
    %dma_start3A_548 = arith.constant 0 : i32
    %dma_start3A_549 = tpu.memref_slice %arg14[%dma_start3A_546, %dma_start3A_547, %dma_start3A_548] : memref<2x64x128xf32, #tpu.memory_space<vmem>> -> memref<1x64x128xf32, #tpu.memory_space<vmem>>
    %dma_start3A_550 = tpu.memref_squeeze %dma_start3A_549 : memref<1x64x128xf32, #tpu.memory_space<vmem>> -> memref<64x128xf32, #tpu.memory_space<vmem>>
    %dma_start3A_551 = arith.constant 448 : i32
    %dma_start3A_552 = tpu.memref_slice %arg11[%dma_start3A_551] : memref<512xi32, #tpu.memory_space<vmem>> -> memref<64xi32, #tpu.memory_space<vmem>>
    %dma_start3A_553 = arith.constant 0 : i32
    %dma_start3A_554 = arith.constant 0 : i32
    %dma_start3A_555 = tpu.memref_slice %arg6[%dma_start3A_553, %dma_start3A_554] : memref<100000x128xf32, #tpu.memory_space<hbm>> -> memref<100000x128xf32, #tpu.memory_space<hbm>>
    tpu.enqueue_indirect_dma source(%dma_start3A_555 : memref<100000x128xf32, #tpu.memory_space<hbm>>) target(%dma_start3A_550 : memref<64x128xf32, #tpu.memory_space<vmem>>) offsets(%dma_start3A_552 : memref<64xi32, #tpu.memory_space<vmem>>) semaphore(%arg20 : memref<!tpu.dma_semaphore, #tpu.memory_space<semaphore_mem>>)
    %dma_start3A_556 = arith.constant 1 : i32
    %dma_start3A_557 = arith.constant 0 : i32
    %dma_start3A_558 = tpu.memref_slice %arg15[%dma_start3A_556, %dma_start3A_557] : memref<2x64xf32, #tpu.memory_space<vmem>> -> memref<1x64xf32, #tpu.memory_space<vmem>>
    %dma_start3A_559 = tpu.memref_squeeze %dma_start3A_558 : memref<1x64xf32, #tpu.memory_space<vmem>> -> memref<64xf32, #tpu.memory_space<vmem>>
    %dma_start3A_560 = arith.constant 448 : i32
    %dma_start3A_561 = tpu.memref_slice %arg10[%dma_start3A_560] : memref<512xi32, #tpu.memory_space<vmem>> -> memref<64xi32, #tpu.memory_space<vmem>>
    %dma_start3A_562 = arith.constant 0 : i32
    %dma_start3A_563 = tpu.memref_slice %arg7[%dma_start3A_562] : memref<100000xf32, #tpu.memory_space<hbm>> -> memref<100000xf32, #tpu.memory_space<hbm>>
    tpu.enqueue_indirect_dma source(%dma_start3A_563 : memref<100000xf32, #tpu.memory_space<hbm>>) target(%dma_start3A_559 : memref<64xf32, #tpu.memory_space<vmem>>) offsets(%dma_start3A_561 : memref<64xi32, #tpu.memory_space<vmem>>) semaphore(%arg20 : memref<!tpu.dma_semaphore, #tpu.memory_space<semaphore_mem>>)
    %dma_start3A_564 = arith.constant 1 : i32
    %dma_start3A_565 = arith.constant 0 : i32
    %dma_start3A_566 = tpu.memref_slice %arg16[%dma_start3A_564, %dma_start3A_565] : memref<2x64xf32, #tpu.memory_space<vmem>> -> memref<1x64xf32, #tpu.memory_space<vmem>>
    %dma_start3A_567 = tpu.memref_squeeze %dma_start3A_566 : memref<1x64xf32, #tpu.memory_space<vmem>> -> memref<64xf32, #tpu.memory_space<vmem>>
    %dma_start3A_568 = arith.constant 448 : i32
    %dma_start3A_569 = tpu.memref_slice %arg11[%dma_start3A_568] : memref<512xi32, #tpu.memory_space<vmem>> -> memref<64xi32, #tpu.memory_space<vmem>>
    %dma_start3A_570 = arith.constant 0 : i32
    %dma_start3A_571 = tpu.memref_slice %arg8[%dma_start3A_570] : memref<100000xf32, #tpu.memory_space<hbm>> -> memref<100000xf32, #tpu.memory_space<hbm>>
    tpu.enqueue_indirect_dma source(%dma_start3A_571 : memref<100000xf32, #tpu.memory_space<hbm>>) target(%dma_start3A_567 : memref<64xf32, #tpu.memory_space<vmem>>) offsets(%dma_start3A_569 : memref<64xi32, #tpu.memory_space<vmem>>) semaphore(%arg20 : memref<!tpu.dma_semaphore, #tpu.memory_space<semaphore_mem>>)
    %dma_wait3A_572 = arith.constant 0 : i32
    %dma_wait3A_573 = arith.constant 0 : i32
    %dma_wait3A_574 = arith.constant 0 : i32
    %dma_wait3A_575 = tpu.memref_slice %arg13[%dma_wait3A_572, %dma_wait3A_573, %dma_wait3A_574] : memref<2x64x128xf32, #tpu.memory_space<vmem>> -> memref<1x64x128xf32, #tpu.memory_space<vmem>>
    %dma_wait3A_576 = tpu.memref_squeeze %dma_wait3A_575 : memref<1x64x128xf32, #tpu.memory_space<vmem>> -> memref<64x128xf32, #tpu.memory_space<vmem>>
    %dma_wait3A_577 = arith.constant 384 : i32
    %dma_wait3A_578 = tpu.memref_slice %arg10[%dma_wait3A_577] : memref<512xi32, #tpu.memory_space<vmem>> -> memref<64xi32, #tpu.memory_space<vmem>>
    %dma_wait3A_579 = arith.constant 0 : i32
    %dma_wait3A_580 = arith.constant 0 : i32
    %dma_wait3A_581 = tpu.memref_slice %arg5[%dma_wait3A_579, %dma_wait3A_580] : memref<100000x128xf32, #tpu.memory_space<hbm>> -> memref<100000x128xf32, #tpu.memory_space<hbm>>
    tpu.wait_indirect_dma semaphore(%arg19 : memref<!tpu.dma_semaphore, #tpu.memory_space<semaphore_mem>>) src(%dma_wait3A_581 : memref<100000x128xf32, #tpu.memory_space<hbm>>) dst(%dma_wait3A_576 : memref<64x128xf32, #tpu.memory_space<vmem>>)
    %dma_wait3A_582 = arith.constant 0 : i32
    %dma_wait3A_583 = arith.constant 0 : i32
    %dma_wait3A_584 = arith.constant 0 : i32
    %dma_wait3A_585 = tpu.memref_slice %arg14[%dma_wait3A_582, %dma_wait3A_583, %dma_wait3A_584] : memref<2x64x128xf32, #tpu.memory_space<vmem>> -> memref<1x64x128xf32, #tpu.memory_space<vmem>>
    %dma_wait3A_586 = tpu.memref_squeeze %dma_wait3A_585 : memref<1x64x128xf32, #tpu.memory_space<vmem>> -> memref<64x128xf32, #tpu.memory_space<vmem>>
    %dma_wait3A_587 = arith.constant 384 : i32
    %dma_wait3A_588 = tpu.memref_slice %arg11[%dma_wait3A_587] : memref<512xi32, #tpu.memory_space<vmem>> -> memref<64xi32, #tpu.memory_space<vmem>>
    %dma_wait3A_589 = arith.constant 0 : i32
    %dma_wait3A_590 = arith.constant 0 : i32
    %dma_wait3A_591 = tpu.memref_slice %arg6[%dma_wait3A_589, %dma_wait3A_590] : memref<100000x128xf32, #tpu.memory_space<hbm>> -> memref<100000x128xf32, #tpu.memory_space<hbm>>
    tpu.wait_indirect_dma semaphore(%arg19 : memref<!tpu.dma_semaphore, #tpu.memory_space<semaphore_mem>>) src(%dma_wait3A_591 : memref<100000x128xf32, #tpu.memory_space<hbm>>) dst(%dma_wait3A_586 : memref<64x128xf32, #tpu.memory_space<vmem>>)
    %dma_wait3A_592 = arith.constant 0 : i32
    %dma_wait3A_593 = arith.constant 0 : i32
    %dma_wait3A_594 = tpu.memref_slice %arg15[%dma_wait3A_592, %dma_wait3A_593] : memref<2x64xf32, #tpu.memory_space<vmem>> -> memref<1x64xf32, #tpu.memory_space<vmem>>
    %dma_wait3A_595 = tpu.memref_squeeze %dma_wait3A_594 : memref<1x64xf32, #tpu.memory_space<vmem>> -> memref<64xf32, #tpu.memory_space<vmem>>
    %dma_wait3A_596 = arith.constant 384 : i32
    %dma_wait3A_597 = tpu.memref_slice %arg10[%dma_wait3A_596] : memref<512xi32, #tpu.memory_space<vmem>> -> memref<64xi32, #tpu.memory_space<vmem>>
    %dma_wait3A_598 = arith.constant 0 : i32
    %dma_wait3A_599 = tpu.memref_slice %arg7[%dma_wait3A_598] : memref<100000xf32, #tpu.memory_space<hbm>> -> memref<100000xf32, #tpu.memory_space<hbm>>
    tpu.wait_indirect_dma semaphore(%arg19 : memref<!tpu.dma_semaphore, #tpu.memory_space<semaphore_mem>>) src(%dma_wait3A_599 : memref<100000xf32, #tpu.memory_space<hbm>>) dst(%dma_wait3A_595 : memref<64xf32, #tpu.memory_space<vmem>>)
    %dma_wait3A_600 = arith.constant 0 : i32
    %dma_wait3A_601 = arith.constant 0 : i32
    %dma_wait3A_602 = tpu.memref_slice %arg16[%dma_wait3A_600, %dma_wait3A_601] : memref<2x64xf32, #tpu.memory_space<vmem>> -> memref<1x64xf32, #tpu.memory_space<vmem>>
    %dma_wait3A_603 = tpu.memref_squeeze %dma_wait3A_602 : memref<1x64xf32, #tpu.memory_space<vmem>> -> memref<64xf32, #tpu.memory_space<vmem>>
    %dma_wait3A_604 = arith.constant 384 : i32
    %dma_wait3A_605 = tpu.memref_slice %arg11[%dma_wait3A_604] : memref<512xi32, #tpu.memory_space<vmem>> -> memref<64xi32, #tpu.memory_space<vmem>>
    %dma_wait3A_606 = arith.constant 0 : i32
    %dma_wait3A_607 = tpu.memref_slice %arg8[%dma_wait3A_606] : memref<100000xf32, #tpu.memory_space<hbm>> -> memref<100000xf32, #tpu.memory_space<hbm>>
    tpu.wait_indirect_dma semaphore(%arg19 : memref<!tpu.dma_semaphore, #tpu.memory_space<semaphore_mem>>) src(%dma_wait3A_607 : memref<100000xf32, #tpu.memory_space<hbm>>) dst(%dma_wait3A_603 : memref<64xf32, #tpu.memory_space<vmem>>)
    %scan3A_608 = arith.constant 0 : i32
    %scan3A_609 = arith.constant 0 : i32
    %scan3A_610 = arith.constant 0 : i32
    %scan3A_611 = arith.constant 0 : i32
    %scan3A_612 = arith.constant 0 : i32
    %scan3A_613 = arith.constant 4 : i32
    %scan3A_614 = arith.addi %scan3A_612, %scan3A_613 : i32
    %scan3A_615 = arith.constant 1 : i32
    scf.for %scan3A_662 = %scan3A_612 to %scan3A_614 step %scan3A_615  : i32 {
      %mul3A_663 = arith.constant 1 : i32
      %mul3A_664 = arith.muli %scan3A_662, %mul3A_663 : i32
      %add3A_665 = arith.constant 0 : i32
      %add3A_666 = arith.addi %add3A_665, %mul3A_664 : i32
      %mul3A_667 = arith.constant 16 : i32
      %mul3A_668 = arith.muli %add3A_666, %mul3A_667 : i32
      %parallel_loop3A = arith.constant 0 : i32
      %parallel_loop3A_669 = arith.constant 16 : i32
      %parallel_loop3A_670 = arith.constant 1 : i32
      scf.for %parallel_loop3A_866 = %parallel_loop3A to %parallel_loop3A_669 step %parallel_loop3A_670  : i32 {
        %parallel_loop3A_867 = arith.addi %mul3A_668, %parallel_loop3A_866 : i32
        %parallel_loop3A_868 = arith.constant 0 : i32
        %parallel_loop3A_869 = arith.constant 0 : i32
        %parallel_loop3A_870 = tpu.memref_slice %arg13[%scan3A_608, %parallel_loop3A_868, %parallel_loop3A_869] : memref<2x64x128xf32, #tpu.memory_space<vmem>> -> memref<1x64x128xf32, #tpu.memory_space<vmem>>
        %parallel_loop3A_871 = tpu.memref_squeeze %parallel_loop3A_870 : memref<1x64x128xf32, #tpu.memory_space<vmem>> -> memref<64x128xf32, #tpu.memory_space<vmem>>
        %parallel_loop3A_872 = arith.index_cast %parallel_loop3A_867 : i32 to index
        %parallel_loop3A_873 = arith.constant 0 : index
        %parallel_loop3A_874 = tpu.vector_load %parallel_loop3A_871[%parallel_loop3A_872, %parallel_loop3A_873] {strides = array<i32>} : memref<64x128xf32, #tpu.memory_space<vmem>>, vector<16xf32>,
        %parallel_loop3A_875 = arith.constant 0 : i32
        %parallel_loop3A_876 = arith.constant 0 : i32
        %parallel_loop3A_877 = tpu.memref_slice %arg14[%scan3A_609, %parallel_loop3A_875, %parallel_loop3A_876] : memref<2x64x128xf32, #tpu.memory_space<vmem>> -> memref<1x64x128xf32, #tpu.memory_space<vmem>>
        %parallel_loop3A_878 = tpu.memref_squeeze %parallel_loop3A_877 : memref<1x64x128xf32, #tpu.memory_space<vmem>> -> memref<64x128xf32, #tpu.memory_space<vmem>>
        %parallel_loop3A_879 = arith.index_cast %parallel_loop3A_867 : i32 to index
        %parallel_loop3A_880 = arith.constant 0 : index
        %parallel_loop3A_881 = tpu.vector_load %parallel_loop3A_878[%parallel_loop3A_879, %parallel_loop3A_880] {strides = array<i32>} : memref<64x128xf32, #tpu.memory_space<vmem>>, vector<16xf32>,
        %parallel_loop3A_882 = arith.mulf %parallel_loop3A_874, %parallel_loop3A_881 : vector<16xf32>
        %parallel_loop3A_883 = arith.constant 0 : i32
        %parallel_loop3A_884 = arith.constant 0 : i32
        %parallel_loop3A_885 = tpu.memref_slice %arg13[%scan3A_608, %parallel_loop3A_883, %parallel_loop3A_884] : memref<2x64x128xf32, #tpu.memory_space<vmem>> -> memref<1x64x128xf32, #tpu.memory_space<vmem>>
        %parallel_loop3A_886 = tpu.memref_squeeze %parallel_loop3A_885 : memref<1x64x128xf32, #tpu.memory_space<vmem>> -> memref<64x128xf32, #tpu.memory_space<vmem>>
        %parallel_loop3A_887 = arith.index_cast %parallel_loop3A_867 : i32 to index
        %parallel_loop3A_888 = arith.constant 16 : index
        %parallel_loop3A_889 = tpu.vector_load %parallel_loop3A_886[%parallel_loop3A_887, %parallel_loop3A_888] {strides = array<i32>} : memref<64x128xf32, #tpu.memory_space<vmem>>, vector<16xf32>,
        %parallel_loop3A_890 = arith.constant 0 : i32
        %parallel_loop3A_891 = arith.constant 0 : i32
        %parallel_loop3A_892 = tpu.memref_slice %arg14[%scan3A_609, %parallel_loop3A_890, %parallel_loop3A_891] : memref<2x64x128xf32, #tpu.memory_space<vmem>> -> memref<1x64x128xf32, #tpu.memory_space<vmem>>
        %parallel_loop3A_893 = tpu.memref_squeeze %parallel_loop3A_892 : memref<1x64x128xf32, #tpu.memory_space<vmem>> -> memref<64x128xf32, #tpu.memory_space<vmem>>
        %parallel_loop3A_894 = arith.index_cast %parallel_loop3A_867 : i32 to index
        %parallel_loop3A_895 = arith.constant 16 : index
        %parallel_loop3A_896 = tpu.vector_load %parallel_loop3A_893[%parallel_loop3A_894, %parallel_loop3A_895] {strides = array<i32>} : memref<64x128xf32, #tpu.memory_space<vmem>>, vector<16xf32>,
        %parallel_loop3A_897 = arith.mulf %parallel_loop3A_889, %parallel_loop3A_896 : vector<16xf32>
        %parallel_loop3A_898 = arith.constant 0 : i32
        %parallel_loop3A_899 = arith.constant 0 : i32
        %parallel_loop3A_900 = tpu.memref_slice %arg13[%scan3A_608, %parallel_loop3A_898, %parallel_loop3A_899] : memref<2x64x128xf32, #tpu.memory_space<vmem>> -> memref<1x64x128xf32, #tpu.memory_space<vmem>>
        %parallel_loop3A_901 = tpu.memref_squeeze %parallel_loop3A_900 : memref<1x64x128xf32, #tpu.memory_space<vmem>> -> memref<64x128xf32, #tpu.memory_space<vmem>>
        %parallel_loop3A_902 = arith.index_cast %parallel_loop3A_867 : i32 to index
        %parallel_loop3A_903 = arith.constant 32 : index
        %parallel_loop3A_904 = tpu.vector_load %parallel_loop3A_901[%parallel_loop3A_902, %parallel_loop3A_903] {strides = array<i32>} : memref<64x128xf32, #tpu.memory_space<vmem>>, vector<16xf32>,
        %parallel_loop3A_905 = arith.constant 0 : i32
        %parallel_loop3A_906 = arith.constant 0 : i32
        %parallel_loop3A_907 = tpu.memref_slice %arg14[%scan3A_609, %parallel_loop3A_905, %parallel_loop3A_906] : memref<2x64x128xf32, #tpu.memory_space<vmem>> -> memref<1x64x128xf32, #tpu.memory_space<vmem>>
        %parallel_loop3A_908 = tpu.memref_squeeze %parallel_loop3A_907 : memref<1x64x128xf32, #tpu.memory_space<vmem>> -> memref<64x128xf32, #tpu.memory_space<vmem>>
        %parallel_loop3A_909 = arith.index_cast %parallel_loop3A_867 : i32 to index
        %parallel_loop3A_910 = arith.constant 32 : index
        %parallel_loop3A_911 = tpu.vector_load %parallel_loop3A_908[%parallel_loop3A_909, %parallel_loop3A_910] {strides = array<i32>} : memref<64x128xf32, #tpu.memory_space<vmem>>, vector<16xf32>,
        %parallel_loop3A_912 = arith.mulf %parallel_loop3A_904, %parallel_loop3A_911 : vector<16xf32>
        %parallel_loop3A_913 = arith.constant 0 : i32
        %parallel_loop3A_914 = arith.constant 0 : i32
        %parallel_loop3A_915 = tpu.memref_slice %arg13[%scan3A_608, %parallel_loop3A_913, %parallel_loop3A_914] : memref<2x64x128xf32, #tpu.memory_space<vmem>> -> memref<1x64x128xf32, #tpu.memory_space<vmem>>
        %parallel_loop3A_916 = tpu.memref_squeeze %parallel_loop3A_915 : memref<1x64x128xf32, #tpu.memory_space<vmem>> -> memref<64x128xf32, #tpu.memory_space<vmem>>
        %parallel_loop3A_917 = arith.index_cast %parallel_loop3A_867 : i32 to index
        %parallel_loop3A_918 = arith.constant 48 : index
        %parallel_loop3A_919 = tpu.vector_load %parallel_loop3A_916[%parallel_loop3A_917, %parallel_loop3A_918] {strides = array<i32>} : memref<64x128xf32, #tpu.memory_space<vmem>>, vector<16xf32>,
        %parallel_loop3A_920 = arith.constant 0 : i32
        %parallel_loop3A_921 = arith.constant 0 : i32
        %parallel_loop3A_922 = tpu.memref_slice %arg14[%scan3A_609, %parallel_loop3A_920, %parallel_loop3A_921] : memref<2x64x128xf32, #tpu.memory_space<vmem>> -> memref<1x64x128xf32, #tpu.memory_space<vmem>>
        %parallel_loop3A_923 = tpu.memref_squeeze %parallel_loop3A_922 : memref<1x64x128xf32, #tpu.memory_space<vmem>> -> memref<64x128xf32, #tpu.memory_space<vmem>>
        %parallel_loop3A_924 = arith.index_cast %parallel_loop3A_867 : i32 to index
        %parallel_loop3A_925 = arith.constant 48 : index
        %parallel_loop3A_926 = tpu.vector_load %parallel_loop3A_923[%parallel_loop3A_924, %parallel_loop3A_925] {strides = array<i32>} : memref<64x128xf32, #tpu.memory_space<vmem>>, vector<16xf32>,
        %parallel_loop3A_927 = arith.mulf %parallel_loop3A_919, %parallel_loop3A_926 : vector<16xf32>
        %parallel_loop3A_928 = arith.constant 0 : i32
        %parallel_loop3A_929 = arith.constant 0 : i32
        %parallel_loop3A_930 = tpu.memref_slice %arg13[%scan3A_608, %parallel_loop3A_928, %parallel_loop3A_929] : memref<2x64x128xf32, #tpu.memory_space<vmem>> -> memref<1x64x128xf32, #tpu.memory_space<vmem>>
        %parallel_loop3A_931 = tpu.memref_squeeze %parallel_loop3A_930 : memref<1x64x128xf32, #tpu.memory_space<vmem>> -> memref<64x128xf32, #tpu.memory_space<vmem>>
        %parallel_loop3A_932 = arith.index_cast %parallel_loop3A_867 : i32 to index
        %parallel_loop3A_933 = arith.constant 64 : index
        %parallel_loop3A_934 = tpu.vector_load %parallel_loop3A_931[%parallel_loop3A_932, %parallel_loop3A_933] {strides = array<i32>} : memref<64x128xf32, #tpu.memory_space<vmem>>, vector<16xf32>,
        %parallel_loop3A_935 = arith.constant 0 : i32
        %parallel_loop3A_936 = arith.constant 0 : i32
        %parallel_loop3A_937 = tpu.memref_slice %arg14[%scan3A_609, %parallel_loop3A_935, %parallel_loop3A_936] : memref<2x64x128xf32, #tpu.memory_space<vmem>> -> memref<1x64x128xf32, #tpu.memory_space<vmem>>
        %parallel_loop3A_938 = tpu.memref_squeeze %parallel_loop3A_937 : memref<1x64x128xf32, #tpu.memory_space<vmem>> -> memref<64x128xf32, #tpu.memory_space<vmem>>
        %parallel_loop3A_939 = arith.index_cast %parallel_loop3A_867 : i32 to index
        %parallel_loop3A_940 = arith.constant 64 : index
        %parallel_loop3A_941 = tpu.vector_load %parallel_loop3A_938[%parallel_loop3A_939, %parallel_loop3A_940] {strides = array<i32>} : memref<64x128xf32, #tpu.memory_space<vmem>>, vector<16xf32>,
        %parallel_loop3A_942 = arith.mulf %parallel_loop3A_934, %parallel_loop3A_941 : vector<16xf32>
        %parallel_loop3A_943 = arith.constant 0 : i32
        %parallel_loop3A_944 = arith.constant 0 : i32
        %parallel_loop3A_945 = tpu.memref_slice %arg13[%scan3A_608, %parallel_loop3A_943, %parallel_loop3A_944] : memref<2x64x128xf32, #tpu.memory_space<vmem>> -> memref<1x64x128xf32, #tpu.memory_space<vmem>>
        %parallel_loop3A_946 = tpu.memref_squeeze %parallel_loop3A_945 : memref<1x64x128xf32, #tpu.memory_space<vmem>> -> memref<64x128xf32, #tpu.memory_space<vmem>>
        %parallel_loop3A_947 = arith.index_cast %parallel_loop3A_867 : i32 to index
        %parallel_loop3A_948 = arith.constant 80 : index
        %parallel_loop3A_949 = tpu.vector_load %parallel_loop3A_946[%parallel_loop3A_947, %parallel_loop3A_948] {strides = array<i32>} : memref<64x128xf32, #tpu.memory_space<vmem>>, vector<16xf32>,
        %parallel_loop3A_950 = arith.constant 0 : i32
        %parallel_loop3A_951 = arith.constant 0 : i32
        %parallel_loop3A_952 = tpu.memref_slice %arg14[%scan3A_609, %parallel_loop3A_950, %parallel_loop3A_951] : memref<2x64x128xf32, #tpu.memory_space<vmem>> -> memref<1x64x128xf32, #tpu.memory_space<vmem>>
        %parallel_loop3A_953 = tpu.memref_squeeze %parallel_loop3A_952 : memref<1x64x128xf32, #tpu.memory_space<vmem>> -> memref<64x128xf32, #tpu.memory_space<vmem>>
        %parallel_loop3A_954 = arith.index_cast %parallel_loop3A_867 : i32 to index
        %parallel_loop3A_955 = arith.constant 80 : index
        %parallel_loop3A_956 = tpu.vector_load %parallel_loop3A_953[%parallel_loop3A_954, %parallel_loop3A_955] {strides = array<i32>} : memref<64x128xf32, #tpu.memory_space<vmem>>, vector<16xf32>,
        %parallel_loop3A_957 = arith.mulf %parallel_loop3A_949, %parallel_loop3A_956 : vector<16xf32>
        %parallel_loop3A_958 = arith.constant 0 : i32
        %parallel_loop3A_959 = arith.constant 0 : i32
        %parallel_loop3A_960 = tpu.memref_slice %arg13[%scan3A_608, %parallel_loop3A_958, %parallel_loop3A_959] : memref<2x64x128xf32, #tpu.memory_space<vmem>> -> memref<1x64x128xf32, #tpu.memory_space<vmem>>
        %parallel_loop3A_961 = tpu.memref_squeeze %parallel_loop3A_960 : memref<1x64x128xf32, #tpu.memory_space<vmem>> -> memref<64x128xf32, #tpu.memory_space<vmem>>
        %parallel_loop3A_962 = arith.index_cast %parallel_loop3A_867 : i32 to index
        %parallel_loop3A_963 = arith.constant 96 : index
        %parallel_loop3A_964 = tpu.vector_load %parallel_loop3A_961[%parallel_loop3A_962, %parallel_loop3A_963] {strides = array<i32>} : memref<64x128xf32, #tpu.memory_space<vmem>>, vector<16xf32>,
        %parallel_loop3A_965 = arith.constant 0 : i32
        %parallel_loop3A_966 = arith.constant 0 : i32
        %parallel_loop3A_967 = tpu.memref_slice %arg14[%scan3A_609, %parallel_loop3A_965, %parallel_loop3A_966] : memref<2x64x128xf32, #tpu.memory_space<vmem>> -> memref<1x64x128xf32, #tpu.memory_space<vmem>>
        %parallel_loop3A_968 = tpu.memref_squeeze %parallel_loop3A_967 : memref<1x64x128xf32, #tpu.memory_space<vmem>> -> memref<64x128xf32, #tpu.memory_space<vmem>>
        %parallel_loop3A_969 = arith.index_cast %parallel_loop3A_867 : i32 to index
        %parallel_loop3A_970 = arith.constant 96 : index
        %parallel_loop3A_971 = tpu.vector_load %parallel_loop3A_968[%parallel_loop3A_969, %parallel_loop3A_970] {strides = array<i32>} : memref<64x128xf32, #tpu.memory_space<vmem>>, vector<16xf32>,
        %parallel_loop3A_972 = arith.mulf %parallel_loop3A_964, %parallel_loop3A_971 : vector<16xf32>
        %parallel_loop3A_973 = arith.constant 0 : i32
        %parallel_loop3A_974 = arith.constant 0 : i32
        %parallel_loop3A_975 = tpu.memref_slice %arg13[%scan3A_608, %parallel_loop3A_973, %parallel_loop3A_974] : memref<2x64x128xf32, #tpu.memory_space<vmem>> -> memref<1x64x128xf32, #tpu.memory_space<vmem>>
        %parallel_loop3A_976 = tpu.memref_squeeze %parallel_loop3A_975 : memref<1x64x128xf32, #tpu.memory_space<vmem>> -> memref<64x128xf32, #tpu.memory_space<vmem>>
        %parallel_loop3A_977 = arith.index_cast %parallel_loop3A_867 : i32 to index
        %parallel_loop3A_978 = arith.constant 112 : index
        %parallel_loop3A_979 = tpu.vector_load %parallel_loop3A_976[%parallel_loop3A_977, %parallel_loop3A_978] {strides = array<i32>} : memref<64x128xf32, #tpu.memory_space<vmem>>, vector<16xf32>,
        %parallel_loop3A_980 = arith.constant 0 : i32
        %parallel_loop3A_981 = arith.constant 0 : i32
        %parallel_loop3A_982 = tpu.memref_slice %arg14[%scan3A_609, %parallel_loop3A_980, %parallel_loop3A_981] : memref<2x64x128xf32, #tpu.memory_space<vmem>> -> memref<1x64x128xf32, #tpu.memory_space<vmem>>
        %parallel_loop3A_983 = tpu.memref_squeeze %parallel_loop3A_982 : memref<1x64x128xf32, #tpu.memory_space<vmem>> -> memref<64x128xf32, #tpu.memory_space<vmem>>
        %parallel_loop3A_984 = arith.index_cast %parallel_loop3A_867 : i32 to index
        %parallel_loop3A_985 = arith.constant 112 : index
        %parallel_loop3A_986 = tpu.vector_load %parallel_loop3A_983[%parallel_loop3A_984, %parallel_loop3A_985] {strides = array<i32>} : memref<64x128xf32, #tpu.memory_space<vmem>>, vector<16xf32>,
        %parallel_loop3A_987 = arith.mulf %parallel_loop3A_979, %parallel_loop3A_986 : vector<16xf32>
        %parallel_loop3A_988 = arith.addf %parallel_loop3A_882, %parallel_loop3A_897 : vector<16xf32>
        %parallel_loop3A_989 = arith.addf %parallel_loop3A_912, %parallel_loop3A_927 : vector<16xf32>
        %parallel_loop3A_990 = arith.addf %parallel_loop3A_988, %parallel_loop3A_989 : vector<16xf32>
        %parallel_loop3A_991 = arith.addf %parallel_loop3A_942, %parallel_loop3A_957 : vector<16xf32>
        %parallel_loop3A_992 = arith.addf %parallel_loop3A_972, %parallel_loop3A_987 : vector<16xf32>
        %parallel_loop3A_993 = arith.addf %parallel_loop3A_991, %parallel_loop3A_992 : vector<16xf32>
        %parallel_loop3A_994 = arith.addf %parallel_loop3A_990, %parallel_loop3A_993 : vector<16xf32>
        %parallel_loop3A_995 = arith.index_cast %parallel_loop3A_866 : i32 to index
        %parallel_loop3A_996 = arith.constant 0 : index
        %parallel_loop3A_997 = tpu.vector_load %arg17[%parallel_loop3A_995, %parallel_loop3A_996] {strides = array<i32>} : memref<16x16xf32, #tpu.memory_space<vmem>>, vector<16xf32>,
        tpu.vector_store %arg17[%parallel_loop3A_995, %parallel_loop3A_996], %parallel_loop3A_994 {strides = array<i32>} : memref<16x16xf32, #tpu.memory_space<vmem>>, vector<16xf32>,
      } {sc.loop_unroll_factor = 4 : i64, sc.parallel_access}
      %add3A_671 = arith.constant 0 : i32
      %add3A_672 = vector.broadcast %add3A_671 : i32 to vector<16xi32>
      %add3A_673 = arith.addi %iota3A, %add3A_672 : vector<16xi32>
      %and3A = arith.constant 15 : i32
      %and3A_674 = vector.broadcast %and3A : i32 to vector<16xi32>
      %and3A_675 = arith.andi %add3A_673, %and3A_674 : vector<16xi32>
      %gather3A = tpu.vector_load_idx %arg17[%iota3A, %and3A_675] : memref<16x16xf32, #tpu.memory_space<vmem>>[vector<16xi32>, vector<16xi32>], vector<16xf32>,
      %add3A_676 = arith.constant 1 : i32
      %add3A_677 = vector.broadcast %add3A_676 : i32 to vector<16xi32>
      %add3A_678 = arith.addi %iota3A, %add3A_677 : vector<16xi32>
      %and3A_679 = arith.constant 15 : i32
      %and3A_680 = vector.broadcast %and3A_679 : i32 to vector<16xi32>
      %and3A_681 = arith.andi %add3A_678, %and3A_680 : vector<16xi32>
      %gather3A_682 = tpu.vector_load_idx %arg17[%iota3A, %and3A_681] : memref<16x16xf32, #tpu.memory_space<vmem>>[vector<16xi32>, vector<16xi32>], vector<16xf32>,
      %add3A_683 = arith.constant 2 : i32
      %add3A_684 = vector.broadcast %add3A_683 : i32 to vector<16xi32>
      %add3A_685 = arith.addi %iota3A, %add3A_684 : vector<16xi32>
      %and3A_686 = arith.constant 15 : i32
      %and3A_687 = vector.broadcast %and3A_686 : i32 to vector<16xi32>
      %and3A_688 = arith.andi %add3A_685, %and3A_687 : vector<16xi32>
      %gather3A_689 = tpu.vector_load_idx %arg17[%iota3A, %and3A_688] : memref<16x16xf32, #tpu.memory_space<vmem>>[vector<16xi32>, vector<16xi32>], vector<16xf32>,
      %add3A_690 = arith.constant 3 : i32
      %add3A_691 = vector.broadcast %add3A_690 : i32 to vector<16xi32>
      %add3A_692 = arith.addi %iota3A, %add3A_691 : vector<16xi32>
      %and3A_693 = arith.constant 15 : i32
      %and3A_694 = vector.broadcast %and3A_693 : i32 to vector<16xi32>
      %and3A_695 = arith.andi %add3A_692, %and3A_694 : vector<16xi32>
      %gather3A_696 = tpu.vector_load_idx %arg17[%iota3A, %and3A_695] : memref<16x16xf32, #tpu.memory_space<vmem>>[vector<16xi32>, vector<16xi32>], vector<16xf32>,
      %add3A_697 = arith.constant 4 : i32
      %add3A_698 = vector.broadcast %add3A_697 : i32 to vector<16xi32>
      %add3A_699 = arith.addi %iota3A, %add3A_698 : vector<16xi32>
      %and3A_700 = arith.constant 15 : i32
      %and3A_701 = vector.broadcast %and3A_700 : i32 to vector<16xi32>
      %and3A_702 = arith.andi %add3A_699, %and3A_701 : vector<16xi32>
      %gather3A_703 = tpu.vector_load_idx %arg17[%iota3A, %and3A_702] : memref<16x16xf32, #tpu.memory_space<vmem>>[vector<16xi32>, vector<16xi32>], vector<16xf32>,
      %add3A_704 = arith.constant 5 : i32
      %add3A_705 = vector.broadcast %add3A_704 : i32 to vector<16xi32>
      %add3A_706 = arith.addi %iota3A, %add3A_705 : vector<16xi32>
      %and3A_707 = arith.constant 15 : i32
      %and3A_708 = vector.broadcast %and3A_707 : i32 to vector<16xi32>
      %and3A_709 = arith.andi %add3A_706, %and3A_708 : vector<16xi32>
      %gather3A_710 = tpu.vector_load_idx %arg17[%iota3A, %and3A_709] : memref<16x16xf32, #tpu.memory_space<vmem>>[vector<16xi32>, vector<16xi32>], vector<16xf32>,
      %add3A_711 = arith.constant 6 : i32
      %add3A_712 = vector.broadcast %add3A_711 : i32 to vector<16xi32>
      %add3A_713 = arith.addi %iota3A, %add3A_712 : vector<16xi32>
      %and3A_714 = arith.constant 15 : i32
      %and3A_715 = vector.broadcast %and3A_714 : i32 to vector<16xi32>
      %and3A_716 = arith.andi %add3A_713, %and3A_715 : vector<16xi32>
      %gather3A_717 = tpu.vector_load_idx %arg17[%iota3A, %and3A_716] : memref<16x16xf32, #tpu.memory_space<vmem>>[vector<16xi32>, vector<16xi32>], vector<16xf32>,
      %add3A_718 = arith.constant 7 : i32
      %add3A_719 = vector.broadcast %add3A_718 : i32 to vector<16xi32>
      %add3A_720 = arith.addi %iota3A, %add3A_719 : vector<16xi32>
      %and3A_721 = arith.constant 15 : i32
      %and3A_722 = vector.broadcast %and3A_721 : i32 to vector<16xi32>
      %and3A_723 = arith.andi %add3A_720, %and3A_722 : vector<16xi32>
      %gather3A_724 = tpu.vector_load_idx %arg17[%iota3A, %and3A_723] : memref<16x16xf32, #tpu.memory_space<vmem>>[vector<16xi32>, vector<16xi32>], vector<16xf32>,
      %add3A_725 = arith.constant 8 : i32
      %add3A_726 = vector.broadcast %add3A_725 : i32 to vector<16xi32>
      %add3A_727 = arith.addi %iota3A, %add3A_726 : vector<16xi32>
      %and3A_728 = arith.constant 15 : i32
      %and3A_729 = vector.broadcast %and3A_728 : i32 to vector<16xi32>
      %and3A_730 = arith.andi %add3A_727, %and3A_729 : vector<16xi32>
      %gather3A_731 = tpu.vector_load_idx %arg17[%iota3A, %and3A_730] : memref<16x16xf32, #tpu.memory_space<vmem>>[vector<16xi32>, vector<16xi32>], vector<16xf32>,
      %add3A_732 = arith.constant 9 : i32
      %add3A_733 = vector.broadcast %add3A_732 : i32 to vector<16xi32>
      %add3A_734 = arith.addi %iota3A, %add3A_733 : vector<16xi32>
      %and3A_735 = arith.constant 15 : i32
      %and3A_736 = vector.broadcast %and3A_735 : i32 to vector<16xi32>
      %and3A_737 = arith.andi %add3A_734, %and3A_736 : vector<16xi32>
      %gather3A_738 = tpu.vector_load_idx %arg17[%iota3A, %and3A_737] : memref<16x16xf32, #tpu.memory_space<vmem>>[vector<16xi32>, vector<16xi32>], vector<16xf32>,
      %add3A_739 = arith.constant 10 : i32
      %add3A_740 = vector.broadcast %add3A_739 : i32 to vector<16xi32>
      %add3A_741 = arith.addi %iota3A, %add3A_740 : vector<16xi32>
      %and3A_742 = arith.constant 15 : i32
      %and3A_743 = vector.broadcast %and3A_742 : i32 to vector<16xi32>
      %and3A_744 = arith.andi %add3A_741, %and3A_743 : vector<16xi32>
      %gather3A_745 = tpu.vector_load_idx %arg17[%iota3A, %and3A_744] : memref<16x16xf32, #tpu.memory_space<vmem>>[vector<16xi32>, vector<16xi32>], vector<16xf32>,
      %add3A_746 = arith.constant 11 : i32
      %add3A_747 = vector.broadcast %add3A_746 : i32 to vector<16xi32>
      %add3A_748 = arith.addi %iota3A, %add3A_747 : vector<16xi32>
      %and3A_749 = arith.constant 15 : i32
      %and3A_750 = vector.broadcast %and3A_749 : i32 to vector<16xi32>
      %and3A_751 = arith.andi %add3A_748, %and3A_750 : vector<16xi32>
      %gather3A_752 = tpu.vector_load_idx %arg17[%iota3A, %and3A_751] : memref<16x16xf32, #tpu.memory_space<vmem>>[vector<16xi32>, vector<16xi32>], vector<16xf32>,
      %add3A_753 = arith.constant 12 : i32
      %add3A_754 = vector.broadcast %add3A_753 : i32 to vector<16xi32>
      %add3A_755 = arith.addi %iota3A, %add3A_754 : vector<16xi32>
      %and3A_756 = arith.constant 15 : i32
      %and3A_757 = vector.broadcast %and3A_756 : i32 to vector<16xi32>
      %and3A_758 = arith.andi %add3A_755, %and3A_757 : vector<16xi32>
      %gather3A_759 = tpu.vector_load_idx %arg17[%iota3A, %and3A_758] : memref<16x16xf32, #tpu.memory_space<vmem>>[vector<16xi32>, vector<16xi32>], vector<16xf32>,
      %add3A_760 = arith.constant 13 : i32
      %add3A_761 = vector.broadcast %add3A_760 : i32 to vector<16xi32>
      %add3A_762 = arith.addi %iota3A, %add3A_761 : vector<16xi32>
      %and3A_763 = arith.constant 15 : i32
      %and3A_764 = vector.broadcast %and3A_763 : i32 to vector<16xi32>
      %and3A_765 = arith.andi %add3A_762, %and3A_764 : vector<16xi32>
      %gather3A_766 = tpu.vector_load_idx %arg17[%iota3A, %and3A_765] : memref<16x16xf32, #tpu.memory_space<vmem>>[vector<16xi32>, vector<16xi32>], vector<16xf32>,
      %add3A_767 = arith.constant 14 : i32
      %add3A_768 = vector.broadcast %add3A_767 : i32 to vector<16xi32>
      %add3A_769 = arith.addi %iota3A, %add3A_768 : vector<16xi32>
      %and3A_770 = arith.constant 15 : i32
      %and3A_771 = vector.broadcast %and3A_770 : i32 to vector<16xi32>
      %and3A_772 = arith.andi %add3A_769, %and3A_771 : vector<16xi32>
      %gather3A_773 = tpu.vector_load_idx %arg17[%iota3A, %and3A_772] : memref<16x16xf32, #tpu.memory_space<vmem>>[vector<16xi32>, vector<16xi32>], vector<16xf32>,
      %add3A_774 = arith.constant 15 : i32
      %add3A_775 = vector.broadcast %add3A_774 : i32 to vector<16xi32>
      %add3A_776 = arith.addi %iota3A, %add3A_775 : vector<16xi32>
      %and3A_777 = arith.constant 15 : i32
      %and3A_778 = vector.broadcast %and3A_777 : i32 to vector<16xi32>
      %and3A_779 = arith.andi %add3A_776, %and3A_778 : vector<16xi32>
      %gather3A_780 = tpu.vector_load_idx %arg17[%iota3A, %and3A_779] : memref<16x16xf32, #tpu.memory_space<vmem>>[vector<16xi32>, vector<16xi32>], vector<16xf32>,
      %add3A_781 = arith.addf %gather3A, %gather3A_682 : vector<16xf32>
      %add3A_782 = arith.addf %gather3A_689, %gather3A_696 : vector<16xf32>
      %add3A_783 = arith.addf %gather3A_703, %gather3A_710 : vector<16xf32>
      %add3A_784 = arith.addf %gather3A_717, %gather3A_724 : vector<16xf32>
      %add3A_785 = arith.addf %gather3A_731, %gather3A_738 : vector<16xf32>
      %add3A_786 = arith.addf %gather3A_745, %gather3A_752 : vector<16xf32>
      %add3A_787 = arith.addf %gather3A_759, %gather3A_766 : vector<16xf32>
      %add3A_788 = arith.addf %gather3A_773, %gather3A_780 : vector<16xf32>
      %add3A_789 = arith.addf %add3A_781, %add3A_782 : vector<16xf32>
      %add3A_790 = arith.addf %add3A_783, %add3A_784 : vector<16xf32>
      %add3A_791 = arith.addf %add3A_785, %add3A_786 : vector<16xf32>
      %add3A_792 = arith.addf %add3A_787, %add3A_788 : vector<16xf32>
      %add3A_793 = arith.addf %add3A_789, %add3A_790 : vector<16xf32>
      %add3A_794 = arith.addf %add3A_791, %add3A_792 : vector<16xf32>
      %add3A_795 = arith.addf %add3A_793, %add3A_794 : vector<16xf32>
      %get3A = arith.constant 0 : i32
      %get3A_796 = tpu.memref_slice %arg15[%scan3A_610, %get3A] : memref<2x64xf32, #tpu.memory_space<vmem>> -> memref<1x64xf32, #tpu.memory_space<vmem>>
      %get3A_797 = tpu.memref_squeeze %get3A_796 : memref<1x64xf32, #tpu.memory_space<vmem>> -> memref<64xf32, #tpu.memory_space<vmem>>
      %get3A_798 = arith.index_cast %mul3A_668 : i32 to index
      %get3A_799 = tpu.vector_load %get3A_797[%get3A_798] {strides = array<i32>} : memref<64xf32, #tpu.memory_space<vmem>>, vector<16xf32>,
      %add3A_800 = arith.addf %add3A_795, %get3A_799 : vector<16xf32>
      %get3A_801 = arith.constant 0 : i32
      %get3A_802 = tpu.memref_slice %arg16[%scan3A_611, %get3A_801] : memref<2x64xf32, #tpu.memory_space<vmem>> -> memref<1x64xf32, #tpu.memory_space<vmem>>
      %get3A_803 = tpu.memref_squeeze %get3A_802 : memref<1x64xf32, #tpu.memory_space<vmem>> -> memref<64xf32, #tpu.memory_space<vmem>>
      %get3A_804 = arith.index_cast %mul3A_668 : i32 to index
      %get3A_805 = tpu.vector_load %get3A_803[%get3A_804] {strides = array<i32>} : memref<64xf32, #tpu.memory_space<vmem>>, vector<16xf32>,
      %add3A_806 = arith.addf %add3A_800, %get3A_805 : vector<16xf32>
      %add3A_807 = arith.constant 384 : i32
      %add3A_808 = arith.addi %add3A_807, %mul3A_668 : i32
      %get3A_809 = arith.index_cast %add3A_808 : i32 to index
      %get3A_810 = tpu.vector_load %arg12[%get3A_809] {strides = array<i32>} : memref<512xf32, #tpu.memory_space<vmem>>, vector<16xf32>,
      %bitcast3A = vector.bitcast %get3A_810 : vector<16xf32> to vector<16xi32>
      %shift_right_arithmetic3A = arith.constant 23 : i32
      %shift_right_arithmetic3A_811 = vector.broadcast %shift_right_arithmetic3A : i32 to vector<16xi32>
      %shift_right_arithmetic3A_812 = arith.shrsi %bitcast3A, %shift_right_arithmetic3A_811 : vector<16xi32>
      %sub3A = arith.constant 127 : i32
      %sub3A_813 = vector.broadcast %sub3A : i32 to vector<16xi32>
      %sub3A_814 = arith.subi %shift_right_arithmetic3A_812, %sub3A_813 : vector<16xi32>
      %and3A_815 = arith.constant 8388607 : i32
      %and3A_816 = vector.broadcast %and3A_815 : i32 to vector<16xi32>
      %and3A_817 = arith.andi %bitcast3A, %and3A_816 : vector<16xi32>
      %or3A = arith.constant 1065353216 : i32
      %or3A_818 = vector.broadcast %or3A : i32 to vector<16xi32>
      %or3A_819 = arith.ori %and3A_817, %or3A_818 : vector<16xi32>
      %bitcast3A_820 = vector.bitcast %or3A_819 : vector<16xi32> to vector<16xf32>
      %sub3A_821 = arith.constant 1.000000e+00 : f32
      %sub3A_822 = vector.broadcast %sub3A_821 : f32 to vector<16xf32>
      %sub3A_823 = arith.subf %bitcast3A_820, %sub3A_822 : vector<16xf32>
      %add3A_824 = arith.constant 1.000000e+00 : f32
      %add3A_825 = vector.broadcast %add3A_824 : f32 to vector<16xf32>
      %add3A_826 = arith.addf %bitcast3A_820, %add3A_825 : vector<16xf32>
      %div3A = arith.divf %sub3A_823, %add3A_826 : vector<16xf32>
      %mul3A_827 = arith.mulf %div3A, %div3A : vector<16xf32>
      %mul3A_828 = arith.constant 0.142857149 : f32
      %mul3A_829 = vector.broadcast %mul3A_828 : f32 to vector<16xf32>
      %mul3A_830 = arith.mulf %mul3A_827, %mul3A_829 : vector<16xf32>
      %add3A_831 = arith.constant 2.000000e-01 : f32
      %add3A_832 = vector.broadcast %add3A_831 : f32 to vector<16xf32>
      %add3A_833 = arith.addf %add3A_832, %mul3A_830 : vector<16xf32>
      %mul3A_834 = arith.mulf %mul3A_827, %add3A_833 : vector<16xf32>
      %add3A_835 = arith.constant 0.333333343 : f32
      %add3A_836 = vector.broadcast %add3A_835 : f32 to vector<16xf32>
      %add3A_837 = arith.addf %add3A_836, %mul3A_834 : vector<16xf32>
      %mul3A_838 = arith.mulf %mul3A_827, %add3A_837 : vector<16xf32>
      %add3A_839 = arith.constant 1.000000e+00 : f32
      %add3A_840 = vector.broadcast %add3A_839 : f32 to vector<16xf32>
      %add3A_841 = arith.addf %add3A_840, %mul3A_838 : vector<16xf32>
      %convert_element_type3A = arith.sitofp %sub3A_814 : vector<16xi32> to vector<16xf32>
      %mul3A_842 = arith.constant 0.693147182 : f32
      %mul3A_843 = vector.broadcast %mul3A_842 : f32 to vector<16xf32>
      %mul3A_844 = arith.mulf %convert_element_type3A, %mul3A_843 : vector<16xf32>
      %mul3A_845 = arith.constant 2.000000e+00 : f32
      %mul3A_846 = vector.broadcast %mul3A_845 : f32 to vector<16xf32>
      %mul3A_847 = arith.mulf %mul3A_846, %div3A : vector<16xf32>
      %mul3A_848 = arith.mulf %mul3A_847, %add3A_841 : vector<16xf32>
      %add3A_849 = arith.addf %mul3A_844, %mul3A_848 : vector<16xf32>
      %sub3A_850 = arith.constant 4.60517025 : f32
      %sub3A_851 = vector.broadcast %sub3A_850 : f32 to vector<16xf32>
      %sub3A_852 = arith.subf %add3A_849, %sub3A_851 : vector<16xf32>
      %mul3A_853 = arith.constant 7.500000e-01 : f32
      %mul3A_854 = vector.broadcast %mul3A_853 : f32 to vector<16xf32>
      %mul3A_855 = arith.mulf %mul3A_854, %sub3A_852 : vector<16xf32>
      %exp3A = math.exp %mul3A_855 : vector<16xf32>
      %min3A = arith.constant 1.000000e+00 : f32
      %min3A_856 = vector.broadcast %min3A : f32 to vector<16xf32>
      %min3A_857 = arith.minimumf %exp3A, %min3A_856 : vector<16xf32>
      %sub3A_858 = arith.subf %add3A_806, %add3A_849 : vector<16xf32>
      %get3A_859 = arith.constant 0 : index
      %get3A_860 = tpu.vector_load %arg18[%get3A_859] {strides = array<i32>} : memref<16xf32, #tpu.memory_space<vmem>>, vector<16xf32>,
      %mul3A_861 = arith.mulf %min3A_857, %sub3A_858 : vector<16xf32>
      %mul3A_862 = arith.mulf %mul3A_861, %sub3A_858 : vector<16xf32>
      %add3A_863 = arith.addf %get3A_860, %mul3A_862 : vector<16xf32>
      %swap3A_864 = arith.constant 0 : index
      %swap3A_865 = tpu.vector_load %arg18[%swap3A_864] {strides = array<i32>} : memref<16xf32, #tpu.memory_space<vmem>>, vector<16xf32>,
      tpu.vector_store %arg18[%swap3A_864], %add3A_863 {strides = array<i32>} : memref<16xf32, #tpu.memory_space<vmem>>, vector<16xf32>,
    }
    %scan3A_616 = arith.constant 4 : i32
    %dma_wait3A_617 = arith.constant 1 : i32
    %dma_wait3A_618 = arith.constant 0 : i32
    %dma_wait3A_619 = arith.constant 0 : i32
    %dma_wait3A_620 = tpu.memref_slice %arg13[%dma_wait3A_617, %dma_wait3A_618, %dma_wait3A_619] : memref<2x64x128xf32, #tpu.memory_space<vmem>> -> memref<1x64x128xf32, #tpu.memory_space<vmem>>
    %dma_wait3A_621 = tpu.memref_squeeze %dma_wait3A_620 : memref<1x64x128xf32, #tpu.memory_space<vmem>> -> memref<64x128xf32, #tpu.memory_space<vmem>>
    %dma_wait3A_622 = arith.constant 448 : i32
    %dma_wait3A_623 = tpu.memref_slice %arg10[%dma_wait3A_622] : memref<512xi32, #tpu.memory_space<vmem>> -> memref<64xi32, #tpu.memory_space<vmem>>
    %dma_wait3A_624 = arith.constant 0 : i32
    %dma_wait3A_625 = arith.constant 0 : i32
    %dma_wait3A_626 = tpu.memref_slice %arg5[%dma_wait3A_624, %dma_wait3A_625] : memref<100000x128xf32, #tpu.memory_space<hbm>> -> memref<100000x128xf32, #tpu.memory_space<hbm>>
    tpu.wait_indirect_dma semaphore(%arg20 : memref<!tpu.dma_semaphore, #tpu.memory_space<semaphore_mem>>) src(%dma_wait3A_626 : memref<100000x128xf32, #tpu.memory_space<hbm>>) dst(%dma_wait3A_621 : memref<64x128xf32, #tpu.memory_space<vmem>>)
    %dma_wait3A_627 = arith.constant 1 : i32
    %dma_wait3A_628 = arith.constant 0 : i32
    %dma_wait3A_629 = arith.constant 0 : i32
    %dma_wait3A_630 = tpu.memref_slice %arg14[%dma_wait3A_627, %dma_wait3A_628, %dma_wait3A_629] : memref<2x64x128xf32, #tpu.memory_space<vmem>> -> memref<1x64x128xf32, #tpu.memory_space<vmem>>
    %dma_wait3A_631 = tpu.memref_squeeze %dma_wait3A_630 : memref<1x64x128xf32, #tpu.memory_space<vmem>> -> memref<64x128xf32, #tpu.memory_space<vmem>>
    %dma_wait3A_632 = arith.constant 448 : i32
    %dma_wait3A_633 = tpu.memref_slice %arg11[%dma_wait3A_632] : memref<512xi32, #tpu.memory_space<vmem>> -> memref<64xi32, #tpu.memory_space<vmem>>
    %dma_wait3A_634 = arith.constant 0 : i32
    %dma_wait3A_635 = arith.constant 0 : i32
    %dma_wait3A_636 = tpu.memref_slice %arg6[%dma_wait3A_634, %dma_wait3A_635] : memref<100000x128xf32, #tpu.memory_space<hbm>> -> memref<100000x128xf32, #tpu.memory_space<hbm>>
    tpu.wait_indirect_dma semaphore(%arg20 : memref<!tpu.dma_semaphore, #tpu.memory_space<semaphore_mem>>) src(%dma_wait3A_636 : memref<100000x128xf32, #tpu.memory_space<hbm>>) dst(%dma_wait3A_631 : memref<64x128xf32, #tpu.memory_space<vmem>>)
    %dma_wait3A_637 = arith.constant 1 : i32
    %dma_wait3A_638 = arith.constant 0 : i32
    %dma_wait3A_639 = tpu.memref_slice %arg15[%dma_wait3A_637, %dma_wait3A_638] : memref<2x64xf32, #tpu.memory_space<vmem>> -> memref<1x64xf32, #tpu.memory_space<vmem>>
    %dma_wait3A_640 = tpu.memref_squeeze %dma_wait3A_639 : memref<1x64xf32, #tpu.memory_space<vmem>> -> memref<64xf32, #tpu.memory_space<vmem>>
    %dma_wait3A_641 = arith.constant 448 : i32
    %dma_wait3A_642 = tpu.memref_slice %arg10[%dma_wait3A_641] : memref<512xi32, #tpu.memory_space<vmem>> -> memref<64xi32, #tpu.memory_space<vmem>>
    %dma_wait3A_643 = arith.constant 0 : i32
    %dma_wait3A_644 = tpu.memref_slice %arg7[%dma_wait3A_643] : memref<100000xf32, #tpu.memory_space<hbm>> -> memref<100000xf32, #tpu.memory_space<hbm>>
    tpu.wait_indirect_dma semaphore(%arg20 : memref<!tpu.dma_semaphore, #tpu.memory_space<semaphore_mem>>) src(%dma_wait3A_644 : memref<100000xf32, #tpu.memory_space<hbm>>) dst(%dma_wait3A_640 : memref<64xf32, #tpu.memory_space<vmem>>)
    %dma_wait3A_645 = arith.constant 1 : i32
    %dma_wait3A_646 = arith.constant 0 : i32
    %dma_wait3A_647 = tpu.memref_slice %arg16[%dma_wait3A_645, %dma_wait3A_646] : memref<2x64xf32, #tpu.memory_space<vmem>> -> memref<1x64xf32, #tpu.memory_space<vmem>>
    %dma_wait3A_648 = tpu.memref_squeeze %dma_wait3A_647 : memref<1x64xf32, #tpu.memory_space<vmem>> -> memref<64xf32, #tpu.memory_space<vmem>>
    %dma_wait3A_649 = arith.constant 448 : i32
    %dma_wait3A_650 = tpu.memref_slice %arg11[%dma_wait3A_649] : memref<512xi32, #tpu.memory_space<vmem>> -> memref<64xi32, #tpu.memory_space<vmem>>
    %dma_wait3A_651 = arith.constant 0 : i32
    %dma_wait3A_652 = tpu.memref_slice %arg8[%dma_wait3A_651] : memref<100000xf32, #tpu.memory_space<hbm>> -> memref<100000xf32, #tpu.memory_space<hbm>>
    tpu.wait_indirect_dma semaphore(%arg20 : memref<!tpu.dma_semaphore, #tpu.memory_space<semaphore_mem>>) src(%dma_wait3A_652 : memref<100000xf32, #tpu.memory_space<hbm>>) dst(%dma_wait3A_648 : memref<64xf32, #tpu.memory_space<vmem>>)
    %scan3A_653 = arith.constant 1 : i32
    %scan3A_654 = arith.constant 1 : i32
    %scan3A_655 = arith.constant 1 : i32
    %scan3A_656 = arith.constant 1 : i32
    %scan3A_657 = arith.constant 0 : i32
    %scan3A_658 = arith.constant 4 : i32
    %scan3A_659 = arith.addi %scan3A_657, %scan3A_658 : i32
    %scan3A_660 = arith.constant 1 : i32
    scf.for %scan3A_662 = %scan3A_657 to %scan3A_659 step %scan3A_660  : i32 {
      %mul3A_663 = arith.constant 1 : i32
      %mul3A_664 = arith.muli %scan3A_662, %mul3A_663 : i32
      %add3A_665 = arith.constant 0 : i32
      %add3A_666 = arith.addi %add3A_665, %mul3A_664 : i32
      %mul3A_667 = arith.constant 16 : i32
      %mul3A_668 = arith.muli %add3A_666, %mul3A_667 : i32
      %parallel_loop3A = arith.constant 0 : i32
      %parallel_loop3A_669 = arith.constant 16 : i32
      %parallel_loop3A_670 = arith.constant 1 : i32
      scf.for %parallel_loop3A_866 = %parallel_loop3A to %parallel_loop3A_669 step %parallel_loop3A_670  : i32 {
        %parallel_loop3A_867 = arith.addi %mul3A_668, %parallel_loop3A_866 : i32
        %parallel_loop3A_868 = arith.constant 0 : i32
        %parallel_loop3A_869 = arith.constant 0 : i32
        %parallel_loop3A_870 = tpu.memref_slice %arg13[%scan3A_653, %parallel_loop3A_868, %parallel_loop3A_869] : memref<2x64x128xf32, #tpu.memory_space<vmem>> -> memref<1x64x128xf32, #tpu.memory_space<vmem>>
        %parallel_loop3A_871 = tpu.memref_squeeze %parallel_loop3A_870 : memref<1x64x128xf32, #tpu.memory_space<vmem>> -> memref<64x128xf32, #tpu.memory_space<vmem>>
        %parallel_loop3A_872 = arith.index_cast %parallel_loop3A_867 : i32 to index
        %parallel_loop3A_873 = arith.constant 0 : index
        %parallel_loop3A_874 = tpu.vector_load %parallel_loop3A_871[%parallel_loop3A_872, %parallel_loop3A_873] {strides = array<i32>} : memref<64x128xf32, #tpu.memory_space<vmem>>, vector<16xf32>,
        %parallel_loop3A_875 = arith.constant 0 : i32
        %parallel_loop3A_876 = arith.constant 0 : i32
        %parallel_loop3A_877 = tpu.memref_slice %arg14[%scan3A_654, %parallel_loop3A_875, %parallel_loop3A_876] : memref<2x64x128xf32, #tpu.memory_space<vmem>> -> memref<1x64x128xf32, #tpu.memory_space<vmem>>
        %parallel_loop3A_878 = tpu.memref_squeeze %parallel_loop3A_877 : memref<1x64x128xf32, #tpu.memory_space<vmem>> -> memref<64x128xf32, #tpu.memory_space<vmem>>
        %parallel_loop3A_879 = arith.index_cast %parallel_loop3A_867 : i32 to index
        %parallel_loop3A_880 = arith.constant 0 : index
        %parallel_loop3A_881 = tpu.vector_load %parallel_loop3A_878[%parallel_loop3A_879, %parallel_loop3A_880] {strides = array<i32>} : memref<64x128xf32, #tpu.memory_space<vmem>>, vector<16xf32>,
        %parallel_loop3A_882 = arith.mulf %parallel_loop3A_874, %parallel_loop3A_881 : vector<16xf32>
        %parallel_loop3A_883 = arith.constant 0 : i32
        %parallel_loop3A_884 = arith.constant 0 : i32
        %parallel_loop3A_885 = tpu.memref_slice %arg13[%scan3A_653, %parallel_loop3A_883, %parallel_loop3A_884] : memref<2x64x128xf32, #tpu.memory_space<vmem>> -> memref<1x64x128xf32, #tpu.memory_space<vmem>>
        %parallel_loop3A_886 = tpu.memref_squeeze %parallel_loop3A_885 : memref<1x64x128xf32, #tpu.memory_space<vmem>> -> memref<64x128xf32, #tpu.memory_space<vmem>>
        %parallel_loop3A_887 = arith.index_cast %parallel_loop3A_867 : i32 to index
        %parallel_loop3A_888 = arith.constant 16 : index
        %parallel_loop3A_889 = tpu.vector_load %parallel_loop3A_886[%parallel_loop3A_887, %parallel_loop3A_888] {strides = array<i32>} : memref<64x128xf32, #tpu.memory_space<vmem>>, vector<16xf32>,
        %parallel_loop3A_890 = arith.constant 0 : i32
        %parallel_loop3A_891 = arith.constant 0 : i32
        %parallel_loop3A_892 = tpu.memref_slice %arg14[%scan3A_654, %parallel_loop3A_890, %parallel_loop3A_891] : memref<2x64x128xf32, #tpu.memory_space<vmem>> -> memref<1x64x128xf32, #tpu.memory_space<vmem>>
        %parallel_loop3A_893 = tpu.memref_squeeze %parallel_loop3A_892 : memref<1x64x128xf32, #tpu.memory_space<vmem>> -> memref<64x128xf32, #tpu.memory_space<vmem>>
        %parallel_loop3A_894 = arith.index_cast %parallel_loop3A_867 : i32 to index
        %parallel_loop3A_895 = arith.constant 16 : index
        %parallel_loop3A_896 = tpu.vector_load %parallel_loop3A_893[%parallel_loop3A_894, %parallel_loop3A_895] {strides = array<i32>} : memref<64x128xf32, #tpu.memory_space<vmem>>, vector<16xf32>,
        %parallel_loop3A_897 = arith.mulf %parallel_loop3A_889, %parallel_loop3A_896 : vector<16xf32>
        %parallel_loop3A_898 = arith.constant 0 : i32
        %parallel_loop3A_899 = arith.constant 0 : i32
        %parallel_loop3A_900 = tpu.memref_slice %arg13[%scan3A_653, %parallel_loop3A_898, %parallel_loop3A_899] : memref<2x64x128xf32, #tpu.memory_space<vmem>> -> memref<1x64x128xf32, #tpu.memory_space<vmem>>
        %parallel_loop3A_901 = tpu.memref_squeeze %parallel_loop3A_900 : memref<1x64x128xf32, #tpu.memory_space<vmem>> -> memref<64x128xf32, #tpu.memory_space<vmem>>
        %parallel_loop3A_902 = arith.index_cast %parallel_loop3A_867 : i32 to index
        %parallel_loop3A_903 = arith.constant 32 : index
        %parallel_loop3A_904 = tpu.vector_load %parallel_loop3A_901[%parallel_loop3A_902, %parallel_loop3A_903] {strides = array<i32>} : memref<64x128xf32, #tpu.memory_space<vmem>>, vector<16xf32>,
        %parallel_loop3A_905 = arith.constant 0 : i32
        %parallel_loop3A_906 = arith.constant 0 : i32
        %parallel_loop3A_907 = tpu.memref_slice %arg14[%scan3A_654, %parallel_loop3A_905, %parallel_loop3A_906] : memref<2x64x128xf32, #tpu.memory_space<vmem>> -> memref<1x64x128xf32, #tpu.memory_space<vmem>>
        %parallel_loop3A_908 = tpu.memref_squeeze %parallel_loop3A_907 : memref<1x64x128xf32, #tpu.memory_space<vmem>> -> memref<64x128xf32, #tpu.memory_space<vmem>>
        %parallel_loop3A_909 = arith.index_cast %parallel_loop3A_867 : i32 to index
        %parallel_loop3A_910 = arith.constant 32 : index
        %parallel_loop3A_911 = tpu.vector_load %parallel_loop3A_908[%parallel_loop3A_909, %parallel_loop3A_910] {strides = array<i32>} : memref<64x128xf32, #tpu.memory_space<vmem>>, vector<16xf32>,
        %parallel_loop3A_912 = arith.mulf %parallel_loop3A_904, %parallel_loop3A_911 : vector<16xf32>
        %parallel_loop3A_913 = arith.constant 0 : i32
        %parallel_loop3A_914 = arith.constant 0 : i32
        %parallel_loop3A_915 = tpu.memref_slice %arg13[%scan3A_653, %parallel_loop3A_913, %parallel_loop3A_914] : memref<2x64x128xf32, #tpu.memory_space<vmem>> -> memref<1x64x128xf32, #tpu.memory_space<vmem>>
        %parallel_loop3A_916 = tpu.memref_squeeze %parallel_loop3A_915 : memref<1x64x128xf32, #tpu.memory_space<vmem>> -> memref<64x128xf32, #tpu.memory_space<vmem>>
        %parallel_loop3A_917 = arith.index_cast %parallel_loop3A_867 : i32 to index
        %parallel_loop3A_918 = arith.constant 48 : index
        %parallel_loop3A_919 = tpu.vector_load %parallel_loop3A_916[%parallel_loop3A_917, %parallel_loop3A_918] {strides = array<i32>} : memref<64x128xf32, #tpu.memory_space<vmem>>, vector<16xf32>,
        %parallel_loop3A_920 = arith.constant 0 : i32
        %parallel_loop3A_921 = arith.constant 0 : i32
        %parallel_loop3A_922 = tpu.memref_slice %arg14[%scan3A_654, %parallel_loop3A_920, %parallel_loop3A_921] : memref<2x64x128xf32, #tpu.memory_space<vmem>> -> memref<1x64x128xf32, #tpu.memory_space<vmem>>
        %parallel_loop3A_923 = tpu.memref_squeeze %parallel_loop3A_922 : memref<1x64x128xf32, #tpu.memory_space<vmem>> -> memref<64x128xf32, #tpu.memory_space<vmem>>
        %parallel_loop3A_924 = arith.index_cast %parallel_loop3A_867 : i32 to index
        %parallel_loop3A_925 = arith.constant 48 : index
        %parallel_loop3A_926 = tpu.vector_load %parallel_loop3A_923[%parallel_loop3A_924, %parallel_loop3A_925] {strides = array<i32>} : memref<64x128xf32, #tpu.memory_space<vmem>>, vector<16xf32>,
        %parallel_loop3A_927 = arith.mulf %parallel_loop3A_919, %parallel_loop3A_926 : vector<16xf32>
        %parallel_loop3A_928 = arith.constant 0 : i32
        %parallel_loop3A_929 = arith.constant 0 : i32
        %parallel_loop3A_930 = tpu.memref_slice %arg13[%scan3A_653, %parallel_loop3A_928, %parallel_loop3A_929] : memref<2x64x128xf32, #tpu.memory_space<vmem>> -> memref<1x64x128xf32, #tpu.memory_space<vmem>>
        %parallel_loop3A_931 = tpu.memref_squeeze %parallel_loop3A_930 : memref<1x64x128xf32, #tpu.memory_space<vmem>> -> memref<64x128xf32, #tpu.memory_space<vmem>>
        %parallel_loop3A_932 = arith.index_cast %parallel_loop3A_867 : i32 to index
        %parallel_loop3A_933 = arith.constant 64 : index
        %parallel_loop3A_934 = tpu.vector_load %parallel_loop3A_931[%parallel_loop3A_932, %parallel_loop3A_933] {strides = array<i32>} : memref<64x128xf32, #tpu.memory_space<vmem>>, vector<16xf32>,
        %parallel_loop3A_935 = arith.constant 0 : i32
        %parallel_loop3A_936 = arith.constant 0 : i32
        %parallel_loop3A_937 = tpu.memref_slice %arg14[%scan3A_654, %parallel_loop3A_935, %parallel_loop3A_936] : memref<2x64x128xf32, #tpu.memory_space<vmem>> -> memref<1x64x128xf32, #tpu.memory_space<vmem>>
        %parallel_loop3A_938 = tpu.memref_squeeze %parallel_loop3A_937 : memref<1x64x128xf32, #tpu.memory_space<vmem>> -> memref<64x128xf32, #tpu.memory_space<vmem>>
        %parallel_loop3A_939 = arith.index_cast %parallel_loop3A_867 : i32 to index
        %parallel_loop3A_940 = arith.constant 64 : index
        %parallel_loop3A_941 = tpu.vector_load %parallel_loop3A_938[%parallel_loop3A_939, %parallel_loop3A_940] {strides = array<i32>} : memref<64x128xf32, #tpu.memory_space<vmem>>, vector<16xf32>,
        %parallel_loop3A_942 = arith.mulf %parallel_loop3A_934, %parallel_loop3A_941 : vector<16xf32>
        %parallel_loop3A_943 = arith.constant 0 : i32
        %parallel_loop3A_944 = arith.constant 0 : i32
        %parallel_loop3A_945 = tpu.memref_slice %arg13[%scan3A_653, %parallel_loop3A_943, %parallel_loop3A_944] : memref<2x64x128xf32, #tpu.memory_space<vmem>> -> memref<1x64x128xf32, #tpu.memory_space<vmem>>
        %parallel_loop3A_946 = tpu.memref_squeeze %parallel_loop3A_945 : memref<1x64x128xf32, #tpu.memory_space<vmem>> -> memref<64x128xf32, #tpu.memory_space<vmem>>
        %parallel_loop3A_947 = arith.index_cast %parallel_loop3A_867 : i32 to index
        %parallel_loop3A_948 = arith.constant 80 : index
        %parallel_loop3A_949 = tpu.vector_load %parallel_loop3A_946[%parallel_loop3A_947, %parallel_loop3A_948] {strides = array<i32>} : memref<64x128xf32, #tpu.memory_space<vmem>>, vector<16xf32>,
        %parallel_loop3A_950 = arith.constant 0 : i32
        %parallel_loop3A_951 = arith.constant 0 : i32
        %parallel_loop3A_952 = tpu.memref_slice %arg14[%scan3A_654, %parallel_loop3A_950, %parallel_loop3A_951] : memref<2x64x128xf32, #tpu.memory_space<vmem>> -> memref<1x64x128xf32, #tpu.memory_space<vmem>>
        %parallel_loop3A_953 = tpu.memref_squeeze %parallel_loop3A_952 : memref<1x64x128xf32, #tpu.memory_space<vmem>> -> memref<64x128xf32, #tpu.memory_space<vmem>>
        %parallel_loop3A_954 = arith.index_cast %parallel_loop3A_867 : i32 to index
        %parallel_loop3A_955 = arith.constant 80 : index
        %parallel_loop3A_956 = tpu.vector_load %parallel_loop3A_953[%parallel_loop3A_954, %parallel_loop3A_955] {strides = array<i32>} : memref<64x128xf32, #tpu.memory_space<vmem>>, vector<16xf32>,
        %parallel_loop3A_957 = arith.mulf %parallel_loop3A_949, %parallel_loop3A_956 : vector<16xf32>
        %parallel_loop3A_958 = arith.constant 0 : i32
        %parallel_loop3A_959 = arith.constant 0 : i32
        %parallel_loop3A_960 = tpu.memref_slice %arg13[%scan3A_653, %parallel_loop3A_958, %parallel_loop3A_959] : memref<2x64x128xf32, #tpu.memory_space<vmem>> -> memref<1x64x128xf32, #tpu.memory_space<vmem>>
        %parallel_loop3A_961 = tpu.memref_squeeze %parallel_loop3A_960 : memref<1x64x128xf32, #tpu.memory_space<vmem>> -> memref<64x128xf32, #tpu.memory_space<vmem>>
        %parallel_loop3A_962 = arith.index_cast %parallel_loop3A_867 : i32 to index
        %parallel_loop3A_963 = arith.constant 96 : index
        %parallel_loop3A_964 = tpu.vector_load %parallel_loop3A_961[%parallel_loop3A_962, %parallel_loop3A_963] {strides = array<i32>} : memref<64x128xf32, #tpu.memory_space<vmem>>, vector<16xf32>,
        %parallel_loop3A_965 = arith.constant 0 : i32
        %parallel_loop3A_966 = arith.constant 0 : i32
        %parallel_loop3A_967 = tpu.memref_slice %arg14[%scan3A_654, %parallel_loop3A_965, %parallel_loop3A_966] : memref<2x64x128xf32, #tpu.memory_space<vmem>> -> memref<1x64x128xf32, #tpu.memory_space<vmem>>
        %parallel_loop3A_968 = tpu.memref_squeeze %parallel_loop3A_967 : memref<1x64x128xf32, #tpu.memory_space<vmem>> -> memref<64x128xf32, #tpu.memory_space<vmem>>
        %parallel_loop3A_969 = arith.index_cast %parallel_loop3A_867 : i32 to index
        %parallel_loop3A_970 = arith.constant 96 : index
        %parallel_loop3A_971 = tpu.vector_load %parallel_loop3A_968[%parallel_loop3A_969, %parallel_loop3A_970] {strides = array<i32>} : memref<64x128xf32, #tpu.memory_space<vmem>>, vector<16xf32>,
        %parallel_loop3A_972 = arith.mulf %parallel_loop3A_964, %parallel_loop3A_971 : vector<16xf32>
        %parallel_loop3A_973 = arith.constant 0 : i32
        %parallel_loop3A_974 = arith.constant 0 : i32
        %parallel_loop3A_975 = tpu.memref_slice %arg13[%scan3A_653, %parallel_loop3A_973, %parallel_loop3A_974] : memref<2x64x128xf32, #tpu.memory_space<vmem>> -> memref<1x64x128xf32, #tpu.memory_space<vmem>>
        %parallel_loop3A_976 = tpu.memref_squeeze %parallel_loop3A_975 : memref<1x64x128xf32, #tpu.memory_space<vmem>> -> memref<64x128xf32, #tpu.memory_space<vmem>>
        %parallel_loop3A_977 = arith.index_cast %parallel_loop3A_867 : i32 to index
        %parallel_loop3A_978 = arith.constant 112 : index
        %parallel_loop3A_979 = tpu.vector_load %parallel_loop3A_976[%parallel_loop3A_977, %parallel_loop3A_978] {strides = array<i32>} : memref<64x128xf32, #tpu.memory_space<vmem>>, vector<16xf32>,
        %parallel_loop3A_980 = arith.constant 0 : i32
        %parallel_loop3A_981 = arith.constant 0 : i32
        %parallel_loop3A_982 = tpu.memref_slice %arg14[%scan3A_654, %parallel_loop3A_980, %parallel_loop3A_981] : memref<2x64x128xf32, #tpu.memory_space<vmem>> -> memref<1x64x128xf32, #tpu.memory_space<vmem>>
        %parallel_loop3A_983 = tpu.memref_squeeze %parallel_loop3A_982 : memref<1x64x128xf32, #tpu.memory_space<vmem>> -> memref<64x128xf32, #tpu.memory_space<vmem>>
        %parallel_loop3A_984 = arith.index_cast %parallel_loop3A_867 : i32 to index
        %parallel_loop3A_985 = arith.constant 112 : index
        %parallel_loop3A_986 = tpu.vector_load %parallel_loop3A_983[%parallel_loop3A_984, %parallel_loop3A_985] {strides = array<i32>} : memref<64x128xf32, #tpu.memory_space<vmem>>, vector<16xf32>,
        %parallel_loop3A_987 = arith.mulf %parallel_loop3A_979, %parallel_loop3A_986 : vector<16xf32>
        %parallel_loop3A_988 = arith.addf %parallel_loop3A_882, %parallel_loop3A_897 : vector<16xf32>
        %parallel_loop3A_989 = arith.addf %parallel_loop3A_912, %parallel_loop3A_927 : vector<16xf32>
        %parallel_loop3A_990 = arith.addf %parallel_loop3A_988, %parallel_loop3A_989 : vector<16xf32>
        %parallel_loop3A_991 = arith.addf %parallel_loop3A_942, %parallel_loop3A_957 : vector<16xf32>
        %parallel_loop3A_992 = arith.addf %parallel_loop3A_972, %parallel_loop3A_987 : vector<16xf32>
        %parallel_loop3A_993 = arith.addf %parallel_loop3A_991, %parallel_loop3A_992 : vector<16xf32>
        %parallel_loop3A_994 = arith.addf %parallel_loop3A_990, %parallel_loop3A_993 : vector<16xf32>
        %parallel_loop3A_995 = arith.index_cast %parallel_loop3A_866 : i32 to index
        %parallel_loop3A_996 = arith.constant 0 : index
        %parallel_loop3A_997 = tpu.vector_load %arg17[%parallel_loop3A_995, %parallel_loop3A_996] {strides = array<i32>} : memref<16x16xf32, #tpu.memory_space<vmem>>, vector<16xf32>,
        tpu.vector_store %arg17[%parallel_loop3A_995, %parallel_loop3A_996], %parallel_loop3A_994 {strides = array<i32>} : memref<16x16xf32, #tpu.memory_space<vmem>>, vector<16xf32>,
      } {sc.loop_unroll_factor = 4 : i64, sc.parallel_access}
      %add3A_671 = arith.constant 0 : i32
      %add3A_672 = vector.broadcast %add3A_671 : i32 to vector<16xi32>
      %add3A_673 = arith.addi %iota3A, %add3A_672 : vector<16xi32>
      %and3A = arith.constant 15 : i32
      %and3A_674 = vector.broadcast %and3A : i32 to vector<16xi32>
      %and3A_675 = arith.andi %add3A_673, %and3A_674 : vector<16xi32>
      %gather3A = tpu.vector_load_idx %arg17[%iota3A, %and3A_675] : memref<16x16xf32, #tpu.memory_space<vmem>>[vector<16xi32>, vector<16xi32>], vector<16xf32>,
      %add3A_676 = arith.constant 1 : i32
      %add3A_677 = vector.broadcast %add3A_676 : i32 to vector<16xi32>
      %add3A_678 = arith.addi %iota3A, %add3A_677 : vector<16xi32>
      %and3A_679 = arith.constant 15 : i32
      %and3A_680 = vector.broadcast %and3A_679 : i32 to vector<16xi32>
      %and3A_681 = arith.andi %add3A_678, %and3A_680 : vector<16xi32>
      %gather3A_682 = tpu.vector_load_idx %arg17[%iota3A, %and3A_681] : memref<16x16xf32, #tpu.memory_space<vmem>>[vector<16xi32>, vector<16xi32>], vector<16xf32>,
      %add3A_683 = arith.constant 2 : i32
      %add3A_684 = vector.broadcast %add3A_683 : i32 to vector<16xi32>
      %add3A_685 = arith.addi %iota3A, %add3A_684 : vector<16xi32>
      %and3A_686 = arith.constant 15 : i32
      %and3A_687 = vector.broadcast %and3A_686 : i32 to vector<16xi32>
      %and3A_688 = arith.andi %add3A_685, %and3A_687 : vector<16xi32>
      %gather3A_689 = tpu.vector_load_idx %arg17[%iota3A, %and3A_688] : memref<16x16xf32, #tpu.memory_space<vmem>>[vector<16xi32>, vector<16xi32>], vector<16xf32>,
      %add3A_690 = arith.constant 3 : i32
      %add3A_691 = vector.broadcast %add3A_690 : i32 to vector<16xi32>
      %add3A_692 = arith.addi %iota3A, %add3A_691 : vector<16xi32>
      %and3A_693 = arith.constant 15 : i32
      %and3A_694 = vector.broadcast %and3A_693 : i32 to vector<16xi32>
      %and3A_695 = arith.andi %add3A_692, %and3A_694 : vector<16xi32>
      %gather3A_696 = tpu.vector_load_idx %arg17[%iota3A, %and3A_695] : memref<16x16xf32, #tpu.memory_space<vmem>>[vector<16xi32>, vector<16xi32>], vector<16xf32>,
      %add3A_697 = arith.constant 4 : i32
      %add3A_698 = vector.broadcast %add3A_697 : i32 to vector<16xi32>
      %add3A_699 = arith.addi %iota3A, %add3A_698 : vector<16xi32>
      %and3A_700 = arith.constant 15 : i32
      %and3A_701 = vector.broadcast %and3A_700 : i32 to vector<16xi32>
      %and3A_702 = arith.andi %add3A_699, %and3A_701 : vector<16xi32>
      %gather3A_703 = tpu.vector_load_idx %arg17[%iota3A, %and3A_702] : memref<16x16xf32, #tpu.memory_space<vmem>>[vector<16xi32>, vector<16xi32>], vector<16xf32>,
      %add3A_704 = arith.constant 5 : i32
      %add3A_705 = vector.broadcast %add3A_704 : i32 to vector<16xi32>
      %add3A_706 = arith.addi %iota3A, %add3A_705 : vector<16xi32>
      %and3A_707 = arith.constant 15 : i32
      %and3A_708 = vector.broadcast %and3A_707 : i32 to vector<16xi32>
      %and3A_709 = arith.andi %add3A_706, %and3A_708 : vector<16xi32>
      %gather3A_710 = tpu.vector_load_idx %arg17[%iota3A, %and3A_709] : memref<16x16xf32, #tpu.memory_space<vmem>>[vector<16xi32>, vector<16xi32>], vector<16xf32>,
      %add3A_711 = arith.constant 6 : i32
      %add3A_712 = vector.broadcast %add3A_711 : i32 to vector<16xi32>
      %add3A_713 = arith.addi %iota3A, %add3A_712 : vector<16xi32>
      %and3A_714 = arith.constant 15 : i32
      %and3A_715 = vector.broadcast %and3A_714 : i32 to vector<16xi32>
      %and3A_716 = arith.andi %add3A_713, %and3A_715 : vector<16xi32>
      %gather3A_717 = tpu.vector_load_idx %arg17[%iota3A, %and3A_716] : memref<16x16xf32, #tpu.memory_space<vmem>>[vector<16xi32>, vector<16xi32>], vector<16xf32>,
      %add3A_718 = arith.constant 7 : i32
      %add3A_719 = vector.broadcast %add3A_718 : i32 to vector<16xi32>
      %add3A_720 = arith.addi %iota3A, %add3A_719 : vector<16xi32>
      %and3A_721 = arith.constant 15 : i32
      %and3A_722 = vector.broadcast %and3A_721 : i32 to vector<16xi32>
      %and3A_723 = arith.andi %add3A_720, %and3A_722 : vector<16xi32>
      %gather3A_724 = tpu.vector_load_idx %arg17[%iota3A, %and3A_723] : memref<16x16xf32, #tpu.memory_space<vmem>>[vector<16xi32>, vector<16xi32>], vector<16xf32>,
      %add3A_725 = arith.constant 8 : i32
      %add3A_726 = vector.broadcast %add3A_725 : i32 to vector<16xi32>
      %add3A_727 = arith.addi %iota3A, %add3A_726 : vector<16xi32>
      %and3A_728 = arith.constant 15 : i32
      %and3A_729 = vector.broadcast %and3A_728 : i32 to vector<16xi32>
      %and3A_730 = arith.andi %add3A_727, %and3A_729 : vector<16xi32>
      %gather3A_731 = tpu.vector_load_idx %arg17[%iota3A, %and3A_730] : memref<16x16xf32, #tpu.memory_space<vmem>>[vector<16xi32>, vector<16xi32>], vector<16xf32>,
      %add3A_732 = arith.constant 9 : i32
      %add3A_733 = vector.broadcast %add3A_732 : i32 to vector<16xi32>
      %add3A_734 = arith.addi %iota3A, %add3A_733 : vector<16xi32>
      %and3A_735 = arith.constant 15 : i32
      %and3A_736 = vector.broadcast %and3A_735 : i32 to vector<16xi32>
      %and3A_737 = arith.andi %add3A_734, %and3A_736 : vector<16xi32>
      %gather3A_738 = tpu.vector_load_idx %arg17[%iota3A, %and3A_737] : memref<16x16xf32, #tpu.memory_space<vmem>>[vector<16xi32>, vector<16xi32>], vector<16xf32>,
      %add3A_739 = arith.constant 10 : i32
      %add3A_740 = vector.broadcast %add3A_739 : i32 to vector<16xi32>
      %add3A_741 = arith.addi %iota3A, %add3A_740 : vector<16xi32>
      %and3A_742 = arith.constant 15 : i32
      %and3A_743 = vector.broadcast %and3A_742 : i32 to vector<16xi32>
      %and3A_744 = arith.andi %add3A_741, %and3A_743 : vector<16xi32>
      %gather3A_745 = tpu.vector_load_idx %arg17[%iota3A, %and3A_744] : memref<16x16xf32, #tpu.memory_space<vmem>>[vector<16xi32>, vector<16xi32>], vector<16xf32>,
      %add3A_746 = arith.constant 11 : i32
      %add3A_747 = vector.broadcast %add3A_746 : i32 to vector<16xi32>
      %add3A_748 = arith.addi %iota3A, %add3A_747 : vector<16xi32>
      %and3A_749 = arith.constant 15 : i32
      %and3A_750 = vector.broadcast %and3A_749 : i32 to vector<16xi32>
      %and3A_751 = arith.andi %add3A_748, %and3A_750 : vector<16xi32>
      %gather3A_752 = tpu.vector_load_idx %arg17[%iota3A, %and3A_751] : memref<16x16xf32, #tpu.memory_space<vmem>>[vector<16xi32>, vector<16xi32>], vector<16xf32>,
      %add3A_753 = arith.constant 12 : i32
      %add3A_754 = vector.broadcast %add3A_753 : i32 to vector<16xi32>
      %add3A_755 = arith.addi %iota3A, %add3A_754 : vector<16xi32>
      %and3A_756 = arith.constant 15 : i32
      %and3A_757 = vector.broadcast %and3A_756 : i32 to vector<16xi32>
      %and3A_758 = arith.andi %add3A_755, %and3A_757 : vector<16xi32>
      %gather3A_759 = tpu.vector_load_idx %arg17[%iota3A, %and3A_758] : memref<16x16xf32, #tpu.memory_space<vmem>>[vector<16xi32>, vector<16xi32>], vector<16xf32>,
      %add3A_760 = arith.constant 13 : i32
      %add3A_761 = vector.broadcast %add3A_760 : i32 to vector<16xi32>
      %add3A_762 = arith.addi %iota3A, %add3A_761 : vector<16xi32>
      %and3A_763 = arith.constant 15 : i32
      %and3A_764 = vector.broadcast %and3A_763 : i32 to vector<16xi32>
      %and3A_765 = arith.andi %add3A_762, %and3A_764 : vector<16xi32>
      %gather3A_766 = tpu.vector_load_idx %arg17[%iota3A, %and3A_765] : memref<16x16xf32, #tpu.memory_space<vmem>>[vector<16xi32>, vector<16xi32>], vector<16xf32>,
      %add3A_767 = arith.constant 14 : i32
      %add3A_768 = vector.broadcast %add3A_767 : i32 to vector<16xi32>
      %add3A_769 = arith.addi %iota3A, %add3A_768 : vector<16xi32>
      %and3A_770 = arith.constant 15 : i32
      %and3A_771 = vector.broadcast %and3A_770 : i32 to vector<16xi32>
      %and3A_772 = arith.andi %add3A_769, %and3A_771 : vector<16xi32>
      %gather3A_773 = tpu.vector_load_idx %arg17[%iota3A, %and3A_772] : memref<16x16xf32, #tpu.memory_space<vmem>>[vector<16xi32>, vector<16xi32>], vector<16xf32>,
      %add3A_774 = arith.constant 15 : i32
      %add3A_775 = vector.broadcast %add3A_774 : i32 to vector<16xi32>
      %add3A_776 = arith.addi %iota3A, %add3A_775 : vector<16xi32>
      %and3A_777 = arith.constant 15 : i32
      %and3A_778 = vector.broadcast %and3A_777 : i32 to vector<16xi32>
      %and3A_779 = arith.andi %add3A_776, %and3A_778 : vector<16xi32>
      %gather3A_780 = tpu.vector_load_idx %arg17[%iota3A, %and3A_779] : memref<16x16xf32, #tpu.memory_space<vmem>>[vector<16xi32>, vector<16xi32>], vector<16xf32>,
      %add3A_781 = arith.addf %gather3A, %gather3A_682 : vector<16xf32>
      %add3A_782 = arith.addf %gather3A_689, %gather3A_696 : vector<16xf32>
      %add3A_783 = arith.addf %gather3A_703, %gather3A_710 : vector<16xf32>
      %add3A_784 = arith.addf %gather3A_717, %gather3A_724 : vector<16xf32>
      %add3A_785 = arith.addf %gather3A_731, %gather3A_738 : vector<16xf32>
      %add3A_786 = arith.addf %gather3A_745, %gather3A_752 : vector<16xf32>
      %add3A_787 = arith.addf %gather3A_759, %gather3A_766 : vector<16xf32>
      %add3A_788 = arith.addf %gather3A_773, %gather3A_780 : vector<16xf32>
      %add3A_789 = arith.addf %add3A_781, %add3A_782 : vector<16xf32>
      %add3A_790 = arith.addf %add3A_783, %add3A_784 : vector<16xf32>
      %add3A_791 = arith.addf %add3A_785, %add3A_786 : vector<16xf32>
      %add3A_792 = arith.addf %add3A_787, %add3A_788 : vector<16xf32>
      %add3A_793 = arith.addf %add3A_789, %add3A_790 : vector<16xf32>
      %add3A_794 = arith.addf %add3A_791, %add3A_792 : vector<16xf32>
      %add3A_795 = arith.addf %add3A_793, %add3A_794 : vector<16xf32>
      %get3A = arith.constant 0 : i32
      %get3A_796 = tpu.memref_slice %arg15[%scan3A_655, %get3A] : memref<2x64xf32, #tpu.memory_space<vmem>> -> memref<1x64xf32, #tpu.memory_space<vmem>>
      %get3A_797 = tpu.memref_squeeze %get3A_796 : memref<1x64xf32, #tpu.memory_space<vmem>> -> memref<64xf32, #tpu.memory_space<vmem>>
      %get3A_798 = arith.index_cast %mul3A_668 : i32 to index
      %get3A_799 = tpu.vector_load %get3A_797[%get3A_798] {strides = array<i32>} : memref<64xf32, #tpu.memory_space<vmem>>, vector<16xf32>,
      %add3A_800 = arith.addf %add3A_795, %get3A_799 : vector<16xf32>
      %get3A_801 = arith.constant 0 : i32
      %get3A_802 = tpu.memref_slice %arg16[%scan3A_656, %get3A_801] : memref<2x64xf32, #tpu.memory_space<vmem>> -> memref<1x64xf32, #tpu.memory_space<vmem>>
      %get3A_803 = tpu.memref_squeeze %get3A_802 : memref<1x64xf32, #tpu.memory_space<vmem>> -> memref<64xf32, #tpu.memory_space<vmem>>
      %get3A_804 = arith.index_cast %mul3A_668 : i32 to index
      %get3A_805 = tpu.vector_load %get3A_803[%get3A_804] {strides = array<i32>} : memref<64xf32, #tpu.memory_space<vmem>>, vector<16xf32>,
      %add3A_806 = arith.addf %add3A_800, %get3A_805 : vector<16xf32>
      %add3A_807 = arith.constant 448 : i32
      %add3A_808 = arith.addi %add3A_807, %mul3A_668 : i32
      %get3A_809 = arith.index_cast %add3A_808 : i32 to index
      %get3A_810 = tpu.vector_load %arg12[%get3A_809] {strides = array<i32>} : memref<512xf32, #tpu.memory_space<vmem>>, vector<16xf32>,
      %bitcast3A = vector.bitcast %get3A_810 : vector<16xf32> to vector<16xi32>
      %shift_right_arithmetic3A = arith.constant 23 : i32
      %shift_right_arithmetic3A_811 = vector.broadcast %shift_right_arithmetic3A : i32 to vector<16xi32>
      %shift_right_arithmetic3A_812 = arith.shrsi %bitcast3A, %shift_right_arithmetic3A_811 : vector<16xi32>
      %sub3A = arith.constant 127 : i32
      %sub3A_813 = vector.broadcast %sub3A : i32 to vector<16xi32>
      %sub3A_814 = arith.subi %shift_right_arithmetic3A_812, %sub3A_813 : vector<16xi32>
      %and3A_815 = arith.constant 8388607 : i32
      %and3A_816 = vector.broadcast %and3A_815 : i32 to vector<16xi32>
      %and3A_817 = arith.andi %bitcast3A, %and3A_816 : vector<16xi32>
      %or3A = arith.constant 1065353216 : i32
      %or3A_818 = vector.broadcast %or3A : i32 to vector<16xi32>
      %or3A_819 = arith.ori %and3A_817, %or3A_818 : vector<16xi32>
      %bitcast3A_820 = vector.bitcast %or3A_819 : vector<16xi32> to vector<16xf32>
      %sub3A_821 = arith.constant 1.000000e+00 : f32
      %sub3A_822 = vector.broadcast %sub3A_821 : f32 to vector<16xf32>
      %sub3A_823 = arith.subf %bitcast3A_820, %sub3A_822 : vector<16xf32>
      %add3A_824 = arith.constant 1.000000e+00 : f32
      %add3A_825 = vector.broadcast %add3A_824 : f32 to vector<16xf32>
      %add3A_826 = arith.addf %bitcast3A_820, %add3A_825 : vector<16xf32>
      %div3A = arith.divf %sub3A_823, %add3A_826 : vector<16xf32>
      %mul3A_827 = arith.mulf %div3A, %div3A : vector<16xf32>
      %mul3A_828 = arith.constant 0.142857149 : f32
      %mul3A_829 = vector.broadcast %mul3A_828 : f32 to vector<16xf32>
      %mul3A_830 = arith.mulf %mul3A_827, %mul3A_829 : vector<16xf32>
      %add3A_831 = arith.constant 2.000000e-01 : f32
      %add3A_832 = vector.broadcast %add3A_831 : f32 to vector<16xf32>
      %add3A_833 = arith.addf %add3A_832, %mul3A_830 : vector<16xf32>
      %mul3A_834 = arith.mulf %mul3A_827, %add3A_833 : vector<16xf32>
      %add3A_835 = arith.constant 0.333333343 : f32
      %add3A_836 = vector.broadcast %add3A_835 : f32 to vector<16xf32>
      %add3A_837 = arith.addf %add3A_836, %mul3A_834 : vector<16xf32>
      %mul3A_838 = arith.mulf %mul3A_827, %add3A_837 : vector<16xf32>
      %add3A_839 = arith.constant 1.000000e+00 : f32
      %add3A_840 = vector.broadcast %add3A_839 : f32 to vector<16xf32>
      %add3A_841 = arith.addf %add3A_840, %mul3A_838 : vector<16xf32>
      %convert_element_type3A = arith.sitofp %sub3A_814 : vector<16xi32> to vector<16xf32>
      %mul3A_842 = arith.constant 0.693147182 : f32
      %mul3A_843 = vector.broadcast %mul3A_842 : f32 to vector<16xf32>
      %mul3A_844 = arith.mulf %convert_element_type3A, %mul3A_843 : vector<16xf32>
      %mul3A_845 = arith.constant 2.000000e+00 : f32
      %mul3A_846 = vector.broadcast %mul3A_845 : f32 to vector<16xf32>
      %mul3A_847 = arith.mulf %mul3A_846, %div3A : vector<16xf32>
      %mul3A_848 = arith.mulf %mul3A_847, %add3A_841 : vector<16xf32>
      %add3A_849 = arith.addf %mul3A_844, %mul3A_848 : vector<16xf32>
      %sub3A_850 = arith.constant 4.60517025 : f32
      %sub3A_851 = vector.broadcast %sub3A_850 : f32 to vector<16xf32>
      %sub3A_852 = arith.subf %add3A_849, %sub3A_851 : vector<16xf32>
      %mul3A_853 = arith.constant 7.500000e-01 : f32
      %mul3A_854 = vector.broadcast %mul3A_853 : f32 to vector<16xf32>
      %mul3A_855 = arith.mulf %mul3A_854, %sub3A_852 : vector<16xf32>
      %exp3A = math.exp %mul3A_855 : vector<16xf32>
      %min3A = arith.constant 1.000000e+00 : f32
      %min3A_856 = vector.broadcast %min3A : f32 to vector<16xf32>
      %min3A_857 = arith.minimumf %exp3A, %min3A_856 : vector<16xf32>
      %sub3A_858 = arith.subf %add3A_806, %add3A_849 : vector<16xf32>
      %get3A_859 = arith.constant 0 : index
      %get3A_860 = tpu.vector_load %arg18[%get3A_859] {strides = array<i32>} : memref<16xf32, #tpu.memory_space<vmem>>, vector<16xf32>,
      %mul3A_861 = arith.mulf %min3A_857, %sub3A_858 : vector<16xf32>
      %mul3A_862 = arith.mulf %mul3A_861, %sub3A_858 : vector<16xf32>
      %add3A_863 = arith.addf %get3A_860, %mul3A_862 : vector<16xf32>
      %swap3A_864 = arith.constant 0 : index
      %swap3A_865 = tpu.vector_load %arg18[%swap3A_864] {strides = array<i32>} : memref<16xf32, #tpu.memory_space<vmem>>, vector<16xf32>,
      tpu.vector_store %arg18[%swap3A_864], %add3A_863 {strides = array<i32>} : memref<16xf32, #tpu.memory_space<vmem>>, vector<16xf32>,
    }
    %scan3A_661 = arith.constant 4 : i32
    "tpu.region"() ({
      %run_scoped3A = tpu.sem_alloc : memref<!tpu.dma_semaphore, #tpu.memory_space<semaphore_mem>>
      %dma_start3A_662 = arith.constant 0 : i32
      %dma_start3A_663 = tpu.memref_slice %arg9[%add3A, %dma_start3A_662] : memref<32x16xf32, #tpu.memory_space<hbm>> -> memref<1x16xf32, #tpu.memory_space<hbm>>
      %dma_start3A_664 = tpu.memref_squeeze %dma_start3A_663 : memref<1x16xf32, #tpu.memory_space<hbm>> -> memref<16xf32, #tpu.memory_space<hbm>>
      %dma_start3A_665 = arith.constant 0 : i32
      %dma_start3A_666 = tpu.memref_slice %arg9[%add3A, %dma_start3A_665] : memref<32x16xf32, #tpu.memory_space<hbm>> -> memref<1x16xf32, #tpu.memory_space<hbm>>
      %dma_start3A_667 = tpu.memref_squeeze %dma_start3A_666 : memref<1x16xf32, #tpu.memory_space<hbm>> -> memref<16xf32, #tpu.memory_space<hbm>>
      tpu.enqueue_dma source(%arg18 : memref<16xf32, #tpu.memory_space<vmem>>) target(%dma_start3A_667 : memref<16xf32, #tpu.memory_space<hbm>>) target_semaphore(%run_scoped3A : memref<!tpu.dma_semaphore, #tpu.memory_space<semaphore_mem>>)
      %dma_wait3A_668 = arith.constant 0 : i32
      %dma_wait3A_669 = tpu.memref_slice %arg9[%add3A, %dma_wait3A_668] : memref<32x16xf32, #tpu.memory_space<hbm>> -> memref<1x16xf32, #tpu.memory_space<hbm>>
      %dma_wait3A_670 = tpu.memref_squeeze %dma_wait3A_669 : memref<1x16xf32, #tpu.memory_space<hbm>> -> memref<16xf32, #tpu.memory_space<hbm>>
      %dma_wait3A_671 = arith.constant 0 : i32
      %dma_wait3A_672 = tpu.memref_slice %arg9[%add3A, %dma_wait3A_671] : memref<32x16xf32, #tpu.memory_space<hbm>> -> memref<1x16xf32, #tpu.memory_space<hbm>>
      %dma_wait3A_673 = tpu.memref_squeeze %dma_wait3A_672 : memref<1x16xf32, #tpu.memory_space<hbm>> -> memref<16xf32, #tpu.memory_space<hbm>>
      tpu.wait_dma2 semaphore(%run_scoped3A : memref<!tpu.dma_semaphore, #tpu.memory_space<semaphore_mem>>) src(%arg18 : memref<16xf32, #tpu.memory_space<vmem>>) dst(%dma_wait3A_673 : memref<16xf32, #tpu.memory_space<hbm>>)
      tpu.yield
    }) : () -> ()
    return
  }
}

</mosaic_0001>

<sc_bundles>
// kernel: kernel.3.cloned.1.call-start
scs
__scs_entry_jumppad:
0x0: {  	(pc) =	sbr.rel $0x88, $3  }
0x1: {  	(tag) =	ssettag $0x0;
	lr =	simm.s32 $0x1  }
0x2: {  	[smem:$0x3F9A] =	sst lr;
	_ =	strace $0xD0000000  }
0x3: {  	_ = 	snop  }
0x4: {  	_ = 	snop  }
0x5: {  	_ = 	snop  }
0x6: {  	_ = 	snop  }
0x7: {  	_ = 	snop  }
__scs_overlays_trampoline_lowered:
0x8: {  	[smem:$0x3FA9] =	sst s0  }
0x9: {  	[smem:$0x3FAA] =	sst s1  }
0xa: {  	[smem:$0x3FAB] =	sst s2  }
0xb: {  	[smem:$0x3FAC] =	sst s3  }
0xc: {  	[smem:$0x3FAD] =	sst s4  }
0xd: {  	[smem:$0x3FAE] =	sst s5  }
0xe: {  	[smem:$0x3FAF] =	sst s6  }
0xf: {  	[smem:$0x3FB0] =	sst s7  }
0x10: {  	[smem:$0x3FB1] =	sst s8  }
0x11: {  	[smem:$0x3FB2] =	sst s9;
	s0 =	simm.s32 @!p0 $0x0  }
0x12: {  	s1 =	sld [smem:$0x3F98];
	s0 =	simm.s32 @p0 $0x1  }
0x13: {  	[smem:$0x3FB3] =	sst s0;
	s0 =	simm.s32 @!p1 $0x0  }
0x14: {  	s2 =	sld [smem:$0x3F97];
	s0 =	simm.s32 @p1 $0x1  }
0x15: {  	[smem:$0x3FB4] =	sst s0;
	s0 =	simm.s32 @!p2 $0x0  }
0x16: {  	s3 =	sld [smem:$0x3FDB];
	s0 =	simm.s32 @p2 $0x1  }
0x17: {  	s4 =	simm.s32 $0x1BF5;
	[smem:$0x3FB6] =	sst s0  }
0x18: {  	s0 =	sld [smem:$0x3F99];
	_ =	swait.ge [sflag:s4], $0x0  }
0x19: {  	s7 =	sld [smem:$0x3F9A]  }
0x1a: {  	s8 =	sadd.s32 $0xFFFFE003, lr  }
0x1b: {  	s9 =	sadd.s32 $0xFFFFFEF7, lr;
	s5 =	simm.s32 $0xFFFFFFFF;
	p2 =	slt.u32 s8, $0xFFFFF086  }
0x1c: {  	p1 =	slt.u32 s9, $0xF7A;
	s5 =	simm.s32 @!p2 $0x0  }
0x1d: {  	s5 =	simm.s32 @p1 $0x1;
	p0 =	seq.s32 s7, s2  }
0x1e: {  	s7 =	smul.u32 @!p0 $0xF7A, s2;
	p2 =	seq.s32 @!p0 s5, $0x0  }
0x1f: {  	s9 =	smul.u32 $0xF7A, s1;
	s8 =	simm.s32 @!p0 $0x1BF5;
	p2 =	por !p2, p0  }
0x20: {  	[sflag:s8] =	ssyncset.s32 @!p0 $0xFFFFF086;
	s6 =	sadd.s32 @!p0 s3, s7;
	s7 =	simm.s32 @!p0 $0x108  }
0x21: {  	s3 =	sadd.s32 s3, s9;
	s6 =	sadd.s32 @!p0 $0x88, s6;
	s7 =	simm.s32 @p2 $0x1082  }
0x22: {  	[simem:s7], [sflag:s8] =	dma.local @!p0 [hbm:s6], $0xF7A  }
0x23: {  	s9 =	sor.u32 $0xD0000000, s2;
	s6 =	simm.s32 $0x108;
	_ =	swait.ge @!p0 [sflag:s8], $0x0  }
0x24: {  	s3 =	sadd.s32 $0x88, s3;
	s6 =	simm.s32 @!p1 $0x1082;
	[sflag:s4] =	ssyncset.s32 $0xFFFFF086  }
0x25: {  	[simem:s6], [sflag:s4] =	dma.local [hbm:s3], $0xF7A  }
0x26: {  	[smem:$0x3F9A] =	sst s1;
	(tag) =	ssettag s2;
	_ =	strace s9  }
0x27: {  	s1 =	sld [smem:$0x3FAA]  }
0x28: {  	s2 =	sld [smem:$0x3FAB]  }
0x29: {  	s4 =	sld [smem:$0x3FAD]  }
0x2a: {  	p0 =	seq.s32 s5, $0x0;
	s5 =	sld [smem:$0x3FAE]  }
0x2b: {  	s6 =	sld [smem:$0x3FAF]  }
0x2c: {  	s7 =	sld [smem:$0x3FB0]  }
0x2d: {  	s3 =	simm.s32 $0x108;
	s8 =	sld [smem:$0x3FB1]  }
0x2e: {  	s3 =	simm.s32 @!p0 $0x1082;
	s9 =	sld [smem:$0x3FB2]  }
0x2f: {  	lr =	sadd.s32 s0, s3;
	s0 =	sld [smem:$0x3FA9]  }
0x30: {  	s3 =	sld [smem:$0x3FAC]  }
0x31: {  	[smem:$0x3FB5] =	sst s10  }
0x32: {  	s10 =	sld [smem:$0x3FB3];
	_ =	sdelay $0x3  }
0x33: {  	p0 =	seq.s32 s10, $0x1;
	s10 =	sld [smem:$0x3FB5];
	_ =	sdelay $0x3  }
0x34: {  	[smem:$0x3FB5] =	sst s10  }
0x35: {  	s10 =	sld [smem:$0x3FB4];
	_ =	sdelay $0x3  }
0x36: {  	p1 =	seq.s32 s10, $0x1;
	s10 =	sld [smem:$0x3FB5];
	_ =	sdelay $0x3  }
0x37: {  	[smem:$0x3FB5] =	sst s10  }
0x38: {  	s10 =	sld [smem:$0x3FB6]  }
0x39: {  	_ = 	snop;
	(pc) =	sbr.ind lr, $3  }
0x3a: {  	_ = 	snop  }
0x3b: {  	_ = 	snop  }
0x3c: {  	p2 =	seq.s32 s10, $0x1;
	s10 =	sld [smem:$0x3FB5]  }
0x3d: {  	_ =	shalt  }
0x3e: {  	_ =	shalt  }
0x3f: {  	_ =	shalt  }
0x40: {  	_ =	shalt  }
0x41: {  	_ =	shalt  }
0x42: {  	_ =	shalt  }
0x43: {  	_ =	shalt  }
0x44: {  	_ =	shalt  }
0x45: {  	_ =	shalt  }
0x46: {  	_ =	shalt  }
0x47: {  	_ =	shalt  }
0x48: {  	_ =	shalt  }
0x49: {  	_ =	shalt  }
0x4a: {  	_ =	shalt  }
0x4b: {  	_ =	shalt  }
0x4c: {  	_ =	shalt  }
0x4d: {  	_ =	shalt  }
0x4e: {  	_ =	shalt  }
0x4f: {  	_ =	shalt  }
0x50: {  	_ =	shalt  }
0x51: {  	_ =	shalt  }
0x52: {  	_ =	shalt  }
0x53: {  	_ =	shalt  }
0x54: {  	_ =	shalt  }
0x55: {  	_ =	shalt  }
0x56: {  	_ =	shalt  }
0x57: {  	_ =	shalt  }
0x58: {  	_ =	shalt  }
0x59: {  	_ =	shalt  }
0x5a: {  	_ =	shalt  }
0x5b: {  	_ =	shalt  }
0x5c: {  	_ =	shalt  }
0x5d: {  	_ =	shalt  }
0x5e: {  	_ =	shalt  }
0x5f: {  	_ =	shalt  }
0x60: {  	_ =	shalt  }
0x61: {  	_ =	shalt  }
0x62: {  	_ =	shalt  }
0x63: {  	_ =	shalt  }
0x64: {  	_ =	shalt  }
0x65: {  	_ =	shalt  }
0x66: {  	_ =	shalt  }
0x67: {  	_ =	shalt  }
0x68: {  	_ =	shalt  }
0x69: {  	_ =	shalt  }
0x6a: {  	_ =	shalt  }
0x6b: {  	_ =	shalt  }
0x6c: {  	_ =	shalt  }
0x6d: {  	_ =	shalt  }
0x6e: {  	_ =	shalt  }
0x6f: {  	_ =	shalt  }
0x70: {  	_ =	shalt  }
0x71: {  	_ =	shalt  }
0x72: {  	_ =	shalt  }
0x73: {  	_ =	shalt  }
0x74: {  	_ =	shalt  }
0x75: {  	_ =	shalt  }
0x76: {  	_ =	shalt  }
0x77: {  	_ =	shalt  }
0x78: {  	_ =	shalt  }
0x79: {  	_ =	shalt  }
0x7a: {  	_ =	shalt  }
0x7b: {  	_ =	shalt  }
0x7c: {  	_ =	shalt  }
0x7d: {  	_ =	shalt  }
0x7e: {  	_ =	shalt  }
0x7f: {  	_ =	shalt  }
0x80: {  	_ =	shalt  }
0x81: {  	_ =	shalt  }
0x82: {  	_ =	shalt  }
0x83: {  	_ =	shalt  }
0x84: {  	_ =	shalt  }
0x85: {  	_ =	shalt  }
0x86: {  	_ =	shalt  }
0x87: {  	_ =	shalt  }
.Lfunc_end0:
.L_simem_size_0:
called_computation_lowered:
.L_overlay_start_0:
0x88: {  	s2 =	sld [smem:$0x3FD9]  }
0x89: {  	s3 =	sld [smem:$0x3FFE];
	_ =	sdelay $0x1  }
0x8a: {  	s1 =	srdreg.scid  }
0x8b: {  	s0 =	sand.u32 $0x1, s1  }
0x8c: {  	s17 =	sshll.u32 s0, $0xA;
	s2 =	sadd.s32 s3, s2  }
0x8d: {  	s2 =	sadd.s32 s2, s17  }
0x8e: {  	[smem:$0x3FC1] =	sst s2  }
0x8f: {  	_ = 	snop  }
0x90: {  	s2 =	sld [smem:$0x3FC9]  }
0x91: {  	s18 =	sld [smem:$0x3FC8]  }
0x92: {  	s4 =	sld [smem:$0x3FC7]  }
0x93: {  	s5 =	sld [smem:$0x3FC6]  }
0x94: {  	s6 =	sld [smem:$0x3FC5]  }
0x95: {  	s7 =	sld [smem:$0x3FC4]  }
0x96: {  	s8 =	sld [smem:$0x3FC3];
	(tm) =	ssettm $0x1  }
0x97: {  	s9 =	sld [smem:$0x3FFB];
	_ =	sdelay $0x3  }
0x98: {  	_ =	strace s9  }
0x99: {  	s9 =	sld [smem:$0x3FFC];
	_ =	sdelay $0x3  }
0x9a: {  	_ =	strace s9  }
0x9b: {  	s9 =	sld [smem:$0x3FFD];
	_ =	sdelay $0x3  }
0x9c: {  	_ =	strace s9  }
0x9d: {  	_ =	strace $0x8FFFFFFF  }
0x9e: {  	s19 =	sld [smem:$0x3FDB];
	_ =	sdelay $0x1  }
0x9f: {  	s10 =	simm.s32 $_scs_section_size  }
0xa0: {  	s11 =	simm.s32 $_size__tile_overlayer_lowered;
	s12 =	simm.s32 $_tile_overlayer_lowered  }
0xa1: {  	s22 =	simm.s32 $0x1BFF;
	s21 =	sshll.u32 s12, $0x1;
	s9 =	sadd.s32 s10, s19  }
0xa2: {  	s13 =	simm.s32 $0x0;
	s20 =	sshll.u32 s11, $0x1;
	s11 =	sadd.s32 s21, s9  }
0xa3: {  	[timem:s13], [sflag:s22] =	dma.local [hbm:s11], s20  }
0xa4: {  	_ =	swait.ge [sflag:s22], s20  }
0xa5: {  	s10 =	ssub.s32 $0x0, s20;
	[sflag:s22] =	ssyncset.done $0x0  }
0xa6: {  	[sflag:s22] =	ssyncadd.s32 s10;
	_ =	sdelay $0x1  }
0xa7: {  	s23 =	simm.s32 $0x1B8B  }
0xa8: {  	_ =	swait.ge [sflag:s23], $0x1  }
0xa9: {  	[sflag:s23] =	ssyncset.done $0x0  }
0xaa: {  	s25 =	simm.s32 $0x1B8E;
	s24 =	sld [smem:$0x3FFE];
	[sflag:s23] =	ssyncadd.s32 $0xFFFFFFFF  }
0xab: {  	s26 =	simm.s32 $execute0_lowered;
	[smem:$0x3FD2] =	sst s25  }
0xac: {  	s11 =	sshll.u32 s26, $0x1;
	_ =	strace $0x80000046;
	[dreg:$0x1] =	wrdreg $0xFFFFFFFF  }
0xad: {  	s28 =	simm.s32 $_size_execute0_lowered;
	s9 =	sadd.s32 s9, s11;
	[dreg:$0x0] =	wrdreg $0x0  }
0xae: {  	s11 =	sshll.u32 s28, $0x1;
	[dreg:$0x2] =	wrdreg s9  }
0xaf: {  	[dreg:$0x3] =	wrdreg s11  }
0xb0: {  	[dreg:$0x4] =	wrdreg $0xC0  }
0xb1: {  	_ =	task [dreg:s13], $0x5FFFF  }
0xb2: {  	[dreg:$0x1] =	wrdreg $0xFFFFFFFF  }
0xb3: {  	[dreg:$0x0] =	wrdreg $0x60  }
0xb4: {  	[dreg:$0x2] =	wrdreg s2  }
0xb5: {  	[dreg:$0x3] =	wrdreg s18  }
0xb6: {  	[dreg:$0x4] =	wrdreg s4  }
0xb7: {  	[dreg:$0x5] =	wrdreg s5  }
0xb8: {  	[dreg:$0x6] =	wrdreg s6  }
0xb9: {  	[dreg:$0x7] =	wrdreg s7  }
0xba: {  	[dreg:$0x8] =	wrdreg s8  }
0xbb: {  	[dreg:$0x9] =	wrdreg s24  }
0xbc: {  	[dreg:$0xa] =	wrdreg $0x9  }
0xbd: {  	_ =	task.clear_ibuf [dreg:s13], $0xBFFFF;
	_ =	strace $0x90000046  }
0xbe: {  	s29 =	simm.s32 $0x9;
	_ =	strace $0x80000048  }
0xbf: {  	_ =	swait.ge [sflag:s29], $0x1  }
0xc0: {  	[sflag:s29] =	ssyncadd.s32 $0xFFFFFFFF  }
0xc1: {  	_ =	strace $0x90000048  }
0xc2: {  	_ =	sfence  }
0xc3: {  	s30 =	sld [smem:$0x0];
	_ =	sdelay $0x2  }
0xc4: {  	s31 =	sshll.u32 s1, $0xD;
	s1 =	sshrl.u32 s1, $0x2  }
0xc5: {  	s3 =	sand.u32 $0x4000, s31;
	s1 =	sadd.s32 s1, s30  }
0xc6: {  	s0 =	sor.u32 s3, s0;
	s1 =	sshll.u32 s1, $0x11  }
0xc7: {  	s0 =	sor.u32 s1, s0  }
0xc8: {  	s0 =	sadd.s32 $0x8F2B, s0  }
0xc9: {  	[sflag:s0] =	ssyncadd.remote.s32 $0x1  }
0xca: {  	_ =	sfence.sel $0xFFFF  }
0xcb: {  	[dreg:$0x0] =	wrdreg $0xFFFFFFFF;
	(pc) =	sbr.abs _section_cstart, $3  }
0xcc: {  	[dreg:$0x1] =	wrdreg $0xFFFFFFFF  }
0xcd: {  	_ =	task.clear_ibuf [dreg:s13], $0x2FFFF;
	_ =	strace $0x9FFFFFFF  }
0xce: {  	(tm) =	ssettm $0x7FFFFFFF  }
0xcf: {  	_ =	shalt  }
tec
execute0_lowered:
.L_overlay_start_1:
0x0: {  	(tag) =	ssettag $0x1  }
0x1: {  	v0 =	vimm.s32 $0x780;
	vm14 =	vcmask $0x300;
	vm13 =	vcmask $0x704  }
0x2: {  	vm12 =	vcmask $0xB08;
	vm11 =	vcmask $0xF0C;
	vm10 =	vcmask $0x1310  }
0x3: {  	vm9 =	vcmask $0x1714;
	v1 =	vlaneseq.u32;
	vm3 =	vcmask $0x1B18  }
0x4: {  	vm0 =	vcmask $0x1F1C;
	v3 =	vimm.s32 $0x781;
	v4 =	vimm.s32 $0x782  }
0x5: {  	vm1 =	vcmask $0x2320;
	vm2 =	vcmask $0x2724;
	vm4 =	vcmask $0x2B28  }
0x6: {  	vm5 =	vcmask $0x2F2C;
	vm6 =	vcmask $0x3330;
	vm7 =	vcmask $0x3734  }
0x7: {  	vm8 =	vcmask $0x3B38;
	v5 =	vimm.s32 $0x783;
	v6 =	vimm.s32 $0x784  }
0x8: {  	v7 =	vimm.s32 $0x785;
	v8 =	vimm.s32 $0x786;
	v9 =	vimm.s32 $0x787  }
0x9: {  	v10 =	vimm.s32 $0x788;
	v11 =	vimm.s32 $0x789;
	v12 =	vimm.s32 $0x78A  }
0xa: {  	v13 =	vimm.s32 $0x78B;
	v14 =	vimm.s32 $0x78C;
	v15 =	vimm.s32 $0x78D  }
0xb: {  	v16 =	vimm.s32 $0x78E;
	v0 =	vsel vm14, $0x1, v0;
	v1 =	vmul.u32 $0x81, v1  }
0xc: {  	v3 =	vsel vm14, $0x2, v3;
	v4 =	vsel vm14, $0x3, v4;
	v5 =	vsel vm14, $0x4, v5  }
0xd: {  	v6 =	vsel vm14, $0x5, v6;
	v7 =	vsel vm14, $0x6, v7;
	v8 =	vsel vm14, $0x7, v8  }
0xe: {  	v9 =	vsel vm14, $0x8, v9;
	v10 =	vsel vm14, $0x9, v10;
	v11 =	vsel vm14, $0xA, v11  }
0xf: {  	v12 =	vsel vm14, $0xB, v12;
	v13 =	vsel vm14, $0xC, v13;
	v14 =	vsel vm14, $0xD, v14  }
0x10: {  	v15 =	vsel vm14, $0xE, v15;
	v16 =	vsel vm14, $0xF, v16;
	v0 =	vsel vm13, $0x82, v0  }
0x11: {  	v3 =	vsel vm13, $0x83, v3;
	v4 =	vsel vm13, $0x84, v4;
	v5 =	vsel vm13, $0x85, v5  }
0x12: {  	v6 =	vsel vm13, $0x86, v6;
	v7 =	vsel vm13, $0x87, v7;
	v8 =	vsel vm13, $0x88, v8  }
0x13: {  	v9 =	vsel vm13, $0x89, v9;
	v10 =	vsel vm13, $0x8A, v10;
	v11 =	vsel vm13, $0x8B, v11  }
0x14: {  	v12 =	vsel vm13, $0x8C, v12;
	v13 =	vsel vm13, $0x8D, v13;
	v14 =	vsel vm13, $0x8E, v14  }
0x15: {  	v15 =	vsel vm13, $0x8F, v15;
	v16 =	vsel vm13, $0x80, v16;
	v0 =	vsel vm12, $0x103, v0  }
0x16: {  	v3 =	vsel vm12, $0x104, v3;
	v4 =	vsel vm12, $0x105, v4;
	v5 =	vsel vm12, $0x106, v5  }
0x17: {  	v6 =	vsel vm12, $0x107, v6;
	v7 =	vsel vm12, $0x108, v7;
	v8 =	vsel vm12, $0x109, v8  }
0x18: {  	v9 =	vsel vm12, $0x10A, v9;
	v10 =	vsel vm12, $0x10B, v10;
	v11 =	vsel vm12, $0x10C, v11  }
0x19: {  	v12 =	vsel vm12, $0x10D, v12;
	v13 =	vsel vm12, $0x10E, v13;
	v14 =	vsel vm12, $0x10F, v14  }
0x1a: {  	v15 =	vsel vm12, $0x100, v15;
	v16 =	vsel vm12, $0x101, v16;
	v0 =	vsel vm11, $0x184, v0  }
0x1b: {  	v3 =	vsel vm11, $0x185, v3;
	v4 =	vsel vm11, $0x186, v4;
	v5 =	vsel vm11, $0x187, v5  }
0x1c: {  	v6 =	vsel vm11, $0x188, v6;
	v7 =	vsel vm11, $0x189, v7;
	v8 =	vsel vm11, $0x18A, v8  }
0x1d: {  	v9 =	vsel vm11, $0x18B, v9;
	v10 =	vsel vm11, $0x18C, v10;
	v11 =	vsel vm11, $0x18D, v11  }
0x1e: {  	v12 =	vsel vm11, $0x18E, v12;
	v13 =	vsel vm11, $0x18F, v13;
	v14 =	vsel vm11, $0x180, v14  }
0x1f: {  	v15 =	vsel vm11, $0x181, v15;
	v16 =	vsel vm11, $0x182, v16;
	v0 =	vsel vm10, $0x205, v0  }
0x20: {  	v3 =	vsel vm10, $0x206, v3;
	v4 =	vsel vm10, $0x207, v4;
	v5 =	vsel vm10, $0x208, v5  }
0x21: {  	v6 =	vsel vm10, $0x209, v6;
	v7 =	vsel vm10, $0x20A, v7;
	v8 =	vsel vm10, $0x20B, v8  }
0x22: {  	v9 =	vsel vm10, $0x20C, v9;
	v10 =	vsel vm10, $0x20D, v10;
	v11 =	vsel vm10, $0x20E, v11  }
0x23: {  	v12 =	vsel vm10, $0x20F, v12;
	v13 =	vsel vm10, $0x200, v13;
	v14 =	vsel vm10, $0x201, v14  }
0x24: {  	v15 =	vsel vm10, $0x202, v15;
	v16 =	vsel vm10, $0x203, v16;
	v2 =	vsel vm9, $0x286, v0  }
0x25: {  	v0 =	vimm.f32 $0.0e+00;
	v3 =	vsel vm9, $0x287, v3;
	v4 =	vsel vm9, $0x288, v4  }
0x26: {  	v5 =	vsel vm9, $0x289, v5;
	v6 =	vsel vm9, $0x28A, v6;
	v7 =	vsel vm9, $0x28B, v7  }
0x27: {  	v8 =	vsel vm9, $0x28C, v8;
	v9 =	vsel vm9, $0x28D, v9;
	v10 =	vsel vm9, $0x28E, v10  }
0x28: {  	v11 =	vsel vm9, $0x28F, v11;
	v12 =	vsel vm9, $0x280, v12;
	v13 =	vsel vm9, $0x281, v13  }
0x29: {  	v14 =	vsel vm9, $0x282, v14;
	v15 =	vsel vm9, $0x283, v15;
	v16 =	vsel vm9, $0x284, v16  }
0x2a: {  	v2 =	vsel vm3, $0x307, v2;
	v3 =	vsel vm3, $0x308, v3;
	v4 =	vsel vm3, $0x309, v4  }
0x2b: {  	v5 =	vsel vm3, $0x30A, v5;
	v6 =	vsel vm3, $0x30B, v6;
	v7 =	vsel vm3, $0x30C, v7  }
0x2c: {  	v8 =	vsel vm3, $0x30D, v8;
	v9 =	vsel vm3, $0x30E, v9;
	v10 =	vsel vm3, $0x30F, v10  }
0x2d: {  	v11 =	vsel vm3, $0x300, v11;
	v12 =	vsel vm3, $0x301, v12;
	v13 =	vsel vm3, $0x302, v13  }
0x2e: {  	v14 =	vsel vm3, $0x303, v14;
	v15 =	vsel vm3, $0x304, v15;
	v16 =	vsel vm3, $0x305, v16  }
0x2f: {  	v2 =	vsel vm0, $0x388, v2;
	v3 =	vsel vm0, $0x389, v3;
	v4 =	vsel vm0, $0x38A, v4  }
0x30: {  	v5 =	vsel vm0, $0x38B, v5;
	v6 =	vsel vm0, $0x38C, v6;
	v7 =	vsel vm0, $0x38D, v7  }
0x31: {  	v8 =	vsel vm0, $0x38E, v8;
	v9 =	vsel vm0, $0x38F, v9;
	v10 =	vsel vm0, $0x380, v10  }
0x32: {  	v11 =	vsel vm0, $0x381, v11;
	v12 =	vsel vm0, $0x382, v12;
	v13 =	vsel vm0, $0x383, v13  }
0x33: {  	v14 =	vsel vm0, $0x384, v14;
	v15 =	vsel vm0, $0x385, v15;
	v16 =	vsel vm0, $0x386, v16  }
0x34: {  	v2 =	vsel vm1, $0x409, v2;
	v3 =	vsel vm1, $0x40A, v3;
	v4 =	vsel vm1, $0x40B, v4  }
0x35: {  	v5 =	vsel vm1, $0x40C, v5;
	v6 =	vsel vm1, $0x40D, v6;
	v7 =	vsel vm1, $0x40E, v7  }
0x36: {  	v8 =	vsel vm1, $0x40F, v8;
	v9 =	vsel vm1, $0x400, v9;
	v10 =	vsel vm1, $0x401, v10  }
0x37: {  	v11 =	vsel vm1, $0x402, v11;
	v12 =	vsel vm1, $0x403, v12;
	v13 =	vsel vm1, $0x404, v13  }
0x38: {  	v14 =	vsel vm1, $0x405, v14;
	v15 =	vsel vm1, $0x406, v15;
	v16 =	vsel vm1, $0x407, v16  }
0x39: {  	v2 =	vsel vm2, $0x48A, v2;
	v3 =	vsel vm2, $0x48B, v3;
	v4 =	vsel vm2, $0x48C, v4  }
0x3a: {  	v5 =	vsel vm2, $0x48D, v5;
	v6 =	vsel vm2, $0x48E, v6;
	v7 =	vsel vm2, $0x48F, v7  }
0x3b: {  	v8 =	vsel vm2, $0x480, v8;
	v9 =	vsel vm2, $0x481, v9;
	v10 =	vsel vm2, $0x482, v10  }
0x3c: {  	v11 =	vsel vm2, $0x483, v11;
	v12 =	vsel vm2, $0x484, v12;
	v13 =	vsel vm2, $0x485, v13  }
0x3d: {  	v14 =	vsel vm2, $0x486, v14;
	v15 =	vsel vm2, $0x487, v15;
	v16 =	vsel vm2, $0x488, v16  }
0x3e: {  	v2 =	vsel vm4, $0x50B, v2;
	v3 =	vsel vm4, $0x50C, v3;
	v4 =	vsel vm4, $0x50D, v4  }
0x3f: {  	v5 =	vsel vm4, $0x50E, v5;
	v6 =	vsel vm4, $0x50F, v6;
	v7 =	vsel vm4, $0x500, v7  }
0x40: {  	v8 =	vsel vm4, $0x501, v8;
	v9 =	vsel vm4, $0x502, v9;
	v10 =	vsel vm4, $0x503, v10  }
0x41: {  	s4 =	rddreg [dreg:$0x0];
	v11 =	vsel vm4, $0x504, v11;
	v12 =	vsel vm4, $0x505, v12;
	v13 =	vsel vm4, $0x506, v13  }
0x42: {  	s5 =	rddreg [dreg:$0x1];
	v14 =	vsel vm4, $0x507, v14;
	v15 =	vsel vm4, $0x508, v15;
	v16 =	vsel vm4, $0x509, v16  }
0x43: {  	s7 =	rddreg [dreg:$0x2];
	v2 =	vsel vm5, $0x58C, v2;
	v3 =	vsel vm5, $0x58D, v3;
	v4 =	vsel vm5, $0x58E, v4  }
0x44: {  	s0 =	rddreg [dreg:$0x3];
	v5 =	vsel vm5, $0x58F, v5;
	v6 =	vsel vm5, $0x580, v6;
	v7 =	vsel vm5, $0x581, v7  }
0x45: {  	s1 =	rddreg [dreg:$0x4];
	v8 =	vsel vm5, $0x582, v8;
	v9 =	vsel vm5, $0x583, v9;
	v10 =	vsel vm5, $0x584, v10  }
0x46: {  	s2 =	rddreg [dreg:$0x5];
	v11 =	vsel vm5, $0x585, v11;
	v12 =	vsel vm5, $0x586, v12;
	v13 =	vsel vm5, $0x587, v13  }
0x47: {  	s3 =	rddreg [dreg:$0x6];
	v14 =	vsel vm5, $0x588, v14;
	v15 =	vsel vm5, $0x589, v15;
	v16 =	vsel vm5, $0x58A, v16  }
0x48: {  	s8 =	rddreg [dreg:$0x7];
	v2 =	vsel vm6, $0x60D, v2;
	v3 =	vsel vm6, $0x60E, v3;
	v4 =	vsel vm6, $0x60F, v4  }
0x49: {  	s6 =	srdreg.scid;
	s11 =	stileid.u32;
	v5 =	vsel vm6, $0x600, v5;
	v6 =	vsel vm6, $0x601, v6;
	v7 =	vsel vm6, $0x602, v7  }
0x4a: {  	s14 =	simm.s32 $0x1;
	s15 =	simm.s32 $0x40;
	s16 =	simm.s32 $0x600;
	v8 =	vsel vm6, $0x603, v8;
	v9 =	vsel vm6, $0x604, v9;
	v10 =	vsel vm6, $0x605, v10  }
0x4b: {  	s17 =	simm.s32 $0x4600;
	s18 =	simm.s32 $0x8600;
	s19 =	simm.s32 $0x8700;
	v11 =	vsel vm6, $0x606, v11;
	v12 =	vsel vm6, $0x607, v12;
	v13 =	vsel vm6, $0x608, v13  }
0x4c: {  	s20 =	simm.s32 $0x2600;
	s22 =	simm.s32 $0x6600;
	s29 =	simm.s32 $0x2;
	v14 =	vsel vm6, $0x609, v14;
	v15 =	vsel vm6, $0x60A, v15;
	v16 =	vsel vm6, $0x60B, v16  }
0x4d: {  	s28 =	simm.s32 $0x380;
	s30 =	simm.s32 $0x1C0;
	s31 =	simm.s32 $0x3C0;
	v2 =	vsel vm7, $0x68E, v2;
	v3 =	vsel vm7, $0x68F, v3;
	v4 =	vsel vm7, $0x680, v4  }
0x4e: {  	s9 =	sand.u32 $0x1, s6;
	s6 =	simm.s32 $0x0;
	s11 =	sshll.u32 s11, $0x1;
	v5 =	vsel vm7, $0x681, v5;
	v6 =	vsel vm7, $0x682, v6;
	v7 =	vsel vm7, $0x683, v7  }
0x4f: {  	s10 =	ssub.s32 $0x2, s9;
	[smem:$0x7FF] =	sst s6;
	s9 =	sor.u32 s9, s11;
	v8 =	vsel vm7, $0x684, v8;
	v9 =	vsel vm7, $0x685, v9;
	v10 =	vsel vm7, $0x686, v10  }
0x50: {  	s12 =	sshrl.u32 s10, $0x1;
	_ =	strace $0x80000047;
	s11 =	sshll.u32 s9, $0x6;
	v11 =	vsel vm7, $0x687, v11;
	v12 =	vsel vm7, $0x688, v12;
	v13 =	vsel vm7, $0x689, v13  }
0x51: {  	s24 =	sshll.u32 s9, $0x4;
	s10 =	ssub.s32 s10, s12;
	s4 =	sadd.s32 s4, s11;
	v14 =	vsel vm7, $0x68A, v14;
	v15 =	vsel vm7, $0x68B, v15;
	v16 =	vsel vm7, $0x68C, v16  }
0x52: {  	s23 =	sadd.s32 s5, s11;
	s25 =	sadd.s32 s7, s11;
	[dreg:$0x9] =	wrdreg s4;
	v2 =	vsel vm8, $0x70F, v2;
	v3 =	vsel vm8, $0x700, v3;
	v4 =	vsel vm8, $0x701, v4  }
0x53: {  	s12 =	simm.s32 $0x200;
	s5 =	simm.s32 $0x0;
	[dreg:$0xa] =	wrdreg s23;
	v5 =	vsel vm8, $0x702, v5;
	v6 =	vsel vm8, $0x703, v6;
	v7 =	vsel vm8, $0x704, v7  }
0x54: {  	[dreg:$0xb] =	wrdreg s25;
	s4 =	sadd.s32 s8, s24;
	s26 =	smax.u32 s10, $0x1;
	v8 =	vsel vm8, $0x705, v8;
	v9 =	vsel vm8, $0x706, v9;
	v10 =	vsel vm8, $0x707, v10  }
0x55: {  	s23 =	simm.s32 $0x8680;
	s24 =	simm.s32 $0x8780;
	[dreg:$0xc] =	wrdreg s4;
	v11 =	vsel vm8, $0x708, v11;
	v12 =	vsel vm8, $0x709, v12;
	v13 =	vsel vm8, $0x70A, v13  }
0x56: {  	s25 =	simm.s32 $0x8800;
	[dreg:$0xd] =	wrdreg s26;
	s4 =	simm.s32 $0x3;
	v14 =	vsel vm8, $0x70B, v14;
	v15 =	vsel vm8, $0x70C, v15;
	v16 =	vsel vm8, $0x70D, v16  }
.LBB2_1:
0x57: {  	[tilespmem:$0x9000] =	vst v0;
	s7 =	rddreg [dreg:$0x9]  }
0x58: {  	[tilespmem:s6], [sflag:$0x1] =	stream.linear.gather [hbm4b:s7+s6], $0x200, $0x38;
	[tilespmem:$0x9080] =	vst v63  }
0x59: {  	s13 =	rddreg [dreg:$0xa]  }
0x5a: {  	[tilespmem:s12], [sflag:$0x1] =	stream.linear.gather [hbm4b:s13+s6], $0x200, $0x38;
	[tilespmem:$0x9080] =	vst v63  }
0x5b: {  	s21 =	rddreg [dreg:$0xb];
	s8 =	simm.s32 $0x400  }
0x5c: {  	[tilespmem:s8], [sflag:$0x1] =	stream.linear.gather [hbm4b:s21+s6], $0x200, $0x38;
	[tilespmem:$0x9080] =	vst v63  }
0x5d: {  	_ =	swait.ge [sflag:s14], $0x200  }
0x5e: {  	[sflag:s14] =	ssyncset.done $0x0  }
0x5f: {  	[sflag:s14] =	ssyncadd.s32 $0xFFFFFE00  }
0x60: {  	_ =	swait.ge [sflag:s14], $0x200  }
0x61: {  	[sflag:s14] =	ssyncset.done $0x0  }
0x62: {  	[sflag:s14] =	ssyncadd.s32 $0xFFFFFE00  }
0x63: {  	_ =	swait.ge [sflag:s14], $0x200  }
0x64: {  	[sflag:s14] =	ssyncset.done $0x0  }
0x65: {  	[sflag:s14] =	ssyncadd.s32 $0xFFFFFE00  }
0x66: {  	[tilespmem:s16], [sflag:$0x1] =	stream.indirect.gather [hbm4b:s0+s15], $0x80, s6, s15, $0xb8;
	[tilespmem:$0x9080] =	vst v63  }
0x67: {  	_ = 	snop  }
0x68: {  	[tilespmem:s17], [sflag:$0x1] =	stream.indirect.gather [hbm4b:s1+s15], $0x80, s12, s15, $0xb8;
	[tilespmem:$0x9080] =	vst v63  }
0x69: {  	_ = 	snop  }
0x6a: {  	[tilespmem:s18], [sflag:$0x1] =	stream.indirect.gather [hbm4b:s2+s15], $0x1, s6, s15, $0xb8;
	[tilespmem:$0x9080] =	vst v63  }
0x6b: {  	_ = 	snop  }
0x6c: {  	[tilespmem:s19], [sflag:$0x1] =	stream.indirect.gather [hbm4b:s3+s15], $0x1, s12, s15, $0xb8;
	[tilespmem:$0x9080] =	vst v63  }
0x6d: {  	_ = 	snop  }
0x6e: {  	[tilespmem:s20], [sflag:$0x2] =	stream.indirect.gather [hbm4b:s0+s15], $0x80, s15, s15, $0xb8;
	[tilespmem:$0x9080] =	vst v63  }
0x6f: {  	s26 =	simm.s32 $0x240  }
0x70: {  	[tilespmem:s22], [sflag:$0x2] =	stream.indirect.gather [hbm4b:s1+s15], $0x80, s26, s15, $0xb8;
	[tilespmem:$0x9080] =	vst v63  }
0x71: {  	_ = 	snop  }
0x72: {  	[tilespmem:s23], [sflag:$0x2] =	stream.indirect.gather [hbm4b:s2+s15], $0x1, s15, s15, $0xb8;
	[tilespmem:$0x9080] =	vst v63  }
0x73: {  	_ = 	snop  }
0x74: {  	[tilespmem:s24], [sflag:$0x2] =	stream.indirect.gather [hbm4b:s3+s15], $0x1, s26, s15, $0xb8;
	[tilespmem:$0x9080] =	vst v63  }
0x75: {  	_ =	swait.ge [sflag:s14], $0x2000  }
0x76: {  	[sflag:s14] =	ssyncset.done $0x0  }
0x77: {  	[sflag:s14] =	ssyncadd.s32 $0xFFFFE000  }
0x78: {  	_ =	swait.ge [sflag:s14], $0x2000  }
0x79: {  	[sflag:s14] =	ssyncset.done $0x0  }
0x7a: {  	[sflag:s14] =	ssyncadd.s32 $0xFFFFE000  }
0x7b: {  	_ =	swait.ge [sflag:s14], $0x40  }
0x7c: {  	[sflag:s14] =	ssyncset.done $0x0  }
0x7d: {  	[sflag:s14] =	ssyncadd.s32 $0xFFFFFFC0  }
0x7e: {  	_ =	swait.ge [sflag:s14], $0x40  }
0x7f: {  	s11 =	simm.s32 $0x4700;
	[sflag:s14] =	ssyncset.done $0x0  }
0x80: {  	s7 =	simm.s32 $0x700;
	s13 =	simm.s32 $0x0;
	[sflag:s14] =	ssyncadd.s32 $0xFFFFFFC0  }
.LBB2_2:
0x81: {  	v18 =	vld [tilespmem:s7+$0x80]  }
0x82: {  	v19 =	vld [tilespmem:s11+$0x80]  }
0x83: {  	v20 =	vld [tilespmem:s7+$0x90]  }
0x84: {  	v21 =	vld [tilespmem:s11+$0x90]  }
0x85: {  	v22 =	vld [tilespmem:s7+$0xA0]  }
0x86: {  	v23 =	vld [tilespmem:s11+$0xA0]  }
0x87: {  	v24 =	vld [tilespmem:s7+$0xB0]  }
0x88: {  	v25 =	vld [tilespmem:s11+$0xB0]  }
0x89: {  	v26 =	vld [tilespmem:s7+$0xC0]  }
0x8a: {  	v27 =	vld [tilespmem:s11+$0xC0]  }
0x8b: {  	v28 =	vld [tilespmem:s7+$0xD0]  }
0x8c: {  	v29 =	vld [tilespmem:s11+$0xD0]  }
0x8d: {  	v30 =	vld [tilespmem:s7+$0xE0]  }
0x8e: {  	v31 =	vld [tilespmem:s11+$0xE0]  }
0x8f: {  	v32 =	vld [tilespmem:s7+$0xF0]  }
0x90: {  	v33 =	vld [tilespmem:s11+$0xF0]  }
0x91: {  	v17 =	vld [tilespmem:s11+$0xFFFFFF00]  }
0x92: {  	v34 =	vld [tilespmem:s7+$0xFFFFFF10]  }
0x93: {  	v35 =	vld [tilespmem:s11+$0xFFFFFF10]  }
0x94: {  	v36 =	vld [tilespmem:s7+$0xFFFFFF20]  }
0x95: {  	v37 =	vld [tilespmem:s11+$0xFFFFFF20]  }
0x96: {  	v38 =	vld [tilespmem:s7+$0xFFFFFF30]  }
0x97: {  	v39 =	vld [tilespmem:s11+$0xFFFFFF30]  }
0x98: {  	v40 =	vld [tilespmem:s7+$0xFFFFFF40]  }
0x99: {  	v41 =	vld [tilespmem:s11+$0xFFFFFF40]  }
0x9a: {  	v42 =	vld [tilespmem:s7+$0xFFFFFF50]  }
0x9b: {  	v43 =	vld [tilespmem:s11+$0xFFFFFF50]  }
0x9c: {  	v44 =	vld [tilespmem:s7+$0xFFFFFF60]  }
0x9d: {  	v45 =	vld [tilespmem:s11+$0xFFFFFF60]  }
0x9e: {  	v46 =	vld [tilespmem:s7+$0xFFFFFF70]  }
0x9f: {  	v47 =	vld [tilespmem:s11+$0xFFFFFF70]  }
0xa0: {  	v48 =	vld [tilespmem:s7+$0xFFFFFF80]  }
0xa1: {  	v49 =	vld [tilespmem:s11+$0xFFFFFF80]  }
0xa2: {  	v50 =	vld [tilespmem:s7+$0xFFFFFF90]  }
0xa3: {  	v51 =	vld [tilespmem:s11+$0xFFFFFF90]  }
0xa4: {  	v52 =	vld [tilespmem:s7+$0xFFFFFFA0]  }
0xa5: {  	v53 =	vld [tilespmem:s11+$0xFFFFFFA0]  }
0xa6: {  	v54 =	vld [tilespmem:s7+$0xFFFFFFB0]  }
0xa7: {  	v55 =	vld [tilespmem:s11+$0xFFFFFFB0]  }
0xa8: {  	v56 =	vld [tilespmem:s7+$0xFFFFFFC0]  }
0xa9: {  	v57 =	vld [tilespmem:s11+$0xFFFFFFC0]  }
0xaa: {  	v58 =	vld [tilespmem:s7+$0xFFFFFFD0]  }
0xab: {  	v59 =	vld [tilespmem:s11+$0xFFFFFFD0]  }
0xac: {  	v60 =	vld [tilespmem:s7+$0xFFFFFFE0]  }
0xad: {  	v61 =	vld [tilespmem:s11+$0xFFFFFFE0]  }
0xae: {  	v18 =	vmul.f32 v19, v18;
	v19 =	vmul.f32 v21, v20;
	v20 =	vld [tilespmem:s7+$0xFFFFFFF0]  }
0xaf: {  	v21 =	vmul.f32 v23, v22;
	v22 =	vmul.f32 v25, v24;
	v23 =	vld [tilespmem:s11+$0xFFFFFFF0]  }
0xb0: {  	v24 =	vmul.f32 v27, v26;
	v25 =	vmul.f32 v29, v28;
	v26 =	vld [tilespmem:s7+$0x0]  }
0xb1: {  	v27 =	vmul.f32 v31, v30;
	v28 =	vmul.f32 v33, v32;
	v29 =	vld [tilespmem:s11+$0x0]  }
0xb2: {  	v30 =	vld [tilespmem:s7+$0x20];
	v31 =	vmul.f32 v55, v54;
	v56 =	vmul.f32 v57, v56  }
0xb3: {  	v55 =	vld [tilespmem:s11+$0x20];
	v57 =	vmul.f32 v59, v58;
	v18 =	vadd.f32 v19, v18;
	v19 =	vadd.f32 v22, v21  }
0xb4: {  	v58 =	vld [tilespmem:s7+$0x30];
	v40 =	vmul.f32 v41, v40;
	v22 =	vadd.f32 v25, v24;
	v24 =	vadd.f32 v28, v27  }
0xb5: {  	v62 =	vmul.f32 v39, v38;
	v21 =	vld [tilespmem:s7+$0x10];
	v28 =	vmul.f32 v51, v50  }
0xb6: {  	v27 =	vld [tilespmem:s11+$0x10];
	v18 =	vadd.f32 v19, v18;
	v19 =	vmul.f32 v49, v48;
	v22 =	vadd.f32 v24, v22  }
0xb7: {  	v33 =	vadd.f32 v57, v56;
	v24 =	vmul.f32 v53, v52;
	v20 =	vmul.f32 v23, v20;
	v23 =	vld [tilespmem:s11+$0x30]  }
0xb8: {  	v59 =	vld [tilespmem:s11+$0x40];
	v30 =	vmul.f32 v55, v30;
	v22 =	vadd.f32 v22, v18;
	v18 =	vmul.f32 v61, v60  }
0xb9: {  	v19 =	vadd.f32 v28, v19;
	v24 =	vadd.f32 v31, v24;
	v28 =	vld [tilespmem:s7+$0x40];
	v31 =	vmul.f32 v43, v42  }
0xba: {  	v60 =	vmul.f32 v47, v46;
	v61 =	vld [tilespmem:s7+$0x50];
	v18 =	vadd.f32 v20, v18;
	v20 =	vmul.f32 v45, v44  }
0xbb: {  	v19 =	vadd.f32 v24, v19;
	v24 =	vmul.f32 v29, v26;
	v26 =	vmul.f32 v27, v21;
	v29 =	vld [tilespmem:s11+$0x50]  }
0xbc: {  	v27 =	vadd.f32 v31, v40;
	v21 =	vld [tilespmem:s7+$0x60];
	v18 =	vadd.f32 v18, v33;
	v31 =	vmul.f32 v23, v58  }
0xbd: {  	v25 =	vmul.f32 v37, v36;
	v20 =	vadd.f32 v60, v20;
	v23 =	vld [tilespmem:s11+$0x60];
	v63 =	vadd.f32 v26, v24  }
0xbe: {  	s26 =	simm.s32 $0x8900;
	v24 =	vld [tilespmem:s7+$0x70];
	v33 =	vadd.f32 v18, v19;
	v30 =	vadd.f32 v31, v30  }
0xbf: {  	s21 =	sshll.u32 s13, $0x4;
	[tilespmem:s26+$0x80] =	vst v22;
	v26 =	vmul.f32 v59, v28;
	v18 =	vmul.f32 v35, v34;
	v19 =	vadd.f32 v62, v25;
	v25 =	vld [tilespmem:s11+$0x70]  }
0xc0: {  	s9 =	simm.s32 $0x0;
	s10 =	sadd.s32 $0x200, s7;
	s8 =	smov.u32 s11;
	v20 =	vadd.f32 v20, v27;
	v27 =	vld [tilespmem:s7+$0xFFFFFF00];
	v28 =	vmul.f32 v29, v61;
	[tilespmem:s26+$0xFFFFFF80] =	vst v33;
	v22 =	vadd.f32 v30, v63  }
.LBB2_3:
0xc1: {  	v29 =	vld [tilespmem:s10+$0x80];
	s8 =	sadd.s32 $0x200, s8  }
0xc2: {  	v30 =	vld [tilespmem:s8+$0x80];
	v21 =	vmul.f32 v23, v21;
	v23 =	vadd.f32 v28, v26  }
0xc3: {  	v26 =	vld [tilespmem:s10+$0x90]  }
0xc4: {  	v28 =	vld [tilespmem:s8+$0x90];
	v24 =	vmul.f32 v25, v24  }
0xc5: {  	v25 =	vld [tilespmem:s10+$0xA0];
	v17 =	vmul.f32 v17, v27  }
0xc6: {  	v27 =	vld [tilespmem:s8+$0xA0];
	v21 =	vadd.f32 v24, v21  }
0xc7: {  	v24 =	vld [tilespmem:s10+$0xB0];
	v17 =	vadd.f32 v18, v17  }
0xc8: {  	v18 =	vld [tilespmem:s8+$0xB0];
	v21 =	vadd.f32 v21, v23  }
0xc9: {  	v23 =	vld [tilespmem:s10+$0xC0];
	v17 =	vadd.f32 v19, v17  }
0xca: {  	v19 =	vld [tilespmem:s8+$0xC0];
	v21 =	vadd.f32 v21, v22  }
0xcb: {  	v22 =	vld [tilespmem:s10+$0xD0];
	v17 =	vadd.f32 v20, v17  }
0xcc: {  	v20 =	vld [tilespmem:s8+$0xD0];
	[tilespmem:s26+$0x0] =	vst v21  }
0xcd: {  	v21 =	vld [tilespmem:s10+$0xE0];
	[tilespmem:s26+$0xFFFFFF00] =	vst v17  }
0xce: {  	v31 =	vld [tilespmem:s8+$0xE0]  }
0xcf: {  	v32 =	vld [tilespmem:s10+$0xF0]  }
0xd0: {  	s9 =	sadd.s32 $0x4, s9;
	v33 =	vld [tilespmem:s8+$0xF0]  }
0xd1: {  	p0 =	slt.u32 s9, $0xC;
	v17 =	vld [tilespmem:s8+$0xFFFFFF00]  }
0xd2: {  	v29 =	vmul.f32 v30, v29;
	v26 =	vmul.f32 v28, v26;
	v34 =	vld [tilespmem:s10+$0xFFFFFF10]  }
0xd3: {  	v25 =	vmul.f32 v27, v25;
	v18 =	vmul.f32 v18, v24;
	v28 =	vld [tilespmem:s8+$0xFFFFFF10]  }
0xd4: {  	v19 =	vmul.f32 v19, v23;
	v20 =	vmul.f32 v20, v22;
	v24 =	vld [tilespmem:s10+$0xFFFFFF20]  }
0xd5: {  	v21 =	vmul.f32 v31, v21;
	v22 =	vld [tilespmem:s8+$0xFFFFFF20];
	v23 =	vmul.f32 v33, v32  }
0xd6: {  	v26 =	vadd.f32 v26, v29;
	v25 =	vadd.f32 v18, v25;
	v27 =	vld [tilespmem:s10+$0xFFFFFF30]  }
0xd7: {  	v19 =	vadd.f32 v20, v19;
	v29 =	vld [tilespmem:s8+$0xFFFFFF30];
	v20 =	vadd.f32 v23, v21  }
0xd8: {  	v18 =	vmul.f32 v28, v34;
	v21 =	vld [tilespmem:s10+$0xFFFFFF40]  }
0xd9: {  	v25 =	vadd.f32 v25, v26;
	v23 =	vld [tilespmem:s8+$0xFFFFFF40];
	v19 =	vadd.f32 v20, v19  }
0xda: {  	v20 =	vmul.f32 v22, v24;
	v22 =	vld [tilespmem:s10+$0xFFFFFF50]  }
0xdb: {  	v24 =	vld [tilespmem:s8+$0xFFFFFF50];
	v19 =	vadd.f32 v19, v25  }
0xdc: {  	s26 =	sadd.s32 $0x200, s26;
	v25 =	vmul.f32 v29, v27;
	v26 =	vld [tilespmem:s10+$0xFFFFFF60]  }
0xdd: {  	v27 =	vld [tilespmem:s8+$0xFFFFFF60];
	[tilespmem:s26+$0x80] =	vst v19  }
0xde: {  	v21 =	vmul.f32 v23, v21;
	v23 =	vld [tilespmem:s10+$0xFFFFFF70];
	v19 =	vadd.f32 v25, v20  }
0xdf: {  	v20 =	vld [tilespmem:s8+$0xFFFFFF70]  }
0xe0: {  	v22 =	vmul.f32 v24, v22;
	v24 =	vld [tilespmem:s10+$0xFFFFFF80]  }
0xe1: {  	v25 =	vld [tilespmem:s8+$0xFFFFFF80]  }
0xe2: {  	v26 =	vmul.f32 v27, v26;
	v21 =	vadd.f32 v22, v21;
	v22 =	vld [tilespmem:s10+$0xFFFFFF90]  }
0xe3: {  	v27 =	vld [tilespmem:s8+$0xFFFFFF90]  }
0xe4: {  	v20 =	vmul.f32 v20, v23;
	v23 =	vld [tilespmem:s10+$0xFFFFFFA0]  }
0xe5: {  	v28 =	vld [tilespmem:s8+$0xFFFFFFA0]  }
0xe6: {  	v20 =	vadd.f32 v20, v26;
	v24 =	vmul.f32 v25, v24;
	v25 =	vld [tilespmem:s10+$0xFFFFFFB0]  }
0xe7: {  	v26 =	vld [tilespmem:s8+$0xFFFFFFB0]  }
0xe8: {  	v20 =	vadd.f32 v20, v21;
	v21 =	vmul.f32 v27, v22;
	v22 =	vld [tilespmem:s10+$0xFFFFFFC0]  }
0xe9: {  	v27 =	vld [tilespmem:s8+$0xFFFFFFC0]  }
0xea: {  	v23 =	vmul.f32 v28, v23;
	v28 =	vld [tilespmem:s10+$0xFFFFFFD0];
	v21 =	vadd.f32 v21, v24  }
0xeb: {  	v24 =	vld [tilespmem:s8+$0xFFFFFFD0]  }
0xec: {  	v25 =	vmul.f32 v26, v25;
	v26 =	vld [tilespmem:s10+$0xFFFFFFE0]  }
0xed: {  	v29 =	vld [tilespmem:s8+$0xFFFFFFE0]  }
0xee: {  	v22 =	vmul.f32 v27, v22;
	v27 =	vld [tilespmem:s10+$0xFFFFFFF0];
	v23 =	vadd.f32 v25, v23  }
0xef: {  	v25 =	vld [tilespmem:s8+$0xFFFFFFF0]  }
0xf0: {  	v24 =	vmul.f32 v24, v28;
	v21 =	vadd.f32 v23, v21;
	v23 =	vld [tilespmem:s10+$0x0]  }
0xf1: {  	v28 =	vld [tilespmem:s8+$0x0]  }
0xf2: {  	v26 =	vmul.f32 v29, v26;
	v22 =	vadd.f32 v24, v22;
	v24 =	vld [tilespmem:s10+$0x10]  }
0xf3: {  	v29 =	vld [tilespmem:s8+$0x10]  }
0xf4: {  	v25 =	vmul.f32 v25, v27;
	v27 =	vld [tilespmem:s10+$0x20]  }
0xf5: {  	v30 =	vld [tilespmem:s8+$0x20]  }
0xf6: {  	v25 =	vadd.f32 v25, v26;
	v23 =	vmul.f32 v28, v23;
	v26 =	vld [tilespmem:s10+$0x30]  }
0xf7: {  	v28 =	vld [tilespmem:s8+$0x30]  }
0xf8: {  	v22 =	vadd.f32 v25, v22;
	v24 =	vmul.f32 v29, v24;
	v25 =	vld [tilespmem:s10+$0x40]  }
0xf9: {  	v29 =	vld [tilespmem:s8+$0x40]  }
0xfa: {  	v21 =	vadd.f32 v22, v21;
	v22 =	vmul.f32 v30, v27;
	v30 =	vld [tilespmem:s10+$0x50];
	v31 =	vadd.f32 v24, v23  }
0xfb: {  	v32 =	vld [tilespmem:s8+$0x50]  }
.Ltmp0:
0xfc: {  	[tilespmem:s26+$0xFFFFFF80] =	vst v21;
	v27 =	vmul.f32 v28, v26;
	v21 =	vld [tilespmem:s10+$0x60];
	(pc) =	sbr.rel @p0 .LBB2_3-.Ltmp0, $4  }
0xfd: {  	v23 =	vld [tilespmem:s8+$0x60]  }
0xfe: {  	v26 =	vmul.f32 v29, v25;
	v24 =	vld [tilespmem:s10+$0x70];
	v22 =	vadd.f32 v27, v22  }
0xff: {  	v25 =	vld [tilespmem:s8+$0x70]  }
0x100: {  	v27 =	vld [tilespmem:s10+$0xFFFFFF00];
	v28 =	vmul.f32 v32, v30;
	v22 =	vadd.f32 v22, v31;
	s10 =	sadd.s32 $0x200, s10  }
0x101: {  	_ =	sdelay $0x2  }
0x102: {  	v21 =	vmul.f32 v23, v21;
	v42 =	vmul.f32 v25, v24  }
0x103: {  	v17 =	vmul.f32 v17, v27  }
0x104: {  	v43 =	vadd.f32 v28, v26;
	v21 =	vadd.f32 v42, v21  }
0x105: {  	v17 =	vadd.f32 v18, v17  }
0x106: {  	v18 =	vadd.f32 v21, v43  }
0x107: {  	v17 =	vadd.f32 v19, v17  }
0x108: {  	v18 =	vadd.f32 v18, v22  }
0x109: {  	v17 =	vadd.f32 v20, v17  }
0x10a: {  	[tilespmem:s26+$0x0] =	vst v18  }
0x10b: {  	[tilespmem:s26+$0xFFFFFF00] =	vst v17  }
0x10c: {  	v17 =	vld [tilespmem:s21+$0x400];
	_ =	sdelay $0x4  }
0x10d: {  	v18 =	vand.u32 $0x7FFFFF, v17  }
0x10e: {  	v18 =	vor.u32 $0x3F800000, v18  }
0x10f: {  	v19 =	vadd.f32 $1.000000000e+00, v18;
	_ =	sdelay $0x1  }
0x110: {  	(erf) = vrcp.f32 v19;
	_ =	sdelay $0x7  }
0x111: {  	v18 =	vadd.f32 $-1.000000000e+00, v18  }
0x112: {  	v19 =	vpop (erf)  }
0x113: {  	v18 =	vmul.f32 v19, v18;
	_ =	sdelay $0x1  }
0x114: {  	v19 =	vmul.f32 v18, v18  }
0x115: {  	v44 =	vld.idx.msk [tilespmem:v1+s25+$0x0], $0xffff  }
0x116: {  	v45 =	vld.idx.msk [tilespmem:v2+s25+$0x0], $0xffff;
	v46 =	vmul.f32 $1.428571490e-01, v19  }
0x117: {  	v47 =	vld.idx.msk [tilespmem:v3+s25+$0x0], $0xffff  }
0x118: {  	v48 =	vld.idx.msk [tilespmem:v4+s25+$0x0], $0xffff;
	v22 =	vadd.f32 $2.000000030e-01, v46  }
0x119: {  	v49 =	vld.idx.msk [tilespmem:v5+s25+$0x0], $0xffff  }
0x11a: {  	v50 =	vld.idx.msk [tilespmem:v6+s25+$0x0], $0xffff;
	v22 =	vmul.f32 v22, v19  }
0x11b: {  	v51 =	vld.idx.msk [tilespmem:v7+s25+$0x0], $0xffff  }
0x11c: {  	v52 =	vld.idx.msk [tilespmem:v8+s25+$0x0], $0xffff;
	v22 =	vadd.f32 $3.333333430e-01, v22  }
0x11d: {  	v29 =	vld.idx.msk [tilespmem:v9+s25+$0x0], $0xffff  }
0x11e: {  	v30 =	vld.idx.msk [tilespmem:v10+s25+$0x0], $0xffff;
	v17 =	vshra.s32 v17, $0x17;
	v19 =	vmul.f32 v22, v19  }
0x11f: {  	v53 =	vld.idx.msk [tilespmem:v11+s25+$0x0], $0xffff;
	v17 =	vadd.s32 $0xFFFFFF81, v17  }
0x120: {  	v31 =	vld.idx.msk [tilespmem:v12+s25+$0x0], $0xffff;
	v17 =	vcvt.s32.f32 v17;
	v18 =	vadd.f32 v18, v18;
	v19 =	vadd.f32 $1.000000000e+00, v19  }
0x121: {  	v32 =	vld.idx.msk [tilespmem:v13+s25+$0x0], $0xffff  }
0x122: {  	v33 =	vld.idx.msk [tilespmem:v14+s25+$0x0], $0xffff;
	v17 =	vmul.f32 $6.931471820e-01, v17;
	v18 =	vmul.f32 v19, v18  }
0x123: {  	v19 =	vld.idx.msk [tilespmem:v15+s25+$0x0], $0xffff  }
0x124: {  	v17 =	vadd.f32 v18, v17;
	v18 =	vld.idx.msk [tilespmem:v16+s25+$0x0], $0xffff  }
0x125: {  	v20 =	vadd.f32 v45, v44  }
0x126: {  	v54 =	vadd.f32 v48, v47;
	v55 =	vadd.f32 $-4.605170250e+00, v17  }
0x127: {  	v56 =	vadd.f32 v50, v49;
	v57 =	vadd.f32 v52, v51  }
0x128: {  	v58 =	vadd.f32 v30, v29;
	v22 =	vadd.f32 v31, v53;
	v23 =	vmul.f32 $7.500000000e-01, v55  }
0x129: {  	v59 =	vadd.f32 v33, v32;
	v18 =	vadd.f32 v18, v19  }
0x12a: {  	v60 =	vadd.f32 v57, v56;
	v22 =	vadd.f32 v22, v58;
	v61 =	vmul.f32 $1.442695020e+00, v23  }
0x12b: {  	v19 =	vadd.f32 v54, v20;
	v18 =	vadd.f32 v18, v59  }
0x12c: {  	v62 =	vld [tilespmem:s21+$0x8600];
	(erf) = vpow2.f32 v61  }
0x12d: {  	v19 =	vadd.f32 v60, v19;
	v18 =	vadd.f32 v18, v22  }
0x12e: {  	v63 =	vld [tilespmem:s21+$0x8700]  }
0x12f: {  	v18 =	vadd.f32 v18, v19;
	_ =	sdelay $0x1  }
0x130: {  	v18 =	vadd.f32 v18, v62;
	_ =	sdelay $0x1  }
0x131: {  	v18 =	vadd.f32 v18, v63;
	_ =	sdelay $0x1  }
0x132: {  	v19 =	vpop (erf);
	v17 =	vsub.f32 v18, v17  }
0x133: {  	v18 =	vmin.f32 v19, $1.000000000e+00;
	v19 =	vld [tilespmem:$0x9000]  }
0x134: {  	s13 =	sadd.s32 $0x1, s13;
	v18 =	vmul.f32 v18, v17  }
0x135: {  	p0 =	sne.s32 s13, $0x4  }
.Ltmp1:
0x136: {  	v17 =	vmul.f32 v18, v17;
	(pc) =	sbr.rel @p0 .LBB2_2-.Ltmp1, $3  }
0x137: {  	_ = 	snop  }
0x138: {  	v17 =	vadd.f32 v17, v19;
	_ =	sdelay $0x1  }
0x139: {  	s7 =	sadd.s32 $0x800, s7;
	s11 =	sadd.s32 $0x800, s11;
	[tilespmem:$0x9000] =	vst v17  }
0x13a: {  	s7 =	simm.s32 $0x80  }
0x13b: {  	[tilespmem:s16], [sflag:$0x1] =	stream.indirect.gather [hbm4b:s0+s15], $0x80, s7, s15, $0xb8;
	[tilespmem:$0x9080] =	vst v63  }
0x13c: {  	s8 =	simm.s32 $0x280  }
0x13d: {  	[tilespmem:s17], [sflag:$0x1] =	stream.indirect.gather [hbm4b:s1+s15], $0x80, s8, s15, $0xb8;
	[tilespmem:$0x9080] =	vst v63  }
0x13e: {  	_ = 	snop  }
0x13f: {  	[tilespmem:s18], [sflag:$0x1] =	stream.indirect.gather [hbm4b:s2+s15], $0x1, s7, s15, $0xb8;
	[tilespmem:$0x9080] =	vst v63  }
0x140: {  	_ = 	snop  }
0x141: {  	[tilespmem:s19], [sflag:$0x1] =	stream.indirect.gather [hbm4b:s3+s15], $0x1, s8, s15, $0xb8;
	[tilespmem:$0x9080] =	vst v63  }
0x142: {  	_ =	swait.ge [sflag:s29], $0x2000  }
0x143: {  	[sflag:s29] =	ssyncset.done $0x0  }
0x144: {  	[sflag:s29] =	ssyncadd.s32 $0xFFFFE000  }
0x145: {  	_ =	swait.ge [sflag:s29], $0x2000  }
0x146: {  	[sflag:s29] =	ssyncset.done $0x0  }
0x147: {  	[sflag:s29] =	ssyncadd.s32 $0xFFFFE000  }
0x148: {  	_ =	swait.ge [sflag:s29], $0x40  }
0x149: {  	[sflag:s29] =	ssyncset.done $0x0  }
0x14a: {  	[sflag:s29] =	ssyncadd.s32 $0xFFFFFFC0  }
0x14b: {  	_ =	swait.ge [sflag:s29], $0x40  }
0x14c: {  	s13 =	simm.s32 $0x67F0;
	[sflag:s29] =	ssyncset.done $0x0  }
0x14d: {  	s7 =	simm.s32 $0x0;
	s8 =	simm.s32 $0x27F0;
	[sflag:s29] =	ssyncadd.s32 $0xFFFFFFC0  }
.LBB2_6:
0x14e: {  	v18 =	vld [tilespmem:s8+$0xFFFFFF90]  }
0x14f: {  	v19 =	vld [tilespmem:s13+$0xFFFFFF90]  }
0x150: {  	v20 =	vld [tilespmem:s8+$0xFFFFFFA0]  }
0x151: {  	v21 =	vld [tilespmem:s13+$0xFFFFFFA0]  }
0x152: {  	v22 =	vld [tilespmem:s8+$0xFFFFFFB0]  }
0x153: {  	v23 =	vld [tilespmem:s13+$0xFFFFFFB0]  }
0x154: {  	v24 =	vld [tilespmem:s8+$0xFFFFFFC0]  }
0x155: {  	v25 =	vld [tilespmem:s13+$0xFFFFFFC0]  }
0x156: {  	v26 =	vld [tilespmem:s8+$0xFFFFFFD0]  }
0x157: {  	v27 =	vld [tilespmem:s13+$0xFFFFFFD0]  }
0x158: {  	v28 =	vld [tilespmem:s8+$0xFFFFFFE0]  }
0x159: {  	v29 =	vld [tilespmem:s13+$0xFFFFFFE0]  }
0x15a: {  	v30 =	vld [tilespmem:s8+$0xFFFFFFF0]  }
0x15b: {  	v31 =	vld [tilespmem:s13+$0xFFFFFFF0]  }
0x15c: {  	v32 =	vld [tilespmem:s8+$0x0]  }
0x15d: {  	v33 =	vld [tilespmem:s13+$0x0]  }
0x15e: {  	v17 =	vld [tilespmem:s13+$0xFFFFFE10]  }
0x15f: {  	v34 =	vld [tilespmem:s8+$0xFFFFFE20]  }
0x160: {  	v35 =	vld [tilespmem:s13+$0xFFFFFE20]  }
0x161: {  	v36 =	vld [tilespmem:s8+$0xFFFFFE30]  }
0x162: {  	v37 =	vld [tilespmem:s13+$0xFFFFFE30]  }
0x163: {  	v38 =	vld [tilespmem:s8+$0xFFFFFE40]  }
0x164: {  	v39 =	vld [tilespmem:s13+$0xFFFFFE40]  }
0x165: {  	v40 =	vld [tilespmem:s8+$0xFFFFFE50]  }
0x166: {  	v41 =	vld [tilespmem:s13+$0xFFFFFE50]  }
0x167: {  	v42 =	vld [tilespmem:s8+$0xFFFFFE60]  }
0x168: {  	v43 =	vld [tilespmem:s13+$0xFFFFFE60]  }
0x169: {  	v44 =	vld [tilespmem:s8+$0xFFFFFE70]  }
0x16a: {  	v45 =	vld [tilespmem:s13+$0xFFFFFE70]  }
0x16b: {  	v46 =	vld [tilespmem:s8+$0xFFFFFE80]  }
0x16c: {  	v47 =	vld [tilespmem:s13+$0xFFFFFE80]  }
0x16d: {  	v48 =	vld [tilespmem:s8+$0xFFFFFE90]  }
0x16e: {  	v49 =	vld [tilespmem:s13+$0xFFFFFE90]  }
0x16f: {  	v50 =	vld [tilespmem:s8+$0xFFFFFEA0]  }
0x170: {  	v51 =	vld [tilespmem:s13+$0xFFFFFEA0]  }
0x171: {  	v52 =	vld [tilespmem:s8+$0xFFFFFEB0]  }
0x172: {  	v53 =	vld [tilespmem:s13+$0xFFFFFEB0]  }
0x173: {  	v54 =	vld [tilespmem:s8+$0xFFFFFEC0]  }
0x174: {  	v55 =	vld [tilespmem:s13+$0xFFFFFEC0]  }
0x175: {  	v56 =	vld [tilespmem:s8+$0xFFFFFED0]  }
0x176: {  	v57 =	vld [tilespmem:s13+$0xFFFFFED0]  }
0x177: {  	v58 =	vld [tilespmem:s8+$0xFFFFFEE0]  }
0x178: {  	v59 =	vld [tilespmem:s13+$0xFFFFFEE0]  }
0x179: {  	v60 =	vld [tilespmem:s8+$0xFFFFFEF0]  }
0x17a: {  	v61 =	vld [tilespmem:s13+$0xFFFFFEF0]  }
0x17b: {  	v18 =	vmul.f32 v19, v18;
	v19 =	vmul.f32 v21, v20;
	v20 =	vld [tilespmem:s8+$0xFFFFFF00]  }
0x17c: {  	v21 =	vmul.f32 v23, v22;
	v22 =	vmul.f32 v25, v24;
	v23 =	vld [tilespmem:s13+$0xFFFFFF00]  }
0x17d: {  	v24 =	vmul.f32 v27, v26;
	v25 =	vmul.f32 v29, v28;
	v26 =	vld [tilespmem:s8+$0xFFFFFF10]  }
0x17e: {  	v27 =	vmul.f32 v31, v30;
	v28 =	vmul.f32 v33, v32;
	v29 =	vld [tilespmem:s13+$0xFFFFFF10]  }
0x17f: {  	v30 =	vld [tilespmem:s8+$0xFFFFFF30];
	v31 =	vmul.f32 v55, v54;
	v56 =	vmul.f32 v57, v56  }
0x180: {  	v55 =	vld [tilespmem:s13+$0xFFFFFF30];
	v57 =	vmul.f32 v59, v58;
	v18 =	vadd.f32 v19, v18;
	v19 =	vadd.f32 v22, v21  }
0x181: {  	v58 =	vld [tilespmem:s8+$0xFFFFFF40];
	v40 =	vmul.f32 v41, v40;
	v22 =	vadd.f32 v25, v24;
	v24 =	vadd.f32 v28, v27  }
0x182: {  	v62 =	vmul.f32 v39, v38;
	v21 =	vld [tilespmem:s8+$0xFFFFFF20];
	v28 =	vmul.f32 v51, v50  }
0x183: {  	v27 =	vld [tilespmem:s13+$0xFFFFFF20];
	v18 =	vadd.f32 v19, v18;
	v19 =	vmul.f32 v49, v48;
	v22 =	vadd.f32 v24, v22  }
0x184: {  	v33 =	vadd.f32 v57, v56;
	v24 =	vmul.f32 v53, v52;
	v20 =	vmul.f32 v23, v20;
	v23 =	vld [tilespmem:s13+$0xFFFFFF40]  }
0x185: {  	v59 =	vld [tilespmem:s13+$0xFFFFFF50];
	v30 =	vmul.f32 v55, v30;
	v22 =	vadd.f32 v22, v18;
	v18 =	vmul.f32 v61, v60  }
0x186: {  	v19 =	vadd.f32 v28, v19;
	v24 =	vadd.f32 v31, v24;
	v28 =	vld [tilespmem:s8+$0xFFFFFF50];
	v31 =	vmul.f32 v43, v42  }
0x187: {  	v60 =	vmul.f32 v47, v46;
	v61 =	vld [tilespmem:s8+$0xFFFFFF60];
	v18 =	vadd.f32 v20, v18;
	v20 =	vmul.f32 v45, v44  }
0x188: {  	v19 =	vadd.f32 v24, v19;
	v24 =	vmul.f32 v29, v26;
	v26 =	vmul.f32 v27, v21;
	v29 =	vld [tilespmem:s13+$0xFFFFFF60]  }
0x189: {  	v27 =	vadd.f32 v31, v40;
	v21 =	vld [tilespmem:s8+$0xFFFFFF70];
	v18 =	vadd.f32 v18, v33;
	v31 =	vmul.f32 v23, v58  }
0x18a: {  	v25 =	vmul.f32 v37, v36;
	v20 =	vadd.f32 v60, v20;
	v23 =	vld [tilespmem:s13+$0xFFFFFF70];
	v63 =	vadd.f32 v26, v24  }
0x18b: {  	s26 =	simm.s32 $0x8900;
	v24 =	vld [tilespmem:s8+$0xFFFFFF80];
	v33 =	vadd.f32 v18, v19;
	v30 =	vadd.f32 v31, v30  }
0x18c: {  	s21 =	sshll.u32 s7, $0x4;
	[tilespmem:s26+$0x80] =	vst v22;
	v26 =	vmul.f32 v59, v28;
	v18 =	vmul.f32 v35, v34;
	v19 =	vadd.f32 v62, v25;
	v25 =	vld [tilespmem:s13+$0xFFFFFF80]  }
0x18d: {  	s9 =	simm.s32 $0x0;
	s10 =	sadd.s32 $0x200, s8;
	s11 =	smov.u32 s13;
	v20 =	vadd.f32 v20, v27;
	v27 =	vld [tilespmem:s8+$0xFFFFFE10];
	v28 =	vmul.f32 v29, v61;
	[tilespmem:s26+$0xFFFFFF80] =	vst v33;
	v22 =	vadd.f32 v30, v63  }
.LBB2_7:
0x18e: {  	v29 =	vld [tilespmem:s10+$0xFFFFFF90];
	s11 =	sadd.s32 $0x200, s11  }
0x18f: {  	v30 =	vld [tilespmem:s11+$0xFFFFFF90];
	v21 =	vmul.f32 v23, v21;
	v23 =	vadd.f32 v28, v26  }
0x190: {  	v26 =	vld [tilespmem:s10+$0xFFFFFFA0]  }
0x191: {  	v28 =	vld [tilespmem:s11+$0xFFFFFFA0];
	v24 =	vmul.f32 v25, v24  }
0x192: {  	v25 =	vld [tilespmem:s10+$0xFFFFFFB0];
	v17 =	vmul.f32 v17, v27  }
0x193: {  	v27 =	vld [tilespmem:s11+$0xFFFFFFB0];
	v21 =	vadd.f32 v24, v21  }
0x194: {  	v24 =	vld [tilespmem:s10+$0xFFFFFFC0];
	v17 =	vadd.f32 v18, v17  }
0x195: {  	v18 =	vld [tilespmem:s11+$0xFFFFFFC0];
	v21 =	vadd.f32 v21, v23  }
0x196: {  	v23 =	vld [tilespmem:s10+$0xFFFFFFD0];
	v17 =	vadd.f32 v19, v17  }
0x197: {  	v19 =	vld [tilespmem:s11+$0xFFFFFFD0];
	v21 =	vadd.f32 v21, v22  }
0x198: {  	v22 =	vld [tilespmem:s10+$0xFFFFFFE0];
	v17 =	vadd.f32 v20, v17  }
0x199: {  	v20 =	vld [tilespmem:s11+$0xFFFFFFE0];
	[tilespmem:s26+$0x0] =	vst v21  }
0x19a: {  	v21 =	vld [tilespmem:s10+$0xFFFFFFF0];
	[tilespmem:s26+$0xFFFFFF00] =	vst v17  }
0x19b: {  	v31 =	vld [tilespmem:s11+$0xFFFFFFF0]  }
0x19c: {  	v32 =	vld [tilespmem:s10+$0x0]  }
0x19d: {  	s9 =	sadd.s32 $0x4, s9;
	v33 =	vld [tilespmem:s11+$0x0]  }
0x19e: {  	p0 =	slt.u32 s9, $0xC;
	v17 =	vld [tilespmem:s11+$0xFFFFFE10]  }
0x19f: {  	v29 =	vmul.f32 v30, v29;
	v26 =	vmul.f32 v28, v26;
	v34 =	vld [tilespmem:s10+$0xFFFFFE20]  }
0x1a0: {  	v25 =	vmul.f32 v27, v25;
	v18 =	vmul.f32 v18, v24;
	v28 =	vld [tilespmem:s11+$0xFFFFFE20]  }
0x1a1: {  	v19 =	vmul.f32 v19, v23;
	v20 =	vmul.f32 v20, v22;
	v24 =	vld [tilespmem:s10+$0xFFFFFE30]  }
0x1a2: {  	v21 =	vmul.f32 v31, v21;
	v22 =	vld [tilespmem:s11+$0xFFFFFE30];
	v23 =	vmul.f32 v33, v32  }
0x1a3: {  	v26 =	vadd.f32 v26, v29;
	v25 =	vadd.f32 v18, v25;
	v27 =	vld [tilespmem:s10+$0xFFFFFE40]  }
0x1a4: {  	v19 =	vadd.f32 v20, v19;
	v29 =	vld [tilespmem:s11+$0xFFFFFE40];
	v20 =	vadd.f32 v23, v21  }
0x1a5: {  	v18 =	vmul.f32 v28, v34;
	v21 =	vld [tilespmem:s10+$0xFFFFFE50]  }
0x1a6: {  	v25 =	vadd.f32 v25, v26;
	v23 =	vld [tilespmem:s11+$0xFFFFFE50];
	v19 =	vadd.f32 v20, v19  }
0x1a7: {  	v20 =	vmul.f32 v22, v24;
	v22 =	vld [tilespmem:s10+$0xFFFFFE60]  }
0x1a8: {  	v24 =	vld [tilespmem:s11+$0xFFFFFE60];
	v19 =	vadd.f32 v19, v25  }
0x1a9: {  	s26 =	sadd.s32 $0x200, s26;
	v25 =	vmul.f32 v29, v27;
	v26 =	vld [tilespmem:s10+$0xFFFFFE70]  }
0x1aa: {  	v27 =	vld [tilespmem:s11+$0xFFFFFE70];
	[tilespmem:s26+$0x80] =	vst v19  }
0x1ab: {  	v21 =	vmul.f32 v23, v21;
	v23 =	vld [tilespmem:s10+$0xFFFFFE80];
	v19 =	vadd.f32 v25, v20  }
0x1ac: {  	v20 =	vld [tilespmem:s11+$0xFFFFFE80]  }
0x1ad: {  	v22 =	vmul.f32 v24, v22;
	v24 =	vld [tilespmem:s10+$0xFFFFFE90]  }
0x1ae: {  	v25 =	vld [tilespmem:s11+$0xFFFFFE90]  }
0x1af: {  	v26 =	vmul.f32 v27, v26;
	v21 =	vadd.f32 v22, v21;
	v22 =	vld [tilespmem:s10+$0xFFFFFEA0]  }
0x1b0: {  	v27 =	vld [tilespmem:s11+$0xFFFFFEA0]  }
0x1b1: {  	v20 =	vmul.f32 v20, v23;
	v23 =	vld [tilespmem:s10+$0xFFFFFEB0]  }
0x1b2: {  	v28 =	vld [tilespmem:s11+$0xFFFFFEB0]  }
0x1b3: {  	v20 =	vadd.f32 v20, v26;
	v24 =	vmul.f32 v25, v24;
	v25 =	vld [tilespmem:s10+$0xFFFFFEC0]  }
0x1b4: {  	v26 =	vld [tilespmem:s11+$0xFFFFFEC0]  }
0x1b5: {  	v20 =	vadd.f32 v20, v21;
	v21 =	vmul.f32 v27, v22;
	v22 =	vld [tilespmem:s10+$0xFFFFFED0]  }
0x1b6: {  	v27 =	vld [tilespmem:s11+$0xFFFFFED0]  }
0x1b7: {  	v23 =	vmul.f32 v28, v23;
	v28 =	vld [tilespmem:s10+$0xFFFFFEE0];
	v21 =	vadd.f32 v21, v24  }
0x1b8: {  	v24 =	vld [tilespmem:s11+$0xFFFFFEE0]  }
0x1b9: {  	v25 =	vmul.f32 v26, v25;
	v26 =	vld [tilespmem:s10+$0xFFFFFEF0]  }
0x1ba: {  	v29 =	vld [tilespmem:s11+$0xFFFFFEF0]  }
0x1bb: {  	v22 =	vmul.f32 v27, v22;
	v27 =	vld [tilespmem:s10+$0xFFFFFF00];
	v23 =	vadd.f32 v25, v23  }
0x1bc: {  	v25 =	vld [tilespmem:s11+$0xFFFFFF00]  }
0x1bd: {  	v24 =	vmul.f32 v24, v28;
	v21 =	vadd.f32 v23, v21;
	v23 =	vld [tilespmem:s10+$0xFFFFFF10]  }
0x1be: {  	v28 =	vld [tilespmem:s11+$0xFFFFFF10]  }
0x1bf: {  	v26 =	vmul.f32 v29, v26;
	v22 =	vadd.f32 v24, v22;
	v24 =	vld [tilespmem:s10+$0xFFFFFF20]  }
0x1c0: {  	v29 =	vld [tilespmem:s11+$0xFFFFFF20]  }
0x1c1: {  	v25 =	vmul.f32 v25, v27;
	v27 =	vld [tilespmem:s10+$0xFFFFFF30]  }
0x1c2: {  	v30 =	vld [tilespmem:s11+$0xFFFFFF30]  }
0x1c3: {  	v25 =	vadd.f32 v25, v26;
	v23 =	vmul.f32 v28, v23;
	v26 =	vld [tilespmem:s10+$0xFFFFFF40]  }
0x1c4: {  	v28 =	vld [tilespmem:s11+$0xFFFFFF40]  }
0x1c5: {  	v22 =	vadd.f32 v25, v22;
	v24 =	vmul.f32 v29, v24;
	v25 =	vld [tilespmem:s10+$0xFFFFFF50]  }
0x1c6: {  	v29 =	vld [tilespmem:s11+$0xFFFFFF50]  }
0x1c7: {  	v21 =	vadd.f32 v22, v21;
	v22 =	vmul.f32 v30, v27;
	v30 =	vld [tilespmem:s10+$0xFFFFFF60];
	v31 =	vadd.f32 v24, v23  }
0x1c8: {  	v32 =	vld [tilespmem:s11+$0xFFFFFF60]  }
.Ltmp2:
0x1c9: {  	[tilespmem:s26+$0xFFFFFF80] =	vst v21;
	v27 =	vmul.f32 v28, v26;
	v21 =	vld [tilespmem:s10+$0xFFFFFF70];
	(pc) =	sbr.rel @p0 .LBB2_7-.Ltmp2, $4  }
0x1ca: {  	v23 =	vld [tilespmem:s11+$0xFFFFFF70]  }
0x1cb: {  	v26 =	vmul.f32 v29, v25;
	v24 =	vld [tilespmem:s10+$0xFFFFFF80];
	v22 =	vadd.f32 v27, v22  }
0x1cc: {  	v25 =	vld [tilespmem:s11+$0xFFFFFF80]  }
0x1cd: {  	v27 =	vld [tilespmem:s10+$0xFFFFFE10];
	v28 =	vmul.f32 v32, v30;
	v22 =	vadd.f32 v22, v31;
	s10 =	sadd.s32 $0x200, s10  }
0x1ce: {  	_ =	sdelay $0x2  }
0x1cf: {  	v21 =	vmul.f32 v23, v21;
	v42 =	vmul.f32 v25, v24  }
0x1d0: {  	v17 =	vmul.f32 v17, v27  }
0x1d1: {  	v43 =	vadd.f32 v28, v26;
	v21 =	vadd.f32 v42, v21  }
0x1d2: {  	v17 =	vadd.f32 v18, v17  }
0x1d3: {  	v18 =	vadd.f32 v21, v43  }
0x1d4: {  	v17 =	vadd.f32 v19, v17  }
0x1d5: {  	v18 =	vadd.f32 v18, v22  }
0x1d6: {  	v17 =	vadd.f32 v20, v17  }
0x1d7: {  	[tilespmem:s26+$0x0] =	vst v18  }
0x1d8: {  	[tilespmem:s26+$0xFFFFFF00] =	vst v17  }
0x1d9: {  	v17 =	vld [tilespmem:s21+$0x440];
	_ =	sdelay $0x4  }
0x1da: {  	v18 =	vand.u32 $0x7FFFFF, v17  }
0x1db: {  	v18 =	vor.u32 $0x3F800000, v18  }
0x1dc: {  	v19 =	vadd.f32 $1.000000000e+00, v18;
	_ =	sdelay $0x1  }
0x1dd: {  	(erf) = vrcp.f32 v19;
	_ =	sdelay $0x7  }
0x1de: {  	v18 =	vadd.f32 $-1.000000000e+00, v18  }
0x1df: {  	v19 =	vpop (erf)  }
0x1e0: {  	v18 =	vmul.f32 v19, v18;
	_ =	sdelay $0x1  }
0x1e1: {  	v19 =	vmul.f32 v18, v18  }
0x1e2: {  	v44 =	vld.idx.msk [tilespmem:v1+s25+$0x0], $0xffff  }
0x1e3: {  	v45 =	vld.idx.msk [tilespmem:v2+s25+$0x0], $0xffff;
	v46 =	vmul.f32 $1.428571490e-01, v19  }
0x1e4: {  	v47 =	vld.idx.msk [tilespmem:v3+s25+$0x0], $0xffff  }
0x1e5: {  	v48 =	vld.idx.msk [tilespmem:v4+s25+$0x0], $0xffff;
	v22 =	vadd.f32 $2.000000030e-01, v46  }
0x1e6: {  	v49 =	vld.idx.msk [tilespmem:v5+s25+$0x0], $0xffff  }
0x1e7: {  	v50 =	vld.idx.msk [tilespmem:v6+s25+$0x0], $0xffff;
	v22 =	vmul.f32 v22, v19  }
0x1e8: {  	v51 =	vld.idx.msk [tilespmem:v7+s25+$0x0], $0xffff  }
0x1e9: {  	v52 =	vld.idx.msk [tilespmem:v8+s25+$0x0], $0xffff;
	v22 =	vadd.f32 $3.333333430e-01, v22  }
0x1ea: {  	v29 =	vld.idx.msk [tilespmem:v9+s25+$0x0], $0xffff  }
0x1eb: {  	v30 =	vld.idx.msk [tilespmem:v10+s25+$0x0], $0xffff;
	v17 =	vshra.s32 v17, $0x17;
	v19 =	vmul.f32 v22, v19  }
0x1ec: {  	v53 =	vld.idx.msk [tilespmem:v11+s25+$0x0], $0xffff;
	v17 =	vadd.s32 $0xFFFFFF81, v17  }
0x1ed: {  	v31 =	vld.idx.msk [tilespmem:v12+s25+$0x0], $0xffff;
	v17 =	vcvt.s32.f32 v17;
	v18 =	vadd.f32 v18, v18;
	v19 =	vadd.f32 $1.000000000e+00, v19  }
0x1ee: {  	v32 =	vld.idx.msk [tilespmem:v13+s25+$0x0], $0xffff  }
0x1ef: {  	v33 =	vld.idx.msk [tilespmem:v14+s25+$0x0], $0xffff;
	v17 =	vmul.f32 $6.931471820e-01, v17;
	v18 =	vmul.f32 v19, v18  }
0x1f0: {  	v19 =	vld.idx.msk [tilespmem:v15+s25+$0x0], $0xffff  }
0x1f1: {  	v17 =	vadd.f32 v18, v17;
	v18 =	vld.idx.msk [tilespmem:v16+s25+$0x0], $0xffff  }
0x1f2: {  	v20 =	vadd.f32 v45, v44  }
0x1f3: {  	v54 =	vadd.f32 v48, v47;
	v55 =	vadd.f32 $-4.605170250e+00, v17  }
0x1f4: {  	v56 =	vadd.f32 v50, v49;
	v57 =	vadd.f32 v52, v51  }
0x1f5: {  	v58 =	vadd.f32 v30, v29;
	v22 =	vadd.f32 v31, v53;
	v23 =	vmul.f32 $7.500000000e-01, v55  }
0x1f6: {  	v59 =	vadd.f32 v33, v32;
	v18 =	vadd.f32 v18, v19  }
0x1f7: {  	v60 =	vadd.f32 v57, v56;
	v22 =	vadd.f32 v22, v58;
	v61 =	vmul.f32 $1.442695020e+00, v23  }
0x1f8: {  	v19 =	vadd.f32 v54, v20;
	v18 =	vadd.f32 v18, v59  }
0x1f9: {  	v62 =	vld [tilespmem:s21+$0x8680];
	(erf) = vpow2.f32 v61  }
0x1fa: {  	v19 =	vadd.f32 v60, v19;
	v18 =	vadd.f32 v18, v22  }
0x1fb: {  	v63 =	vld [tilespmem:s21+$0x8780]  }
0x1fc: {  	v18 =	vadd.f32 v18, v19;
	_ =	sdelay $0x1  }
0x1fd: {  	v18 =	vadd.f32 v18, v62;
	_ =	sdelay $0x1  }
0x1fe: {  	v18 =	vadd.f32 v18, v63;
	_ =	sdelay $0x1  }
0x1ff: {  	v19 =	vpop (erf);
	v17 =	vsub.f32 v18, v17  }
0x200: {  	v18 =	vmin.f32 v19, $1.000000000e+00;
	v19 =	vld [tilespmem:$0x9000]  }
0x201: {  	s7 =	sadd.s32 $0x1, s7;
	v18 =	vmul.f32 v18, v17  }
0x202: {  	p0 =	sne.s32 s7, $0x4  }
.Ltmp3:
0x203: {  	v17 =	vmul.f32 v18, v17;
	(pc) =	sbr.rel @p0 .LBB2_6-.Ltmp3, $3  }
0x204: {  	_ = 	snop  }
0x205: {  	v17 =	vadd.f32 v17, v19;
	_ =	sdelay $0x1  }
0x206: {  	s8 =	sadd.s32 $0x800, s8;
	s13 =	sadd.s32 $0x800, s13;
	[tilespmem:$0x9000] =	vst v17  }
0x207: {  	s7 =	simm.s32 $0xC0  }
0x208: {  	[tilespmem:s20], [sflag:$0x2] =	stream.indirect.gather [hbm4b:s0+s15], $0x80, s7, s15, $0xb8;
	[tilespmem:$0x9080] =	vst v63  }
0x209: {  	s8 =	simm.s32 $0x2C0  }
0x20a: {  	[tilespmem:s22], [sflag:$0x2] =	stream.indirect.gather [hbm4b:s1+s15], $0x80, s8, s15, $0xb8;
	[tilespmem:$0x9080] =	vst v63  }
0x20b: {  	_ = 	snop  }
0x20c: {  	[tilespmem:s23], [sflag:$0x2] =	stream.indirect.gather [hbm4b:s2+s15], $0x1, s7, s15, $0xb8;
	[tilespmem:$0x9080] =	vst v63  }
0x20d: {  	_ = 	snop  }
0x20e: {  	[tilespmem:s24], [sflag:$0x2] =	stream.indirect.gather [hbm4b:s3+s15], $0x1, s8, s15, $0xb8;
	[tilespmem:$0x9080] =	vst v63  }
0x20f: {  	_ =	swait.ge [sflag:s14], $0x2000  }
0x210: {  	[sflag:s14] =	ssyncset.done $0x0  }
0x211: {  	[sflag:s14] =	ssyncadd.s32 $0xFFFFE000  }
0x212: {  	_ =	swait.ge [sflag:s14], $0x2000  }
0x213: {  	[sflag:s14] =	ssyncset.done $0x0  }
0x214: {  	[sflag:s14] =	ssyncadd.s32 $0xFFFFE000  }
0x215: {  	_ =	swait.ge [sflag:s14], $0x40  }
0x216: {  	[sflag:s14] =	ssyncset.done $0x0  }
0x217: {  	[sflag:s14] =	ssyncadd.s32 $0xFFFFFFC0  }
0x218: {  	_ =	swait.ge [sflag:s14], $0x40  }
0x219: {  	s13 =	simm.s32 $0x4700;
	[sflag:s14] =	ssyncset.done $0x0  }
0x21a: {  	s7 =	simm.s32 $0x0;
	s8 =	simm.s32 $0x700;
	[sflag:s14] =	ssyncadd.s32 $0xFFFFFFC0  }
.LBB2_10:
0x21b: {  	v18 =	vld [tilespmem:s8+$0x80]  }
0x21c: {  	v19 =	vld [tilespmem:s13+$0x80]  }
0x21d: {  	v20 =	vld [tilespmem:s8+$0x90]  }
0x21e: {  	v21 =	vld [tilespmem:s13+$0x90]  }
0x21f: {  	v22 =	vld [tilespmem:s8+$0xA0]  }
0x220: {  	v23 =	vld [tilespmem:s13+$0xA0]  }
0x221: {  	v24 =	vld [tilespmem:s8+$0xB0]  }
0x222: {  	v25 =	vld [tilespmem:s13+$0xB0]  }
0x223: {  	v26 =	vld [tilespmem:s8+$0xC0]  }
0x224: {  	v27 =	vld [tilespmem:s13+$0xC0]  }
0x225: {  	v28 =	vld [tilespmem:s8+$0xD0]  }
0x226: {  	v29 =	vld [tilespmem:s13+$0xD0]  }
0x227: {  	v30 =	vld [tilespmem:s8+$0xE0]  }
0x228: {  	v31 =	vld [tilespmem:s13+$0xE0]  }
0x229: {  	v32 =	vld [tilespmem:s8+$0xF0]  }
0x22a: {  	v33 =	vld [tilespmem:s13+$0xF0]  }
0x22b: {  	v17 =	vld [tilespmem:s13+$0xFFFFFF00]  }
0x22c: {  	v34 =	vld [tilespmem:s8+$0xFFFFFF10]  }
0x22d: {  	v35 =	vld [tilespmem:s13+$0xFFFFFF10]  }
0x22e: {  	v36 =	vld [tilespmem:s8+$0xFFFFFF20]  }
0x22f: {  	v37 =	vld [tilespmem:s13+$0xFFFFFF20]  }
0x230: {  	v38 =	vld [tilespmem:s8+$0xFFFFFF30]  }
0x231: {  	v39 =	vld [tilespmem:s13+$0xFFFFFF30]  }
0x232: {  	v40 =	vld [tilespmem:s8+$0xFFFFFF40]  }
0x233: {  	v41 =	vld [tilespmem:s13+$0xFFFFFF40]  }
0x234: {  	v42 =	vld [tilespmem:s8+$0xFFFFFF50]  }
0x235: {  	v43 =	vld [tilespmem:s13+$0xFFFFFF50]  }
0x236: {  	v44 =	vld [tilespmem:s8+$0xFFFFFF60]  }
0x237: {  	v45 =	vld [tilespmem:s13+$0xFFFFFF60]  }
0x238: {  	v46 =	vld [tilespmem:s8+$0xFFFFFF70]  }
0x239: {  	v47 =	vld [tilespmem:s13+$0xFFFFFF70]  }
0x23a: {  	v48 =	vld [tilespmem:s8+$0xFFFFFF80]  }
0x23b: {  	v49 =	vld [tilespmem:s13+$0xFFFFFF80]  }
0x23c: {  	v50 =	vld [tilespmem:s8+$0xFFFFFF90]  }
0x23d: {  	v51 =	vld [tilespmem:s13+$0xFFFFFF90]  }
0x23e: {  	v52 =	vld [tilespmem:s8+$0xFFFFFFA0]  }
0x23f: {  	v53 =	vld [tilespmem:s13+$0xFFFFFFA0]  }
0x240: {  	v54 =	vld [tilespmem:s8+$0xFFFFFFB0]  }
0x241: {  	v55 =	vld [tilespmem:s13+$0xFFFFFFB0]  }
0x242: {  	v56 =	vld [tilespmem:s8+$0xFFFFFFC0]  }
0x243: {  	v57 =	vld [tilespmem:s13+$0xFFFFFFC0]  }
0x244: {  	v58 =	vld [tilespmem:s8+$0xFFFFFFD0]  }
0x245: {  	v59 =	vld [tilespmem:s13+$0xFFFFFFD0]  }
0x246: {  	v60 =	vld [tilespmem:s8+$0xFFFFFFE0]  }
0x247: {  	v61 =	vld [tilespmem:s13+$0xFFFFFFE0]  }
0x248: {  	v18 =	vmul.f32 v19, v18;
	v19 =	vmul.f32 v21, v20;
	v20 =	vld [tilespmem:s8+$0xFFFFFFF0]  }
0x249: {  	v21 =	vmul.f32 v23, v22;
	v22 =	vmul.f32 v25, v24;
	v23 =	vld [tilespmem:s13+$0xFFFFFFF0]  }
0x24a: {  	v24 =	vmul.f32 v27, v26;
	v25 =	vmul.f32 v29, v28;
	v26 =	vld [tilespmem:s8+$0x0]  }
0x24b: {  	v27 =	vmul.f32 v31, v30;
	v28 =	vmul.f32 v33, v32;
	v29 =	vld [tilespmem:s13+$0x0]  }
0x24c: {  	v30 =	vld [tilespmem:s8+$0x20];
	v31 =	vmul.f32 v55, v54;
	v56 =	vmul.f32 v57, v56  }
0x24d: {  	v55 =	vld [tilespmem:s13+$0x20];
	v57 =	vmul.f32 v59, v58;
	v18 =	vadd.f32 v19, v18;
	v19 =	vadd.f32 v22, v21  }
0x24e: {  	v58 =	vld [tilespmem:s8+$0x30];
	v40 =	vmul.f32 v41, v40;
	v22 =	vadd.f32 v25, v24;
	v24 =	vadd.f32 v28, v27  }
0x24f: {  	v62 =	vmul.f32 v39, v38;
	v21 =	vld [tilespmem:s8+$0x10];
	v28 =	vmul.f32 v51, v50  }
0x250: {  	v27 =	vld [tilespmem:s13+$0x10];
	v18 =	vadd.f32 v19, v18;
	v19 =	vmul.f32 v49, v48;
	v22 =	vadd.f32 v24, v22  }
0x251: {  	v33 =	vadd.f32 v57, v56;
	v24 =	vmul.f32 v53, v52;
	v20 =	vmul.f32 v23, v20;
	v23 =	vld [tilespmem:s13+$0x30]  }
0x252: {  	v59 =	vld [tilespmem:s13+$0x40];
	v30 =	vmul.f32 v55, v30;
	v22 =	vadd.f32 v22, v18;
	v18 =	vmul.f32 v61, v60  }
0x253: {  	v19 =	vadd.f32 v28, v19;
	v24 =	vadd.f32 v31, v24;
	v28 =	vld [tilespmem:s8+$0x40];
	v31 =	vmul.f32 v43, v42  }
0x254: {  	v60 =	vmul.f32 v47, v46;
	v61 =	vld [tilespmem:s8+$0x50];
	v18 =	vadd.f32 v20, v18;
	v20 =	vmul.f32 v45, v44  }
0x255: {  	v19 =	vadd.f32 v24, v19;
	v24 =	vmul.f32 v29, v26;
	v26 =	vmul.f32 v27, v21;
	v29 =	vld [tilespmem:s13+$0x50]  }
0x256: {  	v27 =	vadd.f32 v31, v40;
	v21 =	vld [tilespmem:s8+$0x60];
	v18 =	vadd.f32 v18, v33;
	v31 =	vmul.f32 v23, v58  }
0x257: {  	v25 =	vmul.f32 v37, v36;
	v20 =	vadd.f32 v60, v20;
	v23 =	vld [tilespmem:s13+$0x60];
	v63 =	vadd.f32 v26, v24  }
0x258: {  	s26 =	simm.s32 $0x8900;
	v24 =	vld [tilespmem:s8+$0x70];
	v33 =	vadd.f32 v18, v19;
	v30 =	vadd.f32 v31, v30  }
0x259: {  	s21 =	sshll.u32 s7, $0x4;
	[tilespmem:s26+$0x80] =	vst v22;
	v26 =	vmul.f32 v59, v28;
	v18 =	vmul.f32 v35, v34;
	v19 =	vadd.f32 v62, v25;
	v25 =	vld [tilespmem:s13+$0x70]  }
0x25a: {  	s9 =	simm.s32 $0x0;
	s10 =	sadd.s32 $0x200, s8;
	s11 =	smov.u32 s13;
	v20 =	vadd.f32 v20, v27;
	v27 =	vld [tilespmem:s8+$0xFFFFFF00];
	v28 =	vmul.f32 v29, v61;
	[tilespmem:s26+$0xFFFFFF80] =	vst v33;
	v22 =	vadd.f32 v30, v63  }
.LBB2_11:
0x25b: {  	v29 =	vld [tilespmem:s10+$0x80];
	s11 =	sadd.s32 $0x200, s11  }
0x25c: {  	v30 =	vld [tilespmem:s11+$0x80];
	v21 =	vmul.f32 v23, v21;
	v23 =	vadd.f32 v28, v26  }
0x25d: {  	v26 =	vld [tilespmem:s10+$0x90]  }
0x25e: {  	v28 =	vld [tilespmem:s11+$0x90];
	v24 =	vmul.f32 v25, v24  }
0x25f: {  	v25 =	vld [tilespmem:s10+$0xA0];
	v17 =	vmul.f32 v17, v27  }
0x260: {  	v27 =	vld [tilespmem:s11+$0xA0];
	v21 =	vadd.f32 v24, v21  }
0x261: {  	v24 =	vld [tilespmem:s10+$0xB0];
	v17 =	vadd.f32 v18, v17  }
0x262: {  	v18 =	vld [tilespmem:s11+$0xB0];
	v21 =	vadd.f32 v21, v23  }
0x263: {  	v23 =	vld [tilespmem:s10+$0xC0];
	v17 =	vadd.f32 v19, v17  }
0x264: {  	v19 =	vld [tilespmem:s11+$0xC0];
	v21 =	vadd.f32 v21, v22  }
0x265: {  	v22 =	vld [tilespmem:s10+$0xD0];
	v17 =	vadd.f32 v20, v17  }
0x266: {  	v20 =	vld [tilespmem:s11+$0xD0];
	[tilespmem:s26+$0x0] =	vst v21  }
0x267: {  	v21 =	vld [tilespmem:s10+$0xE0];
	[tilespmem:s26+$0xFFFFFF00] =	vst v17  }
0x268: {  	v31 =	vld [tilespmem:s11+$0xE0]  }
0x269: {  	v32 =	vld [tilespmem:s10+$0xF0]  }
0x26a: {  	s9 =	sadd.s32 $0x4, s9;
	v33 =	vld [tilespmem:s11+$0xF0]  }
0x26b: {  	p0 =	slt.u32 s9, $0xC;
	v17 =	vld [tilespmem:s11+$0xFFFFFF00]  }
0x26c: {  	v29 =	vmul.f32 v30, v29;
	v26 =	vmul.f32 v28, v26;
	v34 =	vld [tilespmem:s10+$0xFFFFFF10]  }
0x26d: {  	v25 =	vmul.f32 v27, v25;
	v18 =	vmul.f32 v18, v24;
	v28 =	vld [tilespmem:s11+$0xFFFFFF10]  }
0x26e: {  	v19 =	vmul.f32 v19, v23;
	v20 =	vmul.f32 v20, v22;
	v24 =	vld [tilespmem:s10+$0xFFFFFF20]  }
0x26f: {  	v21 =	vmul.f32 v31, v21;
	v22 =	vld [tilespmem:s11+$0xFFFFFF20];
	v23 =	vmul.f32 v33, v32  }
0x270: {  	v26 =	vadd.f32 v26, v29;
	v25 =	vadd.f32 v18, v25;
	v27 =	vld [tilespmem:s10+$0xFFFFFF30]  }
0x271: {  	v19 =	vadd.f32 v20, v19;
	v29 =	vld [tilespmem:s11+$0xFFFFFF30];
	v20 =	vadd.f32 v23, v21  }
0x272: {  	v18 =	vmul.f32 v28, v34;
	v21 =	vld [tilespmem:s10+$0xFFFFFF40]  }
0x273: {  	v25 =	vadd.f32 v25, v26;
	v23 =	vld [tilespmem:s11+$0xFFFFFF40];
	v19 =	vadd.f32 v20, v19  }
0x274: {  	v20 =	vmul.f32 v22, v24;
	v22 =	vld [tilespmem:s10+$0xFFFFFF50]  }
0x275: {  	v24 =	vld [tilespmem:s11+$0xFFFFFF50];
	v19 =	vadd.f32 v19, v25  }
0x276: {  	s26 =	sadd.s32 $0x200, s26;
	v25 =	vmul.f32 v29, v27;
	v26 =	vld [tilespmem:s10+$0xFFFFFF60]  }
0x277: {  	v27 =	vld [tilespmem:s11+$0xFFFFFF60];
	[tilespmem:s26+$0x80] =	vst v19  }
0x278: {  	v21 =	vmul.f32 v23, v21;
	v23 =	vld [tilespmem:s10+$0xFFFFFF70];
	v19 =	vadd.f32 v25, v20  }
0x279: {  	v20 =	vld [tilespmem:s11+$0xFFFFFF70]  }
0x27a: {  	v22 =	vmul.f32 v24, v22;
	v24 =	vld [tilespmem:s10+$0xFFFFFF80]  }
0x27b: {  	v25 =	vld [tilespmem:s11+$0xFFFFFF80]  }
0x27c: {  	v26 =	vmul.f32 v27, v26;
	v21 =	vadd.f32 v22, v21;
	v22 =	vld [tilespmem:s10+$0xFFFFFF90]  }
0x27d: {  	v27 =	vld [tilespmem:s11+$0xFFFFFF90]  }
0x27e: {  	v20 =	vmul.f32 v20, v23;
	v23 =	vld [tilespmem:s10+$0xFFFFFFA0]  }
0x27f: {  	v28 =	vld [tilespmem:s11+$0xFFFFFFA0]  }
0x280: {  	v20 =	vadd.f32 v20, v26;
	v24 =	vmul.f32 v25, v24;
	v25 =	vld [tilespmem:s10+$0xFFFFFFB0]  }
0x281: {  	v26 =	vld [tilespmem:s11+$0xFFFFFFB0]  }
0x282: {  	v20 =	vadd.f32 v20, v21;
	v21 =	vmul.f32 v27, v22;
	v22 =	vld [tilespmem:s10+$0xFFFFFFC0]  }
0x283: {  	v27 =	vld [tilespmem:s11+$0xFFFFFFC0]  }
0x284: {  	v23 =	vmul.f32 v28, v23;
	v28 =	vld [tilespmem:s10+$0xFFFFFFD0];
	v21 =	vadd.f32 v21, v24  }
0x285: {  	v24 =	vld [tilespmem:s11+$0xFFFFFFD0]  }
0x286: {  	v25 =	vmul.f32 v26, v25;
	v26 =	vld [tilespmem:s10+$0xFFFFFFE0]  }
0x287: {  	v29 =	vld [tilespmem:s11+$0xFFFFFFE0]  }
0x288: {  	v22 =	vmul.f32 v27, v22;
	v27 =	vld [tilespmem:s10+$0xFFFFFFF0];
	v23 =	vadd.f32 v25, v23  }
0x289: {  	v25 =	vld [tilespmem:s11+$0xFFFFFFF0]  }
0x28a: {  	v24 =	vmul.f32 v24, v28;
	v21 =	vadd.f32 v23, v21;
	v23 =	vld [tilespmem:s10+$0x0]  }
0x28b: {  	v28 =	vld [tilespmem:s11+$0x0]  }
0x28c: {  	v26 =	vmul.f32 v29, v26;
	v22 =	vadd.f32 v24, v22;
	v24 =	vld [tilespmem:s10+$0x10]  }
0x28d: {  	v29 =	vld [tilespmem:s11+$0x10]  }
0x28e: {  	v25 =	vmul.f32 v25, v27;
	v27 =	vld [tilespmem:s10+$0x20]  }
0x28f: {  	v30 =	vld [tilespmem:s11+$0x20]  }
0x290: {  	v25 =	vadd.f32 v25, v26;
	v23 =	vmul.f32 v28, v23;
	v26 =	vld [tilespmem:s10+$0x30]  }
0x291: {  	v28 =	vld [tilespmem:s11+$0x30]  }
0x292: {  	v22 =	vadd.f32 v25, v22;
	v24 =	vmul.f32 v29, v24;
	v25 =	vld [tilespmem:s10+$0x40]  }
0x293: {  	v29 =	vld [tilespmem:s11+$0x40]  }
0x294: {  	v21 =	vadd.f32 v22, v21;
	v22 =	vmul.f32 v30, v27;
	v30 =	vld [tilespmem:s10+$0x50];
	v31 =	vadd.f32 v24, v23  }
0x295: {  	v32 =	vld [tilespmem:s11+$0x50]  }
.Ltmp4:
0x296: {  	[tilespmem:s26+$0xFFFFFF80] =	vst v21;
	v27 =	vmul.f32 v28, v26;
	v21 =	vld [tilespmem:s10+$0x60];
	(pc) =	sbr.rel @p0 .LBB2_11-.Ltmp4, $4  }
0x297: {  	v23 =	vld [tilespmem:s11+$0x60]  }
0x298: {  	v26 =	vmul.f32 v29, v25;
	v24 =	vld [tilespmem:s10+$0x70];
	v22 =	vadd.f32 v27, v22  }
0x299: {  	v25 =	vld [tilespmem:s11+$0x70]  }
0x29a: {  	v27 =	vld [tilespmem:s10+$0xFFFFFF00];
	v28 =	vmul.f32 v32, v30;
	v22 =	vadd.f32 v22, v31;
	s10 =	sadd.s32 $0x200, s10  }
0x29b: {  	_ =	sdelay $0x2  }
0x29c: {  	v21 =	vmul.f32 v23, v21;
	v42 =	vmul.f32 v25, v24  }
0x29d: {  	v17 =	vmul.f32 v17, v27  }
0x29e: {  	v43 =	vadd.f32 v28, v26;
	v21 =	vadd.f32 v42, v21  }
0x29f: {  	v17 =	vadd.f32 v18, v17  }
0x2a0: {  	v18 =	vadd.f32 v21, v43  }
0x2a1: {  	v17 =	vadd.f32 v19, v17  }
0x2a2: {  	v18 =	vadd.f32 v18, v22  }
0x2a3: {  	v17 =	vadd.f32 v20, v17  }
0x2a4: {  	[tilespmem:s26+$0x0] =	vst v18  }
0x2a5: {  	[tilespmem:s26+$0xFFFFFF00] =	vst v17  }
0x2a6: {  	v17 =	vld [tilespmem:s21+$0x480];
	_ =	sdelay $0x4  }
0x2a7: {  	v18 =	vand.u32 $0x7FFFFF, v17  }
0x2a8: {  	v18 =	vor.u32 $0x3F800000, v18  }
0x2a9: {  	v19 =	vadd.f32 $1.000000000e+00, v18;
	_ =	sdelay $0x1  }
0x2aa: {  	(erf) = vrcp.f32 v19;
	_ =	sdelay $0x7  }
0x2ab: {  	v18 =	vadd.f32 $-1.000000000e+00, v18  }
0x2ac: {  	v19 =	vpop (erf)  }
0x2ad: {  	v18 =	vmul.f32 v19, v18;
	_ =	sdelay $0x1  }
0x2ae: {  	v19 =	vmul.f32 v18, v18  }
0x2af: {  	v44 =	vld.idx.msk [tilespmem:v1+s25+$0x0], $0xffff  }
0x2b0: {  	v45 =	vld.idx.msk [tilespmem:v2+s25+$0x0], $0xffff;
	v46 =	vmul.f32 $1.428571490e-01, v19  }
0x2b1: {  	v47 =	vld.idx.msk [tilespmem:v3+s25+$0x0], $0xffff  }
0x2b2: {  	v48 =	vld.idx.msk [tilespmem:v4+s25+$0x0], $0xffff;
	v22 =	vadd.f32 $2.000000030e-01, v46  }
0x2b3: {  	v49 =	vld.idx.msk [tilespmem:v5+s25+$0x0], $0xffff  }
0x2b4: {  	v50 =	vld.idx.msk [tilespmem:v6+s25+$0x0], $0xffff;
	v22 =	vmul.f32 v22, v19  }
0x2b5: {  	v51 =	vld.idx.msk [tilespmem:v7+s25+$0x0], $0xffff  }
0x2b6: {  	v52 =	vld.idx.msk [tilespmem:v8+s25+$0x0], $0xffff;
	v22 =	vadd.f32 $3.333333430e-01, v22  }
0x2b7: {  	v29 =	vld.idx.msk [tilespmem:v9+s25+$0x0], $0xffff  }
0x2b8: {  	v30 =	vld.idx.msk [tilespmem:v10+s25+$0x0], $0xffff;
	v17 =	vshra.s32 v17, $0x17;
	v19 =	vmul.f32 v22, v19  }
0x2b9: {  	v53 =	vld.idx.msk [tilespmem:v11+s25+$0x0], $0xffff;
	v17 =	vadd.s32 $0xFFFFFF81, v17  }
0x2ba: {  	v31 =	vld.idx.msk [tilespmem:v12+s25+$0x0], $0xffff;
	v17 =	vcvt.s32.f32 v17;
	v18 =	vadd.f32 v18, v18;
	v19 =	vadd.f32 $1.000000000e+00, v19  }
0x2bb: {  	v32 =	vld.idx.msk [tilespmem:v13+s25+$0x0], $0xffff  }
0x2bc: {  	v33 =	vld.idx.msk [tilespmem:v14+s25+$0x0], $0xffff;
	v17 =	vmul.f32 $6.931471820e-01, v17;
	v18 =	vmul.f32 v19, v18  }
0x2bd: {  	v19 =	vld.idx.msk [tilespmem:v15+s25+$0x0], $0xffff  }
0x2be: {  	v17 =	vadd.f32 v18, v17;
	v18 =	vld.idx.msk [tilespmem:v16+s25+$0x0], $0xffff  }
0x2bf: {  	v20 =	vadd.f32 v45, v44  }
0x2c0: {  	v54 =	vadd.f32 v48, v47;
	v55 =	vadd.f32 $-4.605170250e+00, v17  }
0x2c1: {  	v56 =	vadd.f32 v50, v49;
	v57 =	vadd.f32 v52, v51  }
0x2c2: {  	v58 =	vadd.f32 v30, v29;
	v22 =	vadd.f32 v31, v53;
	v23 =	vmul.f32 $7.500000000e-01, v55  }
0x2c3: {  	v59 =	vadd.f32 v33, v32;
	v18 =	vadd.f32 v18, v19  }
0x2c4: {  	v60 =	vadd.f32 v57, v56;
	v22 =	vadd.f32 v22, v58;
	v61 =	vmul.f32 $1.442695020e+00, v23  }
0x2c5: {  	v19 =	vadd.f32 v54, v20;
	v18 =	vadd.f32 v18, v59  }
0x2c6: {  	v62 =	vld [tilespmem:s21+$0x8600];
	(erf) = vpow2.f32 v61  }
0x2c7: {  	v19 =	vadd.f32 v60, v19;
	v18 =	vadd.f32 v18, v22  }
0x2c8: {  	v63 =	vld [tilespmem:s21+$0x8700]  }
0x2c9: {  	v18 =	vadd.f32 v18, v19;
	_ =	sdelay $0x1  }
0x2ca: {  	v18 =	vadd.f32 v18, v62;
	_ =	sdelay $0x1  }
0x2cb: {  	v18 =	vadd.f32 v18, v63;
	_ =	sdelay $0x1  }
0x2cc: {  	v19 =	vpop (erf);
	v17 =	vsub.f32 v18, v17  }
0x2cd: {  	v18 =	vmin.f32 v19, $1.000000000e+00;
	v19 =	vld [tilespmem:$0x9000]  }
0x2ce: {  	s7 =	sadd.s32 $0x1, s7;
	v18 =	vmul.f32 v18, v17  }
0x2cf: {  	p0 =	sne.s32 s7, $0x4  }
.Ltmp5:
0x2d0: {  	v17 =	vmul.f32 v18, v17;
	(pc) =	sbr.rel @p0 .LBB2_10-.Ltmp5, $3  }
0x2d1: {  	_ = 	snop  }
0x2d2: {  	v17 =	vadd.f32 v17, v19;
	_ =	sdelay $0x1  }
0x2d3: {  	s8 =	sadd.s32 $0x800, s8;
	s13 =	sadd.s32 $0x800, s13;
	[tilespmem:$0x9000] =	vst v17  }
0x2d4: {  	s7 =	simm.s32 $0x100  }
0x2d5: {  	[tilespmem:s16], [sflag:$0x1] =	stream.indirect.gather [hbm4b:s0+s15], $0x80, s7, s15, $0xb8;
	[tilespmem:$0x9080] =	vst v63  }
0x2d6: {  	s8 =	simm.s32 $0x300  }
0x2d7: {  	[tilespmem:s17], [sflag:$0x1] =	stream.indirect.gather [hbm4b:s1+s15], $0x80, s8, s15, $0xb8;
	[tilespmem:$0x9080] =	vst v63  }
0x2d8: {  	_ = 	snop  }
0x2d9: {  	[tilespmem:s18], [sflag:$0x1] =	stream.indirect.gather [hbm4b:s2+s15], $0x1, s7, s15, $0xb8;
	[tilespmem:$0x9080] =	vst v63  }
0x2da: {  	_ = 	snop  }
0x2db: {  	[tilespmem:s19], [sflag:$0x1] =	stream.indirect.gather [hbm4b:s3+s15], $0x1, s8, s15, $0xb8;
	[tilespmem:$0x9080] =	vst v63  }
0x2dc: {  	_ =	swait.ge [sflag:s29], $0x2000  }
0x2dd: {  	[sflag:s29] =	ssyncset.done $0x0  }
0x2de: {  	[sflag:s29] =	ssyncadd.s32 $0xFFFFE000  }
0x2df: {  	_ =	swait.ge [sflag:s29], $0x2000  }
0x2e0: {  	[sflag:s29] =	ssyncset.done $0x0  }
0x2e1: {  	[sflag:s29] =	ssyncadd.s32 $0xFFFFE000  }
0x2e2: {  	_ =	swait.ge [sflag:s29], $0x40  }
0x2e3: {  	[sflag:s29] =	ssyncset.done $0x0  }
0x2e4: {  	[sflag:s29] =	ssyncadd.s32 $0xFFFFFFC0  }
0x2e5: {  	_ =	swait.ge [sflag:s29], $0x40  }
0x2e6: {  	s13 =	simm.s32 $0x67F0;
	[sflag:s29] =	ssyncset.done $0x0  }
0x2e7: {  	s7 =	simm.s32 $0x0;
	s8 =	simm.s32 $0x27F0;
	[sflag:s29] =	ssyncadd.s32 $0xFFFFFFC0  }
.LBB2_14:
0x2e8: {  	v18 =	vld [tilespmem:s8+$0xFFFFFF90]  }
0x2e9: {  	v19 =	vld [tilespmem:s13+$0xFFFFFF90]  }
0x2ea: {  	v20 =	vld [tilespmem:s8+$0xFFFFFFA0]  }
0x2eb: {  	v21 =	vld [tilespmem:s13+$0xFFFFFFA0]  }
0x2ec: {  	v22 =	vld [tilespmem:s8+$0xFFFFFFB0]  }
0x2ed: {  	v23 =	vld [tilespmem:s13+$0xFFFFFFB0]  }
0x2ee: {  	v24 =	vld [tilespmem:s8+$0xFFFFFFC0]  }
0x2ef: {  	v25 =	vld [tilespmem:s13+$0xFFFFFFC0]  }
0x2f0: {  	v26 =	vld [tilespmem:s8+$0xFFFFFFD0]  }
0x2f1: {  	v27 =	vld [tilespmem:s13+$0xFFFFFFD0]  }
0x2f2: {  	v28 =	vld [tilespmem:s8+$0xFFFFFFE0]  }
0x2f3: {  	v29 =	vld [tilespmem:s13+$0xFFFFFFE0]  }
0x2f4: {  	v30 =	vld [tilespmem:s8+$0xFFFFFFF0]  }
0x2f5: {  	v31 =	vld [tilespmem:s13+$0xFFFFFFF0]  }
0x2f6: {  	v32 =	vld [tilespmem:s8+$0x0]  }
0x2f7: {  	v33 =	vld [tilespmem:s13+$0x0]  }
0x2f8: {  	v17 =	vld [tilespmem:s13+$0xFFFFFE10]  }
0x2f9: {  	v34 =	vld [tilespmem:s8+$0xFFFFFE20]  }
0x2fa: {  	v35 =	vld [tilespmem:s13+$0xFFFFFE20]  }
0x2fb: {  	v36 =	vld [tilespmem:s8+$0xFFFFFE30]  }
0x2fc: {  	v37 =	vld [tilespmem:s13+$0xFFFFFE30]  }
0x2fd: {  	v38 =	vld [tilespmem:s8+$0xFFFFFE40]  }
0x2fe: {  	v39 =	vld [tilespmem:s13+$0xFFFFFE40]  }
0x2ff: {  	v40 =	vld [tilespmem:s8+$0xFFFFFE50]  }
0x300: {  	v41 =	vld [tilespmem:s13+$0xFFFFFE50]  }
0x301: {  	v42 =	vld [tilespmem:s8+$0xFFFFFE60]  }
0x302: {  	v43 =	vld [tilespmem:s13+$0xFFFFFE60]  }
0x303: {  	v44 =	vld [tilespmem:s8+$0xFFFFFE70]  }
0x304: {  	v45 =	vld [tilespmem:s13+$0xFFFFFE70]  }
0x305: {  	v46 =	vld [tilespmem:s8+$0xFFFFFE80]  }
0x306: {  	v47 =	vld [tilespmem:s13+$0xFFFFFE80]  }
0x307: {  	v48 =	vld [tilespmem:s8+$0xFFFFFE90]  }
0x308: {  	v49 =	vld [tilespmem:s13+$0xFFFFFE90]  }
0x309: {  	v50 =	vld [tilespmem:s8+$0xFFFFFEA0]  }
0x30a: {  	v51 =	vld [tilespmem:s13+$0xFFFFFEA0]  }
0x30b: {  	v52 =	vld [tilespmem:s8+$0xFFFFFEB0]  }
0x30c: {  	v53 =	vld [tilespmem:s13+$0xFFFFFEB0]  }
0x30d: {  	v54 =	vld [tilespmem:s8+$0xFFFFFEC0]  }
0x30e: {  	v55 =	vld [tilespmem:s13+$0xFFFFFEC0]  }
0x30f: {  	v56 =	vld [tilespmem:s8+$0xFFFFFED0]  }
0x310: {  	v57 =	vld [tilespmem:s13+$0xFFFFFED0]  }
0x311: {  	v58 =	vld [tilespmem:s8+$0xFFFFFEE0]  }
0x312: {  	v59 =	vld [tilespmem:s13+$0xFFFFFEE0]  }
0x313: {  	v60 =	vld [tilespmem:s8+$0xFFFFFEF0]  }
0x314: {  	v61 =	vld [tilespmem:s13+$0xFFFFFEF0]  }
0x315: {  	v18 =	vmul.f32 v19, v18;
	v19 =	vmul.f32 v21, v20;
	v20 =	vld [tilespmem:s8+$0xFFFFFF00]  }
0x316: {  	v21 =	vmul.f32 v23, v22;
	v22 =	vmul.f32 v25, v24;
	v23 =	vld [tilespmem:s13+$0xFFFFFF00]  }
0x317: {  	v24 =	vmul.f32 v27, v26;
	v25 =	vmul.f32 v29, v28;
	v26 =	vld [tilespmem:s8+$0xFFFFFF10]  }
0x318: {  	v27 =	vmul.f32 v31, v30;
	v28 =	vmul.f32 v33, v32;
	v29 =	vld [tilespmem:s13+$0xFFFFFF10]  }
0x319: {  	v30 =	vld [tilespmem:s8+$0xFFFFFF30];
	v31 =	vmul.f32 v55, v54;
	v56 =	vmul.f32 v57, v56  }
0x31a: {  	v55 =	vld [tilespmem:s13+$0xFFFFFF30];
	v57 =	vmul.f32 v59, v58;
	v18 =	vadd.f32 v19, v18;
	v19 =	vadd.f32 v22, v21  }
0x31b: {  	v58 =	vld [tilespmem:s8+$0xFFFFFF40];
	v40 =	vmul.f32 v41, v40;
	v22 =	vadd.f32 v25, v24;
	v24 =	vadd.f32 v28, v27  }
0x31c: {  	v62 =	vmul.f32 v39, v38;
	v21 =	vld [tilespmem:s8+$0xFFFFFF20];
	v28 =	vmul.f32 v51, v50  }
0x31d: {  	v27 =	vld [tilespmem:s13+$0xFFFFFF20];
	v18 =	vadd.f32 v19, v18;
	v19 =	vmul.f32 v49, v48;
	v22 =	vadd.f32 v24, v22  }
0x31e: {  	v33 =	vadd.f32 v57, v56;
	v24 =	vmul.f32 v53, v52;
	v20 =	vmul.f32 v23, v20;
	v23 =	vld [tilespmem:s13+$0xFFFFFF40]  }
0x31f: {  	v59 =	vld [tilespmem:s13+$0xFFFFFF50];
	v30 =	vmul.f32 v55, v30;
	v22 =	vadd.f32 v22, v18;
	v18 =	vmul.f32 v61, v60  }
0x320: {  	v19 =	vadd.f32 v28, v19;
	v24 =	vadd.f32 v31, v24;
	v28 =	vld [tilespmem:s8+$0xFFFFFF50];
	v31 =	vmul.f32 v43, v42  }
0x321: {  	v60 =	vmul.f32 v47, v46;
	v61 =	vld [tilespmem:s8+$0xFFFFFF60];
	v18 =	vadd.f32 v20, v18;
	v20 =	vmul.f32 v45, v44  }
0x322: {  	v19 =	vadd.f32 v24, v19;
	v24 =	vmul.f32 v29, v26;
	v26 =	vmul.f32 v27, v21;
	v29 =	vld [tilespmem:s13+$0xFFFFFF60]  }
0x323: {  	v27 =	vadd.f32 v31, v40;
	v21 =	vld [tilespmem:s8+$0xFFFFFF70];
	v18 =	vadd.f32 v18, v33;
	v31 =	vmul.f32 v23, v58  }
0x324: {  	v25 =	vmul.f32 v37, v36;
	v20 =	vadd.f32 v60, v20;
	v23 =	vld [tilespmem:s13+$0xFFFFFF70];
	v63 =	vadd.f32 v26, v24  }
0x325: {  	s26 =	simm.s32 $0x8900;
	v24 =	vld [tilespmem:s8+$0xFFFFFF80];
	v33 =	vadd.f32 v18, v19;
	v30 =	vadd.f32 v31, v30  }
0x326: {  	s21 =	sshll.u32 s7, $0x4;
	[tilespmem:s26+$0x80] =	vst v22;
	v26 =	vmul.f32 v59, v28;
	v18 =	vmul.f32 v35, v34;
	v19 =	vadd.f32 v62, v25;
	v25 =	vld [tilespmem:s13+$0xFFFFFF80]  }
0x327: {  	s9 =	simm.s32 $0x0;
	s10 =	sadd.s32 $0x200, s8;
	s11 =	smov.u32 s13;
	v20 =	vadd.f32 v20, v27;
	v27 =	vld [tilespmem:s8+$0xFFFFFE10];
	v28 =	vmul.f32 v29, v61;
	[tilespmem:s26+$0xFFFFFF80] =	vst v33;
	v22 =	vadd.f32 v30, v63  }
.LBB2_15:
0x328: {  	v29 =	vld [tilespmem:s10+$0xFFFFFF90];
	s11 =	sadd.s32 $0x200, s11  }
0x329: {  	v30 =	vld [tilespmem:s11+$0xFFFFFF90];
	v21 =	vmul.f32 v23, v21;
	v23 =	vadd.f32 v28, v26  }
0x32a: {  	v26 =	vld [tilespmem:s10+$0xFFFFFFA0]  }
0x32b: {  	v28 =	vld [tilespmem:s11+$0xFFFFFFA0];
	v24 =	vmul.f32 v25, v24  }
0x32c: {  	v25 =	vld [tilespmem:s10+$0xFFFFFFB0];
	v17 =	vmul.f32 v17, v27  }
0x32d: {  	v27 =	vld [tilespmem:s11+$0xFFFFFFB0];
	v21 =	vadd.f32 v24, v21  }
0x32e: {  	v24 =	vld [tilespmem:s10+$0xFFFFFFC0];
	v17 =	vadd.f32 v18, v17  }
0x32f: {  	v18 =	vld [tilespmem:s11+$0xFFFFFFC0];
	v21 =	vadd.f32 v21, v23  }
0x330: {  	v23 =	vld [tilespmem:s10+$0xFFFFFFD0];
	v17 =	vadd.f32 v19, v17  }
0x331: {  	v19 =	vld [tilespmem:s11+$0xFFFFFFD0];
	v21 =	vadd.f32 v21, v22  }
0x332: {  	v22 =	vld [tilespmem:s10+$0xFFFFFFE0];
	v17 =	vadd.f32 v20, v17  }
0x333: {  	v20 =	vld [tilespmem:s11+$0xFFFFFFE0];
	[tilespmem:s26+$0x0] =	vst v21  }
0x334: {  	v21 =	vld [tilespmem:s10+$0xFFFFFFF0];
	[tilespmem:s26+$0xFFFFFF00] =	vst v17  }
0x335: {  	v31 =	vld [tilespmem:s11+$0xFFFFFFF0]  }
0x336: {  	v32 =	vld [tilespmem:s10+$0x0]  }
0x337: {  	s9 =	sadd.s32 $0x4, s9;
	v33 =	vld [tilespmem:s11+$0x0]  }
0x338: {  	p0 =	slt.u32 s9, $0xC;
	v17 =	vld [tilespmem:s11+$0xFFFFFE10]  }
0x339: {  	v29 =	vmul.f32 v30, v29;
	v26 =	vmul.f32 v28, v26;
	v34 =	vld [tilespmem:s10+$0xFFFFFE20]  }
0x33a: {  	v25 =	vmul.f32 v27, v25;
	v18 =	vmul.f32 v18, v24;
	v28 =	vld [tilespmem:s11+$0xFFFFFE20]  }
0x33b: {  	v19 =	vmul.f32 v19, v23;
	v20 =	vmul.f32 v20, v22;
	v24 =	vld [tilespmem:s10+$0xFFFFFE30]  }
0x33c: {  	v21 =	vmul.f32 v31, v21;
	v22 =	vld [tilespmem:s11+$0xFFFFFE30];
	v23 =	vmul.f32 v33, v32  }
0x33d: {  	v26 =	vadd.f32 v26, v29;
	v25 =	vadd.f32 v18, v25;
	v27 =	vld [tilespmem:s10+$0xFFFFFE40]  }
0x33e: {  	v19 =	vadd.f32 v20, v19;
	v29 =	vld [tilespmem:s11+$0xFFFFFE40];
	v20 =	vadd.f32 v23, v21  }
0x33f: {  	v18 =	vmul.f32 v28, v34;
	v21 =	vld [tilespmem:s10+$0xFFFFFE50]  }
0x340: {  	v25 =	vadd.f32 v25, v26;
	v23 =	vld [tilespmem:s11+$0xFFFFFE50];
	v19 =	vadd.f32 v20, v19  }
0x341: {  	v20 =	vmul.f32 v22, v24;
	v22 =	vld [tilespmem:s10+$0xFFFFFE60]  }
0x342: {  	v24 =	vld [tilespmem:s11+$0xFFFFFE60];
	v19 =	vadd.f32 v19, v25  }
0x343: {  	s26 =	sadd.s32 $0x200, s26;
	v25 =	vmul.f32 v29, v27;
	v26 =	vld [tilespmem:s10+$0xFFFFFE70]  }
0x344: {  	v27 =	vld [tilespmem:s11+$0xFFFFFE70];
	[tilespmem:s26+$0x80] =	vst v19  }
0x345: {  	v21 =	vmul.f32 v23, v21;
	v23 =	vld [tilespmem:s10+$0xFFFFFE80];
	v19 =	vadd.f32 v25, v20  }
0x346: {  	v20 =	vld [tilespmem:s11+$0xFFFFFE80]  }
0x347: {  	v22 =	vmul.f32 v24, v22;
	v24 =	vld [tilespmem:s10+$0xFFFFFE90]  }
0x348: {  	v25 =	vld [tilespmem:s11+$0xFFFFFE90]  }
0x349: {  	v26 =	vmul.f32 v27, v26;
	v21 =	vadd.f32 v22, v21;
	v22 =	vld [tilespmem:s10+$0xFFFFFEA0]  }
0x34a: {  	v27 =	vld [tilespmem:s11+$0xFFFFFEA0]  }
0x34b: {  	v20 =	vmul.f32 v20, v23;
	v23 =	vld [tilespmem:s10+$0xFFFFFEB0]  }
0x34c: {  	v28 =	vld [tilespmem:s11+$0xFFFFFEB0]  }
0x34d: {  	v20 =	vadd.f32 v20, v26;
	v24 =	vmul.f32 v25, v24;
	v25 =	vld [tilespmem:s10+$0xFFFFFEC0]  }
0x34e: {  	v26 =	vld [tilespmem:s11+$0xFFFFFEC0]  }
0x34f: {  	v20 =	vadd.f32 v20, v21;
	v21 =	vmul.f32 v27, v22;
	v22 =	vld [tilespmem:s10+$0xFFFFFED0]  }
0x350: {  	v27 =	vld [tilespmem:s11+$0xFFFFFED0]  }
0x351: {  	v23 =	vmul.f32 v28, v23;
	v28 =	vld [tilespmem:s10+$0xFFFFFEE0];
	v21 =	vadd.f32 v21, v24  }
0x352: {  	v24 =	vld [tilespmem:s11+$0xFFFFFEE0]  }
0x353: {  	v25 =	vmul.f32 v26, v25;
	v26 =	vld [tilespmem:s10+$0xFFFFFEF0]  }
0x354: {  	v29 =	vld [tilespmem:s11+$0xFFFFFEF0]  }
0x355: {  	v22 =	vmul.f32 v27, v22;
	v27 =	vld [tilespmem:s10+$0xFFFFFF00];
	v23 =	vadd.f32 v25, v23  }
0x356: {  	v25 =	vld [tilespmem:s11+$0xFFFFFF00]  }
0x357: {  	v24 =	vmul.f32 v24, v28;
	v21 =	vadd.f32 v23, v21;
	v23 =	vld [tilespmem:s10+$0xFFFFFF10]  }
0x358: {  	v28 =	vld [tilespmem:s11+$0xFFFFFF10]  }
0x359: {  	v26 =	vmul.f32 v29, v26;
	v22 =	vadd.f32 v24, v22;
	v24 =	vld [tilespmem:s10+$0xFFFFFF20]  }
0x35a: {  	v29 =	vld [tilespmem:s11+$0xFFFFFF20]  }
0x35b: {  	v25 =	vmul.f32 v25, v27;
	v27 =	vld [tilespmem:s10+$0xFFFFFF30]  }
0x35c: {  	v30 =	vld [tilespmem:s11+$0xFFFFFF30]  }
0x35d: {  	v25 =	vadd.f32 v25, v26;
	v23 =	vmul.f32 v28, v23;
	v26 =	vld [tilespmem:s10+$0xFFFFFF40]  }
0x35e: {  	v28 =	vld [tilespmem:s11+$0xFFFFFF40]  }
0x35f: {  	v22 =	vadd.f32 v25, v22;
	v24 =	vmul.f32 v29, v24;
	v25 =	vld [tilespmem:s10+$0xFFFFFF50]  }
0x360: {  	v29 =	vld [tilespmem:s11+$0xFFFFFF50]  }
0x361: {  	v21 =	vadd.f32 v22, v21;
	v22 =	vmul.f32 v30, v27;
	v30 =	vld [tilespmem:s10+$0xFFFFFF60];
	v31 =	vadd.f32 v24, v23  }
0x362: {  	v32 =	vld [tilespmem:s11+$0xFFFFFF60]  }
.Ltmp6:
0x363: {  	[tilespmem:s26+$0xFFFFFF80] =	vst v21;
	v27 =	vmul.f32 v28, v26;
	v21 =	vld [tilespmem:s10+$0xFFFFFF70];
	(pc) =	sbr.rel @p0 .LBB2_15-.Ltmp6, $4  }
0x364: {  	v23 =	vld [tilespmem:s11+$0xFFFFFF70]  }
0x365: {  	v26 =	vmul.f32 v29, v25;
	v24 =	vld [tilespmem:s10+$0xFFFFFF80];
	v22 =	vadd.f32 v27, v22  }
0x366: {  	v25 =	vld [tilespmem:s11+$0xFFFFFF80]  }
0x367: {  	v27 =	vld [tilespmem:s10+$0xFFFFFE10];
	v28 =	vmul.f32 v32, v30;
	v22 =	vadd.f32 v22, v31;
	s10 =	sadd.s32 $0x200, s10  }
0x368: {  	_ =	sdelay $0x2  }
0x369: {  	v21 =	vmul.f32 v23, v21;
	v42 =	vmul.f32 v25, v24  }
0x36a: {  	v17 =	vmul.f32 v17, v27  }
0x36b: {  	v43 =	vadd.f32 v28, v26;
	v21 =	vadd.f32 v42, v21  }
0x36c: {  	v17 =	vadd.f32 v18, v17  }
0x36d: {  	v18 =	vadd.f32 v21, v43  }
0x36e: {  	v17 =	vadd.f32 v19, v17  }
0x36f: {  	v18 =	vadd.f32 v18, v22  }
0x370: {  	v17 =	vadd.f32 v20, v17  }
0x371: {  	[tilespmem:s26+$0x0] =	vst v18  }
0x372: {  	[tilespmem:s26+$0xFFFFFF00] =	vst v17  }
0x373: {  	v17 =	vld [tilespmem:s21+$0x4C0];
	_ =	sdelay $0x4  }
0x374: {  	v18 =	vand.u32 $0x7FFFFF, v17  }
0x375: {  	v18 =	vor.u32 $0x3F800000, v18  }
0x376: {  	v19 =	vadd.f32 $1.000000000e+00, v18;
	_ =	sdelay $0x1  }
0x377: {  	(erf) = vrcp.f32 v19;
	_ =	sdelay $0x7  }
0x378: {  	v18 =	vadd.f32 $-1.000000000e+00, v18  }
0x379: {  	v19 =	vpop (erf)  }
0x37a: {  	v18 =	vmul.f32 v19, v18;
	_ =	sdelay $0x1  }
0x37b: {  	v19 =	vmul.f32 v18, v18  }
0x37c: {  	v44 =	vld.idx.msk [tilespmem:v1+s25+$0x0], $0xffff  }
0x37d: {  	v45 =	vld.idx.msk [tilespmem:v2+s25+$0x0], $0xffff;
	v46 =	vmul.f32 $1.428571490e-01, v19  }
0x37e: {  	v47 =	vld.idx.msk [tilespmem:v3+s25+$0x0], $0xffff  }
0x37f: {  	v48 =	vld.idx.msk [tilespmem:v4+s25+$0x0], $0xffff;
	v22 =	vadd.f32 $2.000000030e-01, v46  }
0x380: {  	v49 =	vld.idx.msk [tilespmem:v5+s25+$0x0], $0xffff  }
0x381: {  	v50 =	vld.idx.msk [tilespmem:v6+s25+$0x0], $0xffff;
	v22 =	vmul.f32 v22, v19  }
0x382: {  	v51 =	vld.idx.msk [tilespmem:v7+s25+$0x0], $0xffff  }
0x383: {  	v52 =	vld.idx.msk [tilespmem:v8+s25+$0x0], $0xffff;
	v22 =	vadd.f32 $3.333333430e-01, v22  }
0x384: {  	v29 =	vld.idx.msk [tilespmem:v9+s25+$0x0], $0xffff  }
0x385: {  	v30 =	vld.idx.msk [tilespmem:v10+s25+$0x0], $0xffff;
	v17 =	vshra.s32 v17, $0x17;
	v19 =	vmul.f32 v22, v19  }
0x386: {  	v53 =	vld.idx.msk [tilespmem:v11+s25+$0x0], $0xffff;
	v17 =	vadd.s32 $0xFFFFFF81, v17  }
0x387: {  	v31 =	vld.idx.msk [tilespmem:v12+s25+$0x0], $0xffff;
	v17 =	vcvt.s32.f32 v17;
	v18 =	vadd.f32 v18, v18;
	v19 =	vadd.f32 $1.000000000e+00, v19  }
0x388: {  	v32 =	vld.idx.msk [tilespmem:v13+s25+$0x0], $0xffff  }
0x389: {  	v33 =	vld.idx.msk [tilespmem:v14+s25+$0x0], $0xffff;
	v17 =	vmul.f32 $6.931471820e-01, v17;
	v18 =	vmul.f32 v19, v18  }
0x38a: {  	v19 =	vld.idx.msk [tilespmem:v15+s25+$0x0], $0xffff  }
0x38b: {  	v17 =	vadd.f32 v18, v17;
	v18 =	vld.idx.msk [tilespmem:v16+s25+$0x0], $0xffff  }
0x38c: {  	v20 =	vadd.f32 v45, v44  }
0x38d: {  	v54 =	vadd.f32 v48, v47;
	v55 =	vadd.f32 $-4.605170250e+00, v17  }
0x38e: {  	v56 =	vadd.f32 v50, v49;
	v57 =	vadd.f32 v52, v51  }
0x38f: {  	v58 =	vadd.f32 v30, v29;
	v22 =	vadd.f32 v31, v53;
	v23 =	vmul.f32 $7.500000000e-01, v55  }
0x390: {  	v59 =	vadd.f32 v33, v32;
	v18 =	vadd.f32 v18, v19  }
0x391: {  	v60 =	vadd.f32 v57, v56;
	v22 =	vadd.f32 v22, v58;
	v61 =	vmul.f32 $1.442695020e+00, v23  }
0x392: {  	v19 =	vadd.f32 v54, v20;
	v18 =	vadd.f32 v18, v59  }
0x393: {  	v62 =	vld [tilespmem:s21+$0x8680];
	(erf) = vpow2.f32 v61  }
0x394: {  	v19 =	vadd.f32 v60, v19;
	v18 =	vadd.f32 v18, v22  }
0x395: {  	v63 =	vld [tilespmem:s21+$0x8780]  }
0x396: {  	v18 =	vadd.f32 v18, v19;
	_ =	sdelay $0x1  }
0x397: {  	v18 =	vadd.f32 v18, v62;
	_ =	sdelay $0x1  }
0x398: {  	v18 =	vadd.f32 v18, v63;
	_ =	sdelay $0x1  }
0x399: {  	v19 =	vpop (erf);
	v17 =	vsub.f32 v18, v17  }
0x39a: {  	v18 =	vmin.f32 v19, $1.000000000e+00;
	v19 =	vld [tilespmem:$0x9000]  }
0x39b: {  	s7 =	sadd.s32 $0x1, s7;
	v18 =	vmul.f32 v18, v17  }
0x39c: {  	p0 =	sne.s32 s7, $0x4  }
.Ltmp7:
0x39d: {  	v17 =	vmul.f32 v18, v17;
	(pc) =	sbr.rel @p0 .LBB2_14-.Ltmp7, $3  }
0x39e: {  	_ = 	snop  }
0x39f: {  	v17 =	vadd.f32 v17, v19;
	_ =	sdelay $0x1  }
0x3a0: {  	s8 =	sadd.s32 $0x800, s8;
	s13 =	sadd.s32 $0x800, s13;
	[tilespmem:$0x9000] =	vst v17  }
0x3a1: {  	s7 =	simm.s32 $0x140  }
0x3a2: {  	[tilespmem:s20], [sflag:$0x2] =	stream.indirect.gather [hbm4b:s0+s15], $0x80, s7, s15, $0xb8;
	[tilespmem:$0x9080] =	vst v63  }
0x3a3: {  	s8 =	simm.s32 $0x340  }
0x3a4: {  	[tilespmem:s22], [sflag:$0x2] =	stream.indirect.gather [hbm4b:s1+s15], $0x80, s8, s15, $0xb8;
	[tilespmem:$0x9080] =	vst v63  }
0x3a5: {  	_ = 	snop  }
0x3a6: {  	[tilespmem:s23], [sflag:$0x2] =	stream.indirect.gather [hbm4b:s2+s15], $0x1, s7, s15, $0xb8;
	[tilespmem:$0x9080] =	vst v63  }
0x3a7: {  	_ = 	snop  }
0x3a8: {  	[tilespmem:s24], [sflag:$0x2] =	stream.indirect.gather [hbm4b:s3+s15], $0x1, s8, s15, $0xb8;
	[tilespmem:$0x9080] =	vst v63  }
0x3a9: {  	_ =	swait.ge [sflag:s14], $0x2000  }
0x3aa: {  	[sflag:s14] =	ssyncset.done $0x0  }
0x3ab: {  	[sflag:s14] =	ssyncadd.s32 $0xFFFFE000  }
0x3ac: {  	_ =	swait.ge [sflag:s14], $0x2000  }
0x3ad: {  	[sflag:s14] =	ssyncset.done $0x0  }
0x3ae: {  	[sflag:s14] =	ssyncadd.s32 $0xFFFFE000  }
0x3af: {  	_ =	swait.ge [sflag:s14], $0x40  }
0x3b0: {  	[sflag:s14] =	ssyncset.done $0x0  }
0x3b1: {  	[sflag:s14] =	ssyncadd.s32 $0xFFFFFFC0  }
0x3b2: {  	_ =	swait.ge [sflag:s14], $0x40  }
0x3b3: {  	s13 =	simm.s32 $0x4700;
	[sflag:s14] =	ssyncset.done $0x0  }
0x3b4: {  	s7 =	simm.s32 $0x0;
	s8 =	simm.s32 $0x700;
	[sflag:s14] =	ssyncadd.s32 $0xFFFFFFC0  }
.LBB2_18:
0x3b5: {  	v18 =	vld [tilespmem:s8+$0x80]  }
0x3b6: {  	v19 =	vld [tilespmem:s13+$0x80]  }
0x3b7: {  	v20 =	vld [tilespmem:s8+$0x90]  }
0x3b8: {  	v21 =	vld [tilespmem:s13+$0x90]  }
0x3b9: {  	v22 =	vld [tilespmem:s8+$0xA0]  }
0x3ba: {  	v23 =	vld [tilespmem:s13+$0xA0]  }
0x3bb: {  	v24 =	vld [tilespmem:s8+$0xB0]  }
0x3bc: {  	v25 =	vld [tilespmem:s13+$0xB0]  }
0x3bd: {  	v26 =	vld [tilespmem:s8+$0xC0]  }
0x3be: {  	v27 =	vld [tilespmem:s13+$0xC0]  }
0x3bf: {  	v28 =	vld [tilespmem:s8+$0xD0]  }
0x3c0: {  	v29 =	vld [tilespmem:s13+$0xD0]  }
0x3c1: {  	v30 =	vld [tilespmem:s8+$0xE0]  }
0x3c2: {  	v31 =	vld [tilespmem:s13+$0xE0]  }
0x3c3: {  	v32 =	vld [tilespmem:s8+$0xF0]  }
0x3c4: {  	v33 =	vld [tilespmem:s13+$0xF0]  }
0x3c5: {  	v17 =	vld [tilespmem:s13+$0xFFFFFF00]  }
0x3c6: {  	v34 =	vld [tilespmem:s8+$0xFFFFFF10]  }
0x3c7: {  	v35 =	vld [tilespmem:s13+$0xFFFFFF10]  }
0x3c8: {  	v36 =	vld [tilespmem:s8+$0xFFFFFF20]  }
0x3c9: {  	v37 =	vld [tilespmem:s13+$0xFFFFFF20]  }
0x3ca: {  	v38 =	vld [tilespmem:s8+$0xFFFFFF30]  }
0x3cb: {  	v39 =	vld [tilespmem:s13+$0xFFFFFF30]  }
0x3cc: {  	v40 =	vld [tilespmem:s8+$0xFFFFFF40]  }
0x3cd: {  	v41 =	vld [tilespmem:s13+$0xFFFFFF40]  }
0x3ce: {  	v42 =	vld [tilespmem:s8+$0xFFFFFF50]  }
0x3cf: {  	v43 =	vld [tilespmem:s13+$0xFFFFFF50]  }
0x3d0: {  	v44 =	vld [tilespmem:s8+$0xFFFFFF60]  }
0x3d1: {  	v45 =	vld [tilespmem:s13+$0xFFFFFF60]  }
0x3d2: {  	v46 =	vld [tilespmem:s8+$0xFFFFFF70]  }
0x3d3: {  	v47 =	vld [tilespmem:s13+$0xFFFFFF70]  }
0x3d4: {  	v48 =	vld [tilespmem:s8+$0xFFFFFF80]  }
0x3d5: {  	v49 =	vld [tilespmem:s13+$0xFFFFFF80]  }
0x3d6: {  	v50 =	vld [tilespmem:s8+$0xFFFFFF90]  }
0x3d7: {  	v51 =	vld [tilespmem:s13+$0xFFFFFF90]  }
0x3d8: {  	v52 =	vld [tilespmem:s8+$0xFFFFFFA0]  }
0x3d9: {  	v53 =	vld [tilespmem:s13+$0xFFFFFFA0]  }
0x3da: {  	v54 =	vld [tilespmem:s8+$0xFFFFFFB0]  }
0x3db: {  	v55 =	vld [tilespmem:s13+$0xFFFFFFB0]  }
0x3dc: {  	v56 =	vld [tilespmem:s8+$0xFFFFFFC0]  }
0x3dd: {  	v57 =	vld [tilespmem:s13+$0xFFFFFFC0]  }
0x3de: {  	v58 =	vld [tilespmem:s8+$0xFFFFFFD0]  }
0x3df: {  	v59 =	vld [tilespmem:s13+$0xFFFFFFD0]  }
0x3e0: {  	v60 =	vld [tilespmem:s8+$0xFFFFFFE0]  }
0x3e1: {  	v61 =	vld [tilespmem:s13+$0xFFFFFFE0]  }
0x3e2: {  	v18 =	vmul.f32 v19, v18;
	v19 =	vmul.f32 v21, v20;
	v20 =	vld [tilespmem:s8+$0xFFFFFFF0]  }
0x3e3: {  	v21 =	vmul.f32 v23, v22;
	v22 =	vmul.f32 v25, v24;
	v23 =	vld [tilespmem:s13+$0xFFFFFFF0]  }
0x3e4: {  	v24 =	vmul.f32 v27, v26;
	v25 =	vmul.f32 v29, v28;
	v26 =	vld [tilespmem:s8+$0x0]  }
0x3e5: {  	v27 =	vmul.f32 v31, v30;
	v28 =	vmul.f32 v33, v32;
	v29 =	vld [tilespmem:s13+$0x0]  }
0x3e6: {  	v30 =	vld [tilespmem:s8+$0x20];
	v31 =	vmul.f32 v55, v54;
	v56 =	vmul.f32 v57, v56  }
0x3e7: {  	v55 =	vld [tilespmem:s13+$0x20];
	v57 =	vmul.f32 v59, v58;
	v18 =	vadd.f32 v19, v18;
	v19 =	vadd.f32 v22, v21  }
0x3e8: {  	v58 =	vld [tilespmem:s8+$0x30];
	v40 =	vmul.f32 v41, v40;
	v22 =	vadd.f32 v25, v24;
	v24 =	vadd.f32 v28, v27  }
0x3e9: {  	v62 =	vmul.f32 v39, v38;
	v21 =	vld [tilespmem:s8+$0x10];
	v28 =	vmul.f32 v51, v50  }
0x3ea: {  	v27 =	vld [tilespmem:s13+$0x10];
	v18 =	vadd.f32 v19, v18;
	v19 =	vmul.f32 v49, v48;
	v22 =	vadd.f32 v24, v22  }
0x3eb: {  	v33 =	vadd.f32 v57, v56;
	v24 =	vmul.f32 v53, v52;
	v20 =	vmul.f32 v23, v20;
	v23 =	vld [tilespmem:s13+$0x30]  }
0x3ec: {  	v59 =	vld [tilespmem:s13+$0x40];
	v30 =	vmul.f32 v55, v30;
	v22 =	vadd.f32 v22, v18;
	v18 =	vmul.f32 v61, v60  }
0x3ed: {  	v19 =	vadd.f32 v28, v19;
	v24 =	vadd.f32 v31, v24;
	v28 =	vld [tilespmem:s8+$0x40];
	v31 =	vmul.f32 v43, v42  }
0x3ee: {  	v60 =	vmul.f32 v47, v46;
	v61 =	vld [tilespmem:s8+$0x50];
	v18 =	vadd.f32 v20, v18;
	v20 =	vmul.f32 v45, v44  }
0x3ef: {  	v19 =	vadd.f32 v24, v19;
	v24 =	vmul.f32 v29, v26;
	v26 =	vmul.f32 v27, v21;
	v29 =	vld [tilespmem:s13+$0x50]  }
0x3f0: {  	v27 =	vadd.f32 v31, v40;
	v21 =	vld [tilespmem:s8+$0x60];
	v18 =	vadd.f32 v18, v33;
	v31 =	vmul.f32 v23, v58  }
0x3f1: {  	v25 =	vmul.f32 v37, v36;
	v20 =	vadd.f32 v60, v20;
	v23 =	vld [tilespmem:s13+$0x60];
	v63 =	vadd.f32 v26, v24  }
0x3f2: {  	s26 =	simm.s32 $0x8900;
	v24 =	vld [tilespmem:s8+$0x70];
	v33 =	vadd.f32 v18, v19;
	v30 =	vadd.f32 v31, v30  }
0x3f3: {  	s21 =	sshll.u32 s7, $0x4;
	[tilespmem:s26+$0x80] =	vst v22;
	v26 =	vmul.f32 v59, v28;
	v18 =	vmul.f32 v35, v34;
	v19 =	vadd.f32 v62, v25;
	v25 =	vld [tilespmem:s13+$0x70]  }
0x3f4: {  	s9 =	simm.s32 $0x0;
	s10 =	sadd.s32 $0x200, s8;
	s11 =	smov.u32 s13;
	v20 =	vadd.f32 v20, v27;
	v27 =	vld [tilespmem:s8+$0xFFFFFF00];
	v28 =	vmul.f32 v29, v61;
	[tilespmem:s26+$0xFFFFFF80] =	vst v33;
	v22 =	vadd.f32 v30, v63  }
.LBB2_19:
0x3f5: {  	v29 =	vld [tilespmem:s10+$0x80];
	s11 =	sadd.s32 $0x200, s11  }
0x3f6: {  	v30 =	vld [tilespmem:s11+$0x80];
	v21 =	vmul.f32 v23, v21;
	v23 =	vadd.f32 v28, v26  }
0x3f7: {  	v26 =	vld [tilespmem:s10+$0x90]  }
0x3f8: {  	v28 =	vld [tilespmem:s11+$0x90];
	v24 =	vmul.f32 v25, v24  }
0x3f9: {  	v25 =	vld [tilespmem:s10+$0xA0];
	v17 =	vmul.f32 v17, v27  }
0x3fa: {  	v27 =	vld [tilespmem:s11+$0xA0];
	v21 =	vadd.f32 v24, v21  }
0x3fb: {  	v24 =	vld [tilespmem:s10+$0xB0];
	v17 =	vadd.f32 v18, v17  }
0x3fc: {  	v18 =	vld [tilespmem:s11+$0xB0];
	v21 =	vadd.f32 v21, v23  }
0x3fd: {  	v23 =	vld [tilespmem:s10+$0xC0];
	v17 =	vadd.f32 v19, v17  }
0x3fe: {  	v19 =	vld [tilespmem:s11+$0xC0];
	v21 =	vadd.f32 v21, v22  }
0x3ff: {  	v22 =	vld [tilespmem:s10+$0xD0];
	v17 =	vadd.f32 v20, v17  }
0x400: {  	v20 =	vld [tilespmem:s11+$0xD0];
	[tilespmem:s26+$0x0] =	vst v21  }
0x401: {  	v21 =	vld [tilespmem:s10+$0xE0];
	[tilespmem:s26+$0xFFFFFF00] =	vst v17  }
0x402: {  	v31 =	vld [tilespmem:s11+$0xE0]  }
0x403: {  	v32 =	vld [tilespmem:s10+$0xF0]  }
0x404: {  	s9 =	sadd.s32 $0x4, s9;
	v33 =	vld [tilespmem:s11+$0xF0]  }
0x405: {  	p0 =	slt.u32 s9, $0xC;
	v17 =	vld [tilespmem:s11+$0xFFFFFF00]  }
0x406: {  	v29 =	vmul.f32 v30, v29;
	v26 =	vmul.f32 v28, v26;
	v34 =	vld [tilespmem:s10+$0xFFFFFF10]  }
0x407: {  	v25 =	vmul.f32 v27, v25;
	v18 =	vmul.f32 v18, v24;
	v28 =	vld [tilespmem:s11+$0xFFFFFF10]  }
0x408: {  	v19 =	vmul.f32 v19, v23;
	v20 =	vmul.f32 v20, v22;
	v24 =	vld [tilespmem:s10+$0xFFFFFF20]  }
0x409: {  	v21 =	vmul.f32 v31, v21;
	v22 =	vld [tilespmem:s11+$0xFFFFFF20];
	v23 =	vmul.f32 v33, v32  }
0x40a: {  	v26 =	vadd.f32 v26, v29;
	v25 =	vadd.f32 v18, v25;
	v27 =	vld [tilespmem:s10+$0xFFFFFF30]  }
0x40b: {  	v19 =	vadd.f32 v20, v19;
	v29 =	vld [tilespmem:s11+$0xFFFFFF30];
	v20 =	vadd.f32 v23, v21  }
0x40c: {  	v18 =	vmul.f32 v28, v34;
	v21 =	vld [tilespmem:s10+$0xFFFFFF40]  }
0x40d: {  	v25 =	vadd.f32 v25, v26;
	v23 =	vld [tilespmem:s11+$0xFFFFFF40];
	v19 =	vadd.f32 v20, v19  }
0x40e: {  	v20 =	vmul.f32 v22, v24;
	v22 =	vld [tilespmem:s10+$0xFFFFFF50]  }
0x40f: {  	v24 =	vld [tilespmem:s11+$0xFFFFFF50];
	v19 =	vadd.f32 v19, v25  }
0x410: {  	s26 =	sadd.s32 $0x200, s26;
	v25 =	vmul.f32 v29, v27;
	v26 =	vld [tilespmem:s10+$0xFFFFFF60]  }
0x411: {  	v27 =	vld [tilespmem:s11+$0xFFFFFF60];
	[tilespmem:s26+$0x80] =	vst v19  }
0x412: {  	v21 =	vmul.f32 v23, v21;
	v23 =	vld [tilespmem:s10+$0xFFFFFF70];
	v19 =	vadd.f32 v25, v20  }
0x413: {  	v20 =	vld [tilespmem:s11+$0xFFFFFF70]  }
0x414: {  	v22 =	vmul.f32 v24, v22;
	v24 =	vld [tilespmem:s10+$0xFFFFFF80]  }
0x415: {  	v25 =	vld [tilespmem:s11+$0xFFFFFF80]  }
0x416: {  	v26 =	vmul.f32 v27, v26;
	v21 =	vadd.f32 v22, v21;
	v22 =	vld [tilespmem:s10+$0xFFFFFF90]  }
0x417: {  	v27 =	vld [tilespmem:s11+$0xFFFFFF90]  }
0x418: {  	v20 =	vmul.f32 v20, v23;
	v23 =	vld [tilespmem:s10+$0xFFFFFFA0]  }
0x419: {  	v28 =	vld [tilespmem:s11+$0xFFFFFFA0]  }
0x41a: {  	v20 =	vadd.f32 v20, v26;
	v24 =	vmul.f32 v25, v24;
	v25 =	vld [tilespmem:s10+$0xFFFFFFB0]  }
0x41b: {  	v26 =	vld [tilespmem:s11+$0xFFFFFFB0]  }
0x41c: {  	v20 =	vadd.f32 v20, v21;
	v21 =	vmul.f32 v27, v22;
	v22 =	vld [tilespmem:s10+$0xFFFFFFC0]  }
0x41d: {  	v27 =	vld [tilespmem:s11+$0xFFFFFFC0]  }
0x41e: {  	v23 =	vmul.f32 v28, v23;
	v28 =	vld [tilespmem:s10+$0xFFFFFFD0];
	v21 =	vadd.f32 v21, v24  }
0x41f: {  	v24 =	vld [tilespmem:s11+$0xFFFFFFD0]  }
0x420: {  	v25 =	vmul.f32 v26, v25;
	v26 =	vld [tilespmem:s10+$0xFFFFFFE0]  }
0x421: {  	v29 =	vld [tilespmem:s11+$0xFFFFFFE0]  }
0x422: {  	v22 =	vmul.f32 v27, v22;
	v27 =	vld [tilespmem:s10+$0xFFFFFFF0];
	v23 =	vadd.f32 v25, v23  }
0x423: {  	v25 =	vld [tilespmem:s11+$0xFFFFFFF0]  }
0x424: {  	v24 =	vmul.f32 v24, v28;
	v21 =	vadd.f32 v23, v21;
	v23 =	vld [tilespmem:s10+$0x0]  }
0x425: {  	v28 =	vld [tilespmem:s11+$0x0]  }
0x426: {  	v26 =	vmul.f32 v29, v26;
	v22 =	vadd.f32 v24, v22;
	v24 =	vld [tilespmem:s10+$0x10]  }
0x427: {  	v29 =	vld [tilespmem:s11+$0x10]  }
0x428: {  	v25 =	vmul.f32 v25, v27;
	v27 =	vld [tilespmem:s10+$0x20]  }
0x429: {  	v30 =	vld [tilespmem:s11+$0x20]  }
0x42a: {  	v25 =	vadd.f32 v25, v26;
	v23 =	vmul.f32 v28, v23;
	v26 =	vld [tilespmem:s10+$0x30]  }
0x42b: {  	v28 =	vld [tilespmem:s11+$0x30]  }
0x42c: {  	v22 =	vadd.f32 v25, v22;
	v24 =	vmul.f32 v29, v24;
	v25 =	vld [tilespmem:s10+$0x40]  }
0x42d: {  	v29 =	vld [tilespmem:s11+$0x40]  }
0x42e: {  	v21 =	vadd.f32 v22, v21;
	v22 =	vmul.f32 v30, v27;
	v30 =	vld [tilespmem:s10+$0x50];
	v31 =	vadd.f32 v24, v23  }
0x42f: {  	v32 =	vld [tilespmem:s11+$0x50]  }
.Ltmp8:
0x430: {  	[tilespmem:s26+$0xFFFFFF80] =	vst v21;
	v27 =	vmul.f32 v28, v26;
	v21 =	vld [tilespmem:s10+$0x60];
	(pc) =	sbr.rel @p0 .LBB2_19-.Ltmp8, $4  }
0x431: {  	v23 =	vld [tilespmem:s11+$0x60]  }
0x432: {  	v26 =	vmul.f32 v29, v25;
	v24 =	vld [tilespmem:s10+$0x70];
	v22 =	vadd.f32 v27, v22  }
0x433: {  	v25 =	vld [tilespmem:s11+$0x70]  }
0x434: {  	v27 =	vld [tilespmem:s10+$0xFFFFFF00];
	v28 =	vmul.f32 v32, v30;
	v22 =	vadd.f32 v22, v31;
	s10 =	sadd.s32 $0x200, s10  }
0x435: {  	_ =	sdelay $0x2  }
0x436: {  	v21 =	vmul.f32 v23, v21;
	v42 =	vmul.f32 v25, v24  }
0x437: {  	v17 =	vmul.f32 v17, v27  }
0x438: {  	v43 =	vadd.f32 v28, v26;
	v21 =	vadd.f32 v42, v21  }
0x439: {  	v17 =	vadd.f32 v18, v17  }
0x43a: {  	v18 =	vadd.f32 v21, v43  }
0x43b: {  	v17 =	vadd.f32 v19, v17  }
0x43c: {  	v18 =	vadd.f32 v18, v22  }
0x43d: {  	v17 =	vadd.f32 v20, v17  }
0x43e: {  	[tilespmem:s26+$0x0] =	vst v18  }
0x43f: {  	[tilespmem:s26+$0xFFFFFF00] =	vst v17  }
0x440: {  	v17 =	vld [tilespmem:s21+$0x500];
	_ =	sdelay $0x4  }
0x441: {  	v18 =	vand.u32 $0x7FFFFF, v17  }
0x442: {  	v18 =	vor.u32 $0x3F800000, v18  }
0x443: {  	v19 =	vadd.f32 $1.000000000e+00, v18;
	_ =	sdelay $0x1  }
0x444: {  	(erf) = vrcp.f32 v19;
	_ =	sdelay $0x7  }
0x445: {  	v18 =	vadd.f32 $-1.000000000e+00, v18  }
0x446: {  	v19 =	vpop (erf)  }
0x447: {  	v18 =	vmul.f32 v19, v18;
	_ =	sdelay $0x1  }
0x448: {  	v19 =	vmul.f32 v18, v18  }
0x449: {  	v44 =	vld.idx.msk [tilespmem:v1+s25+$0x0], $0xffff  }
0x44a: {  	v45 =	vld.idx.msk [tilespmem:v2+s25+$0x0], $0xffff;
	v46 =	vmul.f32 $1.428571490e-01, v19  }
0x44b: {  	v47 =	vld.idx.msk [tilespmem:v3+s25+$0x0], $0xffff  }
0x44c: {  	v48 =	vld.idx.msk [tilespmem:v4+s25+$0x0], $0xffff;
	v22 =	vadd.f32 $2.000000030e-01, v46  }
0x44d: {  	v49 =	vld.idx.msk [tilespmem:v5+s25+$0x0], $0xffff  }
0x44e: {  	v50 =	vld.idx.msk [tilespmem:v6+s25+$0x0], $0xffff;
	v22 =	vmul.f32 v22, v19  }
0x44f: {  	v51 =	vld.idx.msk [tilespmem:v7+s25+$0x0], $0xffff  }
0x450: {  	v52 =	vld.idx.msk [tilespmem:v8+s25+$0x0], $0xffff;
	v22 =	vadd.f32 $3.333333430e-01, v22  }
0x451: {  	v29 =	vld.idx.msk [tilespmem:v9+s25+$0x0], $0xffff  }
0x452: {  	v30 =	vld.idx.msk [tilespmem:v10+s25+$0x0], $0xffff;
	v17 =	vshra.s32 v17, $0x17;
	v19 =	vmul.f32 v22, v19  }
0x453: {  	v53 =	vld.idx.msk [tilespmem:v11+s25+$0x0], $0xffff;
	v17 =	vadd.s32 $0xFFFFFF81, v17  }
0x454: {  	v31 =	vld.idx.msk [tilespmem:v12+s25+$0x0], $0xffff;
	v17 =	vcvt.s32.f32 v17;
	v18 =	vadd.f32 v18, v18;
	v19 =	vadd.f32 $1.000000000e+00, v19  }
0x455: {  	v32 =	vld.idx.msk [tilespmem:v13+s25+$0x0], $0xffff  }
0x456: {  	v33 =	vld.idx.msk [tilespmem:v14+s25+$0x0], $0xffff;
	v17 =	vmul.f32 $6.931471820e-01, v17;
	v18 =	vmul.f32 v19, v18  }
0x457: {  	v19 =	vld.idx.msk [tilespmem:v15+s25+$0x0], $0xffff  }
0x458: {  	v17 =	vadd.f32 v18, v17;
	v18 =	vld.idx.msk [tilespmem:v16+s25+$0x0], $0xffff  }
0x459: {  	v20 =	vadd.f32 v45, v44  }
0x45a: {  	v54 =	vadd.f32 v48, v47;
	v55 =	vadd.f32 $-4.605170250e+00, v17  }
0x45b: {  	v56 =	vadd.f32 v50, v49;
	v57 =	vadd.f32 v52, v51  }
0x45c: {  	v58 =	vadd.f32 v30, v29;
	v22 =	vadd.f32 v31, v53;
	v23 =	vmul.f32 $7.500000000e-01, v55  }
0x45d: {  	v59 =	vadd.f32 v33, v32;
	v18 =	vadd.f32 v18, v19  }
0x45e: {  	v60 =	vadd.f32 v57, v56;
	v22 =	vadd.f32 v22, v58;
	v61 =	vmul.f32 $1.442695020e+00, v23  }
0x45f: {  	v19 =	vadd.f32 v54, v20;
	v18 =	vadd.f32 v18, v59  }
0x460: {  	v62 =	vld [tilespmem:s21+$0x8600];
	(erf) = vpow2.f32 v61  }
0x461: {  	v19 =	vadd.f32 v60, v19;
	v18 =	vadd.f32 v18, v22  }
0x462: {  	v63 =	vld [tilespmem:s21+$0x8700]  }
0x463: {  	v18 =	vadd.f32 v18, v19;
	_ =	sdelay $0x1  }
0x464: {  	v18 =	vadd.f32 v18, v62;
	_ =	sdelay $0x1  }
0x465: {  	v18 =	vadd.f32 v18, v63;
	_ =	sdelay $0x1  }
0x466: {  	v19 =	vpop (erf);
	v17 =	vsub.f32 v18, v17  }
0x467: {  	v18 =	vmin.f32 v19, $1.000000000e+00;
	v19 =	vld [tilespmem:$0x9000]  }
0x468: {  	s7 =	sadd.s32 $0x1, s7;
	v18 =	vmul.f32 v18, v17  }
0x469: {  	p0 =	sne.s32 s7, $0x4  }
.Ltmp9:
0x46a: {  	v17 =	vmul.f32 v18, v17;
	(pc) =	sbr.rel @p0 .LBB2_18-.Ltmp9, $3  }
0x46b: {  	_ = 	snop  }
0x46c: {  	v17 =	vadd.f32 v17, v19;
	_ =	sdelay $0x1  }
0x46d: {  	s8 =	sadd.s32 $0x800, s8;
	s13 =	sadd.s32 $0x800, s13;
	[tilespmem:$0x9000] =	vst v17  }
0x46e: {  	s7 =	simm.s32 $0x180  }
0x46f: {  	[tilespmem:s16], [sflag:$0x1] =	stream.indirect.gather [hbm4b:s0+s15], $0x80, s7, s15, $0xb8;
	[tilespmem:$0x9080] =	vst v63  }
0x470: {  	_ = 	snop  }
0x471: {  	[tilespmem:s17], [sflag:$0x1] =	stream.indirect.gather [hbm4b:s1+s15], $0x80, s28, s15, $0xb8;
	[tilespmem:$0x9080] =	vst v63  }
0x472: {  	_ = 	snop  }
0x473: {  	[tilespmem:s18], [sflag:$0x1] =	stream.indirect.gather [hbm4b:s2+s15], $0x1, s7, s15, $0xb8;
	[tilespmem:$0x9080] =	vst v63  }
0x474: {  	_ = 	snop  }
0x475: {  	[tilespmem:s19], [sflag:$0x1] =	stream.indirect.gather [hbm4b:s3+s15], $0x1, s28, s15, $0xb8;
	[tilespmem:$0x9080] =	vst v63  }
0x476: {  	_ =	swait.ge [sflag:s29], $0x2000  }
0x477: {  	[sflag:s29] =	ssyncset.done $0x0  }
0x478: {  	[sflag:s29] =	ssyncadd.s32 $0xFFFFE000  }
0x479: {  	_ =	swait.ge [sflag:s29], $0x2000  }
0x47a: {  	[sflag:s29] =	ssyncset.done $0x0  }
0x47b: {  	[sflag:s29] =	ssyncadd.s32 $0xFFFFE000  }
0x47c: {  	_ =	swait.ge [sflag:s29], $0x40  }
0x47d: {  	[sflag:s29] =	ssyncset.done $0x0  }
0x47e: {  	[sflag:s29] =	ssyncadd.s32 $0xFFFFFFC0  }
0x47f: {  	_ =	swait.ge [sflag:s29], $0x40  }
0x480: {  	s8 =	simm.s32 $0x27F0;
	[sflag:s29] =	ssyncset.done $0x0  }
0x481: {  	s13 =	simm.s32 $0x67F0;
	s7 =	simm.s32 $0x0;
	[sflag:s29] =	ssyncadd.s32 $0xFFFFFFC0  }
.LBB2_22:
0x482: {  	v18 =	vld [tilespmem:s8+$0xFFFFFF90]  }
0x483: {  	v19 =	vld [tilespmem:s13+$0xFFFFFF90]  }
0x484: {  	v20 =	vld [tilespmem:s8+$0xFFFFFFA0]  }
0x485: {  	v21 =	vld [tilespmem:s13+$0xFFFFFFA0]  }
0x486: {  	v22 =	vld [tilespmem:s8+$0xFFFFFFB0]  }
0x487: {  	v23 =	vld [tilespmem:s13+$0xFFFFFFB0]  }
0x488: {  	v24 =	vld [tilespmem:s8+$0xFFFFFFC0]  }
0x489: {  	v25 =	vld [tilespmem:s13+$0xFFFFFFC0]  }
0x48a: {  	v26 =	vld [tilespmem:s8+$0xFFFFFFD0]  }
0x48b: {  	v27 =	vld [tilespmem:s13+$0xFFFFFFD0]  }
0x48c: {  	v28 =	vld [tilespmem:s8+$0xFFFFFFE0]  }
0x48d: {  	v29 =	vld [tilespmem:s13+$0xFFFFFFE0]  }
0x48e: {  	v30 =	vld [tilespmem:s8+$0xFFFFFFF0]  }
0x48f: {  	v31 =	vld [tilespmem:s13+$0xFFFFFFF0]  }
0x490: {  	v32 =	vld [tilespmem:s8+$0x0]  }
0x491: {  	v33 =	vld [tilespmem:s13+$0x0]  }
0x492: {  	v17 =	vld [tilespmem:s13+$0xFFFFFE10]  }
0x493: {  	v34 =	vld [tilespmem:s8+$0xFFFFFE20]  }
0x494: {  	v35 =	vld [tilespmem:s13+$0xFFFFFE20]  }
0x495: {  	v36 =	vld [tilespmem:s8+$0xFFFFFE30]  }
0x496: {  	v37 =	vld [tilespmem:s13+$0xFFFFFE30]  }
0x497: {  	v38 =	vld [tilespmem:s8+$0xFFFFFE40]  }
0x498: {  	v39 =	vld [tilespmem:s13+$0xFFFFFE40]  }
0x499: {  	v40 =	vld [tilespmem:s8+$0xFFFFFE50]  }
0x49a: {  	v41 =	vld [tilespmem:s13+$0xFFFFFE50]  }
0x49b: {  	v42 =	vld [tilespmem:s8+$0xFFFFFE60]  }
0x49c: {  	v43 =	vld [tilespmem:s13+$0xFFFFFE60]  }
0x49d: {  	v44 =	vld [tilespmem:s8+$0xFFFFFE70]  }
0x49e: {  	v45 =	vld [tilespmem:s13+$0xFFFFFE70]  }
0x49f: {  	v46 =	vld [tilespmem:s8+$0xFFFFFE80]  }
0x4a0: {  	v47 =	vld [tilespmem:s13+$0xFFFFFE80]  }
0x4a1: {  	v48 =	vld [tilespmem:s8+$0xFFFFFE90]  }
0x4a2: {  	v49 =	vld [tilespmem:s13+$0xFFFFFE90]  }
0x4a3: {  	v50 =	vld [tilespmem:s8+$0xFFFFFEA0]  }
0x4a4: {  	v51 =	vld [tilespmem:s13+$0xFFFFFEA0]  }
0x4a5: {  	v52 =	vld [tilespmem:s8+$0xFFFFFEB0]  }
0x4a6: {  	v53 =	vld [tilespmem:s13+$0xFFFFFEB0]  }
0x4a7: {  	v54 =	vld [tilespmem:s8+$0xFFFFFEC0]  }
0x4a8: {  	v55 =	vld [tilespmem:s13+$0xFFFFFEC0]  }
0x4a9: {  	v56 =	vld [tilespmem:s8+$0xFFFFFED0]  }
0x4aa: {  	v57 =	vld [tilespmem:s13+$0xFFFFFED0]  }
0x4ab: {  	v58 =	vld [tilespmem:s8+$0xFFFFFEE0]  }
0x4ac: {  	v59 =	vld [tilespmem:s13+$0xFFFFFEE0]  }
0x4ad: {  	v60 =	vld [tilespmem:s8+$0xFFFFFEF0]  }
0x4ae: {  	v61 =	vld [tilespmem:s13+$0xFFFFFEF0]  }
0x4af: {  	v18 =	vmul.f32 v19, v18;
	v19 =	vmul.f32 v21, v20;
	v20 =	vld [tilespmem:s8+$0xFFFFFF00]  }
0x4b0: {  	v21 =	vmul.f32 v23, v22;
	v22 =	vmul.f32 v25, v24;
	v23 =	vld [tilespmem:s13+$0xFFFFFF00]  }
0x4b1: {  	v24 =	vmul.f32 v27, v26;
	v25 =	vmul.f32 v29, v28;
	v26 =	vld [tilespmem:s8+$0xFFFFFF10]  }
0x4b2: {  	v27 =	vmul.f32 v31, v30;
	v28 =	vmul.f32 v33, v32;
	v29 =	vld [tilespmem:s13+$0xFFFFFF10]  }
0x4b3: {  	v30 =	vld [tilespmem:s8+$0xFFFFFF30];
	v31 =	vmul.f32 v55, v54;
	v56 =	vmul.f32 v57, v56  }
0x4b4: {  	v55 =	vld [tilespmem:s13+$0xFFFFFF30];
	v57 =	vmul.f32 v59, v58;
	v18 =	vadd.f32 v19, v18;
	v19 =	vadd.f32 v22, v21  }
0x4b5: {  	v58 =	vld [tilespmem:s8+$0xFFFFFF40];
	v40 =	vmul.f32 v41, v40;
	v22 =	vadd.f32 v25, v24;
	v24 =	vadd.f32 v28, v27  }
0x4b6: {  	v62 =	vmul.f32 v39, v38;
	v21 =	vld [tilespmem:s8+$0xFFFFFF20];
	v28 =	vmul.f32 v51, v50  }
0x4b7: {  	v27 =	vld [tilespmem:s13+$0xFFFFFF20];
	v18 =	vadd.f32 v19, v18;
	v19 =	vmul.f32 v49, v48;
	v22 =	vadd.f32 v24, v22  }
0x4b8: {  	v33 =	vadd.f32 v57, v56;
	v24 =	vmul.f32 v53, v52;
	v20 =	vmul.f32 v23, v20;
	v23 =	vld [tilespmem:s13+$0xFFFFFF40]  }
0x4b9: {  	v59 =	vld [tilespmem:s13+$0xFFFFFF50];
	v30 =	vmul.f32 v55, v30;
	v22 =	vadd.f32 v22, v18;
	v18 =	vmul.f32 v61, v60  }
0x4ba: {  	v19 =	vadd.f32 v28, v19;
	v24 =	vadd.f32 v31, v24;
	v28 =	vld [tilespmem:s8+$0xFFFFFF50];
	v31 =	vmul.f32 v43, v42  }
0x4bb: {  	v60 =	vmul.f32 v47, v46;
	v61 =	vld [tilespmem:s8+$0xFFFFFF60];
	v18 =	vadd.f32 v20, v18;
	v20 =	vmul.f32 v45, v44  }
0x4bc: {  	v19 =	vadd.f32 v24, v19;
	v24 =	vmul.f32 v29, v26;
	v26 =	vmul.f32 v27, v21;
	v29 =	vld [tilespmem:s13+$0xFFFFFF60]  }
0x4bd: {  	v27 =	vadd.f32 v31, v40;
	v21 =	vld [tilespmem:s8+$0xFFFFFF70];
	v18 =	vadd.f32 v18, v33;
	v31 =	vmul.f32 v23, v58  }
0x4be: {  	v25 =	vmul.f32 v37, v36;
	v20 =	vadd.f32 v60, v20;
	v23 =	vld [tilespmem:s13+$0xFFFFFF70];
	v63 =	vadd.f32 v26, v24  }
0x4bf: {  	s26 =	simm.s32 $0x8900;
	v24 =	vld [tilespmem:s8+$0xFFFFFF80];
	v33 =	vadd.f32 v18, v19;
	v30 =	vadd.f32 v31, v30  }
0x4c0: {  	s21 =	sshll.u32 s7, $0x4;
	[tilespmem:s26+$0x80] =	vst v22;
	v26 =	vmul.f32 v59, v28;
	v18 =	vmul.f32 v35, v34;
	v19 =	vadd.f32 v62, v25;
	v25 =	vld [tilespmem:s13+$0xFFFFFF80]  }
0x4c1: {  	s9 =	simm.s32 $0x0;
	s10 =	sadd.s32 $0x200, s8;
	s11 =	smov.u32 s13;
	v20 =	vadd.f32 v20, v27;
	v27 =	vld [tilespmem:s8+$0xFFFFFE10];
	v28 =	vmul.f32 v29, v61;
	[tilespmem:s26+$0xFFFFFF80] =	vst v33;
	v22 =	vadd.f32 v30, v63  }
.LBB2_23:
0x4c2: {  	v29 =	vld [tilespmem:s10+$0xFFFFFF90];
	s11 =	sadd.s32 $0x200, s11  }
0x4c3: {  	v30 =	vld [tilespmem:s11+$0xFFFFFF90];
	v21 =	vmul.f32 v23, v21;
	v23 =	vadd.f32 v28, v26  }
0x4c4: {  	v26 =	vld [tilespmem:s10+$0xFFFFFFA0]  }
0x4c5: {  	v28 =	vld [tilespmem:s11+$0xFFFFFFA0];
	v24 =	vmul.f32 v25, v24  }
0x4c6: {  	v25 =	vld [tilespmem:s10+$0xFFFFFFB0];
	v17 =	vmul.f32 v17, v27  }
0x4c7: {  	v27 =	vld [tilespmem:s11+$0xFFFFFFB0];
	v21 =	vadd.f32 v24, v21  }
0x4c8: {  	v24 =	vld [tilespmem:s10+$0xFFFFFFC0];
	v17 =	vadd.f32 v18, v17  }
0x4c9: {  	v18 =	vld [tilespmem:s11+$0xFFFFFFC0];
	v21 =	vadd.f32 v21, v23  }
0x4ca: {  	v23 =	vld [tilespmem:s10+$0xFFFFFFD0];
	v17 =	vadd.f32 v19, v17  }
0x4cb: {  	v19 =	vld [tilespmem:s11+$0xFFFFFFD0];
	v21 =	vadd.f32 v21, v22  }
0x4cc: {  	v22 =	vld [tilespmem:s10+$0xFFFFFFE0];
	v17 =	vadd.f32 v20, v17  }
0x4cd: {  	v20 =	vld [tilespmem:s11+$0xFFFFFFE0];
	[tilespmem:s26+$0x0] =	vst v21  }
0x4ce: {  	v21 =	vld [tilespmem:s10+$0xFFFFFFF0];
	[tilespmem:s26+$0xFFFFFF00] =	vst v17  }
0x4cf: {  	v31 =	vld [tilespmem:s11+$0xFFFFFFF0]  }
0x4d0: {  	v32 =	vld [tilespmem:s10+$0x0]  }
0x4d1: {  	s9 =	sadd.s32 $0x4, s9;
	v33 =	vld [tilespmem:s11+$0x0]  }
0x4d2: {  	p0 =	slt.u32 s9, $0xC;
	v17 =	vld [tilespmem:s11+$0xFFFFFE10]  }
0x4d3: {  	v29 =	vmul.f32 v30, v29;
	v26 =	vmul.f32 v28, v26;
	v34 =	vld [tilespmem:s10+$0xFFFFFE20]  }
0x4d4: {  	v25 =	vmul.f32 v27, v25;
	v18 =	vmul.f32 v18, v24;
	v28 =	vld [tilespmem:s11+$0xFFFFFE20]  }
0x4d5: {  	v19 =	vmul.f32 v19, v23;
	v20 =	vmul.f32 v20, v22;
	v24 =	vld [tilespmem:s10+$0xFFFFFE30]  }
0x4d6: {  	v21 =	vmul.f32 v31, v21;
	v22 =	vld [tilespmem:s11+$0xFFFFFE30];
	v23 =	vmul.f32 v33, v32  }
0x4d7: {  	v26 =	vadd.f32 v26, v29;
	v25 =	vadd.f32 v18, v25;
	v27 =	vld [tilespmem:s10+$0xFFFFFE40]  }
0x4d8: {  	v19 =	vadd.f32 v20, v19;
	v29 =	vld [tilespmem:s11+$0xFFFFFE40];
	v20 =	vadd.f32 v23, v21  }
0x4d9: {  	v18 =	vmul.f32 v28, v34;
	v21 =	vld [tilespmem:s10+$0xFFFFFE50]  }
0x4da: {  	v25 =	vadd.f32 v25, v26;
	v23 =	vld [tilespmem:s11+$0xFFFFFE50];
	v19 =	vadd.f32 v20, v19  }
0x4db: {  	v20 =	vmul.f32 v22, v24;
	v22 =	vld [tilespmem:s10+$0xFFFFFE60]  }
0x4dc: {  	v24 =	vld [tilespmem:s11+$0xFFFFFE60];
	v19 =	vadd.f32 v19, v25  }
0x4dd: {  	s26 =	sadd.s32 $0x200, s26;
	v25 =	vmul.f32 v29, v27;
	v26 =	vld [tilespmem:s10+$0xFFFFFE70]  }
0x4de: {  	v27 =	vld [tilespmem:s11+$0xFFFFFE70];
	[tilespmem:s26+$0x80] =	vst v19  }
0x4df: {  	v21 =	vmul.f32 v23, v21;
	v23 =	vld [tilespmem:s10+$0xFFFFFE80];
	v19 =	vadd.f32 v25, v20  }
0x4e0: {  	v20 =	vld [tilespmem:s11+$0xFFFFFE80]  }
0x4e1: {  	v22 =	vmul.f32 v24, v22;
	v24 =	vld [tilespmem:s10+$0xFFFFFE90]  }
0x4e2: {  	v25 =	vld [tilespmem:s11+$0xFFFFFE90]  }
0x4e3: {  	v26 =	vmul.f32 v27, v26;
	v21 =	vadd.f32 v22, v21;
	v22 =	vld [tilespmem:s10+$0xFFFFFEA0]  }
0x4e4: {  	v27 =	vld [tilespmem:s11+$0xFFFFFEA0]  }
0x4e5: {  	v20 =	vmul.f32 v20, v23;
	v23 =	vld [tilespmem:s10+$0xFFFFFEB0]  }
0x4e6: {  	v28 =	vld [tilespmem:s11+$0xFFFFFEB0]  }
0x4e7: {  	v20 =	vadd.f32 v20, v26;
	v24 =	vmul.f32 v25, v24;
	v25 =	vld [tilespmem:s10+$0xFFFFFEC0]  }
0x4e8: {  	v26 =	vld [tilespmem:s11+$0xFFFFFEC0]  }
0x4e9: {  	v20 =	vadd.f32 v20, v21;
	v21 =	vmul.f32 v27, v22;
	v22 =	vld [tilespmem:s10+$0xFFFFFED0]  }
0x4ea: {  	v27 =	vld [tilespmem:s11+$0xFFFFFED0]  }
0x4eb: {  	v23 =	vmul.f32 v28, v23;
	v28 =	vld [tilespmem:s10+$0xFFFFFEE0];
	v21 =	vadd.f32 v21, v24  }
0x4ec: {  	v24 =	vld [tilespmem:s11+$0xFFFFFEE0]  }
0x4ed: {  	v25 =	vmul.f32 v26, v25;
	v26 =	vld [tilespmem:s10+$0xFFFFFEF0]  }
0x4ee: {  	v29 =	vld [tilespmem:s11+$0xFFFFFEF0]  }
0x4ef: {  	v22 =	vmul.f32 v27, v22;
	v27 =	vld [tilespmem:s10+$0xFFFFFF00];
	v23 =	vadd.f32 v25, v23  }
0x4f0: {  	v25 =	vld [tilespmem:s11+$0xFFFFFF00]  }
0x4f1: {  	v24 =	vmul.f32 v24, v28;
	v21 =	vadd.f32 v23, v21;
	v23 =	vld [tilespmem:s10+$0xFFFFFF10]  }
0x4f2: {  	v28 =	vld [tilespmem:s11+$0xFFFFFF10]  }
0x4f3: {  	v26 =	vmul.f32 v29, v26;
	v22 =	vadd.f32 v24, v22;
	v24 =	vld [tilespmem:s10+$0xFFFFFF20]  }
0x4f4: {  	v29 =	vld [tilespmem:s11+$0xFFFFFF20]  }
0x4f5: {  	v25 =	vmul.f32 v25, v27;
	v27 =	vld [tilespmem:s10+$0xFFFFFF30]  }
0x4f6: {  	v30 =	vld [tilespmem:s11+$0xFFFFFF30]  }
0x4f7: {  	v25 =	vadd.f32 v25, v26;
	v23 =	vmul.f32 v28, v23;
	v26 =	vld [tilespmem:s10+$0xFFFFFF40]  }
0x4f8: {  	v28 =	vld [tilespmem:s11+$0xFFFFFF40]  }
0x4f9: {  	v22 =	vadd.f32 v25, v22;
	v24 =	vmul.f32 v29, v24;
	v25 =	vld [tilespmem:s10+$0xFFFFFF50]  }
0x4fa: {  	v29 =	vld [tilespmem:s11+$0xFFFFFF50]  }
0x4fb: {  	v21 =	vadd.f32 v22, v21;
	v22 =	vmul.f32 v30, v27;
	v30 =	vld [tilespmem:s10+$0xFFFFFF60];
	v31 =	vadd.f32 v24, v23  }
0x4fc: {  	v32 =	vld [tilespmem:s11+$0xFFFFFF60]  }
.Ltmp10:
0x4fd: {  	[tilespmem:s26+$0xFFFFFF80] =	vst v21;
	v27 =	vmul.f32 v28, v26;
	v21 =	vld [tilespmem:s10+$0xFFFFFF70];
	(pc) =	sbr.rel @p0 .LBB2_23-.Ltmp10, $4  }
0x4fe: {  	v23 =	vld [tilespmem:s11+$0xFFFFFF70]  }
0x4ff: {  	v26 =	vmul.f32 v29, v25;
	v24 =	vld [tilespmem:s10+$0xFFFFFF80];
	v22 =	vadd.f32 v27, v22  }
0x500: {  	v25 =	vld [tilespmem:s11+$0xFFFFFF80]  }
0x501: {  	v27 =	vld [tilespmem:s10+$0xFFFFFE10];
	v28 =	vmul.f32 v32, v30;
	v22 =	vadd.f32 v22, v31;
	s10 =	sadd.s32 $0x200, s10  }
0x502: {  	_ =	sdelay $0x2  }
0x503: {  	v21 =	vmul.f32 v23, v21;
	v42 =	vmul.f32 v25, v24  }
0x504: {  	v17 =	vmul.f32 v17, v27  }
0x505: {  	v43 =	vadd.f32 v28, v26;
	v21 =	vadd.f32 v42, v21  }
0x506: {  	v17 =	vadd.f32 v18, v17  }
0x507: {  	v18 =	vadd.f32 v21, v43  }
0x508: {  	v17 =	vadd.f32 v19, v17  }
0x509: {  	v18 =	vadd.f32 v18, v22  }
0x50a: {  	v17 =	vadd.f32 v20, v17  }
0x50b: {  	[tilespmem:s26+$0x0] =	vst v18  }
0x50c: {  	[tilespmem:s26+$0xFFFFFF00] =	vst v17  }
0x50d: {  	v17 =	vld [tilespmem:s21+$0x540];
	_ =	sdelay $0x4  }
0x50e: {  	v18 =	vand.u32 $0x7FFFFF, v17  }
0x50f: {  	v18 =	vor.u32 $0x3F800000, v18  }
0x510: {  	v19 =	vadd.f32 $1.000000000e+00, v18;
	_ =	sdelay $0x1  }
0x511: {  	(erf) = vrcp.f32 v19;
	_ =	sdelay $0x7  }
0x512: {  	v18 =	vadd.f32 $-1.000000000e+00, v18  }
0x513: {  	v19 =	vpop (erf)  }
0x514: {  	v18 =	vmul.f32 v19, v18;
	_ =	sdelay $0x1  }
0x515: {  	v19 =	vmul.f32 v18, v18  }
0x516: {  	v44 =	vld.idx.msk [tilespmem:v1+s25+$0x0], $0xffff  }
0x517: {  	v45 =	vld.idx.msk [tilespmem:v2+s25+$0x0], $0xffff;
	v46 =	vmul.f32 $1.428571490e-01, v19  }
0x518: {  	v47 =	vld.idx.msk [tilespmem:v3+s25+$0x0], $0xffff  }
0x519: {  	v48 =	vld.idx.msk [tilespmem:v4+s25+$0x0], $0xffff;
	v22 =	vadd.f32 $2.000000030e-01, v46  }
0x51a: {  	v49 =	vld.idx.msk [tilespmem:v5+s25+$0x0], $0xffff  }
0x51b: {  	v50 =	vld.idx.msk [tilespmem:v6+s25+$0x0], $0xffff;
	v22 =	vmul.f32 v22, v19  }
0x51c: {  	v51 =	vld.idx.msk [tilespmem:v7+s25+$0x0], $0xffff  }
0x51d: {  	v52 =	vld.idx.msk [tilespmem:v8+s25+$0x0], $0xffff;
	v22 =	vadd.f32 $3.333333430e-01, v22  }
0x51e: {  	v29 =	vld.idx.msk [tilespmem:v9+s25+$0x0], $0xffff  }
0x51f: {  	v30 =	vld.idx.msk [tilespmem:v10+s25+$0x0], $0xffff;
	v17 =	vshra.s32 v17, $0x17;
	v19 =	vmul.f32 v22, v19  }
0x520: {  	v53 =	vld.idx.msk [tilespmem:v11+s25+$0x0], $0xffff;
	v17 =	vadd.s32 $0xFFFFFF81, v17  }
0x521: {  	v31 =	vld.idx.msk [tilespmem:v12+s25+$0x0], $0xffff;
	v17 =	vcvt.s32.f32 v17;
	v18 =	vadd.f32 v18, v18;
	v19 =	vadd.f32 $1.000000000e+00, v19  }
0x522: {  	v32 =	vld.idx.msk [tilespmem:v13+s25+$0x0], $0xffff  }
0x523: {  	v33 =	vld.idx.msk [tilespmem:v14+s25+$0x0], $0xffff;
	v17 =	vmul.f32 $6.931471820e-01, v17;
	v18 =	vmul.f32 v19, v18  }
0x524: {  	v19 =	vld.idx.msk [tilespmem:v15+s25+$0x0], $0xffff  }
0x525: {  	v17 =	vadd.f32 v18, v17;
	v18 =	vld.idx.msk [tilespmem:v16+s25+$0x0], $0xffff  }
0x526: {  	v20 =	vadd.f32 v45, v44  }
0x527: {  	v54 =	vadd.f32 v48, v47;
	v55 =	vadd.f32 $-4.605170250e+00, v17  }
0x528: {  	v56 =	vadd.f32 v50, v49;
	v57 =	vadd.f32 v52, v51  }
0x529: {  	v58 =	vadd.f32 v30, v29;
	v22 =	vadd.f32 v31, v53;
	v23 =	vmul.f32 $7.500000000e-01, v55  }
0x52a: {  	v59 =	vadd.f32 v33, v32;
	v18 =	vadd.f32 v18, v19  }
0x52b: {  	v60 =	vadd.f32 v57, v56;
	v22 =	vadd.f32 v22, v58;
	v61 =	vmul.f32 $1.442695020e+00, v23  }
0x52c: {  	v19 =	vadd.f32 v54, v20;
	v18 =	vadd.f32 v18, v59  }
0x52d: {  	v62 =	vld [tilespmem:s21+$0x8680];
	(erf) = vpow2.f32 v61  }
0x52e: {  	v19 =	vadd.f32 v60, v19;
	v18 =	vadd.f32 v18, v22  }
0x52f: {  	v63 =	vld [tilespmem:s21+$0x8780]  }
0x530: {  	v18 =	vadd.f32 v18, v19;
	_ =	sdelay $0x1  }
0x531: {  	v18 =	vadd.f32 v18, v62;
	_ =	sdelay $0x1  }
0x532: {  	v18 =	vadd.f32 v18, v63;
	_ =	sdelay $0x1  }
0x533: {  	v19 =	vpop (erf);
	v17 =	vsub.f32 v18, v17  }
0x534: {  	v18 =	vmin.f32 v19, $1.000000000e+00;
	v19 =	vld [tilespmem:$0x9000]  }
0x535: {  	s7 =	sadd.s32 $0x1, s7;
	v18 =	vmul.f32 v18, v17  }
0x536: {  	p0 =	sne.s32 s7, $0x4  }
.Ltmp11:
0x537: {  	v17 =	vmul.f32 v18, v17;
	(pc) =	sbr.rel @p0 .LBB2_22-.Ltmp11, $3  }
0x538: {  	_ = 	snop  }
0x539: {  	v17 =	vadd.f32 v17, v19;
	_ =	sdelay $0x1  }
0x53a: {  	s8 =	sadd.s32 $0x800, s8;
	s13 =	sadd.s32 $0x800, s13;
	[tilespmem:$0x9000] =	vst v17  }
0x53b: {  	[tilespmem:s20], [sflag:$0x2] =	stream.indirect.gather [hbm4b:s0+s15], $0x80, s30, s15, $0xb8;
	[tilespmem:$0x9080] =	vst v63  }
0x53c: {  	_ = 	snop  }
0x53d: {  	[tilespmem:s22], [sflag:$0x2] =	stream.indirect.gather [hbm4b:s1+s15], $0x80, s31, s15, $0xb8;
	[tilespmem:$0x9080] =	vst v63  }
0x53e: {  	_ = 	snop  }
0x53f: {  	[tilespmem:s23], [sflag:$0x2] =	stream.indirect.gather [hbm4b:s2+s15], $0x1, s30, s15, $0xb8;
	[tilespmem:$0x9080] =	vst v63  }
0x540: {  	_ = 	snop  }
0x541: {  	[tilespmem:s24], [sflag:$0x2] =	stream.indirect.gather [hbm4b:s3+s15], $0x1, s31, s15, $0xb8;
	[tilespmem:$0x9080] =	vst v63  }
0x542: {  	_ =	swait.ge [sflag:s14], $0x2000  }
0x543: {  	[sflag:s14] =	ssyncset.done $0x0  }
0x544: {  	[sflag:s14] =	ssyncadd.s32 $0xFFFFE000  }
0x545: {  	_ =	swait.ge [sflag:s14], $0x2000  }
0x546: {  	[sflag:s14] =	ssyncset.done $0x0  }
0x547: {  	[sflag:s14] =	ssyncadd.s32 $0xFFFFE000  }
0x548: {  	_ =	swait.ge [sflag:s14], $0x40  }
0x549: {  	[sflag:s14] =	ssyncset.done $0x0  }
0x54a: {  	[sflag:s14] =	ssyncadd.s32 $0xFFFFFFC0  }
0x54b: {  	_ =	swait.ge [sflag:s14], $0x40  }
0x54c: {  	s7 =	simm.s32 $0x0;
	[sflag:s14] =	ssyncset.done $0x0  }
0x54d: {  	s8 =	simm.s32 $0x700;
	s13 =	simm.s32 $0x4700;
	[sflag:s14] =	ssyncadd.s32 $0xFFFFFFC0  }
.LBB2_26:
0x54e: {  	v18 =	vld [tilespmem:s8+$0x80]  }
0x54f: {  	v19 =	vld [tilespmem:s13+$0x80]  }
0x550: {  	v20 =	vld [tilespmem:s8+$0x90]  }
0x551: {  	v21 =	vld [tilespmem:s13+$0x90]  }
0x552: {  	v22 =	vld [tilespmem:s8+$0xA0]  }
0x553: {  	v23 =	vld [tilespmem:s13+$0xA0]  }
0x554: {  	v24 =	vld [tilespmem:s8+$0xB0]  }
0x555: {  	v25 =	vld [tilespmem:s13+$0xB0]  }
0x556: {  	v26 =	vld [tilespmem:s8+$0xC0]  }
0x557: {  	v27 =	vld [tilespmem:s13+$0xC0]  }
0x558: {  	v28 =	vld [tilespmem:s8+$0xD0]  }
0x559: {  	v29 =	vld [tilespmem:s13+$0xD0]  }
0x55a: {  	v30 =	vld [tilespmem:s8+$0xE0]  }
0x55b: {  	v31 =	vld [tilespmem:s13+$0xE0]  }
0x55c: {  	v32 =	vld [tilespmem:s8+$0xF0]  }
0x55d: {  	v33 =	vld [tilespmem:s13+$0xF0]  }
0x55e: {  	v17 =	vld [tilespmem:s13+$0xFFFFFF00]  }
0x55f: {  	v34 =	vld [tilespmem:s8+$0xFFFFFF10]  }
0x560: {  	v35 =	vld [tilespmem:s13+$0xFFFFFF10]  }
0x561: {  	v36 =	vld [tilespmem:s8+$0xFFFFFF20]  }
0x562: {  	v37 =	vld [tilespmem:s13+$0xFFFFFF20]  }
0x563: {  	v38 =	vld [tilespmem:s8+$0xFFFFFF30]  }
0x564: {  	v39 =	vld [tilespmem:s13+$0xFFFFFF30]  }
0x565: {  	v40 =	vld [tilespmem:s8+$0xFFFFFF40]  }
0x566: {  	v41 =	vld [tilespmem:s13+$0xFFFFFF40]  }
0x567: {  	v42 =	vld [tilespmem:s8+$0xFFFFFF50]  }
0x568: {  	v43 =	vld [tilespmem:s13+$0xFFFFFF50]  }
0x569: {  	v44 =	vld [tilespmem:s8+$0xFFFFFF60]  }
0x56a: {  	v45 =	vld [tilespmem:s13+$0xFFFFFF60]  }
0x56b: {  	v46 =	vld [tilespmem:s8+$0xFFFFFF70]  }
0x56c: {  	v47 =	vld [tilespmem:s13+$0xFFFFFF70]  }
0x56d: {  	v48 =	vld [tilespmem:s8+$0xFFFFFF80]  }
0x56e: {  	v49 =	vld [tilespmem:s13+$0xFFFFFF80]  }
0x56f: {  	v50 =	vld [tilespmem:s8+$0xFFFFFF90]  }
0x570: {  	v51 =	vld [tilespmem:s13+$0xFFFFFF90]  }
0x571: {  	v52 =	vld [tilespmem:s8+$0xFFFFFFA0]  }
0x572: {  	v53 =	vld [tilespmem:s13+$0xFFFFFFA0]  }
0x573: {  	v54 =	vld [tilespmem:s8+$0xFFFFFFB0]  }
0x574: {  	v55 =	vld [tilespmem:s13+$0xFFFFFFB0]  }
0x575: {  	v56 =	vld [tilespmem:s8+$0xFFFFFFC0]  }
0x576: {  	v57 =	vld [tilespmem:s13+$0xFFFFFFC0]  }
0x577: {  	v58 =	vld [tilespmem:s8+$0xFFFFFFD0]  }
0x578: {  	v59 =	vld [tilespmem:s13+$0xFFFFFFD0]  }
0x579: {  	v60 =	vld [tilespmem:s8+$0xFFFFFFE0]  }
0x57a: {  	v61 =	vld [tilespmem:s13+$0xFFFFFFE0]  }
0x57b: {  	v18 =	vmul.f32 v19, v18;
	v19 =	vmul.f32 v21, v20;
	v20 =	vld [tilespmem:s8+$0xFFFFFFF0]  }
0x57c: {  	v21 =	vmul.f32 v23, v22;
	v22 =	vmul.f32 v25, v24;
	v23 =	vld [tilespmem:s13+$0xFFFFFFF0]  }
0x57d: {  	v24 =	vmul.f32 v27, v26;
	v25 =	vmul.f32 v29, v28;
	v26 =	vld [tilespmem:s8+$0x0]  }
0x57e: {  	v27 =	vmul.f32 v31, v30;
	v28 =	vmul.f32 v33, v32;
	v29 =	vld [tilespmem:s13+$0x0]  }
0x57f: {  	v30 =	vld [tilespmem:s8+$0x20];
	v31 =	vmul.f32 v55, v54;
	v56 =	vmul.f32 v57, v56  }
0x580: {  	v55 =	vld [tilespmem:s13+$0x20];
	v57 =	vmul.f32 v59, v58;
	v18 =	vadd.f32 v19, v18;
	v19 =	vadd.f32 v22, v21  }
0x581: {  	v58 =	vld [tilespmem:s8+$0x30];
	v40 =	vmul.f32 v41, v40;
	v22 =	vadd.f32 v25, v24;
	v24 =	vadd.f32 v28, v27  }
0x582: {  	v62 =	vmul.f32 v39, v38;
	v21 =	vld [tilespmem:s8+$0x10];
	v28 =	vmul.f32 v51, v50  }
0x583: {  	v27 =	vld [tilespmem:s13+$0x10];
	v18 =	vadd.f32 v19, v18;
	v19 =	vmul.f32 v49, v48;
	v22 =	vadd.f32 v24, v22  }
0x584: {  	v33 =	vadd.f32 v57, v56;
	v24 =	vmul.f32 v53, v52;
	v20 =	vmul.f32 v23, v20;
	v23 =	vld [tilespmem:s13+$0x30]  }
0x585: {  	v59 =	vld [tilespmem:s13+$0x40];
	v30 =	vmul.f32 v55, v30;
	v22 =	vadd.f32 v22, v18;
	v18 =	vmul.f32 v61, v60  }
0x586: {  	v19 =	vadd.f32 v28, v19;
	v24 =	vadd.f32 v31, v24;
	v28 =	vld [tilespmem:s8+$0x40];
	v31 =	vmul.f32 v43, v42  }
0x587: {  	v60 =	vmul.f32 v47, v46;
	v61 =	vld [tilespmem:s8+$0x50];
	v18 =	vadd.f32 v20, v18;
	v20 =	vmul.f32 v45, v44  }
0x588: {  	v19 =	vadd.f32 v24, v19;
	v24 =	vmul.f32 v29, v26;
	v26 =	vmul.f32 v27, v21;
	v29 =	vld [tilespmem:s13+$0x50]  }
0x589: {  	v27 =	vadd.f32 v31, v40;
	v21 =	vld [tilespmem:s8+$0x60];
	v18 =	vadd.f32 v18, v33;
	v31 =	vmul.f32 v23, v58  }
0x58a: {  	v25 =	vmul.f32 v37, v36;
	v20 =	vadd.f32 v60, v20;
	v23 =	vld [tilespmem:s13+$0x60];
	v63 =	vadd.f32 v26, v24  }
0x58b: {  	s26 =	simm.s32 $0x8900;
	v24 =	vld [tilespmem:s8+$0x70];
	v33 =	vadd.f32 v18, v19;
	v30 =	vadd.f32 v31, v30  }
0x58c: {  	s21 =	sshll.u32 s7, $0x4;
	[tilespmem:s26+$0x80] =	vst v22;
	v26 =	vmul.f32 v59, v28;
	v18 =	vmul.f32 v35, v34;
	v19 =	vadd.f32 v62, v25;
	v25 =	vld [tilespmem:s13+$0x70]  }
0x58d: {  	s9 =	simm.s32 $0x0;
	s10 =	sadd.s32 $0x200, s8;
	s11 =	smov.u32 s13;
	v20 =	vadd.f32 v20, v27;
	v27 =	vld [tilespmem:s8+$0xFFFFFF00];
	v28 =	vmul.f32 v29, v61;
	[tilespmem:s26+$0xFFFFFF80] =	vst v33;
	v22 =	vadd.f32 v30, v63  }
.LBB2_27:
0x58e: {  	v29 =	vld [tilespmem:s10+$0x80];
	s11 =	sadd.s32 $0x200, s11  }
0x58f: {  	v30 =	vld [tilespmem:s11+$0x80];
	v21 =	vmul.f32 v23, v21;
	v23 =	vadd.f32 v28, v26  }
0x590: {  	v26 =	vld [tilespmem:s10+$0x90]  }
0x591: {  	v28 =	vld [tilespmem:s11+$0x90];
	v24 =	vmul.f32 v25, v24  }
0x592: {  	v25 =	vld [tilespmem:s10+$0xA0];
	v17 =	vmul.f32 v17, v27  }
0x593: {  	v27 =	vld [tilespmem:s11+$0xA0];
	v21 =	vadd.f32 v24, v21  }
0x594: {  	v24 =	vld [tilespmem:s10+$0xB0];
	v17 =	vadd.f32 v18, v17  }
0x595: {  	v18 =	vld [tilespmem:s11+$0xB0];
	v21 =	vadd.f32 v21, v23  }
0x596: {  	v23 =	vld [tilespmem:s10+$0xC0];
	v17 =	vadd.f32 v19, v17  }
0x597: {  	v19 =	vld [tilespmem:s11+$0xC0];
	v21 =	vadd.f32 v21, v22  }
0x598: {  	v22 =	vld [tilespmem:s10+$0xD0];
	v17 =	vadd.f32 v20, v17  }
0x599: {  	v20 =	vld [tilespmem:s11+$0xD0];
	[tilespmem:s26+$0x0] =	vst v21  }
0x59a: {  	v21 =	vld [tilespmem:s10+$0xE0];
	[tilespmem:s26+$0xFFFFFF00] =	vst v17  }
0x59b: {  	v31 =	vld [tilespmem:s11+$0xE0]  }
0x59c: {  	v32 =	vld [tilespmem:s10+$0xF0]  }
0x59d: {  	s9 =	sadd.s32 $0x4, s9;
	v33 =	vld [tilespmem:s11+$0xF0]  }
0x59e: {  	p0 =	slt.u32 s9, $0xC;
	v17 =	vld [tilespmem:s11+$0xFFFFFF00]  }
0x59f: {  	v29 =	vmul.f32 v30, v29;
	v26 =	vmul.f32 v28, v26;
	v34 =	vld [tilespmem:s10+$0xFFFFFF10]  }
0x5a0: {  	v25 =	vmul.f32 v27, v25;
	v18 =	vmul.f32 v18, v24;
	v28 =	vld [tilespmem:s11+$0xFFFFFF10]  }
0x5a1: {  	v19 =	vmul.f32 v19, v23;
	v20 =	vmul.f32 v20, v22;
	v24 =	vld [tilespmem:s10+$0xFFFFFF20]  }
0x5a2: {  	v21 =	vmul.f32 v31, v21;
	v22 =	vld [tilespmem:s11+$0xFFFFFF20];
	v23 =	vmul.f32 v33, v32  }
0x5a3: {  	v26 =	vadd.f32 v26, v29;
	v25 =	vadd.f32 v18, v25;
	v27 =	vld [tilespmem:s10+$0xFFFFFF30]  }
0x5a4: {  	v19 =	vadd.f32 v20, v19;
	v29 =	vld [tilespmem:s11+$0xFFFFFF30];
	v20 =	vadd.f32 v23, v21  }
0x5a5: {  	v18 =	vmul.f32 v28, v34;
	v21 =	vld [tilespmem:s10+$0xFFFFFF40]  }
0x5a6: {  	v25 =	vadd.f32 v25, v26;
	v23 =	vld [tilespmem:s11+$0xFFFFFF40];
	v19 =	vadd.f32 v20, v19  }
0x5a7: {  	v20 =	vmul.f32 v22, v24;
	v22 =	vld [tilespmem:s10+$0xFFFFFF50]  }
0x5a8: {  	v24 =	vld [tilespmem:s11+$0xFFFFFF50];
	v19 =	vadd.f32 v19, v25  }
0x5a9: {  	s26 =	sadd.s32 $0x200, s26;
	v25 =	vmul.f32 v29, v27;
	v26 =	vld [tilespmem:s10+$0xFFFFFF60]  }
0x5aa: {  	v27 =	vld [tilespmem:s11+$0xFFFFFF60];
	[tilespmem:s26+$0x80] =	vst v19  }
0x5ab: {  	v21 =	vmul.f32 v23, v21;
	v23 =	vld [tilespmem:s10+$0xFFFFFF70];
	v19 =	vadd.f32 v25, v20  }
0x5ac: {  	v20 =	vld [tilespmem:s11+$0xFFFFFF70]  }
0x5ad: {  	v22 =	vmul.f32 v24, v22;
	v24 =	vld [tilespmem:s10+$0xFFFFFF80]  }
0x5ae: {  	v25 =	vld [tilespmem:s11+$0xFFFFFF80]  }
0x5af: {  	v26 =	vmul.f32 v27, v26;
	v21 =	vadd.f32 v22, v21;
	v22 =	vld [tilespmem:s10+$0xFFFFFF90]  }
0x5b0: {  	v27 =	vld [tilespmem:s11+$0xFFFFFF90]  }
0x5b1: {  	v20 =	vmul.f32 v20, v23;
	v23 =	vld [tilespmem:s10+$0xFFFFFFA0]  }
0x5b2: {  	v28 =	vld [tilespmem:s11+$0xFFFFFFA0]  }
0x5b3: {  	v20 =	vadd.f32 v20, v26;
	v24 =	vmul.f32 v25, v24;
	v25 =	vld [tilespmem:s10+$0xFFFFFFB0]  }
0x5b4: {  	v26 =	vld [tilespmem:s11+$0xFFFFFFB0]  }
0x5b5: {  	v20 =	vadd.f32 v20, v21;
	v21 =	vmul.f32 v27, v22;
	v22 =	vld [tilespmem:s10+$0xFFFFFFC0]  }
0x5b6: {  	v27 =	vld [tilespmem:s11+$0xFFFFFFC0]  }
0x5b7: {  	v23 =	vmul.f32 v28, v23;
	v28 =	vld [tilespmem:s10+$0xFFFFFFD0];
	v21 =	vadd.f32 v21, v24  }
0x5b8: {  	v24 =	vld [tilespmem:s11+$0xFFFFFFD0]  }
0x5b9: {  	v25 =	vmul.f32 v26, v25;
	v26 =	vld [tilespmem:s10+$0xFFFFFFE0]  }
0x5ba: {  	v29 =	vld [tilespmem:s11+$0xFFFFFFE0]  }
0x5bb: {  	v22 =	vmul.f32 v27, v22;
	v27 =	vld [tilespmem:s10+$0xFFFFFFF0];
	v23 =	vadd.f32 v25, v23  }
0x5bc: {  	v25 =	vld [tilespmem:s11+$0xFFFFFFF0]  }
0x5bd: {  	v24 =	vmul.f32 v24, v28;
	v21 =	vadd.f32 v23, v21;
	v23 =	vld [tilespmem:s10+$0x0]  }
0x5be: {  	v28 =	vld [tilespmem:s11+$0x0]  }
0x5bf: {  	v26 =	vmul.f32 v29, v26;
	v22 =	vadd.f32 v24, v22;
	v24 =	vld [tilespmem:s10+$0x10]  }
0x5c0: {  	v29 =	vld [tilespmem:s11+$0x10]  }
0x5c1: {  	v25 =	vmul.f32 v25, v27;
	v27 =	vld [tilespmem:s10+$0x20]  }
0x5c2: {  	v30 =	vld [tilespmem:s11+$0x20]  }
0x5c3: {  	v25 =	vadd.f32 v25, v26;
	v23 =	vmul.f32 v28, v23;
	v26 =	vld [tilespmem:s10+$0x30]  }
0x5c4: {  	v28 =	vld [tilespmem:s11+$0x30]  }
0x5c5: {  	v22 =	vadd.f32 v25, v22;
	v24 =	vmul.f32 v29, v24;
	v25 =	vld [tilespmem:s10+$0x40]  }
0x5c6: {  	v29 =	vld [tilespmem:s11+$0x40]  }
0x5c7: {  	v21 =	vadd.f32 v22, v21;
	v22 =	vmul.f32 v30, v27;
	v30 =	vld [tilespmem:s10+$0x50];
	v31 =	vadd.f32 v24, v23  }
0x5c8: {  	v32 =	vld [tilespmem:s11+$0x50]  }
.Ltmp12:
0x5c9: {  	[tilespmem:s26+$0xFFFFFF80] =	vst v21;
	v27 =	vmul.f32 v28, v26;
	v21 =	vld [tilespmem:s10+$0x60];
	(pc) =	sbr.rel @p0 .LBB2_27-.Ltmp12, $4  }
0x5ca: {  	v23 =	vld [tilespmem:s11+$0x60]  }
0x5cb: {  	v26 =	vmul.f32 v29, v25;
	v24 =	vld [tilespmem:s10+$0x70];
	v22 =	vadd.f32 v27, v22  }
0x5cc: {  	v25 =	vld [tilespmem:s11+$0x70]  }
0x5cd: {  	v27 =	vld [tilespmem:s10+$0xFFFFFF00];
	v28 =	vmul.f32 v32, v30;
	v22 =	vadd.f32 v22, v31;
	s10 =	sadd.s32 $0x200, s10  }
0x5ce: {  	_ =	sdelay $0x2  }
0x5cf: {  	v21 =	vmul.f32 v23, v21;
	v42 =	vmul.f32 v25, v24  }
0x5d0: {  	v17 =	vmul.f32 v17, v27  }
0x5d1: {  	v43 =	vadd.f32 v28, v26;
	v21 =	vadd.f32 v42, v21  }
0x5d2: {  	v17 =	vadd.f32 v18, v17  }
0x5d3: {  	v18 =	vadd.f32 v21, v43  }
0x5d4: {  	v17 =	vadd.f32 v19, v17  }
0x5d5: {  	v18 =	vadd.f32 v18, v22  }
0x5d6: {  	v17 =	vadd.f32 v20, v17  }
0x5d7: {  	[tilespmem:s26+$0x0] =	vst v18  }
0x5d8: {  	[tilespmem:s26+$0xFFFFFF00] =	vst v17  }
0x5d9: {  	v17 =	vld [tilespmem:s21+$0x580];
	_ =	sdelay $0x4  }
0x5da: {  	v18 =	vand.u32 $0x7FFFFF, v17  }
0x5db: {  	v18 =	vor.u32 $0x3F800000, v18  }
0x5dc: {  	v19 =	vadd.f32 $1.000000000e+00, v18;
	_ =	sdelay $0x1  }
0x5dd: {  	(erf) = vrcp.f32 v19;
	_ =	sdelay $0x7  }
0x5de: {  	v18 =	vadd.f32 $-1.000000000e+00, v18  }
0x5df: {  	v19 =	vpop (erf)  }
0x5e0: {  	v18 =	vmul.f32 v19, v18;
	_ =	sdelay $0x1  }
0x5e1: {  	v19 =	vmul.f32 v18, v18  }
0x5e2: {  	v44 =	vld.idx.msk [tilespmem:v1+s25+$0x0], $0xffff  }
0x5e3: {  	v45 =	vld.idx.msk [tilespmem:v2+s25+$0x0], $0xffff;
	v46 =	vmul.f32 $1.428571490e-01, v19  }
0x5e4: {  	v47 =	vld.idx.msk [tilespmem:v3+s25+$0x0], $0xffff  }
0x5e5: {  	v48 =	vld.idx.msk [tilespmem:v4+s25+$0x0], $0xffff;
	v22 =	vadd.f32 $2.000000030e-01, v46  }
0x5e6: {  	v49 =	vld.idx.msk [tilespmem:v5+s25+$0x0], $0xffff  }
0x5e7: {  	v50 =	vld.idx.msk [tilespmem:v6+s25+$0x0], $0xffff;
	v22 =	vmul.f32 v22, v19  }
0x5e8: {  	v51 =	vld.idx.msk [tilespmem:v7+s25+$0x0], $0xffff  }
0x5e9: {  	v52 =	vld.idx.msk [tilespmem:v8+s25+$0x0], $0xffff;
	v22 =	vadd.f32 $3.333333430e-01, v22  }
0x5ea: {  	v29 =	vld.idx.msk [tilespmem:v9+s25+$0x0], $0xffff  }
0x5eb: {  	v30 =	vld.idx.msk [tilespmem:v10+s25+$0x0], $0xffff;
	v17 =	vshra.s32 v17, $0x17;
	v19 =	vmul.f32 v22, v19  }
0x5ec: {  	v53 =	vld.idx.msk [tilespmem:v11+s25+$0x0], $0xffff;
	v17 =	vadd.s32 $0xFFFFFF81, v17  }
0x5ed: {  	v31 =	vld.idx.msk [tilespmem:v12+s25+$0x0], $0xffff;
	v17 =	vcvt.s32.f32 v17;
	v18 =	vadd.f32 v18, v18;
	v19 =	vadd.f32 $1.000000000e+00, v19  }
0x5ee: {  	v32 =	vld.idx.msk [tilespmem:v13+s25+$0x0], $0xffff  }
0x5ef: {  	v33 =	vld.idx.msk [tilespmem:v14+s25+$0x0], $0xffff;
	v17 =	vmul.f32 $6.931471820e-01, v17;
	v18 =	vmul.f32 v19, v18  }
0x5f0: {  	v19 =	vld.idx.msk [tilespmem:v15+s25+$0x0], $0xffff  }
0x5f1: {  	v17 =	vadd.f32 v18, v17;
	v18 =	vld.idx.msk [tilespmem:v16+s25+$0x0], $0xffff  }
0x5f2: {  	v20 =	vadd.f32 v45, v44  }
0x5f3: {  	v54 =	vadd.f32 v48, v47;
	v55 =	vadd.f32 $-4.605170250e+00, v17  }
0x5f4: {  	v56 =	vadd.f32 v50, v49;
	v57 =	vadd.f32 v52, v51  }
0x5f5: {  	v58 =	vadd.f32 v30, v29;
	v22 =	vadd.f32 v31, v53;
	v23 =	vmul.f32 $7.500000000e-01, v55  }
0x5f6: {  	v59 =	vadd.f32 v33, v32;
	v18 =	vadd.f32 v18, v19  }
0x5f7: {  	v60 =	vadd.f32 v57, v56;
	v22 =	vadd.f32 v22, v58;
	v61 =	vmul.f32 $1.442695020e+00, v23  }
0x5f8: {  	v19 =	vadd.f32 v54, v20;
	v18 =	vadd.f32 v18, v59  }
0x5f9: {  	v62 =	vld [tilespmem:s21+$0x8600];
	(erf) = vpow2.f32 v61  }
0x5fa: {  	v19 =	vadd.f32 v60, v19;
	v18 =	vadd.f32 v18, v22  }
0x5fb: {  	v63 =	vld [tilespmem:s21+$0x8700]  }
0x5fc: {  	v18 =	vadd.f32 v18, v19;
	_ =	sdelay $0x1  }
0x5fd: {  	v18 =	vadd.f32 v18, v62;
	_ =	sdelay $0x1  }
0x5fe: {  	v18 =	vadd.f32 v18, v63;
	_ =	sdelay $0x1  }
0x5ff: {  	v19 =	vpop (erf);
	v17 =	vsub.f32 v18, v17  }
0x600: {  	v18 =	vmin.f32 v19, $1.000000000e+00;
	v19 =	vld [tilespmem:$0x9000]  }
0x601: {  	s7 =	sadd.s32 $0x1, s7;
	v18 =	vmul.f32 v18, v17  }
0x602: {  	p0 =	sne.s32 s7, $0x4  }
.Ltmp13:
0x603: {  	v17 =	vmul.f32 v18, v17;
	(pc) =	sbr.rel @p0 .LBB2_26-.Ltmp13, $3  }
0x604: {  	_ = 	snop  }
0x605: {  	v17 =	vadd.f32 v17, v19;
	_ =	sdelay $0x1  }
0x606: {  	s8 =	sadd.s32 $0x800, s8;
	s13 =	sadd.s32 $0x800, s13;
	[tilespmem:$0x9000] =	vst v17  }
0x607: {  	_ =	swait.ge [sflag:s29], $0x2000  }
0x608: {  	[sflag:s29] =	ssyncset.done $0x0  }
0x609: {  	[sflag:s29] =	ssyncadd.s32 $0xFFFFE000  }
0x60a: {  	_ =	swait.ge [sflag:s29], $0x2000  }
0x60b: {  	[sflag:s29] =	ssyncset.done $0x0  }
0x60c: {  	[sflag:s29] =	ssyncadd.s32 $0xFFFFE000  }
0x60d: {  	_ =	swait.ge [sflag:s29], $0x40  }
0x60e: {  	[sflag:s29] =	ssyncset.done $0x0  }
0x60f: {  	[sflag:s29] =	ssyncadd.s32 $0xFFFFFFC0  }
0x610: {  	_ =	swait.ge [sflag:s29], $0x40  }
0x611: {  	s7 =	simm.s32 $0x0;
	[sflag:s29] =	ssyncset.done $0x0  }
0x612: {  	s8 =	simm.s32 $0x27F0;
	s13 =	simm.s32 $0x67F0;
	[sflag:s29] =	ssyncadd.s32 $0xFFFFFFC0  }
.LBB2_30:
0x613: {  	v18 =	vld [tilespmem:s8+$0xFFFFFF90]  }
0x614: {  	v19 =	vld [tilespmem:s13+$0xFFFFFF90]  }
0x615: {  	v20 =	vld [tilespmem:s8+$0xFFFFFFA0]  }
0x616: {  	v21 =	vld [tilespmem:s13+$0xFFFFFFA0]  }
0x617: {  	v22 =	vld [tilespmem:s8+$0xFFFFFFB0]  }
0x618: {  	v23 =	vld [tilespmem:s13+$0xFFFFFFB0]  }
0x619: {  	v24 =	vld [tilespmem:s8+$0xFFFFFFC0]  }
0x61a: {  	v25 =	vld [tilespmem:s13+$0xFFFFFFC0]  }
0x61b: {  	v26 =	vld [tilespmem:s8+$0xFFFFFFD0]  }
0x61c: {  	v27 =	vld [tilespmem:s13+$0xFFFFFFD0]  }
0x61d: {  	v28 =	vld [tilespmem:s8+$0xFFFFFFE0]  }
0x61e: {  	v29 =	vld [tilespmem:s13+$0xFFFFFFE0]  }
0x61f: {  	v30 =	vld [tilespmem:s8+$0xFFFFFFF0]  }
0x620: {  	v31 =	vld [tilespmem:s13+$0xFFFFFFF0]  }
0x621: {  	v32 =	vld [tilespmem:s8+$0x0]  }
0x622: {  	v33 =	vld [tilespmem:s13+$0x0]  }
0x623: {  	v17 =	vld [tilespmem:s13+$0xFFFFFE10]  }
0x624: {  	v34 =	vld [tilespmem:s8+$0xFFFFFE20]  }
0x625: {  	v35 =	vld [tilespmem:s13+$0xFFFFFE20]  }
0x626: {  	v36 =	vld [tilespmem:s8+$0xFFFFFE30]  }
0x627: {  	v37 =	vld [tilespmem:s13+$0xFFFFFE30]  }
0x628: {  	v38 =	vld [tilespmem:s8+$0xFFFFFE40]  }
0x629: {  	v39 =	vld [tilespmem:s13+$0xFFFFFE40]  }
0x62a: {  	v40 =	vld [tilespmem:s8+$0xFFFFFE50]  }
0x62b: {  	v41 =	vld [tilespmem:s13+$0xFFFFFE50]  }
0x62c: {  	v42 =	vld [tilespmem:s8+$0xFFFFFE60]  }
0x62d: {  	v43 =	vld [tilespmem:s13+$0xFFFFFE60]  }
0x62e: {  	v44 =	vld [tilespmem:s8+$0xFFFFFE70]  }
0x62f: {  	v45 =	vld [tilespmem:s13+$0xFFFFFE70]  }
0x630: {  	v46 =	vld [tilespmem:s8+$0xFFFFFE80]  }
0x631: {  	v47 =	vld [tilespmem:s13+$0xFFFFFE80]  }
0x632: {  	v48 =	vld [tilespmem:s8+$0xFFFFFE90]  }
0x633: {  	v49 =	vld [tilespmem:s13+$0xFFFFFE90]  }
0x634: {  	v50 =	vld [tilespmem:s8+$0xFFFFFEA0]  }
0x635: {  	v51 =	vld [tilespmem:s13+$0xFFFFFEA0]  }
0x636: {  	v52 =	vld [tilespmem:s8+$0xFFFFFEB0]  }
0x637: {  	v53 =	vld [tilespmem:s13+$0xFFFFFEB0]  }
0x638: {  	v54 =	vld [tilespmem:s8+$0xFFFFFEC0]  }
0x639: {  	v55 =	vld [tilespmem:s13+$0xFFFFFEC0]  }
0x63a: {  	v56 =	vld [tilespmem:s8+$0xFFFFFED0]  }
0x63b: {  	v57 =	vld [tilespmem:s13+$0xFFFFFED0]  }
0x63c: {  	v58 =	vld [tilespmem:s8+$0xFFFFFEE0]  }
0x63d: {  	v59 =	vld [tilespmem:s13+$0xFFFFFEE0]  }
0x63e: {  	v60 =	vld [tilespmem:s8+$0xFFFFFEF0]  }
0x63f: {  	v61 =	vld [tilespmem:s13+$0xFFFFFEF0]  }
0x640: {  	v18 =	vmul.f32 v19, v18;
	v19 =	vmul.f32 v21, v20;
	v20 =	vld [tilespmem:s8+$0xFFFFFF00]  }
0x641: {  	v21 =	vmul.f32 v23, v22;
	v22 =	vmul.f32 v25, v24;
	v23 =	vld [tilespmem:s13+$0xFFFFFF00]  }
0x642: {  	v24 =	vmul.f32 v27, v26;
	v25 =	vmul.f32 v29, v28;
	v26 =	vld [tilespmem:s8+$0xFFFFFF10]  }
0x643: {  	v27 =	vmul.f32 v31, v30;
	v28 =	vmul.f32 v33, v32;
	v29 =	vld [tilespmem:s13+$0xFFFFFF10]  }
0x644: {  	v30 =	vld [tilespmem:s8+$0xFFFFFF30];
	v31 =	vmul.f32 v55, v54;
	v56 =	vmul.f32 v57, v56  }
0x645: {  	v55 =	vld [tilespmem:s13+$0xFFFFFF30];
	v57 =	vmul.f32 v59, v58;
	v18 =	vadd.f32 v19, v18;
	v19 =	vadd.f32 v22, v21  }
0x646: {  	v58 =	vld [tilespmem:s8+$0xFFFFFF40];
	v40 =	vmul.f32 v41, v40;
	v22 =	vadd.f32 v25, v24;
	v24 =	vadd.f32 v28, v27  }
0x647: {  	v62 =	vmul.f32 v39, v38;
	v21 =	vld [tilespmem:s8+$0xFFFFFF20];
	v28 =	vmul.f32 v51, v50  }
0x648: {  	v27 =	vld [tilespmem:s13+$0xFFFFFF20];
	v18 =	vadd.f32 v19, v18;
	v19 =	vmul.f32 v49, v48;
	v22 =	vadd.f32 v24, v22  }
0x649: {  	v33 =	vadd.f32 v57, v56;
	v24 =	vmul.f32 v53, v52;
	v20 =	vmul.f32 v23, v20;
	v23 =	vld [tilespmem:s13+$0xFFFFFF40]  }
0x64a: {  	v59 =	vld [tilespmem:s13+$0xFFFFFF50];
	v30 =	vmul.f32 v55, v30;
	v22 =	vadd.f32 v22, v18;
	v18 =	vmul.f32 v61, v60  }
0x64b: {  	v19 =	vadd.f32 v28, v19;
	v24 =	vadd.f32 v31, v24;
	v28 =	vld [tilespmem:s8+$0xFFFFFF50];
	v31 =	vmul.f32 v43, v42  }
0x64c: {  	v60 =	vmul.f32 v47, v46;
	v61 =	vld [tilespmem:s8+$0xFFFFFF60];
	v18 =	vadd.f32 v20, v18;
	v20 =	vmul.f32 v45, v44  }
0x64d: {  	v19 =	vadd.f32 v24, v19;
	v24 =	vmul.f32 v29, v26;
	v26 =	vmul.f32 v27, v21;
	v29 =	vld [tilespmem:s13+$0xFFFFFF60]  }
0x64e: {  	v27 =	vadd.f32 v31, v40;
	v21 =	vld [tilespmem:s8+$0xFFFFFF70];
	v18 =	vadd.f32 v18, v33;
	v31 =	vmul.f32 v23, v58  }
0x64f: {  	v25 =	vmul.f32 v37, v36;
	v20 =	vadd.f32 v60, v20;
	v23 =	vld [tilespmem:s13+$0xFFFFFF70];
	v63 =	vadd.f32 v26, v24  }
0x650: {  	s26 =	simm.s32 $0x8900;
	v24 =	vld [tilespmem:s8+$0xFFFFFF80];
	v33 =	vadd.f32 v18, v19;
	v30 =	vadd.f32 v31, v30  }
0x651: {  	s21 =	sshll.u32 s7, $0x4;
	[tilespmem:s26+$0x80] =	vst v22;
	v26 =	vmul.f32 v59, v28;
	v18 =	vmul.f32 v35, v34;
	v19 =	vadd.f32 v62, v25;
	v25 =	vld [tilespmem:s13+$0xFFFFFF80]  }
0x652: {  	s9 =	simm.s32 $0x0;
	s10 =	sadd.s32 $0x200, s8;
	s11 =	smov.u32 s13;
	v20 =	vadd.f32 v20, v27;
	v27 =	vld [tilespmem:s8+$0xFFFFFE10];
	v28 =	vmul.f32 v29, v61;
	[tilespmem:s26+$0xFFFFFF80] =	vst v33;
	v22 =	vadd.f32 v30, v63  }
.LBB2_31:
0x653: {  	v29 =	vld [tilespmem:s10+$0xFFFFFF90];
	s11 =	sadd.s32 $0x200, s11  }
0x654: {  	v30 =	vld [tilespmem:s11+$0xFFFFFF90];
	v21 =	vmul.f32 v23, v21;
	v23 =	vadd.f32 v28, v26  }
0x655: {  	v26 =	vld [tilespmem:s10+$0xFFFFFFA0]  }
0x656: {  	v28 =	vld [tilespmem:s11+$0xFFFFFFA0];
	v24 =	vmul.f32 v25, v24  }
0x657: {  	v25 =	vld [tilespmem:s10+$0xFFFFFFB0];
	v17 =	vmul.f32 v17, v27  }
0x658: {  	v27 =	vld [tilespmem:s11+$0xFFFFFFB0];
	v21 =	vadd.f32 v24, v21  }
0x659: {  	v24 =	vld [tilespmem:s10+$0xFFFFFFC0];
	v17 =	vadd.f32 v18, v17  }
0x65a: {  	v18 =	vld [tilespmem:s11+$0xFFFFFFC0];
	v21 =	vadd.f32 v21, v23  }
0x65b: {  	v23 =	vld [tilespmem:s10+$0xFFFFFFD0];
	v17 =	vadd.f32 v19, v17  }
0x65c: {  	v19 =	vld [tilespmem:s11+$0xFFFFFFD0];
	v21 =	vadd.f32 v21, v22  }
0x65d: {  	v22 =	vld [tilespmem:s10+$0xFFFFFFE0];
	v17 =	vadd.f32 v20, v17  }
0x65e: {  	v20 =	vld [tilespmem:s11+$0xFFFFFFE0];
	[tilespmem:s26+$0x0] =	vst v21  }
0x65f: {  	v21 =	vld [tilespmem:s10+$0xFFFFFFF0];
	[tilespmem:s26+$0xFFFFFF00] =	vst v17  }
0x660: {  	v31 =	vld [tilespmem:s11+$0xFFFFFFF0]  }
0x661: {  	v32 =	vld [tilespmem:s10+$0x0]  }
0x662: {  	s9 =	sadd.s32 $0x4, s9;
	v33 =	vld [tilespmem:s11+$0x0]  }
0x663: {  	p0 =	slt.u32 s9, $0xC;
	v17 =	vld [tilespmem:s11+$0xFFFFFE10]  }
0x664: {  	v29 =	vmul.f32 v30, v29;
	v26 =	vmul.f32 v28, v26;
	v34 =	vld [tilespmem:s10+$0xFFFFFE20]  }
0x665: {  	v25 =	vmul.f32 v27, v25;
	v18 =	vmul.f32 v18, v24;
	v28 =	vld [tilespmem:s11+$0xFFFFFE20]  }
0x666: {  	v19 =	vmul.f32 v19, v23;
	v20 =	vmul.f32 v20, v22;
	v24 =	vld [tilespmem:s10+$0xFFFFFE30]  }
0x667: {  	v21 =	vmul.f32 v31, v21;
	v22 =	vld [tilespmem:s11+$0xFFFFFE30];
	v23 =	vmul.f32 v33, v32  }
0x668: {  	v26 =	vadd.f32 v26, v29;
	v25 =	vadd.f32 v18, v25;
	v27 =	vld [tilespmem:s10+$0xFFFFFE40]  }
0x669: {  	v19 =	vadd.f32 v20, v19;
	v29 =	vld [tilespmem:s11+$0xFFFFFE40];
	v20 =	vadd.f32 v23, v21  }
0x66a: {  	v18 =	vmul.f32 v28, v34;
	v21 =	vld [tilespmem:s10+$0xFFFFFE50]  }
0x66b: {  	v25 =	vadd.f32 v25, v26;
	v23 =	vld [tilespmem:s11+$0xFFFFFE50];
	v19 =	vadd.f32 v20, v19  }
0x66c: {  	v20 =	vmul.f32 v22, v24;
	v22 =	vld [tilespmem:s10+$0xFFFFFE60]  }
0x66d: {  	v24 =	vld [tilespmem:s11+$0xFFFFFE60];
	v19 =	vadd.f32 v19, v25  }
0x66e: {  	s26 =	sadd.s32 $0x200, s26;
	v25 =	vmul.f32 v29, v27;
	v26 =	vld [tilespmem:s10+$0xFFFFFE70]  }
0x66f: {  	v27 =	vld [tilespmem:s11+$0xFFFFFE70];
	[tilespmem:s26+$0x80] =	vst v19  }
0x670: {  	v21 =	vmul.f32 v23, v21;
	v23 =	vld [tilespmem:s10+$0xFFFFFE80];
	v19 =	vadd.f32 v25, v20  }
0x671: {  	v20 =	vld [tilespmem:s11+$0xFFFFFE80]  }
0x672: {  	v22 =	vmul.f32 v24, v22;
	v24 =	vld [tilespmem:s10+$0xFFFFFE90]  }
0x673: {  	v25 =	vld [tilespmem:s11+$0xFFFFFE90]  }
0x674: {  	v26 =	vmul.f32 v27, v26;
	v21 =	vadd.f32 v22, v21;
	v22 =	vld [tilespmem:s10+$0xFFFFFEA0]  }
0x675: {  	v27 =	vld [tilespmem:s11+$0xFFFFFEA0]  }
0x676: {  	v20 =	vmul.f32 v20, v23;
	v23 =	vld [tilespmem:s10+$0xFFFFFEB0]  }
0x677: {  	v28 =	vld [tilespmem:s11+$0xFFFFFEB0]  }
0x678: {  	v20 =	vadd.f32 v20, v26;
	v24 =	vmul.f32 v25, v24;
	v25 =	vld [tilespmem:s10+$0xFFFFFEC0]  }
0x679: {  	v26 =	vld [tilespmem:s11+$0xFFFFFEC0]  }
0x67a: {  	v20 =	vadd.f32 v20, v21;
	v21 =	vmul.f32 v27, v22;
	v22 =	vld [tilespmem:s10+$0xFFFFFED0]  }
0x67b: {  	v27 =	vld [tilespmem:s11+$0xFFFFFED0]  }
0x67c: {  	v23 =	vmul.f32 v28, v23;
	v28 =	vld [tilespmem:s10+$0xFFFFFEE0];
	v21 =	vadd.f32 v21, v24  }
0x67d: {  	v24 =	vld [tilespmem:s11+$0xFFFFFEE0]  }
0x67e: {  	v25 =	vmul.f32 v26, v25;
	v26 =	vld [tilespmem:s10+$0xFFFFFEF0]  }
0x67f: {  	v29 =	vld [tilespmem:s11+$0xFFFFFEF0]  }
0x680: {  	v22 =	vmul.f32 v27, v22;
	v27 =	vld [tilespmem:s10+$0xFFFFFF00];
	v23 =	vadd.f32 v25, v23  }
0x681: {  	v25 =	vld [tilespmem:s11+$0xFFFFFF00]  }
0x682: {  	v24 =	vmul.f32 v24, v28;
	v21 =	vadd.f32 v23, v21;
	v23 =	vld [tilespmem:s10+$0xFFFFFF10]  }
0x683: {  	v28 =	vld [tilespmem:s11+$0xFFFFFF10]  }
0x684: {  	v26 =	vmul.f32 v29, v26;
	v22 =	vadd.f32 v24, v22;
	v24 =	vld [tilespmem:s10+$0xFFFFFF20]  }
0x685: {  	v29 =	vld [tilespmem:s11+$0xFFFFFF20]  }
0x686: {  	v25 =	vmul.f32 v25, v27;
	v27 =	vld [tilespmem:s10+$0xFFFFFF30]  }
0x687: {  	v30 =	vld [tilespmem:s11+$0xFFFFFF30]  }
0x688: {  	v25 =	vadd.f32 v25, v26;
	v23 =	vmul.f32 v28, v23;
	v26 =	vld [tilespmem:s10+$0xFFFFFF40]  }
0x689: {  	v28 =	vld [tilespmem:s11+$0xFFFFFF40]  }
0x68a: {  	v22 =	vadd.f32 v25, v22;
	v24 =	vmul.f32 v29, v24;
	v25 =	vld [tilespmem:s10+$0xFFFFFF50]  }
0x68b: {  	v29 =	vld [tilespmem:s11+$0xFFFFFF50]  }
0x68c: {  	v21 =	vadd.f32 v22, v21;
	v22 =	vmul.f32 v30, v27;
	v30 =	vld [tilespmem:s10+$0xFFFFFF60];
	v31 =	vadd.f32 v24, v23  }
0x68d: {  	v32 =	vld [tilespmem:s11+$0xFFFFFF60]  }
.Ltmp14:
0x68e: {  	[tilespmem:s26+$0xFFFFFF80] =	vst v21;
	v27 =	vmul.f32 v28, v26;
	v21 =	vld [tilespmem:s10+$0xFFFFFF70];
	(pc) =	sbr.rel @p0 .LBB2_31-.Ltmp14, $4  }
0x68f: {  	v23 =	vld [tilespmem:s11+$0xFFFFFF70]  }
0x690: {  	v26 =	vmul.f32 v29, v25;
	v24 =	vld [tilespmem:s10+$0xFFFFFF80];
	v22 =	vadd.f32 v27, v22  }
0x691: {  	v25 =	vld [tilespmem:s11+$0xFFFFFF80]  }
0x692: {  	v27 =	vld [tilespmem:s10+$0xFFFFFE10];
	v28 =	vmul.f32 v32, v30;
	v22 =	vadd.f32 v22, v31;
	s10 =	sadd.s32 $0x200, s10  }
0x693: {  	_ =	sdelay $0x2  }
0x694: {  	v21 =	vmul.f32 v23, v21;
	v42 =	vmul.f32 v25, v24  }
0x695: {  	v17 =	vmul.f32 v17, v27  }
0x696: {  	v43 =	vadd.f32 v28, v26;
	v21 =	vadd.f32 v42, v21  }
0x697: {  	v17 =	vadd.f32 v18, v17  }
0x698: {  	v18 =	vadd.f32 v21, v43  }
0x699: {  	v17 =	vadd.f32 v19, v17  }
0x69a: {  	v18 =	vadd.f32 v18, v22  }
0x69b: {  	v17 =	vadd.f32 v20, v17  }
0x69c: {  	[tilespmem:s26+$0x0] =	vst v18  }
0x69d: {  	[tilespmem:s26+$0xFFFFFF00] =	vst v17  }
0x69e: {  	v17 =	vld [tilespmem:s21+$0x5C0];
	_ =	sdelay $0x4  }
0x69f: {  	v18 =	vand.u32 $0x7FFFFF, v17  }
0x6a0: {  	v18 =	vor.u32 $0x3F800000, v18  }
0x6a1: {  	v19 =	vadd.f32 $1.000000000e+00, v18;
	_ =	sdelay $0x1  }
0x6a2: {  	(erf) = vrcp.f32 v19;
	_ =	sdelay $0x7  }
0x6a3: {  	v18 =	vadd.f32 $-1.000000000e+00, v18  }
0x6a4: {  	v19 =	vpop (erf)  }
0x6a5: {  	v18 =	vmul.f32 v19, v18;
	_ =	sdelay $0x1  }
0x6a6: {  	v19 =	vmul.f32 v18, v18  }
0x6a7: {  	v44 =	vld.idx.msk [tilespmem:v1+s25+$0x0], $0xffff  }
0x6a8: {  	v45 =	vld.idx.msk [tilespmem:v2+s25+$0x0], $0xffff;
	v46 =	vmul.f32 $1.428571490e-01, v19  }
0x6a9: {  	v47 =	vld.idx.msk [tilespmem:v3+s25+$0x0], $0xffff  }
0x6aa: {  	v48 =	vld.idx.msk [tilespmem:v4+s25+$0x0], $0xffff;
	v22 =	vadd.f32 $2.000000030e-01, v46  }
0x6ab: {  	v49 =	vld.idx.msk [tilespmem:v5+s25+$0x0], $0xffff  }
0x6ac: {  	v50 =	vld.idx.msk [tilespmem:v6+s25+$0x0], $0xffff;
	v22 =	vmul.f32 v22, v19  }
0x6ad: {  	v51 =	vld.idx.msk [tilespmem:v7+s25+$0x0], $0xffff  }
0x6ae: {  	v52 =	vld.idx.msk [tilespmem:v8+s25+$0x0], $0xffff;
	v22 =	vadd.f32 $3.333333430e-01, v22  }
0x6af: {  	v29 =	vld.idx.msk [tilespmem:v9+s25+$0x0], $0xffff  }
0x6b0: {  	v30 =	vld.idx.msk [tilespmem:v10+s25+$0x0], $0xffff;
	v17 =	vshra.s32 v17, $0x17;
	v19 =	vmul.f32 v22, v19  }
0x6b1: {  	v53 =	vld.idx.msk [tilespmem:v11+s25+$0x0], $0xffff;
	v17 =	vadd.s32 $0xFFFFFF81, v17  }
0x6b2: {  	v31 =	vld.idx.msk [tilespmem:v12+s25+$0x0], $0xffff;
	v17 =	vcvt.s32.f32 v17;
	v18 =	vadd.f32 v18, v18;
	v19 =	vadd.f32 $1.000000000e+00, v19  }
0x6b3: {  	v32 =	vld.idx.msk [tilespmem:v13+s25+$0x0], $0xffff  }
0x6b4: {  	v33 =	vld.idx.msk [tilespmem:v14+s25+$0x0], $0xffff;
	v17 =	vmul.f32 $6.931471820e-01, v17;
	v18 =	vmul.f32 v19, v18  }
0x6b5: {  	v19 =	vld.idx.msk [tilespmem:v15+s25+$0x0], $0xffff  }
0x6b6: {  	v17 =	vadd.f32 v18, v17;
	v18 =	vld.idx.msk [tilespmem:v16+s25+$0x0], $0xffff  }
0x6b7: {  	v20 =	vadd.f32 v45, v44  }
0x6b8: {  	v54 =	vadd.f32 v48, v47;
	v55 =	vadd.f32 $-4.605170250e+00, v17  }
0x6b9: {  	v56 =	vadd.f32 v50, v49;
	v57 =	vadd.f32 v52, v51  }
0x6ba: {  	v58 =	vadd.f32 v30, v29;
	v22 =	vadd.f32 v31, v53;
	v23 =	vmul.f32 $7.500000000e-01, v55  }
0x6bb: {  	v59 =	vadd.f32 v33, v32;
	v18 =	vadd.f32 v18, v19  }
0x6bc: {  	v60 =	vadd.f32 v57, v56;
	v22 =	vadd.f32 v22, v58;
	v61 =	vmul.f32 $1.442695020e+00, v23  }
0x6bd: {  	v19 =	vadd.f32 v54, v20;
	v18 =	vadd.f32 v18, v59  }
0x6be: {  	v62 =	vld [tilespmem:s21+$0x8680];
	(erf) = vpow2.f32 v61  }
0x6bf: {  	v19 =	vadd.f32 v60, v19;
	v18 =	vadd.f32 v18, v22  }
0x6c0: {  	v63 =	vld [tilespmem:s21+$0x8780]  }
0x6c1: {  	v18 =	vadd.f32 v18, v19;
	_ =	sdelay $0x1  }
0x6c2: {  	v18 =	vadd.f32 v18, v62;
	_ =	sdelay $0x1  }
0x6c3: {  	v18 =	vadd.f32 v18, v63;
	_ =	sdelay $0x1  }
0x6c4: {  	v19 =	vpop (erf);
	v17 =	vsub.f32 v18, v17  }
0x6c5: {  	v18 =	vmin.f32 v19, $1.000000000e+00;
	v19 =	vld [tilespmem:$0x9000]  }
0x6c6: {  	s7 =	sadd.s32 $0x1, s7;
	v18 =	vmul.f32 v18, v17  }
0x6c7: {  	p0 =	sne.s32 s7, $0x4  }
.Ltmp15:
0x6c8: {  	v17 =	vmul.f32 v18, v17;
	(pc) =	sbr.rel @p0 .LBB2_30-.Ltmp15, $3  }
0x6c9: {  	_ = 	snop  }
0x6ca: {  	v17 =	vadd.f32 v17, v19;
	_ =	sdelay $0x1  }
0x6cb: {  	s8 =	sadd.s32 $0x800, s8;
	s13 =	sadd.s32 $0x800, s13;
	[tilespmem:$0x9000] =	vst v17  }
0x6cc: {  	s7 =	rddreg [dreg:$0xc];
	s8 =	simm.s32 $0x9000  }
0x6cd: {  	[hbm4b:s7+s6] =	stream.linear.scatter [tilespmem:s8], [sflag:$0x3], $0x80, $0x38;
	[tilespmem:$0x9080] =	vst v63  }
0x6ce: {  	_ =	swait.ge [sflag:s4], $0x80  }
0x6cf: {  	s5 =	sadd.s32 $0x1, s5;
	s26 =	rddreg [dreg:$0xd]  }
0x6d0: {  	p0 =	sne.s32 s5, s26  }
.Ltmp16:
0x6d1: {  	_ = 	snop;
	(pc) =	sbr.rel @p0 .LBB2_1-.Ltmp16, $3  }
0x6d2: {  	_ =	sdelay $0x1  }
0x6d3: {  	[sflag:s4] =	ssyncset.done $0x0  }
0x6d4: {  	[sflag:s4] =	ssyncadd.s32 $0xFFFFFF80  }
0x6d5: {  	_ =	sfence.sel $0x180000  }
0x6d6: {  	[bflag:$0x0] =	sbarrier.arrive $0xFFFF  }
0x6d7: {  	_ =	strace $0x90000047  }
0x6d8: {  	s0 =	stileid.u32;
	[bflag:$0x2] =	sbarrier.arrive $0xFFFF  }
0x6d9: {  	p0 =	sne.s32 s0, $0x0;
	s0 =	rddreg [dreg:$0x8]  }
0x6da: {  	s0 =	sadd.s32 @!p0 $0x100000, s0  }
0x6db: {  	[sflag:s0] =	ssyncadd.tile.s32 @!p0 $0x1;
	_ =	shalt  }
.Lfunc_end2:
_tile_overlayer_lowered:
.L_overlay_start_2:
0x6dc: {  	(tag) =	ssettag $0x2  }
0x6dd: {  	s0 =	rddreg [dreg:$0x0];
	s2 =	stileid.u32  }
0x6de: {  	s1 =	rddreg [dreg:$0x1];
	p0 =	sne.s32 s2, $0x0  }
0x6df: {  	s3 =	rddreg [dreg:$0x2];
	[bflag:$0x3] =	sbarrier.arrive $0xFFFF;
	s2 =	simm.s32 @!p0 $0x1C03  }
0x6e0: {  	[timem:s3], [sflag:s2] =	dma.local @!p0 [hbm:s0], s1  }
0x6e1: {  	s0 =	simm.s32 @!p0 $0x3  }
0x6e2: {  	_ =	swait.ge @!p0 [sflag:s0], s1  }
0x6e3: {  	s1 =	ssub.s32 @!p0 $0x0, s1;
	[sflag:s0] =	ssyncset.done @!p0 $0x0  }
0x6e4: {  	[sflag:s0] =	ssyncadd.s32 @!p0 s1  }
0x6e5: {  	[bflag:$0x3] =	sbarrier.arrive $0xFFFF  }
0x6e6: {  	_ =	shalt  }

</sc_bundles>
